<compile_context>
chip_gen: v7x
topology: tpu7x:2x2x1
jax: 0.10.2.dev20260603
libtpu: 0.0.44.dev20260713+nightly
codegen_flags: <defaults>
</compile_context>

<pallas_src>
import functools

import jax
import jax.numpy as jnp
from jax import lax
from jax.experimental import pallas as pl
from jax.experimental.pallas import tpu as pltpu
from jax.experimental.pallas import tpu_sc as plsc

_NUM_VECTOR = 8
_LAYER_IDX = 16
_ROWS = 1024
_TAIL = 8
_LANES = 16


def _copy_kernel(x_ref, out_ref):
    out_ref[...] = x_ref[...]


def _patch_kernel(win_ref, new_ref, out_ref):
    out_ref[...] = win_ref[...]
    out_ref[:, _TAIL - 1, :] = new_ref[...]


def _allred(vec, tmp, op):
    for off in (8, 4, 2, 1):
        tmp[pl.ds(0, _LANES)] = vec
        tmp[pl.ds(_LANES, _LANES)] = vec
        vec = op(tmp[pl.ds(0, _LANES)], tmp[pl.ds(off, _LANES)])
    return vec


def _sc_route(xl_hbm, w_hbm, b_hbm, vp_hbm, out_hbm,
              act_v, w_v, b_v, vp_v, new_v, tmp_f, tmp_i, *, nb, hid, nv):
    first = jnp.logical_and(lax.axis_index("c") == 0, lax.axis_index("s") == 0)

    @pl.when(first)
    def _():
        pltpu.sync_copy(xl_hbm, act_v)
        pltpu.sync_copy(w_hbm, w_v)
        pltpu.sync_copy(b_hbm, b_v)
        pltpu.sync_copy(vp_hbm, vp_v)
        lanes = lax.iota(jnp.int32, _LANES)
        nchunk = hid // _LANES
        for b in range(nb):
            svec = jnp.full((_LANES,), -3.0e38, jnp.float32)
            for e in range(nv + 1):

                def dot_body(c, acc, e=e):
                    h0 = c * _LANES
                    av = act_v[b, pl.ds(h0, _LANES)]
                    wv = w_v[e, pl.ds(h0, _LANES)]
                    return acc + av * wv

                acc = lax.fori_loop(0, nchunk, dot_body,
                                    jnp.zeros((_LANES,), jnp.float32))
                s_all = _allred(acc, tmp_f, jnp.add)
                svec = jnp.where(lanes == e, s_all, svec)
            svec = svec + b_v[...]
            m_all = _allred(svec, tmp_f, jnp.maximum)
            cand = jnp.where(svec == m_all, lanes, _LANES)
            idx_all = _allred(cand, tmp_i, jnp.minimum)
            keep = idx_all == nv

            def sel_body(c, carry, idx_all=idx_all, keep=keep):
                h0 = c * _LANES
                av = act_v[b, pl.ds(h0, _LANES)]
                repl = jnp.zeros((_LANES,), jnp.float32)
                for v in range(nv):
                    repl = jnp.where(idx_all == v,
                                     vp_v[v, pl.ds(h0, _LANES)], repl)
                new_v[b, pl.ds(h0, _LANES)] = jnp.where(keep, av, repl)
                return carry

            lax.fori_loop(0, nchunk, sel_body, jnp.int32(0))
        pltpu.sync_copy(new_v, out_hbm)


def kernel(x, vector_pool, gate_W, gate_b):
    B, S, H = x.shape
    vp16 = vector_pool[:, _LAYER_IDX, :]
    xlast = x[:, -1, :]
    x2 = x.reshape(B * S, H)
    nblk = (B * S) // _ROWS

    out1 = pl.pallas_call(
        _copy_kernel,
        grid=(nblk,),
        in_specs=[pl.BlockSpec((_ROWS, H), lambda j: (j, 0))],
        out_specs=pl.BlockSpec((_ROWS, H), lambda j: (j, 0)),
        out_shape=jax.ShapeDtypeStruct((B * S, H), x.dtype),
    )(x2).reshape(B, S, H)

    mesh = plsc.VectorSubcoreMesh(core_axis_name="c", subcore_axis_name="s")
    new_last = pl.kernel(
        functools.partial(_sc_route, nb=B, hid=H, nv=_NUM_VECTOR),
        mesh=mesh,
        out_type=jax.ShapeDtypeStruct((B, H), jnp.float32),
        scratch_types=[
            pltpu.VMEM((B, H), jnp.float32),
            pltpu.VMEM((_NUM_VECTOR + 1, H), jnp.float32),
            pltpu.VMEM((_LANES,), jnp.float32),
            pltpu.VMEM((_NUM_VECTOR, H), jnp.float32),
            pltpu.VMEM((B, H), jnp.float32),
            pltpu.VMEM((2 * _LANES,), jnp.float32),
            pltpu.VMEM((2 * _LANES,), jnp.int32),
        ],
    )(xlast, gate_W.T, jnp.pad(gate_b, (0, _LANES - _NUM_VECTOR - 1),
                               constant_values=-3.0e38), vp16)

    out = pl.pallas_call(
        _patch_kernel,
        grid=(1,),
        in_specs=[
            pl.BlockSpec((B, _TAIL, H), lambda j: (0, S // _TAIL - 1, 0)),
            pl.BlockSpec((B, H), lambda j: (0, 0)),
        ],
        out_specs=pl.BlockSpec((B, _TAIL, H), lambda j: (0, S // _TAIL - 1, 0)),
        out_shape=jax.ShapeDtypeStruct((B, S, H), x.dtype),
        input_output_aliases={0: 0},
    )(out1, new_last)
    return out

# --- scband reference (transcript-rebuilt; emitter-appended) ---
"""Pipeline reference for scband-mo-efeed-forward-25494925869140 (READ-ONLY COPY).

The authoritative reference and input builder live on the scoring server;
editing this copy changes nothing except your own understanding.
"""

import jax, jax.numpy as jnp
import numpy as np

NUM_VECTOR = 8
LAYERS = 33
LAYER_IDX = 16
HIDDEN = 2048
BATCH = 4
SEQ = 4096


def setup_inputs(seed: int = 0) -> dict:
    key = jax.random.key(seed)
    k1, k2, k3 = jax.random.split(key, 3)
    # activation tensor (original torch code takes a tuple; the tensor payload is x[0])
    x = jax.random.normal(k1, (BATCH, SEQ, HIDDEN), dtype=jnp.float32)
    # learned/buffer params sized per init_kwargs
    vector_pool = jax.random.normal(k2, (NUM_VECTOR, LAYERS, HIDDEN), dtype=jnp.float32)
    gate_W = jax.random.normal(k3, (HIDDEN, NUM_VECTOR + 1), dtype=jnp.float32) * 0.02
    gate_b = jnp.zeros((NUM_VECTOR + 1,), dtype=jnp.float32)
    return {"x": x, "vector_pool": vector_pool, "gate_W": gate_W, "gate_b": gate_b}


def reference(x, vector_pool, gate_W, gate_b):
    # token_pos = -1: route based on the last token's activation
    token_act = x[:, -1, :]                              # [B, H]
    gate_scores = token_act @ gate_W + gate_b            # [B, NUM_VECTOR+1]
    gate_probs = jax.nn.softmax(gate_scores, axis=-1)
    max_idx = jnp.argmax(gate_probs, axis=-1)            # [B]
    # index == NUM_VECTOR means "keep original activation"
    keep = (max_idx == NUM_VECTOR)                       # [B] bool
    safe_idx = jnp.clip(max_idx, 0, NUM_VECTOR - 1)
    replacement = vector_pool[safe_idx, LAYER_IDX]       # gather: [B, H]
    new_last = jnp.where(keep[:, None], token_act, replacement)
    out = x.at[:, -1, :].set(new_last)                   # scatter-overwrite
    return out

if __name__ == "__main__":
    import jax
    _d = setup_inputs()
    print(jax.jit(kernel)(*tuple(_d.values())))

</pallas_src>

<mosaic_0001>
#map = affine_map<(d0, d1) -> (0, 0)>
#map1 = affine_map<(d0, d1) -> (0)>
module attributes {stable_mosaic.version = 14 : i64} {
  func.func @_sc_route(%arg0: i32, %arg1: i32, %arg2: memref<4x2048xf32, #tpu.memory_space<hbm>>, %arg3: memref<9x2048xf32, #tpu.memory_space<hbm>>, %arg4: memref<16xf32, #tpu.memory_space<hbm>>, %arg5: memref<8x2048xf32, #tpu.memory_space<hbm>>, %arg6: memref<4x2048xf32, #tpu.memory_space<hbm>>, %arg7: memref<4x2048xf32, #tpu.memory_space<vmem>>, %arg8: memref<9x2048xf32, #tpu.memory_space<vmem>>, %arg9: memref<16xf32, #tpu.memory_space<vmem>>, %arg10: memref<8x2048xf32, #tpu.memory_space<vmem>>, %arg11: memref<4x2048xf32, #tpu.memory_space<vmem>>, %arg12: memref<32xf32, #tpu.memory_space<vmem>>, %arg13: memref<32xi32, #tpu.memory_space<vmem>>) attributes {dimension_semantics = [#tpu.dimension_semantics<core_parallel>, #tpu.dimension_semantics<subcore_parallel>], iteration_bounds = array<i64: 2, 16>, scalar_prefetch = 0 : i64, scratch_operands = 7 : i64, tpu.core_type = #tpu.core_type<sc_vector_subcore>, window_params = [{transform_indices = #map}, {transform_indices = #map}, {transform_indices = #map1}, {transform_indices = #map}, {transform_indices = #map}]} {
    %eq3A = arith.constant 0 : i32
    %eq3A_0 = arith.cmpi eq, %arg0, %eq3A : i32
    %eq3A_1 = arith.constant 0 : i32
    %eq3A_2 = arith.cmpi eq, %arg1, %eq3A_1 : i32
    %and3A = arith.andi %eq3A_0, %eq3A_2 : i1
    %convert_element_type3A = arith.extui %and3A : i1 to i32
    %cond3A = arith.constant 0 : i32
    %cond3A_3 = arith.cmpi ne, %convert_element_type3A, %cond3A : i32
    scf.if %cond3A_3 {
      "tpu.region"() ({
        %run_scoped3A = tpu.sem_alloc : memref<!tpu.dma_semaphore, #tpu.memory_space<semaphore_mem>>
        tpu.enqueue_dma source(%arg2 : memref<4x2048xf32, #tpu.memory_space<hbm>>) target(%arg7 : memref<4x2048xf32, #tpu.memory_space<vmem>>) target_semaphore(%run_scoped3A : memref<!tpu.dma_semaphore, #tpu.memory_space<semaphore_mem>>)
        tpu.wait_dma2 semaphore(%run_scoped3A : memref<!tpu.dma_semaphore, #tpu.memory_space<semaphore_mem>>) src(%arg2 : memref<4x2048xf32, #tpu.memory_space<hbm>>) dst(%arg7 : memref<4x2048xf32, #tpu.memory_space<vmem>>)
        tpu.yield
      }) : () -> ()
      "tpu.region"() ({
        %run_scoped3A = tpu.sem_alloc : memref<!tpu.dma_semaphore, #tpu.memory_space<semaphore_mem>>
        tpu.enqueue_dma source(%arg3 : memref<9x2048xf32, #tpu.memory_space<hbm>>) target(%arg8 : memref<9x2048xf32, #tpu.memory_space<vmem>>) target_semaphore(%run_scoped3A : memref<!tpu.dma_semaphore, #tpu.memory_space<semaphore_mem>>)
        tpu.wait_dma2 semaphore(%run_scoped3A : memref<!tpu.dma_semaphore, #tpu.memory_space<semaphore_mem>>) src(%arg3 : memref<9x2048xf32, #tpu.memory_space<hbm>>) dst(%arg8 : memref<9x2048xf32, #tpu.memory_space<vmem>>)
        tpu.yield
      }) : () -> ()
      "tpu.region"() ({
        %run_scoped3A = tpu.sem_alloc : memref<!tpu.dma_semaphore, #tpu.memory_space<semaphore_mem>>
        tpu.enqueue_dma source(%arg4 : memref<16xf32, #tpu.memory_space<hbm>>) target(%arg9 : memref<16xf32, #tpu.memory_space<vmem>>) target_semaphore(%run_scoped3A : memref<!tpu.dma_semaphore, #tpu.memory_space<semaphore_mem>>)
        tpu.wait_dma2 semaphore(%run_scoped3A : memref<!tpu.dma_semaphore, #tpu.memory_space<semaphore_mem>>) src(%arg4 : memref<16xf32, #tpu.memory_space<hbm>>) dst(%arg9 : memref<16xf32, #tpu.memory_space<vmem>>)
        tpu.yield
      }) : () -> ()
      "tpu.region"() ({
        %run_scoped3A = tpu.sem_alloc : memref<!tpu.dma_semaphore, #tpu.memory_space<semaphore_mem>>
        tpu.enqueue_dma source(%arg5 : memref<8x2048xf32, #tpu.memory_space<hbm>>) target(%arg10 : memref<8x2048xf32, #tpu.memory_space<vmem>>) target_semaphore(%run_scoped3A : memref<!tpu.dma_semaphore, #tpu.memory_space<semaphore_mem>>)
        tpu.wait_dma2 semaphore(%run_scoped3A : memref<!tpu.dma_semaphore, #tpu.memory_space<semaphore_mem>>) src(%arg5 : memref<8x2048xf32, #tpu.memory_space<hbm>>) dst(%arg10 : memref<8x2048xf32, #tpu.memory_space<vmem>>)
        tpu.yield
      }) : () -> ()
      %iota3A = tpu.iota {dimensions = array<i32: 0>} : vector<16xi32>
      %broadcast_in_dim3A = arith.constant -3.000000e+38 : f32
      %broadcast_in_dim3A_4 = vector.broadcast %broadcast_in_dim3A : f32 to vector<16xf32>
      %broadcast_in_dim3A_5 = arith.constant 0.000000e+00 : f32
      %broadcast_in_dim3A_6 = vector.broadcast %broadcast_in_dim3A_5 : f32 to vector<16xf32>
      %scan3A = arith.constant 0 : i32
      %scan3A_7 = arith.constant 128 : i32
      %scan3A_8 = arith.addi %scan3A, %scan3A_7 : i32
      %scan3A_9 = arith.constant 1 : i32
      %scan3A_10 = scf.for %scan3A_3143 = %scan3A to %scan3A_8 step %scan3A_9 iter_args(%scan3A_3144 = %broadcast_in_dim3A_6) -> (vector<16xf32>)  : i32 {
        %mul3A = arith.constant 16 : i32
        %mul3A_3145 = arith.muli %scan3A_3143, %mul3A : i32
        %get3A_3146 = arith.constant 0 : i32
        %get3A_3147 = arith.index_cast %get3A_3146 : i32 to index
        %get3A_3148 = arith.index_cast %mul3A_3145 : i32 to index
        %get3A_3149 = tpu.vector_load %arg7[%get3A_3147, %get3A_3148] {strides = array<i32>} : memref<4x2048xf32, #tpu.memory_space<vmem>>, vector<1x16xf32>,
        %get3A_3150 = vector.shape_cast %get3A_3149 : vector<1x16xf32> to vector<16xf32>
        %get3A_3151 = arith.constant 0 : i32
        %get3A_3152 = arith.index_cast %get3A_3151 : i32 to index
        %get3A_3153 = arith.index_cast %mul3A_3145 : i32 to index
        %get3A_3154 = tpu.vector_load %arg8[%get3A_3152, %get3A_3153] {strides = array<i32>} : memref<9x2048xf32, #tpu.memory_space<vmem>>, vector<1x16xf32>,
        %get3A_3155 = vector.shape_cast %get3A_3154 : vector<1x16xf32> to vector<16xf32>
        %mul3A_3156 = arith.mulf %get3A_3150, %get3A_3155 : vector<16xf32>
        %add3A_3157 = arith.addf %scan3A_3144, %mul3A_3156 : vector<16xf32>
        scf.yield %add3A_3157 : vector<16xf32>
      }
      %scan3A_11 = arith.constant 128 : i32
      %swap3A = arith.constant 0 : index
      %swap3A_12 = tpu.vector_load %arg12[%swap3A] {strides = array<i32>} : memref<32xf32, #tpu.memory_space<vmem>>, vector<16xf32>,
      %swap3A_13 = vector.shape_cast %swap3A_12 : vector<16xf32> to vector<16xf32>
      %swap3A_14 = vector.shape_cast %scan3A_10 : vector<16xf32> to vector<16xf32>
      tpu.vector_store %arg12[%swap3A], %swap3A_14 {strides = array<i32>} : memref<32xf32, #tpu.memory_space<vmem>>, vector<16xf32>,
      %swap3A_15 = arith.constant 16 : index
      %swap3A_16 = tpu.vector_load %arg12[%swap3A_15] {strides = array<i32>} : memref<32xf32, #tpu.memory_space<vmem>>, vector<16xf32>,
      %swap3A_17 = vector.shape_cast %swap3A_16 : vector<16xf32> to vector<16xf32>
      %swap3A_18 = vector.shape_cast %scan3A_10 : vector<16xf32> to vector<16xf32>
      tpu.vector_store %arg12[%swap3A_15], %swap3A_18 {strides = array<i32>} : memref<32xf32, #tpu.memory_space<vmem>>, vector<16xf32>,
      %get3A = arith.constant 0 : index
      %get3A_19 = tpu.vector_load %arg12[%get3A] {strides = array<i32>} : memref<32xf32, #tpu.memory_space<vmem>>, vector<16xf32>,
      %get3A_20 = vector.shape_cast %get3A_19 : vector<16xf32> to vector<16xf32>
      %get3A_21 = arith.constant 8 : index
      %get3A_22 = tpu.vector_load %arg12[%get3A_21] {strides = array<i32>} : memref<32xf32, #tpu.memory_space<vmem>>, vector<16xf32>,
      %get3A_23 = vector.shape_cast %get3A_22 : vector<16xf32> to vector<16xf32>
      %add3A = arith.addf %get3A_20, %get3A_23 : vector<16xf32>
      %swap3A_24 = arith.constant 0 : index
      %swap3A_25 = tpu.vector_load %arg12[%swap3A_24] {strides = array<i32>} : memref<32xf32, #tpu.memory_space<vmem>>, vector<16xf32>,
      %swap3A_26 = vector.shape_cast %swap3A_25 : vector<16xf32> to vector<16xf32>
      %swap3A_27 = vector.shape_cast %add3A : vector<16xf32> to vector<16xf32>
      tpu.vector_store %arg12[%swap3A_24], %swap3A_27 {strides = array<i32>} : memref<32xf32, #tpu.memory_space<vmem>>, vector<16xf32>,
      %swap3A_28 = arith.constant 16 : index
      %swap3A_29 = tpu.vector_load %arg12[%swap3A_28] {strides = array<i32>} : memref<32xf32, #tpu.memory_space<vmem>>, vector<16xf32>,
      %swap3A_30 = vector.shape_cast %swap3A_29 : vector<16xf32> to vector<16xf32>
      %swap3A_31 = vector.shape_cast %add3A : vector<16xf32> to vector<16xf32>
      tpu.vector_store %arg12[%swap3A_28], %swap3A_31 {strides = array<i32>} : memref<32xf32, #tpu.memory_space<vmem>>, vector<16xf32>,
      %get3A_32 = arith.constant 0 : index
      %get3A_33 = tpu.vector_load %arg12[%get3A_32] {strides = array<i32>} : memref<32xf32, #tpu.memory_space<vmem>>, vector<16xf32>,
      %get3A_34 = vector.shape_cast %get3A_33 : vector<16xf32> to vector<16xf32>
      %get3A_35 = arith.constant 4 : index
      %get3A_36 = tpu.vector_load %arg12[%get3A_35] {strides = array<i32>} : memref<32xf32, #tpu.memory_space<vmem>>, vector<16xf32>,
      %get3A_37 = vector.shape_cast %get3A_36 : vector<16xf32> to vector<16xf32>
      %add3A_38 = arith.addf %get3A_34, %get3A_37 : vector<16xf32>
      %swap3A_39 = arith.constant 0 : index
      %swap3A_40 = tpu.vector_load %arg12[%swap3A_39] {strides = array<i32>} : memref<32xf32, #tpu.memory_space<vmem>>, vector<16xf32>,
      %swap3A_41 = vector.shape_cast %swap3A_40 : vector<16xf32> to vector<16xf32>
      %swap3A_42 = vector.shape_cast %add3A_38 : vector<16xf32> to vector<16xf32>
      tpu.vector_store %arg12[%swap3A_39], %swap3A_42 {strides = array<i32>} : memref<32xf32, #tpu.memory_space<vmem>>, vector<16xf32>,
      %swap3A_43 = arith.constant 16 : index
      %swap3A_44 = tpu.vector_load %arg12[%swap3A_43] {strides = array<i32>} : memref<32xf32, #tpu.memory_space<vmem>>, vector<16xf32>,
      %swap3A_45 = vector.shape_cast %swap3A_44 : vector<16xf32> to vector<16xf32>
      %swap3A_46 = vector.shape_cast %add3A_38 : vector<16xf32> to vector<16xf32>
      tpu.vector_store %arg12[%swap3A_43], %swap3A_46 {strides = array<i32>} : memref<32xf32, #tpu.memory_space<vmem>>, vector<16xf32>,
      %get3A_47 = arith.constant 0 : index
      %get3A_48 = tpu.vector_load %arg12[%get3A_47] {strides = array<i32>} : memref<32xf32, #tpu.memory_space<vmem>>, vector<16xf32>,
      %get3A_49 = vector.shape_cast %get3A_48 : vector<16xf32> to vector<16xf32>
      %get3A_50 = arith.constant 2 : index
      %get3A_51 = tpu.vector_load %arg12[%get3A_50] {strides = array<i32>} : memref<32xf32, #tpu.memory_space<vmem>>, vector<16xf32>,
      %get3A_52 = vector.shape_cast %get3A_51 : vector<16xf32> to vector<16xf32>
      %add3A_53 = arith.addf %get3A_49, %get3A_52 : vector<16xf32>
      %swap3A_54 = arith.constant 0 : index
      %swap3A_55 = tpu.vector_load %arg12[%swap3A_54] {strides = array<i32>} : memref<32xf32, #tpu.memory_space<vmem>>, vector<16xf32>,
      %swap3A_56 = vector.shape_cast %swap3A_55 : vector<16xf32> to vector<16xf32>
      %swap3A_57 = vector.shape_cast %add3A_53 : vector<16xf32> to vector<16xf32>
      tpu.vector_store %arg12[%swap3A_54], %swap3A_57 {strides = array<i32>} : memref<32xf32, #tpu.memory_space<vmem>>, vector<16xf32>,
      %swap3A_58 = arith.constant 16 : index
      %swap3A_59 = tpu.vector_load %arg12[%swap3A_58] {strides = array<i32>} : memref<32xf32, #tpu.memory_space<vmem>>, vector<16xf32>,
      %swap3A_60 = vector.shape_cast %swap3A_59 : vector<16xf32> to vector<16xf32>
      %swap3A_61 = vector.shape_cast %add3A_53 : vector<16xf32> to vector<16xf32>
      tpu.vector_store %arg12[%swap3A_58], %swap3A_61 {strides = array<i32>} : memref<32xf32, #tpu.memory_space<vmem>>, vector<16xf32>,
      %get3A_62 = arith.constant 0 : index
      %get3A_63 = tpu.vector_load %arg12[%get3A_62] {strides = array<i32>} : memref<32xf32, #tpu.memory_space<vmem>>, vector<16xf32>,
      %get3A_64 = vector.shape_cast %get3A_63 : vector<16xf32> to vector<16xf32>
      %get3A_65 = arith.constant 1 : index
      %get3A_66 = tpu.vector_load %arg12[%get3A_65] {strides = array<i32>} : memref<32xf32, #tpu.memory_space<vmem>>, vector<16xf32>,
      %get3A_67 = vector.shape_cast %get3A_66 : vector<16xf32> to vector<16xf32>
      %add3A_68 = arith.addf %get3A_64, %get3A_67 : vector<16xf32>
      %eq3A_69 = arith.constant 0 : i32
      %eq3A_70 = vector.broadcast %eq3A_69 : i32 to vector<16xi32>
      %eq3A_71 = arith.cmpi eq, %iota3A, %eq3A_70 : vector<16xi32>
      %select_n3A = arith.select %eq3A_71, %add3A_68, %broadcast_in_dim3A_4 : vector<16xi1>, vector<16xf32>
      %broadcast_in_dim3A_72 = arith.constant 0.000000e+00 : f32
      %broadcast_in_dim3A_73 = vector.broadcast %broadcast_in_dim3A_72 : f32 to vector<16xf32>
      %scan3A_74 = arith.constant 0 : i32
      %scan3A_75 = arith.constant 128 : i32
      %scan3A_76 = arith.addi %scan3A_74, %scan3A_75 : i32
      %scan3A_77 = arith.constant 1 : i32
      %scan3A_78 = scf.for %scan3A_3143 = %scan3A_74 to %scan3A_76 step %scan3A_77 iter_args(%scan3A_3144 = %broadcast_in_dim3A_73) -> (vector<16xf32>)  : i32 {
        %mul3A = arith.constant 16 : i32
        %mul3A_3145 = arith.muli %scan3A_3143, %mul3A : i32
        %get3A_3146 = arith.constant 0 : i32
        %get3A_3147 = arith.index_cast %get3A_3146 : i32 to index
        %get3A_3148 = arith.index_cast %mul3A_3145 : i32 to index
        %get3A_3149 = tpu.vector_load %arg7[%get3A_3147, %get3A_3148] {strides = array<i32>} : memref<4x2048xf32, #tpu.memory_space<vmem>>, vector<1x16xf32>,
        %get3A_3150 = vector.shape_cast %get3A_3149 : vector<1x16xf32> to vector<16xf32>
        %get3A_3151 = arith.constant 1 : i32
        %get3A_3152 = arith.index_cast %get3A_3151 : i32 to index
        %get3A_3153 = arith.index_cast %mul3A_3145 : i32 to index
        %get3A_3154 = tpu.vector_load %arg8[%get3A_3152, %get3A_3153] {strides = array<i32>} : memref<9x2048xf32, #tpu.memory_space<vmem>>, vector<1x16xf32>,
        %get3A_3155 = vector.shape_cast %get3A_3154 : vector<1x16xf32> to vector<16xf32>
        %mul3A_3156 = arith.mulf %get3A_3150, %get3A_3155 : vector<16xf32>
        %add3A_3157 = arith.addf %scan3A_3144, %mul3A_3156 : vector<16xf32>
        scf.yield %add3A_3157 : vector<16xf32>
      }
      %scan3A_79 = arith.constant 128 : i32
      %swap3A_80 = arith.constant 0 : index
      %swap3A_81 = tpu.vector_load %arg12[%swap3A_80] {strides = array<i32>} : memref<32xf32, #tpu.memory_space<vmem>>, vector<16xf32>,
      %swap3A_82 = vector.shape_cast %swap3A_81 : vector<16xf32> to vector<16xf32>
      %swap3A_83 = vector.shape_cast %scan3A_78 : vector<16xf32> to vector<16xf32>
      tpu.vector_store %arg12[%swap3A_80], %swap3A_83 {strides = array<i32>} : memref<32xf32, #tpu.memory_space<vmem>>, vector<16xf32>,
      %swap3A_84 = arith.constant 16 : index
      %swap3A_85 = tpu.vector_load %arg12[%swap3A_84] {strides = array<i32>} : memref<32xf32, #tpu.memory_space<vmem>>, vector<16xf32>,
      %swap3A_86 = vector.shape_cast %swap3A_85 : vector<16xf32> to vector<16xf32>
      %swap3A_87 = vector.shape_cast %scan3A_78 : vector<16xf32> to vector<16xf32>
      tpu.vector_store %arg12[%swap3A_84], %swap3A_87 {strides = array<i32>} : memref<32xf32, #tpu.memory_space<vmem>>, vector<16xf32>,
      %get3A_88 = arith.constant 0 : index
      %get3A_89 = tpu.vector_load %arg12[%get3A_88] {strides = array<i32>} : memref<32xf32, #tpu.memory_space<vmem>>, vector<16xf32>,
      %get3A_90 = vector.shape_cast %get3A_89 : vector<16xf32> to vector<16xf32>
      %get3A_91 = arith.constant 8 : index
      %get3A_92 = tpu.vector_load %arg12[%get3A_91] {strides = array<i32>} : memref<32xf32, #tpu.memory_space<vmem>>, vector<16xf32>,
      %get3A_93 = vector.shape_cast %get3A_92 : vector<16xf32> to vector<16xf32>
      %add3A_94 = arith.addf %get3A_90, %get3A_93 : vector<16xf32>
      %swap3A_95 = arith.constant 0 : index
      %swap3A_96 = tpu.vector_load %arg12[%swap3A_95] {strides = array<i32>} : memref<32xf32, #tpu.memory_space<vmem>>, vector<16xf32>,
      %swap3A_97 = vector.shape_cast %swap3A_96 : vector<16xf32> to vector<16xf32>
      %swap3A_98 = vector.shape_cast %add3A_94 : vector<16xf32> to vector<16xf32>
      tpu.vector_store %arg12[%swap3A_95], %swap3A_98 {strides = array<i32>} : memref<32xf32, #tpu.memory_space<vmem>>, vector<16xf32>,
      %swap3A_99 = arith.constant 16 : index
      %swap3A_100 = tpu.vector_load %arg12[%swap3A_99] {strides = array<i32>} : memref<32xf32, #tpu.memory_space<vmem>>, vector<16xf32>,
      %swap3A_101 = vector.shape_cast %swap3A_100 : vector<16xf32> to vector<16xf32>
      %swap3A_102 = vector.shape_cast %add3A_94 : vector<16xf32> to vector<16xf32>
      tpu.vector_store %arg12[%swap3A_99], %swap3A_102 {strides = array<i32>} : memref<32xf32, #tpu.memory_space<vmem>>, vector<16xf32>,
      %get3A_103 = arith.constant 0 : index
      %get3A_104 = tpu.vector_load %arg12[%get3A_103] {strides = array<i32>} : memref<32xf32, #tpu.memory_space<vmem>>, vector<16xf32>,
      %get3A_105 = vector.shape_cast %get3A_104 : vector<16xf32> to vector<16xf32>
      %get3A_106 = arith.constant 4 : index
      %get3A_107 = tpu.vector_load %arg12[%get3A_106] {strides = array<i32>} : memref<32xf32, #tpu.memory_space<vmem>>, vector<16xf32>,
      %get3A_108 = vector.shape_cast %get3A_107 : vector<16xf32> to vector<16xf32>
      %add3A_109 = arith.addf %get3A_105, %get3A_108 : vector<16xf32>
      %swap3A_110 = arith.constant 0 : index
      %swap3A_111 = tpu.vector_load %arg12[%swap3A_110] {strides = array<i32>} : memref<32xf32, #tpu.memory_space<vmem>>, vector<16xf32>,
      %swap3A_112 = vector.shape_cast %swap3A_111 : vector<16xf32> to vector<16xf32>
      %swap3A_113 = vector.shape_cast %add3A_109 : vector<16xf32> to vector<16xf32>
      tpu.vector_store %arg12[%swap3A_110], %swap3A_113 {strides = array<i32>} : memref<32xf32, #tpu.memory_space<vmem>>, vector<16xf32>,
      %swap3A_114 = arith.constant 16 : index
      %swap3A_115 = tpu.vector_load %arg12[%swap3A_114] {strides = array<i32>} : memref<32xf32, #tpu.memory_space<vmem>>, vector<16xf32>,
      %swap3A_116 = vector.shape_cast %swap3A_115 : vector<16xf32> to vector<16xf32>
      %swap3A_117 = vector.shape_cast %add3A_109 : vector<16xf32> to vector<16xf32>
      tpu.vector_store %arg12[%swap3A_114], %swap3A_117 {strides = array<i32>} : memref<32xf32, #tpu.memory_space<vmem>>, vector<16xf32>,
      %get3A_118 = arith.constant 0 : index
      %get3A_119 = tpu.vector_load %arg12[%get3A_118] {strides = array<i32>} : memref<32xf32, #tpu.memory_space<vmem>>, vector<16xf32>,
      %get3A_120 = vector.shape_cast %get3A_119 : vector<16xf32> to vector<16xf32>
      %get3A_121 = arith.constant 2 : index
      %get3A_122 = tpu.vector_load %arg12[%get3A_121] {strides = array<i32>} : memref<32xf32, #tpu.memory_space<vmem>>, vector<16xf32>,
      %get3A_123 = vector.shape_cast %get3A_122 : vector<16xf32> to vector<16xf32>
      %add3A_124 = arith.addf %get3A_120, %get3A_123 : vector<16xf32>
      %swap3A_125 = arith.constant 0 : index
      %swap3A_126 = tpu.vector_load %arg12[%swap3A_125] {strides = array<i32>} : memref<32xf32, #tpu.memory_space<vmem>>, vector<16xf32>,
      %swap3A_127 = vector.shape_cast %swap3A_126 : vector<16xf32> to vector<16xf32>
      %swap3A_128 = vector.shape_cast %add3A_124 : vector<16xf32> to vector<16xf32>
      tpu.vector_store %arg12[%swap3A_125], %swap3A_128 {strides = array<i32>} : memref<32xf32, #tpu.memory_space<vmem>>, vector<16xf32>,
      %swap3A_129 = arith.constant 16 : index
      %swap3A_130 = tpu.vector_load %arg12[%swap3A_129] {strides = array<i32>} : memref<32xf32, #tpu.memory_space<vmem>>, vector<16xf32>,
      %swap3A_131 = vector.shape_cast %swap3A_130 : vector<16xf32> to vector<16xf32>
      %swap3A_132 = vector.shape_cast %add3A_124 : vector<16xf32> to vector<16xf32>
      tpu.vector_store %arg12[%swap3A_129], %swap3A_132 {strides = array<i32>} : memref<32xf32, #tpu.memory_space<vmem>>, vector<16xf32>,
      %get3A_133 = arith.constant 0 : index
      %get3A_134 = tpu.vector_load %arg12[%get3A_133] {strides = array<i32>} : memref<32xf32, #tpu.memory_space<vmem>>, vector<16xf32>,
      %get3A_135 = vector.shape_cast %get3A_134 : vector<16xf32> to vector<16xf32>
      %get3A_136 = arith.constant 1 : index
      %get3A_137 = tpu.vector_load %arg12[%get3A_136] {strides = array<i32>} : memref<32xf32, #tpu.memory_space<vmem>>, vector<16xf32>,
      %get3A_138 = vector.shape_cast %get3A_137 : vector<16xf32> to vector<16xf32>
      %add3A_139 = arith.addf %get3A_135, %get3A_138 : vector<16xf32>
      %eq3A_140 = arith.constant 1 : i32
      %eq3A_141 = vector.broadcast %eq3A_140 : i32 to vector<16xi32>
      %eq3A_142 = arith.cmpi eq, %iota3A, %eq3A_141 : vector<16xi32>
      %select_n3A_143 = arith.select %eq3A_142, %add3A_139, %select_n3A : vector<16xi1>, vector<16xf32>
      %broadcast_in_dim3A_144 = arith.constant 0.000000e+00 : f32
      %broadcast_in_dim3A_145 = vector.broadcast %broadcast_in_dim3A_144 : f32 to vector<16xf32>
      %scan3A_146 = arith.constant 0 : i32
      %scan3A_147 = arith.constant 128 : i32
      %scan3A_148 = arith.addi %scan3A_146, %scan3A_147 : i32
      %scan3A_149 = arith.constant 1 : i32
      %scan3A_150 = scf.for %scan3A_3143 = %scan3A_146 to %scan3A_148 step %scan3A_149 iter_args(%scan3A_3144 = %broadcast_in_dim3A_145) -> (vector<16xf32>)  : i32 {
        %mul3A = arith.constant 16 : i32
        %mul3A_3145 = arith.muli %scan3A_3143, %mul3A : i32
        %get3A_3146 = arith.constant 0 : i32
        %get3A_3147 = arith.index_cast %get3A_3146 : i32 to index
        %get3A_3148 = arith.index_cast %mul3A_3145 : i32 to index
        %get3A_3149 = tpu.vector_load %arg7[%get3A_3147, %get3A_3148] {strides = array<i32>} : memref<4x2048xf32, #tpu.memory_space<vmem>>, vector<1x16xf32>,
        %get3A_3150 = vector.shape_cast %get3A_3149 : vector<1x16xf32> to vector<16xf32>
        %get3A_3151 = arith.constant 2 : i32
        %get3A_3152 = arith.index_cast %get3A_3151 : i32 to index
        %get3A_3153 = arith.index_cast %mul3A_3145 : i32 to index
        %get3A_3154 = tpu.vector_load %arg8[%get3A_3152, %get3A_3153] {strides = array<i32>} : memref<9x2048xf32, #tpu.memory_space<vmem>>, vector<1x16xf32>,
        %get3A_3155 = vector.shape_cast %get3A_3154 : vector<1x16xf32> to vector<16xf32>
        %mul3A_3156 = arith.mulf %get3A_3150, %get3A_3155 : vector<16xf32>
        %add3A_3157 = arith.addf %scan3A_3144, %mul3A_3156 : vector<16xf32>
        scf.yield %add3A_3157 : vector<16xf32>
      }
      %scan3A_151 = arith.constant 128 : i32
      %swap3A_152 = arith.constant 0 : index
      %swap3A_153 = tpu.vector_load %arg12[%swap3A_152] {strides = array<i32>} : memref<32xf32, #tpu.memory_space<vmem>>, vector<16xf32>,
      %swap3A_154 = vector.shape_cast %swap3A_153 : vector<16xf32> to vector<16xf32>
      %swap3A_155 = vector.shape_cast %scan3A_150 : vector<16xf32> to vector<16xf32>
      tpu.vector_store %arg12[%swap3A_152], %swap3A_155 {strides = array<i32>} : memref<32xf32, #tpu.memory_space<vmem>>, vector<16xf32>,
      %swap3A_156 = arith.constant 16 : index
      %swap3A_157 = tpu.vector_load %arg12[%swap3A_156] {strides = array<i32>} : memref<32xf32, #tpu.memory_space<vmem>>, vector<16xf32>,
      %swap3A_158 = vector.shape_cast %swap3A_157 : vector<16xf32> to vector<16xf32>
      %swap3A_159 = vector.shape_cast %scan3A_150 : vector<16xf32> to vector<16xf32>
      tpu.vector_store %arg12[%swap3A_156], %swap3A_159 {strides = array<i32>} : memref<32xf32, #tpu.memory_space<vmem>>, vector<16xf32>,
      %get3A_160 = arith.constant 0 : index
      %get3A_161 = tpu.vector_load %arg12[%get3A_160] {strides = array<i32>} : memref<32xf32, #tpu.memory_space<vmem>>, vector<16xf32>,
      %get3A_162 = vector.shape_cast %get3A_161 : vector<16xf32> to vector<16xf32>
      %get3A_163 = arith.constant 8 : index
      %get3A_164 = tpu.vector_load %arg12[%get3A_163] {strides = array<i32>} : memref<32xf32, #tpu.memory_space<vmem>>, vector<16xf32>,
      %get3A_165 = vector.shape_cast %get3A_164 : vector<16xf32> to vector<16xf32>
      %add3A_166 = arith.addf %get3A_162, %get3A_165 : vector<16xf32>
      %swap3A_167 = arith.constant 0 : index
      %swap3A_168 = tpu.vector_load %arg12[%swap3A_167] {strides = array<i32>} : memref<32xf32, #tpu.memory_space<vmem>>, vector<16xf32>,
      %swap3A_169 = vector.shape_cast %swap3A_168 : vector<16xf32> to vector<16xf32>
      %swap3A_170 = vector.shape_cast %add3A_166 : vector<16xf32> to vector<16xf32>
      tpu.vector_store %arg12[%swap3A_167], %swap3A_170 {strides = array<i32>} : memref<32xf32, #tpu.memory_space<vmem>>, vector<16xf32>,
      %swap3A_171 = arith.constant 16 : index
      %swap3A_172 = tpu.vector_load %arg12[%swap3A_171] {strides = array<i32>} : memref<32xf32, #tpu.memory_space<vmem>>, vector<16xf32>,
      %swap3A_173 = vector.shape_cast %swap3A_172 : vector<16xf32> to vector<16xf32>
      %swap3A_174 = vector.shape_cast %add3A_166 : vector<16xf32> to vector<16xf32>
      tpu.vector_store %arg12[%swap3A_171], %swap3A_174 {strides = array<i32>} : memref<32xf32, #tpu.memory_space<vmem>>, vector<16xf32>,
      %get3A_175 = arith.constant 0 : index
      %get3A_176 = tpu.vector_load %arg12[%get3A_175] {strides = array<i32>} : memref<32xf32, #tpu.memory_space<vmem>>, vector<16xf32>,
      %get3A_177 = vector.shape_cast %get3A_176 : vector<16xf32> to vector<16xf32>
      %get3A_178 = arith.constant 4 : index
      %get3A_179 = tpu.vector_load %arg12[%get3A_178] {strides = array<i32>} : memref<32xf32, #tpu.memory_space<vmem>>, vector<16xf32>,
      %get3A_180 = vector.shape_cast %get3A_179 : vector<16xf32> to vector<16xf32>
      %add3A_181 = arith.addf %get3A_177, %get3A_180 : vector<16xf32>
      %swap3A_182 = arith.constant 0 : index
      %swap3A_183 = tpu.vector_load %arg12[%swap3A_182] {strides = array<i32>} : memref<32xf32, #tpu.memory_space<vmem>>, vector<16xf32>,
      %swap3A_184 = vector.shape_cast %swap3A_183 : vector<16xf32> to vector<16xf32>
      %swap3A_185 = vector.shape_cast %add3A_181 : vector<16xf32> to vector<16xf32>
      tpu.vector_store %arg12[%swap3A_182], %swap3A_185 {strides = array<i32>} : memref<32xf32, #tpu.memory_space<vmem>>, vector<16xf32>,
      %swap3A_186 = arith.constant 16 : index
      %swap3A_187 = tpu.vector_load %arg12[%swap3A_186] {strides = array<i32>} : memref<32xf32, #tpu.memory_space<vmem>>, vector<16xf32>,
      %swap3A_188 = vector.shape_cast %swap3A_187 : vector<16xf32> to vector<16xf32>
      %swap3A_189 = vector.shape_cast %add3A_181 : vector<16xf32> to vector<16xf32>
      tpu.vector_store %arg12[%swap3A_186], %swap3A_189 {strides = array<i32>} : memref<32xf32, #tpu.memory_space<vmem>>, vector<16xf32>,
      %get3A_190 = arith.constant 0 : index
      %get3A_191 = tpu.vector_load %arg12[%get3A_190] {strides = array<i32>} : memref<32xf32, #tpu.memory_space<vmem>>, vector<16xf32>,
      %get3A_192 = vector.shape_cast %get3A_191 : vector<16xf32> to vector<16xf32>
      %get3A_193 = arith.constant 2 : index
      %get3A_194 = tpu.vector_load %arg12[%get3A_193] {strides = array<i32>} : memref<32xf32, #tpu.memory_space<vmem>>, vector<16xf32>,
      %get3A_195 = vector.shape_cast %get3A_194 : vector<16xf32> to vector<16xf32>
      %add3A_196 = arith.addf %get3A_192, %get3A_195 : vector<16xf32>
      %swap3A_197 = arith.constant 0 : index
      %swap3A_198 = tpu.vector_load %arg12[%swap3A_197] {strides = array<i32>} : memref<32xf32, #tpu.memory_space<vmem>>, vector<16xf32>,
      %swap3A_199 = vector.shape_cast %swap3A_198 : vector<16xf32> to vector<16xf32>
      %swap3A_200 = vector.shape_cast %add3A_196 : vector<16xf32> to vector<16xf32>
      tpu.vector_store %arg12[%swap3A_197], %swap3A_200 {strides = array<i32>} : memref<32xf32, #tpu.memory_space<vmem>>, vector<16xf32>,
      %swap3A_201 = arith.constant 16 : index
      %swap3A_202 = tpu.vector_load %arg12[%swap3A_201] {strides = array<i32>} : memref<32xf32, #tpu.memory_space<vmem>>, vector<16xf32>,
      %swap3A_203 = vector.shape_cast %swap3A_202 : vector<16xf32> to vector<16xf32>
      %swap3A_204 = vector.shape_cast %add3A_196 : vector<16xf32> to vector<16xf32>
      tpu.vector_store %arg12[%swap3A_201], %swap3A_204 {strides = array<i32>} : memref<32xf32, #tpu.memory_space<vmem>>, vector<16xf32>,
      %get3A_205 = arith.constant 0 : index
      %get3A_206 = tpu.vector_load %arg12[%get3A_205] {strides = array<i32>} : memref<32xf32, #tpu.memory_space<vmem>>, vector<16xf32>,
      %get3A_207 = vector.shape_cast %get3A_206 : vector<16xf32> to vector<16xf32>
      %get3A_208 = arith.constant 1 : index
      %get3A_209 = tpu.vector_load %arg12[%get3A_208] {strides = array<i32>} : memref<32xf32, #tpu.memory_space<vmem>>, vector<16xf32>,
      %get3A_210 = vector.shape_cast %get3A_209 : vector<16xf32> to vector<16xf32>
      %add3A_211 = arith.addf %get3A_207, %get3A_210 : vector<16xf32>
      %eq3A_212 = arith.constant 2 : i32
      %eq3A_213 = vector.broadcast %eq3A_212 : i32 to vector<16xi32>
      %eq3A_214 = arith.cmpi eq, %iota3A, %eq3A_213 : vector<16xi32>
      %select_n3A_215 = arith.select %eq3A_214, %add3A_211, %select_n3A_143 : vector<16xi1>, vector<16xf32>
      %broadcast_in_dim3A_216 = arith.constant 0.000000e+00 : f32
      %broadcast_in_dim3A_217 = vector.broadcast %broadcast_in_dim3A_216 : f32 to vector<16xf32>
      %scan3A_218 = arith.constant 0 : i32
      %scan3A_219 = arith.constant 128 : i32
      %scan3A_220 = arith.addi %scan3A_218, %scan3A_219 : i32
      %scan3A_221 = arith.constant 1 : i32
      %scan3A_222 = scf.for %scan3A_3143 = %scan3A_218 to %scan3A_220 step %scan3A_221 iter_args(%scan3A_3144 = %broadcast_in_dim3A_217) -> (vector<16xf32>)  : i32 {
        %mul3A = arith.constant 16 : i32
        %mul3A_3145 = arith.muli %scan3A_3143, %mul3A : i32
        %get3A_3146 = arith.constant 0 : i32
        %get3A_3147 = arith.index_cast %get3A_3146 : i32 to index
        %get3A_3148 = arith.index_cast %mul3A_3145 : i32 to index
        %get3A_3149 = tpu.vector_load %arg7[%get3A_3147, %get3A_3148] {strides = array<i32>} : memref<4x2048xf32, #tpu.memory_space<vmem>>, vector<1x16xf32>,
        %get3A_3150 = vector.shape_cast %get3A_3149 : vector<1x16xf32> to vector<16xf32>
        %get3A_3151 = arith.constant 3 : i32
        %get3A_3152 = arith.index_cast %get3A_3151 : i32 to index
        %get3A_3153 = arith.index_cast %mul3A_3145 : i32 to index
        %get3A_3154 = tpu.vector_load %arg8[%get3A_3152, %get3A_3153] {strides = array<i32>} : memref<9x2048xf32, #tpu.memory_space<vmem>>, vector<1x16xf32>,
        %get3A_3155 = vector.shape_cast %get3A_3154 : vector<1x16xf32> to vector<16xf32>
        %mul3A_3156 = arith.mulf %get3A_3150, %get3A_3155 : vector<16xf32>
        %add3A_3157 = arith.addf %scan3A_3144, %mul3A_3156 : vector<16xf32>
        scf.yield %add3A_3157 : vector<16xf32>
      }
      %scan3A_223 = arith.constant 128 : i32
      %swap3A_224 = arith.constant 0 : index
      %swap3A_225 = tpu.vector_load %arg12[%swap3A_224] {strides = array<i32>} : memref<32xf32, #tpu.memory_space<vmem>>, vector<16xf32>,
      %swap3A_226 = vector.shape_cast %swap3A_225 : vector<16xf32> to vector<16xf32>
      %swap3A_227 = vector.shape_cast %scan3A_222 : vector<16xf32> to vector<16xf32>
      tpu.vector_store %arg12[%swap3A_224], %swap3A_227 {strides = array<i32>} : memref<32xf32, #tpu.memory_space<vmem>>, vector<16xf32>,
      %swap3A_228 = arith.constant 16 : index
      %swap3A_229 = tpu.vector_load %arg12[%swap3A_228] {strides = array<i32>} : memref<32xf32, #tpu.memory_space<vmem>>, vector<16xf32>,
      %swap3A_230 = vector.shape_cast %swap3A_229 : vector<16xf32> to vector<16xf32>
      %swap3A_231 = vector.shape_cast %scan3A_222 : vector<16xf32> to vector<16xf32>
      tpu.vector_store %arg12[%swap3A_228], %swap3A_231 {strides = array<i32>} : memref<32xf32, #tpu.memory_space<vmem>>, vector<16xf32>,
      %get3A_232 = arith.constant 0 : index
      %get3A_233 = tpu.vector_load %arg12[%get3A_232] {strides = array<i32>} : memref<32xf32, #tpu.memory_space<vmem>>, vector<16xf32>,
      %get3A_234 = vector.shape_cast %get3A_233 : vector<16xf32> to vector<16xf32>
      %get3A_235 = arith.constant 8 : index
      %get3A_236 = tpu.vector_load %arg12[%get3A_235] {strides = array<i32>} : memref<32xf32, #tpu.memory_space<vmem>>, vector<16xf32>,
      %get3A_237 = vector.shape_cast %get3A_236 : vector<16xf32> to vector<16xf32>
      %add3A_238 = arith.addf %get3A_234, %get3A_237 : vector<16xf32>
      %swap3A_239 = arith.constant 0 : index
      %swap3A_240 = tpu.vector_load %arg12[%swap3A_239] {strides = array<i32>} : memref<32xf32, #tpu.memory_space<vmem>>, vector<16xf32>,
      %swap3A_241 = vector.shape_cast %swap3A_240 : vector<16xf32> to vector<16xf32>
      %swap3A_242 = vector.shape_cast %add3A_238 : vector<16xf32> to vector<16xf32>
      tpu.vector_store %arg12[%swap3A_239], %swap3A_242 {strides = array<i32>} : memref<32xf32, #tpu.memory_space<vmem>>, vector<16xf32>,
      %swap3A_243 = arith.constant 16 : index
      %swap3A_244 = tpu.vector_load %arg12[%swap3A_243] {strides = array<i32>} : memref<32xf32, #tpu.memory_space<vmem>>, vector<16xf32>,
      %swap3A_245 = vector.shape_cast %swap3A_244 : vector<16xf32> to vector<16xf32>
      %swap3A_246 = vector.shape_cast %add3A_238 : vector<16xf32> to vector<16xf32>
      tpu.vector_store %arg12[%swap3A_243], %swap3A_246 {strides = array<i32>} : memref<32xf32, #tpu.memory_space<vmem>>, vector<16xf32>,
      %get3A_247 = arith.constant 0 : index
      %get3A_248 = tpu.vector_load %arg12[%get3A_247] {strides = array<i32>} : memref<32xf32, #tpu.memory_space<vmem>>, vector<16xf32>,
      %get3A_249 = vector.shape_cast %get3A_248 : vector<16xf32> to vector<16xf32>
      %get3A_250 = arith.constant 4 : index
      %get3A_251 = tpu.vector_load %arg12[%get3A_250] {strides = array<i32>} : memref<32xf32, #tpu.memory_space<vmem>>, vector<16xf32>,
      %get3A_252 = vector.shape_cast %get3A_251 : vector<16xf32> to vector<16xf32>
      %add3A_253 = arith.addf %get3A_249, %get3A_252 : vector<16xf32>
      %swap3A_254 = arith.constant 0 : index
      %swap3A_255 = tpu.vector_load %arg12[%swap3A_254] {strides = array<i32>} : memref<32xf32, #tpu.memory_space<vmem>>, vector<16xf32>,
      %swap3A_256 = vector.shape_cast %swap3A_255 : vector<16xf32> to vector<16xf32>
      %swap3A_257 = vector.shape_cast %add3A_253 : vector<16xf32> to vector<16xf32>
      tpu.vector_store %arg12[%swap3A_254], %swap3A_257 {strides = array<i32>} : memref<32xf32, #tpu.memory_space<vmem>>, vector<16xf32>,
      %swap3A_258 = arith.constant 16 : index
      %swap3A_259 = tpu.vector_load %arg12[%swap3A_258] {strides = array<i32>} : memref<32xf32, #tpu.memory_space<vmem>>, vector<16xf32>,
      %swap3A_260 = vector.shape_cast %swap3A_259 : vector<16xf32> to vector<16xf32>
      %swap3A_261 = vector.shape_cast %add3A_253 : vector<16xf32> to vector<16xf32>
      tpu.vector_store %arg12[%swap3A_258], %swap3A_261 {strides = array<i32>} : memref<32xf32, #tpu.memory_space<vmem>>, vector<16xf32>,
      %get3A_262 = arith.constant 0 : index
      %get3A_263 = tpu.vector_load %arg12[%get3A_262] {strides = array<i32>} : memref<32xf32, #tpu.memory_space<vmem>>, vector<16xf32>,
      %get3A_264 = vector.shape_cast %get3A_263 : vector<16xf32> to vector<16xf32>
      %get3A_265 = arith.constant 2 : index
      %get3A_266 = tpu.vector_load %arg12[%get3A_265] {strides = array<i32>} : memref<32xf32, #tpu.memory_space<vmem>>, vector<16xf32>,
      %get3A_267 = vector.shape_cast %get3A_266 : vector<16xf32> to vector<16xf32>
      %add3A_268 = arith.addf %get3A_264, %get3A_267 : vector<16xf32>
      %swap3A_269 = arith.constant 0 : index
      %swap3A_270 = tpu.vector_load %arg12[%swap3A_269] {strides = array<i32>} : memref<32xf32, #tpu.memory_space<vmem>>, vector<16xf32>,
      %swap3A_271 = vector.shape_cast %swap3A_270 : vector<16xf32> to vector<16xf32>
      %swap3A_272 = vector.shape_cast %add3A_268 : vector<16xf32> to vector<16xf32>
      tpu.vector_store %arg12[%swap3A_269], %swap3A_272 {strides = array<i32>} : memref<32xf32, #tpu.memory_space<vmem>>, vector<16xf32>,
      %swap3A_273 = arith.constant 16 : index
      %swap3A_274 = tpu.vector_load %arg12[%swap3A_273] {strides = array<i32>} : memref<32xf32, #tpu.memory_space<vmem>>, vector<16xf32>,
      %swap3A_275 = vector.shape_cast %swap3A_274 : vector<16xf32> to vector<16xf32>
      %swap3A_276 = vector.shape_cast %add3A_268 : vector<16xf32> to vector<16xf32>
      tpu.vector_store %arg12[%swap3A_273], %swap3A_276 {strides = array<i32>} : memref<32xf32, #tpu.memory_space<vmem>>, vector<16xf32>,
      %get3A_277 = arith.constant 0 : index
      %get3A_278 = tpu.vector_load %arg12[%get3A_277] {strides = array<i32>} : memref<32xf32, #tpu.memory_space<vmem>>, vector<16xf32>,
      %get3A_279 = vector.shape_cast %get3A_278 : vector<16xf32> to vector<16xf32>
      %get3A_280 = arith.constant 1 : index
      %get3A_281 = tpu.vector_load %arg12[%get3A_280] {strides = array<i32>} : memref<32xf32, #tpu.memory_space<vmem>>, vector<16xf32>,
      %get3A_282 = vector.shape_cast %get3A_281 : vector<16xf32> to vector<16xf32>
      %add3A_283 = arith.addf %get3A_279, %get3A_282 : vector<16xf32>
      %eq3A_284 = arith.constant 3 : i32
      %eq3A_285 = vector.broadcast %eq3A_284 : i32 to vector<16xi32>
      %eq3A_286 = arith.cmpi eq, %iota3A, %eq3A_285 : vector<16xi32>
      %select_n3A_287 = arith.select %eq3A_286, %add3A_283, %select_n3A_215 : vector<16xi1>, vector<16xf32>
      %broadcast_in_dim3A_288 = arith.constant 0.000000e+00 : f32
      %broadcast_in_dim3A_289 = vector.broadcast %broadcast_in_dim3A_288 : f32 to vector<16xf32>
      %scan3A_290 = arith.constant 0 : i32
      %scan3A_291 = arith.constant 128 : i32
      %scan3A_292 = arith.addi %scan3A_290, %scan3A_291 : i32
      %scan3A_293 = arith.constant 1 : i32
      %scan3A_294 = scf.for %scan3A_3143 = %scan3A_290 to %scan3A_292 step %scan3A_293 iter_args(%scan3A_3144 = %broadcast_in_dim3A_289) -> (vector<16xf32>)  : i32 {
        %mul3A = arith.constant 16 : i32
        %mul3A_3145 = arith.muli %scan3A_3143, %mul3A : i32
        %get3A_3146 = arith.constant 0 : i32
        %get3A_3147 = arith.index_cast %get3A_3146 : i32 to index
        %get3A_3148 = arith.index_cast %mul3A_3145 : i32 to index
        %get3A_3149 = tpu.vector_load %arg7[%get3A_3147, %get3A_3148] {strides = array<i32>} : memref<4x2048xf32, #tpu.memory_space<vmem>>, vector<1x16xf32>,
        %get3A_3150 = vector.shape_cast %get3A_3149 : vector<1x16xf32> to vector<16xf32>
        %get3A_3151 = arith.constant 4 : i32
        %get3A_3152 = arith.index_cast %get3A_3151 : i32 to index
        %get3A_3153 = arith.index_cast %mul3A_3145 : i32 to index
        %get3A_3154 = tpu.vector_load %arg8[%get3A_3152, %get3A_3153] {strides = array<i32>} : memref<9x2048xf32, #tpu.memory_space<vmem>>, vector<1x16xf32>,
        %get3A_3155 = vector.shape_cast %get3A_3154 : vector<1x16xf32> to vector<16xf32>
        %mul3A_3156 = arith.mulf %get3A_3150, %get3A_3155 : vector<16xf32>
        %add3A_3157 = arith.addf %scan3A_3144, %mul3A_3156 : vector<16xf32>
        scf.yield %add3A_3157 : vector<16xf32>
      }
      %scan3A_295 = arith.constant 128 : i32
      %swap3A_296 = arith.constant 0 : index
      %swap3A_297 = tpu.vector_load %arg12[%swap3A_296] {strides = array<i32>} : memref<32xf32, #tpu.memory_space<vmem>>, vector<16xf32>,
      %swap3A_298 = vector.shape_cast %swap3A_297 : vector<16xf32> to vector<16xf32>
      %swap3A_299 = vector.shape_cast %scan3A_294 : vector<16xf32> to vector<16xf32>
      tpu.vector_store %arg12[%swap3A_296], %swap3A_299 {strides = array<i32>} : memref<32xf32, #tpu.memory_space<vmem>>, vector<16xf32>,
      %swap3A_300 = arith.constant 16 : index
      %swap3A_301 = tpu.vector_load %arg12[%swap3A_300] {strides = array<i32>} : memref<32xf32, #tpu.memory_space<vmem>>, vector<16xf32>,
      %swap3A_302 = vector.shape_cast %swap3A_301 : vector<16xf32> to vector<16xf32>
      %swap3A_303 = vector.shape_cast %scan3A_294 : vector<16xf32> to vector<16xf32>
      tpu.vector_store %arg12[%swap3A_300], %swap3A_303 {strides = array<i32>} : memref<32xf32, #tpu.memory_space<vmem>>, vector<16xf32>,
      %get3A_304 = arith.constant 0 : index
      %get3A_305 = tpu.vector_load %arg12[%get3A_304] {strides = array<i32>} : memref<32xf32, #tpu.memory_space<vmem>>, vector<16xf32>,
      %get3A_306 = vector.shape_cast %get3A_305 : vector<16xf32> to vector<16xf32>
      %get3A_307 = arith.constant 8 : index
      %get3A_308 = tpu.vector_load %arg12[%get3A_307] {strides = array<i32>} : memref<32xf32, #tpu.memory_space<vmem>>, vector<16xf32>,
      %get3A_309 = vector.shape_cast %get3A_308 : vector<16xf32> to vector<16xf32>
      %add3A_310 = arith.addf %get3A_306, %get3A_309 : vector<16xf32>
      %swap3A_311 = arith.constant 0 : index
      %swap3A_312 = tpu.vector_load %arg12[%swap3A_311] {strides = array<i32>} : memref<32xf32, #tpu.memory_space<vmem>>, vector<16xf32>,
      %swap3A_313 = vector.shape_cast %swap3A_312 : vector<16xf32> to vector<16xf32>
      %swap3A_314 = vector.shape_cast %add3A_310 : vector<16xf32> to vector<16xf32>
      tpu.vector_store %arg12[%swap3A_311], %swap3A_314 {strides = array<i32>} : memref<32xf32, #tpu.memory_space<vmem>>, vector<16xf32>,
      %swap3A_315 = arith.constant 16 : index
      %swap3A_316 = tpu.vector_load %arg12[%swap3A_315] {strides = array<i32>} : memref<32xf32, #tpu.memory_space<vmem>>, vector<16xf32>,
      %swap3A_317 = vector.shape_cast %swap3A_316 : vector<16xf32> to vector<16xf32>
      %swap3A_318 = vector.shape_cast %add3A_310 : vector<16xf32> to vector<16xf32>
      tpu.vector_store %arg12[%swap3A_315], %swap3A_318 {strides = array<i32>} : memref<32xf32, #tpu.memory_space<vmem>>, vector<16xf32>,
      %get3A_319 = arith.constant 0 : index
      %get3A_320 = tpu.vector_load %arg12[%get3A_319] {strides = array<i32>} : memref<32xf32, #tpu.memory_space<vmem>>, vector<16xf32>,
      %get3A_321 = vector.shape_cast %get3A_320 : vector<16xf32> to vector<16xf32>
      %get3A_322 = arith.constant 4 : index
      %get3A_323 = tpu.vector_load %arg12[%get3A_322] {strides = array<i32>} : memref<32xf32, #tpu.memory_space<vmem>>, vector<16xf32>,
      %get3A_324 = vector.shape_cast %get3A_323 : vector<16xf32> to vector<16xf32>
      %add3A_325 = arith.addf %get3A_321, %get3A_324 : vector<16xf32>
      %swap3A_326 = arith.constant 0 : index
      %swap3A_327 = tpu.vector_load %arg12[%swap3A_326] {strides = array<i32>} : memref<32xf32, #tpu.memory_space<vmem>>, vector<16xf32>,
      %swap3A_328 = vector.shape_cast %swap3A_327 : vector<16xf32> to vector<16xf32>
      %swap3A_329 = vector.shape_cast %add3A_325 : vector<16xf32> to vector<16xf32>
      tpu.vector_store %arg12[%swap3A_326], %swap3A_329 {strides = array<i32>} : memref<32xf32, #tpu.memory_space<vmem>>, vector<16xf32>,
      %swap3A_330 = arith.constant 16 : index
      %swap3A_331 = tpu.vector_load %arg12[%swap3A_330] {strides = array<i32>} : memref<32xf32, #tpu.memory_space<vmem>>, vector<16xf32>,
      %swap3A_332 = vector.shape_cast %swap3A_331 : vector<16xf32> to vector<16xf32>
      %swap3A_333 = vector.shape_cast %add3A_325 : vector<16xf32> to vector<16xf32>
      tpu.vector_store %arg12[%swap3A_330], %swap3A_333 {strides = array<i32>} : memref<32xf32, #tpu.memory_space<vmem>>, vector<16xf32>,
      %get3A_334 = arith.constant 0 : index
      %get3A_335 = tpu.vector_load %arg12[%get3A_334] {strides = array<i32>} : memref<32xf32, #tpu.memory_space<vmem>>, vector<16xf32>,
      %get3A_336 = vector.shape_cast %get3A_335 : vector<16xf32> to vector<16xf32>
      %get3A_337 = arith.constant 2 : index
      %get3A_338 = tpu.vector_load %arg12[%get3A_337] {strides = array<i32>} : memref<32xf32, #tpu.memory_space<vmem>>, vector<16xf32>,
      %get3A_339 = vector.shape_cast %get3A_338 : vector<16xf32> to vector<16xf32>
      %add3A_340 = arith.addf %get3A_336, %get3A_339 : vector<16xf32>
      %swap3A_341 = arith.constant 0 : index
      %swap3A_342 = tpu.vector_load %arg12[%swap3A_341] {strides = array<i32>} : memref<32xf32, #tpu.memory_space<vmem>>, vector<16xf32>,
      %swap3A_343 = vector.shape_cast %swap3A_342 : vector<16xf32> to vector<16xf32>
      %swap3A_344 = vector.shape_cast %add3A_340 : vector<16xf32> to vector<16xf32>
      tpu.vector_store %arg12[%swap3A_341], %swap3A_344 {strides = array<i32>} : memref<32xf32, #tpu.memory_space<vmem>>, vector<16xf32>,
      %swap3A_345 = arith.constant 16 : index
      %swap3A_346 = tpu.vector_load %arg12[%swap3A_345] {strides = array<i32>} : memref<32xf32, #tpu.memory_space<vmem>>, vector<16xf32>,
      %swap3A_347 = vector.shape_cast %swap3A_346 : vector<16xf32> to vector<16xf32>
      %swap3A_348 = vector.shape_cast %add3A_340 : vector<16xf32> to vector<16xf32>
      tpu.vector_store %arg12[%swap3A_345], %swap3A_348 {strides = array<i32>} : memref<32xf32, #tpu.memory_space<vmem>>, vector<16xf32>,
      %get3A_349 = arith.constant 0 : index
      %get3A_350 = tpu.vector_load %arg12[%get3A_349] {strides = array<i32>} : memref<32xf32, #tpu.memory_space<vmem>>, vector<16xf32>,
      %get3A_351 = vector.shape_cast %get3A_350 : vector<16xf32> to vector<16xf32>
      %get3A_352 = arith.constant 1 : index
      %get3A_353 = tpu.vector_load %arg12[%get3A_352] {strides = array<i32>} : memref<32xf32, #tpu.memory_space<vmem>>, vector<16xf32>,
      %get3A_354 = vector.shape_cast %get3A_353 : vector<16xf32> to vector<16xf32>
      %add3A_355 = arith.addf %get3A_351, %get3A_354 : vector<16xf32>
      %eq3A_356 = arith.constant 4 : i32
      %eq3A_357 = vector.broadcast %eq3A_356 : i32 to vector<16xi32>
      %eq3A_358 = arith.cmpi eq, %iota3A, %eq3A_357 : vector<16xi32>
      %select_n3A_359 = arith.select %eq3A_358, %add3A_355, %select_n3A_287 : vector<16xi1>, vector<16xf32>
      %broadcast_in_dim3A_360 = arith.constant 0.000000e+00 : f32
      %broadcast_in_dim3A_361 = vector.broadcast %broadcast_in_dim3A_360 : f32 to vector<16xf32>
      %scan3A_362 = arith.constant 0 : i32
      %scan3A_363 = arith.constant 128 : i32
      %scan3A_364 = arith.addi %scan3A_362, %scan3A_363 : i32
      %scan3A_365 = arith.constant 1 : i32
      %scan3A_366 = scf.for %scan3A_3143 = %scan3A_362 to %scan3A_364 step %scan3A_365 iter_args(%scan3A_3144 = %broadcast_in_dim3A_361) -> (vector<16xf32>)  : i32 {
        %mul3A = arith.constant 16 : i32
        %mul3A_3145 = arith.muli %scan3A_3143, %mul3A : i32
        %get3A_3146 = arith.constant 0 : i32
        %get3A_3147 = arith.index_cast %get3A_3146 : i32 to index
        %get3A_3148 = arith.index_cast %mul3A_3145 : i32 to index
        %get3A_3149 = tpu.vector_load %arg7[%get3A_3147, %get3A_3148] {strides = array<i32>} : memref<4x2048xf32, #tpu.memory_space<vmem>>, vector<1x16xf32>,
        %get3A_3150 = vector.shape_cast %get3A_3149 : vector<1x16xf32> to vector<16xf32>
        %get3A_3151 = arith.constant 5 : i32
        %get3A_3152 = arith.index_cast %get3A_3151 : i32 to index
        %get3A_3153 = arith.index_cast %mul3A_3145 : i32 to index
        %get3A_3154 = tpu.vector_load %arg8[%get3A_3152, %get3A_3153] {strides = array<i32>} : memref<9x2048xf32, #tpu.memory_space<vmem>>, vector<1x16xf32>,
        %get3A_3155 = vector.shape_cast %get3A_3154 : vector<1x16xf32> to vector<16xf32>
        %mul3A_3156 = arith.mulf %get3A_3150, %get3A_3155 : vector<16xf32>
        %add3A_3157 = arith.addf %scan3A_3144, %mul3A_3156 : vector<16xf32>
        scf.yield %add3A_3157 : vector<16xf32>
      }
      %scan3A_367 = arith.constant 128 : i32
      %swap3A_368 = arith.constant 0 : index
      %swap3A_369 = tpu.vector_load %arg12[%swap3A_368] {strides = array<i32>} : memref<32xf32, #tpu.memory_space<vmem>>, vector<16xf32>,
      %swap3A_370 = vector.shape_cast %swap3A_369 : vector<16xf32> to vector<16xf32>
      %swap3A_371 = vector.shape_cast %scan3A_366 : vector<16xf32> to vector<16xf32>
      tpu.vector_store %arg12[%swap3A_368], %swap3A_371 {strides = array<i32>} : memref<32xf32, #tpu.memory_space<vmem>>, vector<16xf32>,
      %swap3A_372 = arith.constant 16 : index
      %swap3A_373 = tpu.vector_load %arg12[%swap3A_372] {strides = array<i32>} : memref<32xf32, #tpu.memory_space<vmem>>, vector<16xf32>,
      %swap3A_374 = vector.shape_cast %swap3A_373 : vector<16xf32> to vector<16xf32>
      %swap3A_375 = vector.shape_cast %scan3A_366 : vector<16xf32> to vector<16xf32>
      tpu.vector_store %arg12[%swap3A_372], %swap3A_375 {strides = array<i32>} : memref<32xf32, #tpu.memory_space<vmem>>, vector<16xf32>,
      %get3A_376 = arith.constant 0 : index
      %get3A_377 = tpu.vector_load %arg12[%get3A_376] {strides = array<i32>} : memref<32xf32, #tpu.memory_space<vmem>>, vector<16xf32>,
      %get3A_378 = vector.shape_cast %get3A_377 : vector<16xf32> to vector<16xf32>
      %get3A_379 = arith.constant 8 : index
      %get3A_380 = tpu.vector_load %arg12[%get3A_379] {strides = array<i32>} : memref<32xf32, #tpu.memory_space<vmem>>, vector<16xf32>,
      %get3A_381 = vector.shape_cast %get3A_380 : vector<16xf32> to vector<16xf32>
      %add3A_382 = arith.addf %get3A_378, %get3A_381 : vector<16xf32>
      %swap3A_383 = arith.constant 0 : index
      %swap3A_384 = tpu.vector_load %arg12[%swap3A_383] {strides = array<i32>} : memref<32xf32, #tpu.memory_space<vmem>>, vector<16xf32>,
      %swap3A_385 = vector.shape_cast %swap3A_384 : vector<16xf32> to vector<16xf32>
      %swap3A_386 = vector.shape_cast %add3A_382 : vector<16xf32> to vector<16xf32>
      tpu.vector_store %arg12[%swap3A_383], %swap3A_386 {strides = array<i32>} : memref<32xf32, #tpu.memory_space<vmem>>, vector<16xf32>,
      %swap3A_387 = arith.constant 16 : index
      %swap3A_388 = tpu.vector_load %arg12[%swap3A_387] {strides = array<i32>} : memref<32xf32, #tpu.memory_space<vmem>>, vector<16xf32>,
      %swap3A_389 = vector.shape_cast %swap3A_388 : vector<16xf32> to vector<16xf32>
      %swap3A_390 = vector.shape_cast %add3A_382 : vector<16xf32> to vector<16xf32>
      tpu.vector_store %arg12[%swap3A_387], %swap3A_390 {strides = array<i32>} : memref<32xf32, #tpu.memory_space<vmem>>, vector<16xf32>,
      %get3A_391 = arith.constant 0 : index
      %get3A_392 = tpu.vector_load %arg12[%get3A_391] {strides = array<i32>} : memref<32xf32, #tpu.memory_space<vmem>>, vector<16xf32>,
      %get3A_393 = vector.shape_cast %get3A_392 : vector<16xf32> to vector<16xf32>
      %get3A_394 = arith.constant 4 : index
      %get3A_395 = tpu.vector_load %arg12[%get3A_394] {strides = array<i32>} : memref<32xf32, #tpu.memory_space<vmem>>, vector<16xf32>,
      %get3A_396 = vector.shape_cast %get3A_395 : vector<16xf32> to vector<16xf32>
      %add3A_397 = arith.addf %get3A_393, %get3A_396 : vector<16xf32>
      %swap3A_398 = arith.constant 0 : index
      %swap3A_399 = tpu.vector_load %arg12[%swap3A_398] {strides = array<i32>} : memref<32xf32, #tpu.memory_space<vmem>>, vector<16xf32>,
      %swap3A_400 = vector.shape_cast %swap3A_399 : vector<16xf32> to vector<16xf32>
      %swap3A_401 = vector.shape_cast %add3A_397 : vector<16xf32> to vector<16xf32>
      tpu.vector_store %arg12[%swap3A_398], %swap3A_401 {strides = array<i32>} : memref<32xf32, #tpu.memory_space<vmem>>, vector<16xf32>,
      %swap3A_402 = arith.constant 16 : index
      %swap3A_403 = tpu.vector_load %arg12[%swap3A_402] {strides = array<i32>} : memref<32xf32, #tpu.memory_space<vmem>>, vector<16xf32>,
      %swap3A_404 = vector.shape_cast %swap3A_403 : vector<16xf32> to vector<16xf32>
      %swap3A_405 = vector.shape_cast %add3A_397 : vector<16xf32> to vector<16xf32>
      tpu.vector_store %arg12[%swap3A_402], %swap3A_405 {strides = array<i32>} : memref<32xf32, #tpu.memory_space<vmem>>, vector<16xf32>,
      %get3A_406 = arith.constant 0 : index
      %get3A_407 = tpu.vector_load %arg12[%get3A_406] {strides = array<i32>} : memref<32xf32, #tpu.memory_space<vmem>>, vector<16xf32>,
      %get3A_408 = vector.shape_cast %get3A_407 : vector<16xf32> to vector<16xf32>
      %get3A_409 = arith.constant 2 : index
      %get3A_410 = tpu.vector_load %arg12[%get3A_409] {strides = array<i32>} : memref<32xf32, #tpu.memory_space<vmem>>, vector<16xf32>,
      %get3A_411 = vector.shape_cast %get3A_410 : vector<16xf32> to vector<16xf32>
      %add3A_412 = arith.addf %get3A_408, %get3A_411 : vector<16xf32>
      %swap3A_413 = arith.constant 0 : index
      %swap3A_414 = tpu.vector_load %arg12[%swap3A_413] {strides = array<i32>} : memref<32xf32, #tpu.memory_space<vmem>>, vector<16xf32>,
      %swap3A_415 = vector.shape_cast %swap3A_414 : vector<16xf32> to vector<16xf32>
      %swap3A_416 = vector.shape_cast %add3A_412 : vector<16xf32> to vector<16xf32>
      tpu.vector_store %arg12[%swap3A_413], %swap3A_416 {strides = array<i32>} : memref<32xf32, #tpu.memory_space<vmem>>, vector<16xf32>,
      %swap3A_417 = arith.constant 16 : index
      %swap3A_418 = tpu.vector_load %arg12[%swap3A_417] {strides = array<i32>} : memref<32xf32, #tpu.memory_space<vmem>>, vector<16xf32>,
      %swap3A_419 = vector.shape_cast %swap3A_418 : vector<16xf32> to vector<16xf32>
      %swap3A_420 = vector.shape_cast %add3A_412 : vector<16xf32> to vector<16xf32>
      tpu.vector_store %arg12[%swap3A_417], %swap3A_420 {strides = array<i32>} : memref<32xf32, #tpu.memory_space<vmem>>, vector<16xf32>,
      %get3A_421 = arith.constant 0 : index
      %get3A_422 = tpu.vector_load %arg12[%get3A_421] {strides = array<i32>} : memref<32xf32, #tpu.memory_space<vmem>>, vector<16xf32>,
      %get3A_423 = vector.shape_cast %get3A_422 : vector<16xf32> to vector<16xf32>
      %get3A_424 = arith.constant 1 : index
      %get3A_425 = tpu.vector_load %arg12[%get3A_424] {strides = array<i32>} : memref<32xf32, #tpu.memory_space<vmem>>, vector<16xf32>,
      %get3A_426 = vector.shape_cast %get3A_425 : vector<16xf32> to vector<16xf32>
      %add3A_427 = arith.addf %get3A_423, %get3A_426 : vector<16xf32>
      %eq3A_428 = arith.constant 5 : i32
      %eq3A_429 = vector.broadcast %eq3A_428 : i32 to vector<16xi32>
      %eq3A_430 = arith.cmpi eq, %iota3A, %eq3A_429 : vector<16xi32>
      %select_n3A_431 = arith.select %eq3A_430, %add3A_427, %select_n3A_359 : vector<16xi1>, vector<16xf32>
      %broadcast_in_dim3A_432 = arith.constant 0.000000e+00 : f32
      %broadcast_in_dim3A_433 = vector.broadcast %broadcast_in_dim3A_432 : f32 to vector<16xf32>
      %scan3A_434 = arith.constant 0 : i32
      %scan3A_435 = arith.constant 128 : i32
      %scan3A_436 = arith.addi %scan3A_434, %scan3A_435 : i32
      %scan3A_437 = arith.constant 1 : i32
      %scan3A_438 = scf.for %scan3A_3143 = %scan3A_434 to %scan3A_436 step %scan3A_437 iter_args(%scan3A_3144 = %broadcast_in_dim3A_433) -> (vector<16xf32>)  : i32 {
        %mul3A = arith.constant 16 : i32
        %mul3A_3145 = arith.muli %scan3A_3143, %mul3A : i32
        %get3A_3146 = arith.constant 0 : i32
        %get3A_3147 = arith.index_cast %get3A_3146 : i32 to index
        %get3A_3148 = arith.index_cast %mul3A_3145 : i32 to index
        %get3A_3149 = tpu.vector_load %arg7[%get3A_3147, %get3A_3148] {strides = array<i32>} : memref<4x2048xf32, #tpu.memory_space<vmem>>, vector<1x16xf32>,
        %get3A_3150 = vector.shape_cast %get3A_3149 : vector<1x16xf32> to vector<16xf32>
        %get3A_3151 = arith.constant 6 : i32
        %get3A_3152 = arith.index_cast %get3A_3151 : i32 to index
        %get3A_3153 = arith.index_cast %mul3A_3145 : i32 to index
        %get3A_3154 = tpu.vector_load %arg8[%get3A_3152, %get3A_3153] {strides = array<i32>} : memref<9x2048xf32, #tpu.memory_space<vmem>>, vector<1x16xf32>,
        %get3A_3155 = vector.shape_cast %get3A_3154 : vector<1x16xf32> to vector<16xf32>
        %mul3A_3156 = arith.mulf %get3A_3150, %get3A_3155 : vector<16xf32>
        %add3A_3157 = arith.addf %scan3A_3144, %mul3A_3156 : vector<16xf32>
        scf.yield %add3A_3157 : vector<16xf32>
      }
      %scan3A_439 = arith.constant 128 : i32
      %swap3A_440 = arith.constant 0 : index
      %swap3A_441 = tpu.vector_load %arg12[%swap3A_440] {strides = array<i32>} : memref<32xf32, #tpu.memory_space<vmem>>, vector<16xf32>,
      %swap3A_442 = vector.shape_cast %swap3A_441 : vector<16xf32> to vector<16xf32>
      %swap3A_443 = vector.shape_cast %scan3A_438 : vector<16xf32> to vector<16xf32>
      tpu.vector_store %arg12[%swap3A_440], %swap3A_443 {strides = array<i32>} : memref<32xf32, #tpu.memory_space<vmem>>, vector<16xf32>,
      %swap3A_444 = arith.constant 16 : index
      %swap3A_445 = tpu.vector_load %arg12[%swap3A_444] {strides = array<i32>} : memref<32xf32, #tpu.memory_space<vmem>>, vector<16xf32>,
      %swap3A_446 = vector.shape_cast %swap3A_445 : vector<16xf32> to vector<16xf32>
      %swap3A_447 = vector.shape_cast %scan3A_438 : vector<16xf32> to vector<16xf32>
      tpu.vector_store %arg12[%swap3A_444], %swap3A_447 {strides = array<i32>} : memref<32xf32, #tpu.memory_space<vmem>>, vector<16xf32>,
      %get3A_448 = arith.constant 0 : index
      %get3A_449 = tpu.vector_load %arg12[%get3A_448] {strides = array<i32>} : memref<32xf32, #tpu.memory_space<vmem>>, vector<16xf32>,
      %get3A_450 = vector.shape_cast %get3A_449 : vector<16xf32> to vector<16xf32>
      %get3A_451 = arith.constant 8 : index
      %get3A_452 = tpu.vector_load %arg12[%get3A_451] {strides = array<i32>} : memref<32xf32, #tpu.memory_space<vmem>>, vector<16xf32>,
      %get3A_453 = vector.shape_cast %get3A_452 : vector<16xf32> to vector<16xf32>
      %add3A_454 = arith.addf %get3A_450, %get3A_453 : vector<16xf32>
      %swap3A_455 = arith.constant 0 : index
      %swap3A_456 = tpu.vector_load %arg12[%swap3A_455] {strides = array<i32>} : memref<32xf32, #tpu.memory_space<vmem>>, vector<16xf32>,
      %swap3A_457 = vector.shape_cast %swap3A_456 : vector<16xf32> to vector<16xf32>
      %swap3A_458 = vector.shape_cast %add3A_454 : vector<16xf32> to vector<16xf32>
      tpu.vector_store %arg12[%swap3A_455], %swap3A_458 {strides = array<i32>} : memref<32xf32, #tpu.memory_space<vmem>>, vector<16xf32>,
      %swap3A_459 = arith.constant 16 : index
      %swap3A_460 = tpu.vector_load %arg12[%swap3A_459] {strides = array<i32>} : memref<32xf32, #tpu.memory_space<vmem>>, vector<16xf32>,
      %swap3A_461 = vector.shape_cast %swap3A_460 : vector<16xf32> to vector<16xf32>
      %swap3A_462 = vector.shape_cast %add3A_454 : vector<16xf32> to vector<16xf32>
      tpu.vector_store %arg12[%swap3A_459], %swap3A_462 {strides = array<i32>} : memref<32xf32, #tpu.memory_space<vmem>>, vector<16xf32>,
      %get3A_463 = arith.constant 0 : index
      %get3A_464 = tpu.vector_load %arg12[%get3A_463] {strides = array<i32>} : memref<32xf32, #tpu.memory_space<vmem>>, vector<16xf32>,
      %get3A_465 = vector.shape_cast %get3A_464 : vector<16xf32> to vector<16xf32>
      %get3A_466 = arith.constant 4 : index
      %get3A_467 = tpu.vector_load %arg12[%get3A_466] {strides = array<i32>} : memref<32xf32, #tpu.memory_space<vmem>>, vector<16xf32>,
      %get3A_468 = vector.shape_cast %get3A_467 : vector<16xf32> to vector<16xf32>
      %add3A_469 = arith.addf %get3A_465, %get3A_468 : vector<16xf32>
      %swap3A_470 = arith.constant 0 : index
      %swap3A_471 = tpu.vector_load %arg12[%swap3A_470] {strides = array<i32>} : memref<32xf32, #tpu.memory_space<vmem>>, vector<16xf32>,
      %swap3A_472 = vector.shape_cast %swap3A_471 : vector<16xf32> to vector<16xf32>
      %swap3A_473 = vector.shape_cast %add3A_469 : vector<16xf32> to vector<16xf32>
      tpu.vector_store %arg12[%swap3A_470], %swap3A_473 {strides = array<i32>} : memref<32xf32, #tpu.memory_space<vmem>>, vector<16xf32>,
      %swap3A_474 = arith.constant 16 : index
      %swap3A_475 = tpu.vector_load %arg12[%swap3A_474] {strides = array<i32>} : memref<32xf32, #tpu.memory_space<vmem>>, vector<16xf32>,
      %swap3A_476 = vector.shape_cast %swap3A_475 : vector<16xf32> to vector<16xf32>
      %swap3A_477 = vector.shape_cast %add3A_469 : vector<16xf32> to vector<16xf32>
      tpu.vector_store %arg12[%swap3A_474], %swap3A_477 {strides = array<i32>} : memref<32xf32, #tpu.memory_space<vmem>>, vector<16xf32>,
      %get3A_478 = arith.constant 0 : index
      %get3A_479 = tpu.vector_load %arg12[%get3A_478] {strides = array<i32>} : memref<32xf32, #tpu.memory_space<vmem>>, vector<16xf32>,
      %get3A_480 = vector.shape_cast %get3A_479 : vector<16xf32> to vector<16xf32>
      %get3A_481 = arith.constant 2 : index
      %get3A_482 = tpu.vector_load %arg12[%get3A_481] {strides = array<i32>} : memref<32xf32, #tpu.memory_space<vmem>>, vector<16xf32>,
      %get3A_483 = vector.shape_cast %get3A_482 : vector<16xf32> to vector<16xf32>
      %add3A_484 = arith.addf %get3A_480, %get3A_483 : vector<16xf32>
      %swap3A_485 = arith.constant 0 : index
      %swap3A_486 = tpu.vector_load %arg12[%swap3A_485] {strides = array<i32>} : memref<32xf32, #tpu.memory_space<vmem>>, vector<16xf32>,
      %swap3A_487 = vector.shape_cast %swap3A_486 : vector<16xf32> to vector<16xf32>
      %swap3A_488 = vector.shape_cast %add3A_484 : vector<16xf32> to vector<16xf32>
      tpu.vector_store %arg12[%swap3A_485], %swap3A_488 {strides = array<i32>} : memref<32xf32, #tpu.memory_space<vmem>>, vector<16xf32>,
      %swap3A_489 = arith.constant 16 : index
      %swap3A_490 = tpu.vector_load %arg12[%swap3A_489] {strides = array<i32>} : memref<32xf32, #tpu.memory_space<vmem>>, vector<16xf32>,
      %swap3A_491 = vector.shape_cast %swap3A_490 : vector<16xf32> to vector<16xf32>
      %swap3A_492 = vector.shape_cast %add3A_484 : vector<16xf32> to vector<16xf32>
      tpu.vector_store %arg12[%swap3A_489], %swap3A_492 {strides = array<i32>} : memref<32xf32, #tpu.memory_space<vmem>>, vector<16xf32>,
      %get3A_493 = arith.constant 0 : index
      %get3A_494 = tpu.vector_load %arg12[%get3A_493] {strides = array<i32>} : memref<32xf32, #tpu.memory_space<vmem>>, vector<16xf32>,
      %get3A_495 = vector.shape_cast %get3A_494 : vector<16xf32> to vector<16xf32>
      %get3A_496 = arith.constant 1 : index
      %get3A_497 = tpu.vector_load %arg12[%get3A_496] {strides = array<i32>} : memref<32xf32, #tpu.memory_space<vmem>>, vector<16xf32>,
      %get3A_498 = vector.shape_cast %get3A_497 : vector<16xf32> to vector<16xf32>
      %add3A_499 = arith.addf %get3A_495, %get3A_498 : vector<16xf32>
      %eq3A_500 = arith.constant 6 : i32
      %eq3A_501 = vector.broadcast %eq3A_500 : i32 to vector<16xi32>
      %eq3A_502 = arith.cmpi eq, %iota3A, %eq3A_501 : vector<16xi32>
      %select_n3A_503 = arith.select %eq3A_502, %add3A_499, %select_n3A_431 : vector<16xi1>, vector<16xf32>
      %broadcast_in_dim3A_504 = arith.constant 0.000000e+00 : f32
      %broadcast_in_dim3A_505 = vector.broadcast %broadcast_in_dim3A_504 : f32 to vector<16xf32>
      %scan3A_506 = arith.constant 0 : i32
      %scan3A_507 = arith.constant 128 : i32
      %scan3A_508 = arith.addi %scan3A_506, %scan3A_507 : i32
      %scan3A_509 = arith.constant 1 : i32
      %scan3A_510 = scf.for %scan3A_3143 = %scan3A_506 to %scan3A_508 step %scan3A_509 iter_args(%scan3A_3144 = %broadcast_in_dim3A_505) -> (vector<16xf32>)  : i32 {
        %mul3A = arith.constant 16 : i32
        %mul3A_3145 = arith.muli %scan3A_3143, %mul3A : i32
        %get3A_3146 = arith.constant 0 : i32
        %get3A_3147 = arith.index_cast %get3A_3146 : i32 to index
        %get3A_3148 = arith.index_cast %mul3A_3145 : i32 to index
        %get3A_3149 = tpu.vector_load %arg7[%get3A_3147, %get3A_3148] {strides = array<i32>} : memref<4x2048xf32, #tpu.memory_space<vmem>>, vector<1x16xf32>,
        %get3A_3150 = vector.shape_cast %get3A_3149 : vector<1x16xf32> to vector<16xf32>
        %get3A_3151 = arith.constant 7 : i32
        %get3A_3152 = arith.index_cast %get3A_3151 : i32 to index
        %get3A_3153 = arith.index_cast %mul3A_3145 : i32 to index
        %get3A_3154 = tpu.vector_load %arg8[%get3A_3152, %get3A_3153] {strides = array<i32>} : memref<9x2048xf32, #tpu.memory_space<vmem>>, vector<1x16xf32>,
        %get3A_3155 = vector.shape_cast %get3A_3154 : vector<1x16xf32> to vector<16xf32>
        %mul3A_3156 = arith.mulf %get3A_3150, %get3A_3155 : vector<16xf32>
        %add3A_3157 = arith.addf %scan3A_3144, %mul3A_3156 : vector<16xf32>
        scf.yield %add3A_3157 : vector<16xf32>
      }
      %scan3A_511 = arith.constant 128 : i32
      %swap3A_512 = arith.constant 0 : index
      %swap3A_513 = tpu.vector_load %arg12[%swap3A_512] {strides = array<i32>} : memref<32xf32, #tpu.memory_space<vmem>>, vector<16xf32>,
      %swap3A_514 = vector.shape_cast %swap3A_513 : vector<16xf32> to vector<16xf32>
      %swap3A_515 = vector.shape_cast %scan3A_510 : vector<16xf32> to vector<16xf32>
      tpu.vector_store %arg12[%swap3A_512], %swap3A_515 {strides = array<i32>} : memref<32xf32, #tpu.memory_space<vmem>>, vector<16xf32>,
      %swap3A_516 = arith.constant 16 : index
      %swap3A_517 = tpu.vector_load %arg12[%swap3A_516] {strides = array<i32>} : memref<32xf32, #tpu.memory_space<vmem>>, vector<16xf32>,
      %swap3A_518 = vector.shape_cast %swap3A_517 : vector<16xf32> to vector<16xf32>
      %swap3A_519 = vector.shape_cast %scan3A_510 : vector<16xf32> to vector<16xf32>
      tpu.vector_store %arg12[%swap3A_516], %swap3A_519 {strides = array<i32>} : memref<32xf32, #tpu.memory_space<vmem>>, vector<16xf32>,
      %get3A_520 = arith.constant 0 : index
      %get3A_521 = tpu.vector_load %arg12[%get3A_520] {strides = array<i32>} : memref<32xf32, #tpu.memory_space<vmem>>, vector<16xf32>,
      %get3A_522 = vector.shape_cast %get3A_521 : vector<16xf32> to vector<16xf32>
      %get3A_523 = arith.constant 8 : index
      %get3A_524 = tpu.vector_load %arg12[%get3A_523] {strides = array<i32>} : memref<32xf32, #tpu.memory_space<vmem>>, vector<16xf32>,
      %get3A_525 = vector.shape_cast %get3A_524 : vector<16xf32> to vector<16xf32>
      %add3A_526 = arith.addf %get3A_522, %get3A_525 : vector<16xf32>
      %swap3A_527 = arith.constant 0 : index
      %swap3A_528 = tpu.vector_load %arg12[%swap3A_527] {strides = array<i32>} : memref<32xf32, #tpu.memory_space<vmem>>, vector<16xf32>,
      %swap3A_529 = vector.shape_cast %swap3A_528 : vector<16xf32> to vector<16xf32>
      %swap3A_530 = vector.shape_cast %add3A_526 : vector<16xf32> to vector<16xf32>
      tpu.vector_store %arg12[%swap3A_527], %swap3A_530 {strides = array<i32>} : memref<32xf32, #tpu.memory_space<vmem>>, vector<16xf32>,
      %swap3A_531 = arith.constant 16 : index
      %swap3A_532 = tpu.vector_load %arg12[%swap3A_531] {strides = array<i32>} : memref<32xf32, #tpu.memory_space<vmem>>, vector<16xf32>,
      %swap3A_533 = vector.shape_cast %swap3A_532 : vector<16xf32> to vector<16xf32>
      %swap3A_534 = vector.shape_cast %add3A_526 : vector<16xf32> to vector<16xf32>
      tpu.vector_store %arg12[%swap3A_531], %swap3A_534 {strides = array<i32>} : memref<32xf32, #tpu.memory_space<vmem>>, vector<16xf32>,
      %get3A_535 = arith.constant 0 : index
      %get3A_536 = tpu.vector_load %arg12[%get3A_535] {strides = array<i32>} : memref<32xf32, #tpu.memory_space<vmem>>, vector<16xf32>,
      %get3A_537 = vector.shape_cast %get3A_536 : vector<16xf32> to vector<16xf32>
      %get3A_538 = arith.constant 4 : index
      %get3A_539 = tpu.vector_load %arg12[%get3A_538] {strides = array<i32>} : memref<32xf32, #tpu.memory_space<vmem>>, vector<16xf32>,
      %get3A_540 = vector.shape_cast %get3A_539 : vector<16xf32> to vector<16xf32>
      %add3A_541 = arith.addf %get3A_537, %get3A_540 : vector<16xf32>
      %swap3A_542 = arith.constant 0 : index
      %swap3A_543 = tpu.vector_load %arg12[%swap3A_542] {strides = array<i32>} : memref<32xf32, #tpu.memory_space<vmem>>, vector<16xf32>,
      %swap3A_544 = vector.shape_cast %swap3A_543 : vector<16xf32> to vector<16xf32>
      %swap3A_545 = vector.shape_cast %add3A_541 : vector<16xf32> to vector<16xf32>
      tpu.vector_store %arg12[%swap3A_542], %swap3A_545 {strides = array<i32>} : memref<32xf32, #tpu.memory_space<vmem>>, vector<16xf32>,
      %swap3A_546 = arith.constant 16 : index
      %swap3A_547 = tpu.vector_load %arg12[%swap3A_546] {strides = array<i32>} : memref<32xf32, #tpu.memory_space<vmem>>, vector<16xf32>,
      %swap3A_548 = vector.shape_cast %swap3A_547 : vector<16xf32> to vector<16xf32>
      %swap3A_549 = vector.shape_cast %add3A_541 : vector<16xf32> to vector<16xf32>
      tpu.vector_store %arg12[%swap3A_546], %swap3A_549 {strides = array<i32>} : memref<32xf32, #tpu.memory_space<vmem>>, vector<16xf32>,
      %get3A_550 = arith.constant 0 : index
      %get3A_551 = tpu.vector_load %arg12[%get3A_550] {strides = array<i32>} : memref<32xf32, #tpu.memory_space<vmem>>, vector<16xf32>,
      %get3A_552 = vector.shape_cast %get3A_551 : vector<16xf32> to vector<16xf32>
      %get3A_553 = arith.constant 2 : index
      %get3A_554 = tpu.vector_load %arg12[%get3A_553] {strides = array<i32>} : memref<32xf32, #tpu.memory_space<vmem>>, vector<16xf32>,
      %get3A_555 = vector.shape_cast %get3A_554 : vector<16xf32> to vector<16xf32>
      %add3A_556 = arith.addf %get3A_552, %get3A_555 : vector<16xf32>
      %swap3A_557 = arith.constant 0 : index
      %swap3A_558 = tpu.vector_load %arg12[%swap3A_557] {strides = array<i32>} : memref<32xf32, #tpu.memory_space<vmem>>, vector<16xf32>,
      %swap3A_559 = vector.shape_cast %swap3A_558 : vector<16xf32> to vector<16xf32>
      %swap3A_560 = vector.shape_cast %add3A_556 : vector<16xf32> to vector<16xf32>
      tpu.vector_store %arg12[%swap3A_557], %swap3A_560 {strides = array<i32>} : memref<32xf32, #tpu.memory_space<vmem>>, vector<16xf32>,
      %swap3A_561 = arith.constant 16 : index
      %swap3A_562 = tpu.vector_load %arg12[%swap3A_561] {strides = array<i32>} : memref<32xf32, #tpu.memory_space<vmem>>, vector<16xf32>,
      %swap3A_563 = vector.shape_cast %swap3A_562 : vector<16xf32> to vector<16xf32>
      %swap3A_564 = vector.shape_cast %add3A_556 : vector<16xf32> to vector<16xf32>
      tpu.vector_store %arg12[%swap3A_561], %swap3A_564 {strides = array<i32>} : memref<32xf32, #tpu.memory_space<vmem>>, vector<16xf32>,
      %get3A_565 = arith.constant 0 : index
      %get3A_566 = tpu.vector_load %arg12[%get3A_565] {strides = array<i32>} : memref<32xf32, #tpu.memory_space<vmem>>, vector<16xf32>,
      %get3A_567 = vector.shape_cast %get3A_566 : vector<16xf32> to vector<16xf32>
      %get3A_568 = arith.constant 1 : index
      %get3A_569 = tpu.vector_load %arg12[%get3A_568] {strides = array<i32>} : memref<32xf32, #tpu.memory_space<vmem>>, vector<16xf32>,
      %get3A_570 = vector.shape_cast %get3A_569 : vector<16xf32> to vector<16xf32>
      %add3A_571 = arith.addf %get3A_567, %get3A_570 : vector<16xf32>
      %eq3A_572 = arith.constant 7 : i32
      %eq3A_573 = vector.broadcast %eq3A_572 : i32 to vector<16xi32>
      %eq3A_574 = arith.cmpi eq, %iota3A, %eq3A_573 : vector<16xi32>
      %select_n3A_575 = arith.select %eq3A_574, %add3A_571, %select_n3A_503 : vector<16xi1>, vector<16xf32>
      %broadcast_in_dim3A_576 = arith.constant 0.000000e+00 : f32
      %broadcast_in_dim3A_577 = vector.broadcast %broadcast_in_dim3A_576 : f32 to vector<16xf32>
      %scan3A_578 = arith.constant 0 : i32
      %scan3A_579 = arith.constant 128 : i32
      %scan3A_580 = arith.addi %scan3A_578, %scan3A_579 : i32
      %scan3A_581 = arith.constant 1 : i32
      %scan3A_582 = scf.for %scan3A_3143 = %scan3A_578 to %scan3A_580 step %scan3A_581 iter_args(%scan3A_3144 = %broadcast_in_dim3A_577) -> (vector<16xf32>)  : i32 {
        %mul3A = arith.constant 16 : i32
        %mul3A_3145 = arith.muli %scan3A_3143, %mul3A : i32
        %get3A_3146 = arith.constant 0 : i32
        %get3A_3147 = arith.index_cast %get3A_3146 : i32 to index
        %get3A_3148 = arith.index_cast %mul3A_3145 : i32 to index
        %get3A_3149 = tpu.vector_load %arg7[%get3A_3147, %get3A_3148] {strides = array<i32>} : memref<4x2048xf32, #tpu.memory_space<vmem>>, vector<1x16xf32>,
        %get3A_3150 = vector.shape_cast %get3A_3149 : vector<1x16xf32> to vector<16xf32>
        %get3A_3151 = arith.constant 8 : i32
        %get3A_3152 = arith.index_cast %get3A_3151 : i32 to index
        %get3A_3153 = arith.index_cast %mul3A_3145 : i32 to index
        %get3A_3154 = tpu.vector_load %arg8[%get3A_3152, %get3A_3153] {strides = array<i32>} : memref<9x2048xf32, #tpu.memory_space<vmem>>, vector<1x16xf32>,
        %get3A_3155 = vector.shape_cast %get3A_3154 : vector<1x16xf32> to vector<16xf32>
        %mul3A_3156 = arith.mulf %get3A_3150, %get3A_3155 : vector<16xf32>
        %add3A_3157 = arith.addf %scan3A_3144, %mul3A_3156 : vector<16xf32>
        scf.yield %add3A_3157 : vector<16xf32>
      }
      %scan3A_583 = arith.constant 128 : i32
      %swap3A_584 = arith.constant 0 : index
      %swap3A_585 = tpu.vector_load %arg12[%swap3A_584] {strides = array<i32>} : memref<32xf32, #tpu.memory_space<vmem>>, vector<16xf32>,
      %swap3A_586 = vector.shape_cast %swap3A_585 : vector<16xf32> to vector<16xf32>
      %swap3A_587 = vector.shape_cast %scan3A_582 : vector<16xf32> to vector<16xf32>
      tpu.vector_store %arg12[%swap3A_584], %swap3A_587 {strides = array<i32>} : memref<32xf32, #tpu.memory_space<vmem>>, vector<16xf32>,
      %swap3A_588 = arith.constant 16 : index
      %swap3A_589 = tpu.vector_load %arg12[%swap3A_588] {strides = array<i32>} : memref<32xf32, #tpu.memory_space<vmem>>, vector<16xf32>,
      %swap3A_590 = vector.shape_cast %swap3A_589 : vector<16xf32> to vector<16xf32>
      %swap3A_591 = vector.shape_cast %scan3A_582 : vector<16xf32> to vector<16xf32>
      tpu.vector_store %arg12[%swap3A_588], %swap3A_591 {strides = array<i32>} : memref<32xf32, #tpu.memory_space<vmem>>, vector<16xf32>,
      %get3A_592 = arith.constant 0 : index
      %get3A_593 = tpu.vector_load %arg12[%get3A_592] {strides = array<i32>} : memref<32xf32, #tpu.memory_space<vmem>>, vector<16xf32>,
      %get3A_594 = vector.shape_cast %get3A_593 : vector<16xf32> to vector<16xf32>
      %get3A_595 = arith.constant 8 : index
      %get3A_596 = tpu.vector_load %arg12[%get3A_595] {strides = array<i32>} : memref<32xf32, #tpu.memory_space<vmem>>, vector<16xf32>,
      %get3A_597 = vector.shape_cast %get3A_596 : vector<16xf32> to vector<16xf32>
      %add3A_598 = arith.addf %get3A_594, %get3A_597 : vector<16xf32>
      %swap3A_599 = arith.constant 0 : index
      %swap3A_600 = tpu.vector_load %arg12[%swap3A_599] {strides = array<i32>} : memref<32xf32, #tpu.memory_space<vmem>>, vector<16xf32>,
      %swap3A_601 = vector.shape_cast %swap3A_600 : vector<16xf32> to vector<16xf32>
      %swap3A_602 = vector.shape_cast %add3A_598 : vector<16xf32> to vector<16xf32>
      tpu.vector_store %arg12[%swap3A_599], %swap3A_602 {strides = array<i32>} : memref<32xf32, #tpu.memory_space<vmem>>, vector<16xf32>,
      %swap3A_603 = arith.constant 16 : index
      %swap3A_604 = tpu.vector_load %arg12[%swap3A_603] {strides = array<i32>} : memref<32xf32, #tpu.memory_space<vmem>>, vector<16xf32>,
      %swap3A_605 = vector.shape_cast %swap3A_604 : vector<16xf32> to vector<16xf32>
      %swap3A_606 = vector.shape_cast %add3A_598 : vector<16xf32> to vector<16xf32>
      tpu.vector_store %arg12[%swap3A_603], %swap3A_606 {strides = array<i32>} : memref<32xf32, #tpu.memory_space<vmem>>, vector<16xf32>,
      %get3A_607 = arith.constant 0 : index
      %get3A_608 = tpu.vector_load %arg12[%get3A_607] {strides = array<i32>} : memref<32xf32, #tpu.memory_space<vmem>>, vector<16xf32>,
      %get3A_609 = vector.shape_cast %get3A_608 : vector<16xf32> to vector<16xf32>
      %get3A_610 = arith.constant 4 : index
      %get3A_611 = tpu.vector_load %arg12[%get3A_610] {strides = array<i32>} : memref<32xf32, #tpu.memory_space<vmem>>, vector<16xf32>,
      %get3A_612 = vector.shape_cast %get3A_611 : vector<16xf32> to vector<16xf32>
      %add3A_613 = arith.addf %get3A_609, %get3A_612 : vector<16xf32>
      %swap3A_614 = arith.constant 0 : index
      %swap3A_615 = tpu.vector_load %arg12[%swap3A_614] {strides = array<i32>} : memref<32xf32, #tpu.memory_space<vmem>>, vector<16xf32>,
      %swap3A_616 = vector.shape_cast %swap3A_615 : vector<16xf32> to vector<16xf32>
      %swap3A_617 = vector.shape_cast %add3A_613 : vector<16xf32> to vector<16xf32>
      tpu.vector_store %arg12[%swap3A_614], %swap3A_617 {strides = array<i32>} : memref<32xf32, #tpu.memory_space<vmem>>, vector<16xf32>,
      %swap3A_618 = arith.constant 16 : index
      %swap3A_619 = tpu.vector_load %arg12[%swap3A_618] {strides = array<i32>} : memref<32xf32, #tpu.memory_space<vmem>>, vector<16xf32>,
      %swap3A_620 = vector.shape_cast %swap3A_619 : vector<16xf32> to vector<16xf32>
      %swap3A_621 = vector.shape_cast %add3A_613 : vector<16xf32> to vector<16xf32>
      tpu.vector_store %arg12[%swap3A_618], %swap3A_621 {strides = array<i32>} : memref<32xf32, #tpu.memory_space<vmem>>, vector<16xf32>,
      %get3A_622 = arith.constant 0 : index
      %get3A_623 = tpu.vector_load %arg12[%get3A_622] {strides = array<i32>} : memref<32xf32, #tpu.memory_space<vmem>>, vector<16xf32>,
      %get3A_624 = vector.shape_cast %get3A_623 : vector<16xf32> to vector<16xf32>
      %get3A_625 = arith.constant 2 : index
      %get3A_626 = tpu.vector_load %arg12[%get3A_625] {strides = array<i32>} : memref<32xf32, #tpu.memory_space<vmem>>, vector<16xf32>,
      %get3A_627 = vector.shape_cast %get3A_626 : vector<16xf32> to vector<16xf32>
      %add3A_628 = arith.addf %get3A_624, %get3A_627 : vector<16xf32>
      %swap3A_629 = arith.constant 0 : index
      %swap3A_630 = tpu.vector_load %arg12[%swap3A_629] {strides = array<i32>} : memref<32xf32, #tpu.memory_space<vmem>>, vector<16xf32>,
      %swap3A_631 = vector.shape_cast %swap3A_630 : vector<16xf32> to vector<16xf32>
      %swap3A_632 = vector.shape_cast %add3A_628 : vector<16xf32> to vector<16xf32>
      tpu.vector_store %arg12[%swap3A_629], %swap3A_632 {strides = array<i32>} : memref<32xf32, #tpu.memory_space<vmem>>, vector<16xf32>,
      %swap3A_633 = arith.constant 16 : index
      %swap3A_634 = tpu.vector_load %arg12[%swap3A_633] {strides = array<i32>} : memref<32xf32, #tpu.memory_space<vmem>>, vector<16xf32>,
      %swap3A_635 = vector.shape_cast %swap3A_634 : vector<16xf32> to vector<16xf32>
      %swap3A_636 = vector.shape_cast %add3A_628 : vector<16xf32> to vector<16xf32>
      tpu.vector_store %arg12[%swap3A_633], %swap3A_636 {strides = array<i32>} : memref<32xf32, #tpu.memory_space<vmem>>, vector<16xf32>,
      %get3A_637 = arith.constant 0 : index
      %get3A_638 = tpu.vector_load %arg12[%get3A_637] {strides = array<i32>} : memref<32xf32, #tpu.memory_space<vmem>>, vector<16xf32>,
      %get3A_639 = vector.shape_cast %get3A_638 : vector<16xf32> to vector<16xf32>
      %get3A_640 = arith.constant 1 : index
      %get3A_641 = tpu.vector_load %arg12[%get3A_640] {strides = array<i32>} : memref<32xf32, #tpu.memory_space<vmem>>, vector<16xf32>,
      %get3A_642 = vector.shape_cast %get3A_641 : vector<16xf32> to vector<16xf32>
      %add3A_643 = arith.addf %get3A_639, %get3A_642 : vector<16xf32>
      %eq3A_644 = arith.constant 8 : i32
      %eq3A_645 = vector.broadcast %eq3A_644 : i32 to vector<16xi32>
      %eq3A_646 = arith.cmpi eq, %iota3A, %eq3A_645 : vector<16xi32>
      %select_n3A_647 = arith.select %eq3A_646, %add3A_643, %select_n3A_575 : vector<16xi1>, vector<16xf32>
      %get3A_648 = arith.constant 0 : index
      %get3A_649 = tpu.vector_load %arg9[%get3A_648] {strides = array<i32>} : memref<16xf32, #tpu.memory_space<vmem>>, vector<16xf32>,
      %get3A_650 = vector.shape_cast %get3A_649 : vector<16xf32> to vector<16xf32>
      %add3A_651 = arith.addf %select_n3A_647, %get3A_650 : vector<16xf32>
      %swap3A_652 = arith.constant 0 : index
      %swap3A_653 = tpu.vector_load %arg12[%swap3A_652] {strides = array<i32>} : memref<32xf32, #tpu.memory_space<vmem>>, vector<16xf32>,
      %swap3A_654 = vector.shape_cast %swap3A_653 : vector<16xf32> to vector<16xf32>
      %swap3A_655 = vector.shape_cast %add3A_651 : vector<16xf32> to vector<16xf32>
      tpu.vector_store %arg12[%swap3A_652], %swap3A_655 {strides = array<i32>} : memref<32xf32, #tpu.memory_space<vmem>>, vector<16xf32>,
      %swap3A_656 = arith.constant 16 : index
      %swap3A_657 = tpu.vector_load %arg12[%swap3A_656] {strides = array<i32>} : memref<32xf32, #tpu.memory_space<vmem>>, vector<16xf32>,
      %swap3A_658 = vector.shape_cast %swap3A_657 : vector<16xf32> to vector<16xf32>
      %swap3A_659 = vector.shape_cast %add3A_651 : vector<16xf32> to vector<16xf32>
      tpu.vector_store %arg12[%swap3A_656], %swap3A_659 {strides = array<i32>} : memref<32xf32, #tpu.memory_space<vmem>>, vector<16xf32>,
      %get3A_660 = arith.constant 0 : index
      %get3A_661 = tpu.vector_load %arg12[%get3A_660] {strides = array<i32>} : memref<32xf32, #tpu.memory_space<vmem>>, vector<16xf32>,
      %get3A_662 = vector.shape_cast %get3A_661 : vector<16xf32> to vector<16xf32>
      %get3A_663 = arith.constant 8 : index
      %get3A_664 = tpu.vector_load %arg12[%get3A_663] {strides = array<i32>} : memref<32xf32, #tpu.memory_space<vmem>>, vector<16xf32>,
      %get3A_665 = vector.shape_cast %get3A_664 : vector<16xf32> to vector<16xf32>
      %max3A = arith.maximumf %get3A_662, %get3A_665 : vector<16xf32>
      %swap3A_666 = arith.constant 0 : index
      %swap3A_667 = tpu.vector_load %arg12[%swap3A_666] {strides = array<i32>} : memref<32xf32, #tpu.memory_space<vmem>>, vector<16xf32>,
      %swap3A_668 = vector.shape_cast %swap3A_667 : vector<16xf32> to vector<16xf32>
      %swap3A_669 = vector.shape_cast %max3A : vector<16xf32> to vector<16xf32>
      tpu.vector_store %arg12[%swap3A_666], %swap3A_669 {strides = array<i32>} : memref<32xf32, #tpu.memory_space<vmem>>, vector<16xf32>,
      %swap3A_670 = arith.constant 16 : index
      %swap3A_671 = tpu.vector_load %arg12[%swap3A_670] {strides = array<i32>} : memref<32xf32, #tpu.memory_space<vmem>>, vector<16xf32>,
      %swap3A_672 = vector.shape_cast %swap3A_671 : vector<16xf32> to vector<16xf32>
      %swap3A_673 = vector.shape_cast %max3A : vector<16xf32> to vector<16xf32>
      tpu.vector_store %arg12[%swap3A_670], %swap3A_673 {strides = array<i32>} : memref<32xf32, #tpu.memory_space<vmem>>, vector<16xf32>,
      %get3A_674 = arith.constant 0 : index
      %get3A_675 = tpu.vector_load %arg12[%get3A_674] {strides = array<i32>} : memref<32xf32, #tpu.memory_space<vmem>>, vector<16xf32>,
      %get3A_676 = vector.shape_cast %get3A_675 : vector<16xf32> to vector<16xf32>
      %get3A_677 = arith.constant 4 : index
      %get3A_678 = tpu.vector_load %arg12[%get3A_677] {strides = array<i32>} : memref<32xf32, #tpu.memory_space<vmem>>, vector<16xf32>,
      %get3A_679 = vector.shape_cast %get3A_678 : vector<16xf32> to vector<16xf32>
      %max3A_680 = arith.maximumf %get3A_676, %get3A_679 : vector<16xf32>
      %swap3A_681 = arith.constant 0 : index
      %swap3A_682 = tpu.vector_load %arg12[%swap3A_681] {strides = array<i32>} : memref<32xf32, #tpu.memory_space<vmem>>, vector<16xf32>,
      %swap3A_683 = vector.shape_cast %swap3A_682 : vector<16xf32> to vector<16xf32>
      %swap3A_684 = vector.shape_cast %max3A_680 : vector<16xf32> to vector<16xf32>
      tpu.vector_store %arg12[%swap3A_681], %swap3A_684 {strides = array<i32>} : memref<32xf32, #tpu.memory_space<vmem>>, vector<16xf32>,
      %swap3A_685 = arith.constant 16 : index
      %swap3A_686 = tpu.vector_load %arg12[%swap3A_685] {strides = array<i32>} : memref<32xf32, #tpu.memory_space<vmem>>, vector<16xf32>,
      %swap3A_687 = vector.shape_cast %swap3A_686 : vector<16xf32> to vector<16xf32>
      %swap3A_688 = vector.shape_cast %max3A_680 : vector<16xf32> to vector<16xf32>
      tpu.vector_store %arg12[%swap3A_685], %swap3A_688 {strides = array<i32>} : memref<32xf32, #tpu.memory_space<vmem>>, vector<16xf32>,
      %get3A_689 = arith.constant 0 : index
      %get3A_690 = tpu.vector_load %arg12[%get3A_689] {strides = array<i32>} : memref<32xf32, #tpu.memory_space<vmem>>, vector<16xf32>,
      %get3A_691 = vector.shape_cast %get3A_690 : vector<16xf32> to vector<16xf32>
      %get3A_692 = arith.constant 2 : index
      %get3A_693 = tpu.vector_load %arg12[%get3A_692] {strides = array<i32>} : memref<32xf32, #tpu.memory_space<vmem>>, vector<16xf32>,
      %get3A_694 = vector.shape_cast %get3A_693 : vector<16xf32> to vector<16xf32>
      %max3A_695 = arith.maximumf %get3A_691, %get3A_694 : vector<16xf32>
      %swap3A_696 = arith.constant 0 : index
      %swap3A_697 = tpu.vector_load %arg12[%swap3A_696] {strides = array<i32>} : memref<32xf32, #tpu.memory_space<vmem>>, vector<16xf32>,
      %swap3A_698 = vector.shape_cast %swap3A_697 : vector<16xf32> to vector<16xf32>
      %swap3A_699 = vector.shape_cast %max3A_695 : vector<16xf32> to vector<16xf32>
      tpu.vector_store %arg12[%swap3A_696], %swap3A_699 {strides = array<i32>} : memref<32xf32, #tpu.memory_space<vmem>>, vector<16xf32>,
      %swap3A_700 = arith.constant 16 : index
      %swap3A_701 = tpu.vector_load %arg12[%swap3A_700] {strides = array<i32>} : memref<32xf32, #tpu.memory_space<vmem>>, vector<16xf32>,
      %swap3A_702 = vector.shape_cast %swap3A_701 : vector<16xf32> to vector<16xf32>
      %swap3A_703 = vector.shape_cast %max3A_695 : vector<16xf32> to vector<16xf32>
      tpu.vector_store %arg12[%swap3A_700], %swap3A_703 {strides = array<i32>} : memref<32xf32, #tpu.memory_space<vmem>>, vector<16xf32>,
      %get3A_704 = arith.constant 0 : index
      %get3A_705 = tpu.vector_load %arg12[%get3A_704] {strides = array<i32>} : memref<32xf32, #tpu.memory_space<vmem>>, vector<16xf32>,
      %get3A_706 = vector.shape_cast %get3A_705 : vector<16xf32> to vector<16xf32>
      %get3A_707 = arith.constant 1 : index
      %get3A_708 = tpu.vector_load %arg12[%get3A_707] {strides = array<i32>} : memref<32xf32, #tpu.memory_space<vmem>>, vector<16xf32>,
      %get3A_709 = vector.shape_cast %get3A_708 : vector<16xf32> to vector<16xf32>
      %max3A_710 = arith.maximumf %get3A_706, %get3A_709 : vector<16xf32>
      %eq3A_711 = arith.cmpf oeq, %add3A_651, %max3A_710 : vector<16xf32>
      %jit3A = arith.constant 16 : i32
      %broadcast_in_dim3A_712 = vector.broadcast %jit3A : i32 to vector<16xi32>
      %select_n3A_713 = arith.select %eq3A_711, %iota3A, %broadcast_in_dim3A_712 : vector<16xi1>, vector<16xi32>
      %swap3A_714 = arith.constant 0 : index
      %swap3A_715 = tpu.vector_load %arg13[%swap3A_714] {strides = array<i32>} : memref<32xi32, #tpu.memory_space<vmem>>, vector<16xi32>,
      %swap3A_716 = vector.shape_cast %swap3A_715 : vector<16xi32> to vector<16xi32>
      %swap3A_717 = vector.shape_cast %select_n3A_713 : vector<16xi32> to vector<16xi32>
      tpu.vector_store %arg13[%swap3A_714], %swap3A_717 {strides = array<i32>} : memref<32xi32, #tpu.memory_space<vmem>>, vector<16xi32>,
      %swap3A_718 = arith.constant 16 : index
      %swap3A_719 = tpu.vector_load %arg13[%swap3A_718] {strides = array<i32>} : memref<32xi32, #tpu.memory_space<vmem>>, vector<16xi32>,
      %swap3A_720 = vector.shape_cast %swap3A_719 : vector<16xi32> to vector<16xi32>
      %swap3A_721 = vector.shape_cast %select_n3A_713 : vector<16xi32> to vector<16xi32>
      tpu.vector_store %arg13[%swap3A_718], %swap3A_721 {strides = array<i32>} : memref<32xi32, #tpu.memory_space<vmem>>, vector<16xi32>,
      %get3A_722 = arith.constant 0 : index
      %get3A_723 = tpu.vector_load %arg13[%get3A_722] {strides = array<i32>} : memref<32xi32, #tpu.memory_space<vmem>>, vector<16xi32>,
      %get3A_724 = vector.shape_cast %get3A_723 : vector<16xi32> to vector<16xi32>
      %get3A_725 = arith.constant 8 : index
      %get3A_726 = tpu.vector_load %arg13[%get3A_725] {strides = array<i32>} : memref<32xi32, #tpu.memory_space<vmem>>, vector<16xi32>,
      %get3A_727 = vector.shape_cast %get3A_726 : vector<16xi32> to vector<16xi32>
      %min3A = arith.minsi %get3A_724, %get3A_727 : vector<16xi32>
      %swap3A_728 = arith.constant 0 : index
      %swap3A_729 = tpu.vector_load %arg13[%swap3A_728] {strides = array<i32>} : memref<32xi32, #tpu.memory_space<vmem>>, vector<16xi32>,
      %swap3A_730 = vector.shape_cast %swap3A_729 : vector<16xi32> to vector<16xi32>
      %swap3A_731 = vector.shape_cast %min3A : vector<16xi32> to vector<16xi32>
      tpu.vector_store %arg13[%swap3A_728], %swap3A_731 {strides = array<i32>} : memref<32xi32, #tpu.memory_space<vmem>>, vector<16xi32>,
      %swap3A_732 = arith.constant 16 : index
      %swap3A_733 = tpu.vector_load %arg13[%swap3A_732] {strides = array<i32>} : memref<32xi32, #tpu.memory_space<vmem>>, vector<16xi32>,
      %swap3A_734 = vector.shape_cast %swap3A_733 : vector<16xi32> to vector<16xi32>
      %swap3A_735 = vector.shape_cast %min3A : vector<16xi32> to vector<16xi32>
      tpu.vector_store %arg13[%swap3A_732], %swap3A_735 {strides = array<i32>} : memref<32xi32, #tpu.memory_space<vmem>>, vector<16xi32>,
      %get3A_736 = arith.constant 0 : index
      %get3A_737 = tpu.vector_load %arg13[%get3A_736] {strides = array<i32>} : memref<32xi32, #tpu.memory_space<vmem>>, vector<16xi32>,
      %get3A_738 = vector.shape_cast %get3A_737 : vector<16xi32> to vector<16xi32>
      %get3A_739 = arith.constant 4 : index
      %get3A_740 = tpu.vector_load %arg13[%get3A_739] {strides = array<i32>} : memref<32xi32, #tpu.memory_space<vmem>>, vector<16xi32>,
      %get3A_741 = vector.shape_cast %get3A_740 : vector<16xi32> to vector<16xi32>
      %min3A_742 = arith.minsi %get3A_738, %get3A_741 : vector<16xi32>
      %swap3A_743 = arith.constant 0 : index
      %swap3A_744 = tpu.vector_load %arg13[%swap3A_743] {strides = array<i32>} : memref<32xi32, #tpu.memory_space<vmem>>, vector<16xi32>,
      %swap3A_745 = vector.shape_cast %swap3A_744 : vector<16xi32> to vector<16xi32>
      %swap3A_746 = vector.shape_cast %min3A_742 : vector<16xi32> to vector<16xi32>
      tpu.vector_store %arg13[%swap3A_743], %swap3A_746 {strides = array<i32>} : memref<32xi32, #tpu.memory_space<vmem>>, vector<16xi32>,
      %swap3A_747 = arith.constant 16 : index
      %swap3A_748 = tpu.vector_load %arg13[%swap3A_747] {strides = array<i32>} : memref<32xi32, #tpu.memory_space<vmem>>, vector<16xi32>,
      %swap3A_749 = vector.shape_cast %swap3A_748 : vector<16xi32> to vector<16xi32>
      %swap3A_750 = vector.shape_cast %min3A_742 : vector<16xi32> to vector<16xi32>
      tpu.vector_store %arg13[%swap3A_747], %swap3A_750 {strides = array<i32>} : memref<32xi32, #tpu.memory_space<vmem>>, vector<16xi32>,
      %get3A_751 = arith.constant 0 : index
      %get3A_752 = tpu.vector_load %arg13[%get3A_751] {strides = array<i32>} : memref<32xi32, #tpu.memory_space<vmem>>, vector<16xi32>,
      %get3A_753 = vector.shape_cast %get3A_752 : vector<16xi32> to vector<16xi32>
      %get3A_754 = arith.constant 2 : index
      %get3A_755 = tpu.vector_load %arg13[%get3A_754] {strides = array<i32>} : memref<32xi32, #tpu.memory_space<vmem>>, vector<16xi32>,
      %get3A_756 = vector.shape_cast %get3A_755 : vector<16xi32> to vector<16xi32>
      %min3A_757 = arith.minsi %get3A_753, %get3A_756 : vector<16xi32>
      %swap3A_758 = arith.constant 0 : index
      %swap3A_759 = tpu.vector_load %arg13[%swap3A_758] {strides = array<i32>} : memref<32xi32, #tpu.memory_space<vmem>>, vector<16xi32>,
      %swap3A_760 = vector.shape_cast %swap3A_759 : vector<16xi32> to vector<16xi32>
      %swap3A_761 = vector.shape_cast %min3A_757 : vector<16xi32> to vector<16xi32>
      tpu.vector_store %arg13[%swap3A_758], %swap3A_761 {strides = array<i32>} : memref<32xi32, #tpu.memory_space<vmem>>, vector<16xi32>,
      %swap3A_762 = arith.constant 16 : index
      %swap3A_763 = tpu.vector_load %arg13[%swap3A_762] {strides = array<i32>} : memref<32xi32, #tpu.memory_space<vmem>>, vector<16xi32>,
      %swap3A_764 = vector.shape_cast %swap3A_763 : vector<16xi32> to vector<16xi32>
      %swap3A_765 = vector.shape_cast %min3A_757 : vector<16xi32> to vector<16xi32>
      tpu.vector_store %arg13[%swap3A_762], %swap3A_765 {strides = array<i32>} : memref<32xi32, #tpu.memory_space<vmem>>, vector<16xi32>,
      %get3A_766 = arith.constant 0 : index
      %get3A_767 = tpu.vector_load %arg13[%get3A_766] {strides = array<i32>} : memref<32xi32, #tpu.memory_space<vmem>>, vector<16xi32>,
      %get3A_768 = vector.shape_cast %get3A_767 : vector<16xi32> to vector<16xi32>
      %get3A_769 = arith.constant 1 : index
      %get3A_770 = tpu.vector_load %arg13[%get3A_769] {strides = array<i32>} : memref<32xi32, #tpu.memory_space<vmem>>, vector<16xi32>,
      %get3A_771 = vector.shape_cast %get3A_770 : vector<16xi32> to vector<16xi32>
      %min3A_772 = arith.minsi %get3A_768, %get3A_771 : vector<16xi32>
      %eq3A_773 = arith.constant 8 : i32
      %eq3A_774 = vector.broadcast %eq3A_773 : i32 to vector<16xi32>
      %eq3A_775 = arith.cmpi eq, %min3A_772, %eq3A_774 : vector<16xi32>
      %scan3A_776 = arith.constant 0 : i32
      %scan3A_777 = arith.constant 0 : i32
      %scan3A_778 = arith.constant 128 : i32
      %scan3A_779 = arith.addi %scan3A_777, %scan3A_778 : i32
      %scan3A_780 = arith.constant 1 : i32
      scf.for %scan3A_3143 = %scan3A_777 to %scan3A_779 step %scan3A_780  : i32 {
        %mul3A = arith.constant 16 : i32
        %mul3A_3144 = arith.muli %scan3A_3143, %mul3A : i32
        %get3A_3145 = arith.constant 0 : i32
        %get3A_3146 = arith.index_cast %get3A_3145 : i32 to index
        %get3A_3147 = arith.index_cast %mul3A_3144 : i32 to index
        %get3A_3148 = tpu.vector_load %arg7[%get3A_3146, %get3A_3147] {strides = array<i32>} : memref<4x2048xf32, #tpu.memory_space<vmem>>, vector<1x16xf32>,
        %get3A_3149 = vector.shape_cast %get3A_3148 : vector<1x16xf32> to vector<16xf32>
        %broadcast_in_dim3A_3150 = arith.constant 0.000000e+00 : f32
        %broadcast_in_dim3A_3151 = vector.broadcast %broadcast_in_dim3A_3150 : f32 to vector<16xf32>
        %eq3A_3152 = arith.constant 0 : i32
        %eq3A_3153 = vector.broadcast %eq3A_3152 : i32 to vector<16xi32>
        %eq3A_3154 = arith.cmpi eq, %min3A_772, %eq3A_3153 : vector<16xi32>
        %get3A_3155 = arith.constant 0 : i32
        %get3A_3156 = arith.index_cast %get3A_3155 : i32 to index
        %get3A_3157 = arith.index_cast %mul3A_3144 : i32 to index
        %get3A_3158 = tpu.vector_load %arg10[%get3A_3156, %get3A_3157] {strides = array<i32>} : memref<8x2048xf32, #tpu.memory_space<vmem>>, vector<1x16xf32>,
        %get3A_3159 = vector.shape_cast %get3A_3158 : vector<1x16xf32> to vector<16xf32>
        %select_n3A_3160 = arith.select %eq3A_3154, %get3A_3159, %broadcast_in_dim3A_3151 : vector<16xi1>, vector<16xf32>
        %eq3A_3161 = arith.constant 1 : i32
        %eq3A_3162 = vector.broadcast %eq3A_3161 : i32 to vector<16xi32>
        %eq3A_3163 = arith.cmpi eq, %min3A_772, %eq3A_3162 : vector<16xi32>
        %get3A_3164 = arith.constant 1 : i32
        %get3A_3165 = arith.index_cast %get3A_3164 : i32 to index
        %get3A_3166 = arith.index_cast %mul3A_3144 : i32 to index
        %get3A_3167 = tpu.vector_load %arg10[%get3A_3165, %get3A_3166] {strides = array<i32>} : memref<8x2048xf32, #tpu.memory_space<vmem>>, vector<1x16xf32>,
        %get3A_3168 = vector.shape_cast %get3A_3167 : vector<1x16xf32> to vector<16xf32>
        %select_n3A_3169 = arith.select %eq3A_3163, %get3A_3168, %select_n3A_3160 : vector<16xi1>, vector<16xf32>
        %eq3A_3170 = arith.constant 2 : i32
        %eq3A_3171 = vector.broadcast %eq3A_3170 : i32 to vector<16xi32>
        %eq3A_3172 = arith.cmpi eq, %min3A_772, %eq3A_3171 : vector<16xi32>
        %get3A_3173 = arith.constant 2 : i32
        %get3A_3174 = arith.index_cast %get3A_3173 : i32 to index
        %get3A_3175 = arith.index_cast %mul3A_3144 : i32 to index
        %get3A_3176 = tpu.vector_load %arg10[%get3A_3174, %get3A_3175] {strides = array<i32>} : memref<8x2048xf32, #tpu.memory_space<vmem>>, vector<1x16xf32>,
        %get3A_3177 = vector.shape_cast %get3A_3176 : vector<1x16xf32> to vector<16xf32>
        %select_n3A_3178 = arith.select %eq3A_3172, %get3A_3177, %select_n3A_3169 : vector<16xi1>, vector<16xf32>
        %eq3A_3179 = arith.constant 3 : i32
        %eq3A_3180 = vector.broadcast %eq3A_3179 : i32 to vector<16xi32>
        %eq3A_3181 = arith.cmpi eq, %min3A_772, %eq3A_3180 : vector<16xi32>
        %get3A_3182 = arith.constant 3 : i32
        %get3A_3183 = arith.index_cast %get3A_3182 : i32 to index
        %get3A_3184 = arith.index_cast %mul3A_3144 : i32 to index
        %get3A_3185 = tpu.vector_load %arg10[%get3A_3183, %get3A_3184] {strides = array<i32>} : memref<8x2048xf32, #tpu.memory_space<vmem>>, vector<1x16xf32>,
        %get3A_3186 = vector.shape_cast %get3A_3185 : vector<1x16xf32> to vector<16xf32>
        %select_n3A_3187 = arith.select %eq3A_3181, %get3A_3186, %select_n3A_3178 : vector<16xi1>, vector<16xf32>
        %eq3A_3188 = arith.constant 4 : i32
        %eq3A_3189 = vector.broadcast %eq3A_3188 : i32 to vector<16xi32>
        %eq3A_3190 = arith.cmpi eq, %min3A_772, %eq3A_3189 : vector<16xi32>
        %get3A_3191 = arith.constant 4 : i32
        %get3A_3192 = arith.index_cast %get3A_3191 : i32 to index
        %get3A_3193 = arith.index_cast %mul3A_3144 : i32 to index
        %get3A_3194 = tpu.vector_load %arg10[%get3A_3192, %get3A_3193] {strides = array<i32>} : memref<8x2048xf32, #tpu.memory_space<vmem>>, vector<1x16xf32>,
        %get3A_3195 = vector.shape_cast %get3A_3194 : vector<1x16xf32> to vector<16xf32>
        %select_n3A_3196 = arith.select %eq3A_3190, %get3A_3195, %select_n3A_3187 : vector<16xi1>, vector<16xf32>
        %eq3A_3197 = arith.constant 5 : i32
        %eq3A_3198 = vector.broadcast %eq3A_3197 : i32 to vector<16xi32>
        %eq3A_3199 = arith.cmpi eq, %min3A_772, %eq3A_3198 : vector<16xi32>
        %get3A_3200 = arith.constant 5 : i32
        %get3A_3201 = arith.index_cast %get3A_3200 : i32 to index
        %get3A_3202 = arith.index_cast %mul3A_3144 : i32 to index
        %get3A_3203 = tpu.vector_load %arg10[%get3A_3201, %get3A_3202] {strides = array<i32>} : memref<8x2048xf32, #tpu.memory_space<vmem>>, vector<1x16xf32>,
        %get3A_3204 = vector.shape_cast %get3A_3203 : vector<1x16xf32> to vector<16xf32>
        %select_n3A_3205 = arith.select %eq3A_3199, %get3A_3204, %select_n3A_3196 : vector<16xi1>, vector<16xf32>
        %eq3A_3206 = arith.constant 6 : i32
        %eq3A_3207 = vector.broadcast %eq3A_3206 : i32 to vector<16xi32>
        %eq3A_3208 = arith.cmpi eq, %min3A_772, %eq3A_3207 : vector<16xi32>
        %get3A_3209 = arith.constant 6 : i32
        %get3A_3210 = arith.index_cast %get3A_3209 : i32 to index
        %get3A_3211 = arith.index_cast %mul3A_3144 : i32 to index
        %get3A_3212 = tpu.vector_load %arg10[%get3A_3210, %get3A_3211] {strides = array<i32>} : memref<8x2048xf32, #tpu.memory_space<vmem>>, vector<1x16xf32>,
        %get3A_3213 = vector.shape_cast %get3A_3212 : vector<1x16xf32> to vector<16xf32>
        %select_n3A_3214 = arith.select %eq3A_3208, %get3A_3213, %select_n3A_3205 : vector<16xi1>, vector<16xf32>
        %eq3A_3215 = arith.constant 7 : i32
        %eq3A_3216 = vector.broadcast %eq3A_3215 : i32 to vector<16xi32>
        %eq3A_3217 = arith.cmpi eq, %min3A_772, %eq3A_3216 : vector<16xi32>
        %get3A_3218 = arith.constant 7 : i32
        %get3A_3219 = arith.index_cast %get3A_3218 : i32 to index
        %get3A_3220 = arith.index_cast %mul3A_3144 : i32 to index
        %get3A_3221 = tpu.vector_load %arg10[%get3A_3219, %get3A_3220] {strides = array<i32>} : memref<8x2048xf32, #tpu.memory_space<vmem>>, vector<1x16xf32>,
        %get3A_3222 = vector.shape_cast %get3A_3221 : vector<1x16xf32> to vector<16xf32>
        %select_n3A_3223 = arith.select %eq3A_3217, %get3A_3222, %select_n3A_3214 : vector<16xi1>, vector<16xf32>
        %select_n3A_3224 = arith.select %eq3A_775, %get3A_3149, %select_n3A_3223 : vector<16xi1>, vector<16xf32>
        %swap3A_3225 = arith.constant 0 : i32
        %swap3A_3226 = arith.index_cast %swap3A_3225 : i32 to index
        %swap3A_3227 = arith.index_cast %mul3A_3144 : i32 to index
        %swap3A_3228 = tpu.vector_load %arg11[%swap3A_3226, %swap3A_3227] {strides = array<i32>} : memref<4x2048xf32, #tpu.memory_space<vmem>>, vector<1x16xf32>,
        %swap3A_3229 = vector.shape_cast %swap3A_3228 : vector<1x16xf32> to vector<16xf32>
        %swap3A_3230 = vector.shape_cast %select_n3A_3224 : vector<16xf32> to vector<1x16xf32>
        tpu.vector_store %arg11[%swap3A_3226, %swap3A_3227], %swap3A_3230 {strides = array<i32>} : memref<4x2048xf32, #tpu.memory_space<vmem>>, vector<1x16xf32>,
      }
      %scan3A_781 = arith.constant 128 : i32
      %broadcast_in_dim3A_782 = arith.constant -3.000000e+38 : f32
      %broadcast_in_dim3A_783 = vector.broadcast %broadcast_in_dim3A_782 : f32 to vector<16xf32>
      %broadcast_in_dim3A_784 = arith.constant 0.000000e+00 : f32
      %broadcast_in_dim3A_785 = vector.broadcast %broadcast_in_dim3A_784 : f32 to vector<16xf32>
      %scan3A_786 = arith.constant 0 : i32
      %scan3A_787 = arith.constant 128 : i32
      %scan3A_788 = arith.addi %scan3A_786, %scan3A_787 : i32
      %scan3A_789 = arith.constant 1 : i32
      %scan3A_790 = scf.for %scan3A_3143 = %scan3A_786 to %scan3A_788 step %scan3A_789 iter_args(%scan3A_3144 = %broadcast_in_dim3A_785) -> (vector<16xf32>)  : i32 {
        %mul3A = arith.constant 16 : i32
        %mul3A_3145 = arith.muli %scan3A_3143, %mul3A : i32
        %get3A_3146 = arith.constant 1 : i32
        %get3A_3147 = arith.index_cast %get3A_3146 : i32 to index
        %get3A_3148 = arith.index_cast %mul3A_3145 : i32 to index
        %get3A_3149 = tpu.vector_load %arg7[%get3A_3147, %get3A_3148] {strides = array<i32>} : memref<4x2048xf32, #tpu.memory_space<vmem>>, vector<1x16xf32>,
        %get3A_3150 = vector.shape_cast %get3A_3149 : vector<1x16xf32> to vector<16xf32>
        %get3A_3151 = arith.constant 0 : i32
        %get3A_3152 = arith.index_cast %get3A_3151 : i32 to index
        %get3A_3153 = arith.index_cast %mul3A_3145 : i32 to index
        %get3A_3154 = tpu.vector_load %arg8[%get3A_3152, %get3A_3153] {strides = array<i32>} : memref<9x2048xf32, #tpu.memory_space<vmem>>, vector<1x16xf32>,
        %get3A_3155 = vector.shape_cast %get3A_3154 : vector<1x16xf32> to vector<16xf32>
        %mul3A_3156 = arith.mulf %get3A_3150, %get3A_3155 : vector<16xf32>
        %add3A_3157 = arith.addf %scan3A_3144, %mul3A_3156 : vector<16xf32>
        scf.yield %add3A_3157 : vector<16xf32>
      }
      %scan3A_791 = arith.constant 128 : i32
      %swap3A_792 = arith.constant 0 : index
      %swap3A_793 = tpu.vector_load %arg12[%swap3A_792] {strides = array<i32>} : memref<32xf32, #tpu.memory_space<vmem>>, vector<16xf32>,
      %swap3A_794 = vector.shape_cast %swap3A_793 : vector<16xf32> to vector<16xf32>
      %swap3A_795 = vector.shape_cast %scan3A_790 : vector<16xf32> to vector<16xf32>
      tpu.vector_store %arg12[%swap3A_792], %swap3A_795 {strides = array<i32>} : memref<32xf32, #tpu.memory_space<vmem>>, vector<16xf32>,
      %swap3A_796 = arith.constant 16 : index
      %swap3A_797 = tpu.vector_load %arg12[%swap3A_796] {strides = array<i32>} : memref<32xf32, #tpu.memory_space<vmem>>, vector<16xf32>,
      %swap3A_798 = vector.shape_cast %swap3A_797 : vector<16xf32> to vector<16xf32>
      %swap3A_799 = vector.shape_cast %scan3A_790 : vector<16xf32> to vector<16xf32>
      tpu.vector_store %arg12[%swap3A_796], %swap3A_799 {strides = array<i32>} : memref<32xf32, #tpu.memory_space<vmem>>, vector<16xf32>,
      %get3A_800 = arith.constant 0 : index
      %get3A_801 = tpu.vector_load %arg12[%get3A_800] {strides = array<i32>} : memref<32xf32, #tpu.memory_space<vmem>>, vector<16xf32>,
      %get3A_802 = vector.shape_cast %get3A_801 : vector<16xf32> to vector<16xf32>
      %get3A_803 = arith.constant 8 : index
      %get3A_804 = tpu.vector_load %arg12[%get3A_803] {strides = array<i32>} : memref<32xf32, #tpu.memory_space<vmem>>, vector<16xf32>,
      %get3A_805 = vector.shape_cast %get3A_804 : vector<16xf32> to vector<16xf32>
      %add3A_806 = arith.addf %get3A_802, %get3A_805 : vector<16xf32>
      %swap3A_807 = arith.constant 0 : index
      %swap3A_808 = tpu.vector_load %arg12[%swap3A_807] {strides = array<i32>} : memref<32xf32, #tpu.memory_space<vmem>>, vector<16xf32>,
      %swap3A_809 = vector.shape_cast %swap3A_808 : vector<16xf32> to vector<16xf32>
      %swap3A_810 = vector.shape_cast %add3A_806 : vector<16xf32> to vector<16xf32>
      tpu.vector_store %arg12[%swap3A_807], %swap3A_810 {strides = array<i32>} : memref<32xf32, #tpu.memory_space<vmem>>, vector<16xf32>,
      %swap3A_811 = arith.constant 16 : index
      %swap3A_812 = tpu.vector_load %arg12[%swap3A_811] {strides = array<i32>} : memref<32xf32, #tpu.memory_space<vmem>>, vector<16xf32>,
      %swap3A_813 = vector.shape_cast %swap3A_812 : vector<16xf32> to vector<16xf32>
      %swap3A_814 = vector.shape_cast %add3A_806 : vector<16xf32> to vector<16xf32>
      tpu.vector_store %arg12[%swap3A_811], %swap3A_814 {strides = array<i32>} : memref<32xf32, #tpu.memory_space<vmem>>, vector<16xf32>,
      %get3A_815 = arith.constant 0 : index
      %get3A_816 = tpu.vector_load %arg12[%get3A_815] {strides = array<i32>} : memref<32xf32, #tpu.memory_space<vmem>>, vector<16xf32>,
      %get3A_817 = vector.shape_cast %get3A_816 : vector<16xf32> to vector<16xf32>
      %get3A_818 = arith.constant 4 : index
      %get3A_819 = tpu.vector_load %arg12[%get3A_818] {strides = array<i32>} : memref<32xf32, #tpu.memory_space<vmem>>, vector<16xf32>,
      %get3A_820 = vector.shape_cast %get3A_819 : vector<16xf32> to vector<16xf32>
      %add3A_821 = arith.addf %get3A_817, %get3A_820 : vector<16xf32>
      %swap3A_822 = arith.constant 0 : index
      %swap3A_823 = tpu.vector_load %arg12[%swap3A_822] {strides = array<i32>} : memref<32xf32, #tpu.memory_space<vmem>>, vector<16xf32>,
      %swap3A_824 = vector.shape_cast %swap3A_823 : vector<16xf32> to vector<16xf32>
      %swap3A_825 = vector.shape_cast %add3A_821 : vector<16xf32> to vector<16xf32>
      tpu.vector_store %arg12[%swap3A_822], %swap3A_825 {strides = array<i32>} : memref<32xf32, #tpu.memory_space<vmem>>, vector<16xf32>,
      %swap3A_826 = arith.constant 16 : index
      %swap3A_827 = tpu.vector_load %arg12[%swap3A_826] {strides = array<i32>} : memref<32xf32, #tpu.memory_space<vmem>>, vector<16xf32>,
      %swap3A_828 = vector.shape_cast %swap3A_827 : vector<16xf32> to vector<16xf32>
      %swap3A_829 = vector.shape_cast %add3A_821 : vector<16xf32> to vector<16xf32>
      tpu.vector_store %arg12[%swap3A_826], %swap3A_829 {strides = array<i32>} : memref<32xf32, #tpu.memory_space<vmem>>, vector<16xf32>,
      %get3A_830 = arith.constant 0 : index
      %get3A_831 = tpu.vector_load %arg12[%get3A_830] {strides = array<i32>} : memref<32xf32, #tpu.memory_space<vmem>>, vector<16xf32>,
      %get3A_832 = vector.shape_cast %get3A_831 : vector<16xf32> to vector<16xf32>
      %get3A_833 = arith.constant 2 : index
      %get3A_834 = tpu.vector_load %arg12[%get3A_833] {strides = array<i32>} : memref<32xf32, #tpu.memory_space<vmem>>, vector<16xf32>,
      %get3A_835 = vector.shape_cast %get3A_834 : vector<16xf32> to vector<16xf32>
      %add3A_836 = arith.addf %get3A_832, %get3A_835 : vector<16xf32>
      %swap3A_837 = arith.constant 0 : index
      %swap3A_838 = tpu.vector_load %arg12[%swap3A_837] {strides = array<i32>} : memref<32xf32, #tpu.memory_space<vmem>>, vector<16xf32>,
      %swap3A_839 = vector.shape_cast %swap3A_838 : vector<16xf32> to vector<16xf32>
      %swap3A_840 = vector.shape_cast %add3A_836 : vector<16xf32> to vector<16xf32>
      tpu.vector_store %arg12[%swap3A_837], %swap3A_840 {strides = array<i32>} : memref<32xf32, #tpu.memory_space<vmem>>, vector<16xf32>,
      %swap3A_841 = arith.constant 16 : index
      %swap3A_842 = tpu.vector_load %arg12[%swap3A_841] {strides = array<i32>} : memref<32xf32, #tpu.memory_space<vmem>>, vector<16xf32>,
      %swap3A_843 = vector.shape_cast %swap3A_842 : vector<16xf32> to vector<16xf32>
      %swap3A_844 = vector.shape_cast %add3A_836 : vector<16xf32> to vector<16xf32>
      tpu.vector_store %arg12[%swap3A_841], %swap3A_844 {strides = array<i32>} : memref<32xf32, #tpu.memory_space<vmem>>, vector<16xf32>,
      %get3A_845 = arith.constant 0 : index
      %get3A_846 = tpu.vector_load %arg12[%get3A_845] {strides = array<i32>} : memref<32xf32, #tpu.memory_space<vmem>>, vector<16xf32>,
      %get3A_847 = vector.shape_cast %get3A_846 : vector<16xf32> to vector<16xf32>
      %get3A_848 = arith.constant 1 : index
      %get3A_849 = tpu.vector_load %arg12[%get3A_848] {strides = array<i32>} : memref<32xf32, #tpu.memory_space<vmem>>, vector<16xf32>,
      %get3A_850 = vector.shape_cast %get3A_849 : vector<16xf32> to vector<16xf32>
      %add3A_851 = arith.addf %get3A_847, %get3A_850 : vector<16xf32>
      %eq3A_852 = arith.constant 0 : i32
      %eq3A_853 = vector.broadcast %eq3A_852 : i32 to vector<16xi32>
      %eq3A_854 = arith.cmpi eq, %iota3A, %eq3A_853 : vector<16xi32>
      %select_n3A_855 = arith.select %eq3A_854, %add3A_851, %broadcast_in_dim3A_783 : vector<16xi1>, vector<16xf32>
      %broadcast_in_dim3A_856 = arith.constant 0.000000e+00 : f32
      %broadcast_in_dim3A_857 = vector.broadcast %broadcast_in_dim3A_856 : f32 to vector<16xf32>
      %scan3A_858 = arith.constant 0 : i32
      %scan3A_859 = arith.constant 128 : i32
      %scan3A_860 = arith.addi %scan3A_858, %scan3A_859 : i32
      %scan3A_861 = arith.constant 1 : i32
      %scan3A_862 = scf.for %scan3A_3143 = %scan3A_858 to %scan3A_860 step %scan3A_861 iter_args(%scan3A_3144 = %broadcast_in_dim3A_857) -> (vector<16xf32>)  : i32 {
        %mul3A = arith.constant 16 : i32
        %mul3A_3145 = arith.muli %scan3A_3143, %mul3A : i32
        %get3A_3146 = arith.constant 1 : i32
        %get3A_3147 = arith.index_cast %get3A_3146 : i32 to index
        %get3A_3148 = arith.index_cast %mul3A_3145 : i32 to index
        %get3A_3149 = tpu.vector_load %arg7[%get3A_3147, %get3A_3148] {strides = array<i32>} : memref<4x2048xf32, #tpu.memory_space<vmem>>, vector<1x16xf32>,
        %get3A_3150 = vector.shape_cast %get3A_3149 : vector<1x16xf32> to vector<16xf32>
        %get3A_3151 = arith.constant 1 : i32
        %get3A_3152 = arith.index_cast %get3A_3151 : i32 to index
        %get3A_3153 = arith.index_cast %mul3A_3145 : i32 to index
        %get3A_3154 = tpu.vector_load %arg8[%get3A_3152, %get3A_3153] {strides = array<i32>} : memref<9x2048xf32, #tpu.memory_space<vmem>>, vector<1x16xf32>,
        %get3A_3155 = vector.shape_cast %get3A_3154 : vector<1x16xf32> to vector<16xf32>
        %mul3A_3156 = arith.mulf %get3A_3150, %get3A_3155 : vector<16xf32>
        %add3A_3157 = arith.addf %scan3A_3144, %mul3A_3156 : vector<16xf32>
        scf.yield %add3A_3157 : vector<16xf32>
      }
      %scan3A_863 = arith.constant 128 : i32
      %swap3A_864 = arith.constant 0 : index
      %swap3A_865 = tpu.vector_load %arg12[%swap3A_864] {strides = array<i32>} : memref<32xf32, #tpu.memory_space<vmem>>, vector<16xf32>,
      %swap3A_866 = vector.shape_cast %swap3A_865 : vector<16xf32> to vector<16xf32>
      %swap3A_867 = vector.shape_cast %scan3A_862 : vector<16xf32> to vector<16xf32>
      tpu.vector_store %arg12[%swap3A_864], %swap3A_867 {strides = array<i32>} : memref<32xf32, #tpu.memory_space<vmem>>, vector<16xf32>,
      %swap3A_868 = arith.constant 16 : index
      %swap3A_869 = tpu.vector_load %arg12[%swap3A_868] {strides = array<i32>} : memref<32xf32, #tpu.memory_space<vmem>>, vector<16xf32>,
      %swap3A_870 = vector.shape_cast %swap3A_869 : vector<16xf32> to vector<16xf32>
      %swap3A_871 = vector.shape_cast %scan3A_862 : vector<16xf32> to vector<16xf32>
      tpu.vector_store %arg12[%swap3A_868], %swap3A_871 {strides = array<i32>} : memref<32xf32, #tpu.memory_space<vmem>>, vector<16xf32>,
      %get3A_872 = arith.constant 0 : index
      %get3A_873 = tpu.vector_load %arg12[%get3A_872] {strides = array<i32>} : memref<32xf32, #tpu.memory_space<vmem>>, vector<16xf32>,
      %get3A_874 = vector.shape_cast %get3A_873 : vector<16xf32> to vector<16xf32>
      %get3A_875 = arith.constant 8 : index
      %get3A_876 = tpu.vector_load %arg12[%get3A_875] {strides = array<i32>} : memref<32xf32, #tpu.memory_space<vmem>>, vector<16xf32>,
      %get3A_877 = vector.shape_cast %get3A_876 : vector<16xf32> to vector<16xf32>
      %add3A_878 = arith.addf %get3A_874, %get3A_877 : vector<16xf32>
      %swap3A_879 = arith.constant 0 : index
      %swap3A_880 = tpu.vector_load %arg12[%swap3A_879] {strides = array<i32>} : memref<32xf32, #tpu.memory_space<vmem>>, vector<16xf32>,
      %swap3A_881 = vector.shape_cast %swap3A_880 : vector<16xf32> to vector<16xf32>
      %swap3A_882 = vector.shape_cast %add3A_878 : vector<16xf32> to vector<16xf32>
      tpu.vector_store %arg12[%swap3A_879], %swap3A_882 {strides = array<i32>} : memref<32xf32, #tpu.memory_space<vmem>>, vector<16xf32>,
      %swap3A_883 = arith.constant 16 : index
      %swap3A_884 = tpu.vector_load %arg12[%swap3A_883] {strides = array<i32>} : memref<32xf32, #tpu.memory_space<vmem>>, vector<16xf32>,
      %swap3A_885 = vector.shape_cast %swap3A_884 : vector<16xf32> to vector<16xf32>
      %swap3A_886 = vector.shape_cast %add3A_878 : vector<16xf32> to vector<16xf32>
      tpu.vector_store %arg12[%swap3A_883], %swap3A_886 {strides = array<i32>} : memref<32xf32, #tpu.memory_space<vmem>>, vector<16xf32>,
      %get3A_887 = arith.constant 0 : index
      %get3A_888 = tpu.vector_load %arg12[%get3A_887] {strides = array<i32>} : memref<32xf32, #tpu.memory_space<vmem>>, vector<16xf32>,
      %get3A_889 = vector.shape_cast %get3A_888 : vector<16xf32> to vector<16xf32>
      %get3A_890 = arith.constant 4 : index
      %get3A_891 = tpu.vector_load %arg12[%get3A_890] {strides = array<i32>} : memref<32xf32, #tpu.memory_space<vmem>>, vector<16xf32>,
      %get3A_892 = vector.shape_cast %get3A_891 : vector<16xf32> to vector<16xf32>
      %add3A_893 = arith.addf %get3A_889, %get3A_892 : vector<16xf32>
      %swap3A_894 = arith.constant 0 : index
      %swap3A_895 = tpu.vector_load %arg12[%swap3A_894] {strides = array<i32>} : memref<32xf32, #tpu.memory_space<vmem>>, vector<16xf32>,
      %swap3A_896 = vector.shape_cast %swap3A_895 : vector<16xf32> to vector<16xf32>
      %swap3A_897 = vector.shape_cast %add3A_893 : vector<16xf32> to vector<16xf32>
      tpu.vector_store %arg12[%swap3A_894], %swap3A_897 {strides = array<i32>} : memref<32xf32, #tpu.memory_space<vmem>>, vector<16xf32>,
      %swap3A_898 = arith.constant 16 : index
      %swap3A_899 = tpu.vector_load %arg12[%swap3A_898] {strides = array<i32>} : memref<32xf32, #tpu.memory_space<vmem>>, vector<16xf32>,
      %swap3A_900 = vector.shape_cast %swap3A_899 : vector<16xf32> to vector<16xf32>
      %swap3A_901 = vector.shape_cast %add3A_893 : vector<16xf32> to vector<16xf32>
      tpu.vector_store %arg12[%swap3A_898], %swap3A_901 {strides = array<i32>} : memref<32xf32, #tpu.memory_space<vmem>>, vector<16xf32>,
      %get3A_902 = arith.constant 0 : index
      %get3A_903 = tpu.vector_load %arg12[%get3A_902] {strides = array<i32>} : memref<32xf32, #tpu.memory_space<vmem>>, vector<16xf32>,
      %get3A_904 = vector.shape_cast %get3A_903 : vector<16xf32> to vector<16xf32>
      %get3A_905 = arith.constant 2 : index
      %get3A_906 = tpu.vector_load %arg12[%get3A_905] {strides = array<i32>} : memref<32xf32, #tpu.memory_space<vmem>>, vector<16xf32>,
      %get3A_907 = vector.shape_cast %get3A_906 : vector<16xf32> to vector<16xf32>
      %add3A_908 = arith.addf %get3A_904, %get3A_907 : vector<16xf32>
      %swap3A_909 = arith.constant 0 : index
      %swap3A_910 = tpu.vector_load %arg12[%swap3A_909] {strides = array<i32>} : memref<32xf32, #tpu.memory_space<vmem>>, vector<16xf32>,
      %swap3A_911 = vector.shape_cast %swap3A_910 : vector<16xf32> to vector<16xf32>
      %swap3A_912 = vector.shape_cast %add3A_908 : vector<16xf32> to vector<16xf32>
      tpu.vector_store %arg12[%swap3A_909], %swap3A_912 {strides = array<i32>} : memref<32xf32, #tpu.memory_space<vmem>>, vector<16xf32>,
      %swap3A_913 = arith.constant 16 : index
      %swap3A_914 = tpu.vector_load %arg12[%swap3A_913] {strides = array<i32>} : memref<32xf32, #tpu.memory_space<vmem>>, vector<16xf32>,
      %swap3A_915 = vector.shape_cast %swap3A_914 : vector<16xf32> to vector<16xf32>
      %swap3A_916 = vector.shape_cast %add3A_908 : vector<16xf32> to vector<16xf32>
      tpu.vector_store %arg12[%swap3A_913], %swap3A_916 {strides = array<i32>} : memref<32xf32, #tpu.memory_space<vmem>>, vector<16xf32>,
      %get3A_917 = arith.constant 0 : index
      %get3A_918 = tpu.vector_load %arg12[%get3A_917] {strides = array<i32>} : memref<32xf32, #tpu.memory_space<vmem>>, vector<16xf32>,
      %get3A_919 = vector.shape_cast %get3A_918 : vector<16xf32> to vector<16xf32>
      %get3A_920 = arith.constant 1 : index
      %get3A_921 = tpu.vector_load %arg12[%get3A_920] {strides = array<i32>} : memref<32xf32, #tpu.memory_space<vmem>>, vector<16xf32>,
      %get3A_922 = vector.shape_cast %get3A_921 : vector<16xf32> to vector<16xf32>
      %add3A_923 = arith.addf %get3A_919, %get3A_922 : vector<16xf32>
      %eq3A_924 = arith.constant 1 : i32
      %eq3A_925 = vector.broadcast %eq3A_924 : i32 to vector<16xi32>
      %eq3A_926 = arith.cmpi eq, %iota3A, %eq3A_925 : vector<16xi32>
      %select_n3A_927 = arith.select %eq3A_926, %add3A_923, %select_n3A_855 : vector<16xi1>, vector<16xf32>
      %broadcast_in_dim3A_928 = arith.constant 0.000000e+00 : f32
      %broadcast_in_dim3A_929 = vector.broadcast %broadcast_in_dim3A_928 : f32 to vector<16xf32>
      %scan3A_930 = arith.constant 0 : i32
      %scan3A_931 = arith.constant 128 : i32
      %scan3A_932 = arith.addi %scan3A_930, %scan3A_931 : i32
      %scan3A_933 = arith.constant 1 : i32
      %scan3A_934 = scf.for %scan3A_3143 = %scan3A_930 to %scan3A_932 step %scan3A_933 iter_args(%scan3A_3144 = %broadcast_in_dim3A_929) -> (vector<16xf32>)  : i32 {
        %mul3A = arith.constant 16 : i32
        %mul3A_3145 = arith.muli %scan3A_3143, %mul3A : i32
        %get3A_3146 = arith.constant 1 : i32
        %get3A_3147 = arith.index_cast %get3A_3146 : i32 to index
        %get3A_3148 = arith.index_cast %mul3A_3145 : i32 to index
        %get3A_3149 = tpu.vector_load %arg7[%get3A_3147, %get3A_3148] {strides = array<i32>} : memref<4x2048xf32, #tpu.memory_space<vmem>>, vector<1x16xf32>,
        %get3A_3150 = vector.shape_cast %get3A_3149 : vector<1x16xf32> to vector<16xf32>
        %get3A_3151 = arith.constant 2 : i32
        %get3A_3152 = arith.index_cast %get3A_3151 : i32 to index
        %get3A_3153 = arith.index_cast %mul3A_3145 : i32 to index
        %get3A_3154 = tpu.vector_load %arg8[%get3A_3152, %get3A_3153] {strides = array<i32>} : memref<9x2048xf32, #tpu.memory_space<vmem>>, vector<1x16xf32>,
        %get3A_3155 = vector.shape_cast %get3A_3154 : vector<1x16xf32> to vector<16xf32>
        %mul3A_3156 = arith.mulf %get3A_3150, %get3A_3155 : vector<16xf32>
        %add3A_3157 = arith.addf %scan3A_3144, %mul3A_3156 : vector<16xf32>
        scf.yield %add3A_3157 : vector<16xf32>
      }
      %scan3A_935 = arith.constant 128 : i32
      %swap3A_936 = arith.constant 0 : index
      %swap3A_937 = tpu.vector_load %arg12[%swap3A_936] {strides = array<i32>} : memref<32xf32, #tpu.memory_space<vmem>>, vector<16xf32>,
      %swap3A_938 = vector.shape_cast %swap3A_937 : vector<16xf32> to vector<16xf32>
      %swap3A_939 = vector.shape_cast %scan3A_934 : vector<16xf32> to vector<16xf32>
      tpu.vector_store %arg12[%swap3A_936], %swap3A_939 {strides = array<i32>} : memref<32xf32, #tpu.memory_space<vmem>>, vector<16xf32>,
      %swap3A_940 = arith.constant 16 : index
      %swap3A_941 = tpu.vector_load %arg12[%swap3A_940] {strides = array<i32>} : memref<32xf32, #tpu.memory_space<vmem>>, vector<16xf32>,
      %swap3A_942 = vector.shape_cast %swap3A_941 : vector<16xf32> to vector<16xf32>
      %swap3A_943 = vector.shape_cast %scan3A_934 : vector<16xf32> to vector<16xf32>
      tpu.vector_store %arg12[%swap3A_940], %swap3A_943 {strides = array<i32>} : memref<32xf32, #tpu.memory_space<vmem>>, vector<16xf32>,
      %get3A_944 = arith.constant 0 : index
      %get3A_945 = tpu.vector_load %arg12[%get3A_944] {strides = array<i32>} : memref<32xf32, #tpu.memory_space<vmem>>, vector<16xf32>,
      %get3A_946 = vector.shape_cast %get3A_945 : vector<16xf32> to vector<16xf32>
      %get3A_947 = arith.constant 8 : index
      %get3A_948 = tpu.vector_load %arg12[%get3A_947] {strides = array<i32>} : memref<32xf32, #tpu.memory_space<vmem>>, vector<16xf32>,
      %get3A_949 = vector.shape_cast %get3A_948 : vector<16xf32> to vector<16xf32>
      %add3A_950 = arith.addf %get3A_946, %get3A_949 : vector<16xf32>
      %swap3A_951 = arith.constant 0 : index
      %swap3A_952 = tpu.vector_load %arg12[%swap3A_951] {strides = array<i32>} : memref<32xf32, #tpu.memory_space<vmem>>, vector<16xf32>,
      %swap3A_953 = vector.shape_cast %swap3A_952 : vector<16xf32> to vector<16xf32>
      %swap3A_954 = vector.shape_cast %add3A_950 : vector<16xf32> to vector<16xf32>
      tpu.vector_store %arg12[%swap3A_951], %swap3A_954 {strides = array<i32>} : memref<32xf32, #tpu.memory_space<vmem>>, vector<16xf32>,
      %swap3A_955 = arith.constant 16 : index
      %swap3A_956 = tpu.vector_load %arg12[%swap3A_955] {strides = array<i32>} : memref<32xf32, #tpu.memory_space<vmem>>, vector<16xf32>,
      %swap3A_957 = vector.shape_cast %swap3A_956 : vector<16xf32> to vector<16xf32>
      %swap3A_958 = vector.shape_cast %add3A_950 : vector<16xf32> to vector<16xf32>
      tpu.vector_store %arg12[%swap3A_955], %swap3A_958 {strides = array<i32>} : memref<32xf32, #tpu.memory_space<vmem>>, vector<16xf32>,
      %get3A_959 = arith.constant 0 : index
      %get3A_960 = tpu.vector_load %arg12[%get3A_959] {strides = array<i32>} : memref<32xf32, #tpu.memory_space<vmem>>, vector<16xf32>,
      %get3A_961 = vector.shape_cast %get3A_960 : vector<16xf32> to vector<16xf32>
      %get3A_962 = arith.constant 4 : index
      %get3A_963 = tpu.vector_load %arg12[%get3A_962] {strides = array<i32>} : memref<32xf32, #tpu.memory_space<vmem>>, vector<16xf32>,
      %get3A_964 = vector.shape_cast %get3A_963 : vector<16xf32> to vector<16xf32>
      %add3A_965 = arith.addf %get3A_961, %get3A_964 : vector<16xf32>
      %swap3A_966 = arith.constant 0 : index
      %swap3A_967 = tpu.vector_load %arg12[%swap3A_966] {strides = array<i32>} : memref<32xf32, #tpu.memory_space<vmem>>, vector<16xf32>,
      %swap3A_968 = vector.shape_cast %swap3A_967 : vector<16xf32> to vector<16xf32>
      %swap3A_969 = vector.shape_cast %add3A_965 : vector<16xf32> to vector<16xf32>
      tpu.vector_store %arg12[%swap3A_966], %swap3A_969 {strides = array<i32>} : memref<32xf32, #tpu.memory_space<vmem>>, vector<16xf32>,
      %swap3A_970 = arith.constant 16 : index
      %swap3A_971 = tpu.vector_load %arg12[%swap3A_970] {strides = array<i32>} : memref<32xf32, #tpu.memory_space<vmem>>, vector<16xf32>,
      %swap3A_972 = vector.shape_cast %swap3A_971 : vector<16xf32> to vector<16xf32>
      %swap3A_973 = vector.shape_cast %add3A_965 : vector<16xf32> to vector<16xf32>
      tpu.vector_store %arg12[%swap3A_970], %swap3A_973 {strides = array<i32>} : memref<32xf32, #tpu.memory_space<vmem>>, vector<16xf32>,
      %get3A_974 = arith.constant 0 : index
      %get3A_975 = tpu.vector_load %arg12[%get3A_974] {strides = array<i32>} : memref<32xf32, #tpu.memory_space<vmem>>, vector<16xf32>,
      %get3A_976 = vector.shape_cast %get3A_975 : vector<16xf32> to vector<16xf32>
      %get3A_977 = arith.constant 2 : index
      %get3A_978 = tpu.vector_load %arg12[%get3A_977] {strides = array<i32>} : memref<32xf32, #tpu.memory_space<vmem>>, vector<16xf32>,
      %get3A_979 = vector.shape_cast %get3A_978 : vector<16xf32> to vector<16xf32>
      %add3A_980 = arith.addf %get3A_976, %get3A_979 : vector<16xf32>
      %swap3A_981 = arith.constant 0 : index
      %swap3A_982 = tpu.vector_load %arg12[%swap3A_981] {strides = array<i32>} : memref<32xf32, #tpu.memory_space<vmem>>, vector<16xf32>,
      %swap3A_983 = vector.shape_cast %swap3A_982 : vector<16xf32> to vector<16xf32>
      %swap3A_984 = vector.shape_cast %add3A_980 : vector<16xf32> to vector<16xf32>
      tpu.vector_store %arg12[%swap3A_981], %swap3A_984 {strides = array<i32>} : memref<32xf32, #tpu.memory_space<vmem>>, vector<16xf32>,
      %swap3A_985 = arith.constant 16 : index
      %swap3A_986 = tpu.vector_load %arg12[%swap3A_985] {strides = array<i32>} : memref<32xf32, #tpu.memory_space<vmem>>, vector<16xf32>,
      %swap3A_987 = vector.shape_cast %swap3A_986 : vector<16xf32> to vector<16xf32>
      %swap3A_988 = vector.shape_cast %add3A_980 : vector<16xf32> to vector<16xf32>
      tpu.vector_store %arg12[%swap3A_985], %swap3A_988 {strides = array<i32>} : memref<32xf32, #tpu.memory_space<vmem>>, vector<16xf32>,
      %get3A_989 = arith.constant 0 : index
      %get3A_990 = tpu.vector_load %arg12[%get3A_989] {strides = array<i32>} : memref<32xf32, #tpu.memory_space<vmem>>, vector<16xf32>,
      %get3A_991 = vector.shape_cast %get3A_990 : vector<16xf32> to vector<16xf32>
      %get3A_992 = arith.constant 1 : index
      %get3A_993 = tpu.vector_load %arg12[%get3A_992] {strides = array<i32>} : memref<32xf32, #tpu.memory_space<vmem>>, vector<16xf32>,
      %get3A_994 = vector.shape_cast %get3A_993 : vector<16xf32> to vector<16xf32>
      %add3A_995 = arith.addf %get3A_991, %get3A_994 : vector<16xf32>
      %eq3A_996 = arith.constant 2 : i32
      %eq3A_997 = vector.broadcast %eq3A_996 : i32 to vector<16xi32>
      %eq3A_998 = arith.cmpi eq, %iota3A, %eq3A_997 : vector<16xi32>
      %select_n3A_999 = arith.select %eq3A_998, %add3A_995, %select_n3A_927 : vector<16xi1>, vector<16xf32>
      %broadcast_in_dim3A_1000 = arith.constant 0.000000e+00 : f32
      %broadcast_in_dim3A_1001 = vector.broadcast %broadcast_in_dim3A_1000 : f32 to vector<16xf32>
      %scan3A_1002 = arith.constant 0 : i32
      %scan3A_1003 = arith.constant 128 : i32
      %scan3A_1004 = arith.addi %scan3A_1002, %scan3A_1003 : i32
      %scan3A_1005 = arith.constant 1 : i32
      %scan3A_1006 = scf.for %scan3A_3143 = %scan3A_1002 to %scan3A_1004 step %scan3A_1005 iter_args(%scan3A_3144 = %broadcast_in_dim3A_1001) -> (vector<16xf32>)  : i32 {
        %mul3A = arith.constant 16 : i32
        %mul3A_3145 = arith.muli %scan3A_3143, %mul3A : i32
        %get3A_3146 = arith.constant 1 : i32
        %get3A_3147 = arith.index_cast %get3A_3146 : i32 to index
        %get3A_3148 = arith.index_cast %mul3A_3145 : i32 to index
        %get3A_3149 = tpu.vector_load %arg7[%get3A_3147, %get3A_3148] {strides = array<i32>} : memref<4x2048xf32, #tpu.memory_space<vmem>>, vector<1x16xf32>,
        %get3A_3150 = vector.shape_cast %get3A_3149 : vector<1x16xf32> to vector<16xf32>
        %get3A_3151 = arith.constant 3 : i32
        %get3A_3152 = arith.index_cast %get3A_3151 : i32 to index
        %get3A_3153 = arith.index_cast %mul3A_3145 : i32 to index
        %get3A_3154 = tpu.vector_load %arg8[%get3A_3152, %get3A_3153] {strides = array<i32>} : memref<9x2048xf32, #tpu.memory_space<vmem>>, vector<1x16xf32>,
        %get3A_3155 = vector.shape_cast %get3A_3154 : vector<1x16xf32> to vector<16xf32>
        %mul3A_3156 = arith.mulf %get3A_3150, %get3A_3155 : vector<16xf32>
        %add3A_3157 = arith.addf %scan3A_3144, %mul3A_3156 : vector<16xf32>
        scf.yield %add3A_3157 : vector<16xf32>
      }
      %scan3A_1007 = arith.constant 128 : i32
      %swap3A_1008 = arith.constant 0 : index
      %swap3A_1009 = tpu.vector_load %arg12[%swap3A_1008] {strides = array<i32>} : memref<32xf32, #tpu.memory_space<vmem>>, vector<16xf32>,
      %swap3A_1010 = vector.shape_cast %swap3A_1009 : vector<16xf32> to vector<16xf32>
      %swap3A_1011 = vector.shape_cast %scan3A_1006 : vector<16xf32> to vector<16xf32>
      tpu.vector_store %arg12[%swap3A_1008], %swap3A_1011 {strides = array<i32>} : memref<32xf32, #tpu.memory_space<vmem>>, vector<16xf32>,
      %swap3A_1012 = arith.constant 16 : index
      %swap3A_1013 = tpu.vector_load %arg12[%swap3A_1012] {strides = array<i32>} : memref<32xf32, #tpu.memory_space<vmem>>, vector<16xf32>,
      %swap3A_1014 = vector.shape_cast %swap3A_1013 : vector<16xf32> to vector<16xf32>
      %swap3A_1015 = vector.shape_cast %scan3A_1006 : vector<16xf32> to vector<16xf32>
      tpu.vector_store %arg12[%swap3A_1012], %swap3A_1015 {strides = array<i32>} : memref<32xf32, #tpu.memory_space<vmem>>, vector<16xf32>,
      %get3A_1016 = arith.constant 0 : index
      %get3A_1017 = tpu.vector_load %arg12[%get3A_1016] {strides = array<i32>} : memref<32xf32, #tpu.memory_space<vmem>>, vector<16xf32>,
      %get3A_1018 = vector.shape_cast %get3A_1017 : vector<16xf32> to vector<16xf32>
      %get3A_1019 = arith.constant 8 : index
      %get3A_1020 = tpu.vector_load %arg12[%get3A_1019] {strides = array<i32>} : memref<32xf32, #tpu.memory_space<vmem>>, vector<16xf32>,
      %get3A_1021 = vector.shape_cast %get3A_1020 : vector<16xf32> to vector<16xf32>
      %add3A_1022 = arith.addf %get3A_1018, %get3A_1021 : vector<16xf32>
      %swap3A_1023 = arith.constant 0 : index
      %swap3A_1024 = tpu.vector_load %arg12[%swap3A_1023] {strides = array<i32>} : memref<32xf32, #tpu.memory_space<vmem>>, vector<16xf32>,
      %swap3A_1025 = vector.shape_cast %swap3A_1024 : vector<16xf32> to vector<16xf32>
      %swap3A_1026 = vector.shape_cast %add3A_1022 : vector<16xf32> to vector<16xf32>
      tpu.vector_store %arg12[%swap3A_1023], %swap3A_1026 {strides = array<i32>} : memref<32xf32, #tpu.memory_space<vmem>>, vector<16xf32>,
      %swap3A_1027 = arith.constant 16 : index
      %swap3A_1028 = tpu.vector_load %arg12[%swap3A_1027] {strides = array<i32>} : memref<32xf32, #tpu.memory_space<vmem>>, vector<16xf32>,
      %swap3A_1029 = vector.shape_cast %swap3A_1028 : vector<16xf32> to vector<16xf32>
      %swap3A_1030 = vector.shape_cast %add3A_1022 : vector<16xf32> to vector<16xf32>
      tpu.vector_store %arg12[%swap3A_1027], %swap3A_1030 {strides = array<i32>} : memref<32xf32, #tpu.memory_space<vmem>>, vector<16xf32>,
      %get3A_1031 = arith.constant 0 : index
      %get3A_1032 = tpu.vector_load %arg12[%get3A_1031] {strides = array<i32>} : memref<32xf32, #tpu.memory_space<vmem>>, vector<16xf32>,
      %get3A_1033 = vector.shape_cast %get3A_1032 : vector<16xf32> to vector<16xf32>
      %get3A_1034 = arith.constant 4 : index
      %get3A_1035 = tpu.vector_load %arg12[%get3A_1034] {strides = array<i32>} : memref<32xf32, #tpu.memory_space<vmem>>, vector<16xf32>,
      %get3A_1036 = vector.shape_cast %get3A_1035 : vector<16xf32> to vector<16xf32>
      %add3A_1037 = arith.addf %get3A_1033, %get3A_1036 : vector<16xf32>
      %swap3A_1038 = arith.constant 0 : index
      %swap3A_1039 = tpu.vector_load %arg12[%swap3A_1038] {strides = array<i32>} : memref<32xf32, #tpu.memory_space<vmem>>, vector<16xf32>,
      %swap3A_1040 = vector.shape_cast %swap3A_1039 : vector<16xf32> to vector<16xf32>
      %swap3A_1041 = vector.shape_cast %add3A_1037 : vector<16xf32> to vector<16xf32>
      tpu.vector_store %arg12[%swap3A_1038], %swap3A_1041 {strides = array<i32>} : memref<32xf32, #tpu.memory_space<vmem>>, vector<16xf32>,
      %swap3A_1042 = arith.constant 16 : index
      %swap3A_1043 = tpu.vector_load %arg12[%swap3A_1042] {strides = array<i32>} : memref<32xf32, #tpu.memory_space<vmem>>, vector<16xf32>,
      %swap3A_1044 = vector.shape_cast %swap3A_1043 : vector<16xf32> to vector<16xf32>
      %swap3A_1045 = vector.shape_cast %add3A_1037 : vector<16xf32> to vector<16xf32>
      tpu.vector_store %arg12[%swap3A_1042], %swap3A_1045 {strides = array<i32>} : memref<32xf32, #tpu.memory_space<vmem>>, vector<16xf32>,
      %get3A_1046 = arith.constant 0 : index
      %get3A_1047 = tpu.vector_load %arg12[%get3A_1046] {strides = array<i32>} : memref<32xf32, #tpu.memory_space<vmem>>, vector<16xf32>,
      %get3A_1048 = vector.shape_cast %get3A_1047 : vector<16xf32> to vector<16xf32>
      %get3A_1049 = arith.constant 2 : index
      %get3A_1050 = tpu.vector_load %arg12[%get3A_1049] {strides = array<i32>} : memref<32xf32, #tpu.memory_space<vmem>>, vector<16xf32>,
      %get3A_1051 = vector.shape_cast %get3A_1050 : vector<16xf32> to vector<16xf32>
      %add3A_1052 = arith.addf %get3A_1048, %get3A_1051 : vector<16xf32>
      %swap3A_1053 = arith.constant 0 : index
      %swap3A_1054 = tpu.vector_load %arg12[%swap3A_1053] {strides = array<i32>} : memref<32xf32, #tpu.memory_space<vmem>>, vector<16xf32>,
      %swap3A_1055 = vector.shape_cast %swap3A_1054 : vector<16xf32> to vector<16xf32>
      %swap3A_1056 = vector.shape_cast %add3A_1052 : vector<16xf32> to vector<16xf32>
      tpu.vector_store %arg12[%swap3A_1053], %swap3A_1056 {strides = array<i32>} : memref<32xf32, #tpu.memory_space<vmem>>, vector<16xf32>,
      %swap3A_1057 = arith.constant 16 : index
      %swap3A_1058 = tpu.vector_load %arg12[%swap3A_1057] {strides = array<i32>} : memref<32xf32, #tpu.memory_space<vmem>>, vector<16xf32>,
      %swap3A_1059 = vector.shape_cast %swap3A_1058 : vector<16xf32> to vector<16xf32>
      %swap3A_1060 = vector.shape_cast %add3A_1052 : vector<16xf32> to vector<16xf32>
      tpu.vector_store %arg12[%swap3A_1057], %swap3A_1060 {strides = array<i32>} : memref<32xf32, #tpu.memory_space<vmem>>, vector<16xf32>,
      %get3A_1061 = arith.constant 0 : index
      %get3A_1062 = tpu.vector_load %arg12[%get3A_1061] {strides = array<i32>} : memref<32xf32, #tpu.memory_space<vmem>>, vector<16xf32>,
      %get3A_1063 = vector.shape_cast %get3A_1062 : vector<16xf32> to vector<16xf32>
      %get3A_1064 = arith.constant 1 : index
      %get3A_1065 = tpu.vector_load %arg12[%get3A_1064] {strides = array<i32>} : memref<32xf32, #tpu.memory_space<vmem>>, vector<16xf32>,
      %get3A_1066 = vector.shape_cast %get3A_1065 : vector<16xf32> to vector<16xf32>
      %add3A_1067 = arith.addf %get3A_1063, %get3A_1066 : vector<16xf32>
      %eq3A_1068 = arith.constant 3 : i32
      %eq3A_1069 = vector.broadcast %eq3A_1068 : i32 to vector<16xi32>
      %eq3A_1070 = arith.cmpi eq, %iota3A, %eq3A_1069 : vector<16xi32>
      %select_n3A_1071 = arith.select %eq3A_1070, %add3A_1067, %select_n3A_999 : vector<16xi1>, vector<16xf32>
      %broadcast_in_dim3A_1072 = arith.constant 0.000000e+00 : f32
      %broadcast_in_dim3A_1073 = vector.broadcast %broadcast_in_dim3A_1072 : f32 to vector<16xf32>
      %scan3A_1074 = arith.constant 0 : i32
      %scan3A_1075 = arith.constant 128 : i32
      %scan3A_1076 = arith.addi %scan3A_1074, %scan3A_1075 : i32
      %scan3A_1077 = arith.constant 1 : i32
      %scan3A_1078 = scf.for %scan3A_3143 = %scan3A_1074 to %scan3A_1076 step %scan3A_1077 iter_args(%scan3A_3144 = %broadcast_in_dim3A_1073) -> (vector<16xf32>)  : i32 {
        %mul3A = arith.constant 16 : i32
        %mul3A_3145 = arith.muli %scan3A_3143, %mul3A : i32
        %get3A_3146 = arith.constant 1 : i32
        %get3A_3147 = arith.index_cast %get3A_3146 : i32 to index
        %get3A_3148 = arith.index_cast %mul3A_3145 : i32 to index
        %get3A_3149 = tpu.vector_load %arg7[%get3A_3147, %get3A_3148] {strides = array<i32>} : memref<4x2048xf32, #tpu.memory_space<vmem>>, vector<1x16xf32>,
        %get3A_3150 = vector.shape_cast %get3A_3149 : vector<1x16xf32> to vector<16xf32>
        %get3A_3151 = arith.constant 4 : i32
        %get3A_3152 = arith.index_cast %get3A_3151 : i32 to index
        %get3A_3153 = arith.index_cast %mul3A_3145 : i32 to index
        %get3A_3154 = tpu.vector_load %arg8[%get3A_3152, %get3A_3153] {strides = array<i32>} : memref<9x2048xf32, #tpu.memory_space<vmem>>, vector<1x16xf32>,
        %get3A_3155 = vector.shape_cast %get3A_3154 : vector<1x16xf32> to vector<16xf32>
        %mul3A_3156 = arith.mulf %get3A_3150, %get3A_3155 : vector<16xf32>
        %add3A_3157 = arith.addf %scan3A_3144, %mul3A_3156 : vector<16xf32>
        scf.yield %add3A_3157 : vector<16xf32>
      }
      %scan3A_1079 = arith.constant 128 : i32
      %swap3A_1080 = arith.constant 0 : index
      %swap3A_1081 = tpu.vector_load %arg12[%swap3A_1080] {strides = array<i32>} : memref<32xf32, #tpu.memory_space<vmem>>, vector<16xf32>,
      %swap3A_1082 = vector.shape_cast %swap3A_1081 : vector<16xf32> to vector<16xf32>
      %swap3A_1083 = vector.shape_cast %scan3A_1078 : vector<16xf32> to vector<16xf32>
      tpu.vector_store %arg12[%swap3A_1080], %swap3A_1083 {strides = array<i32>} : memref<32xf32, #tpu.memory_space<vmem>>, vector<16xf32>,
      %swap3A_1084 = arith.constant 16 : index
      %swap3A_1085 = tpu.vector_load %arg12[%swap3A_1084] {strides = array<i32>} : memref<32xf32, #tpu.memory_space<vmem>>, vector<16xf32>,
      %swap3A_1086 = vector.shape_cast %swap3A_1085 : vector<16xf32> to vector<16xf32>
      %swap3A_1087 = vector.shape_cast %scan3A_1078 : vector<16xf32> to vector<16xf32>
      tpu.vector_store %arg12[%swap3A_1084], %swap3A_1087 {strides = array<i32>} : memref<32xf32, #tpu.memory_space<vmem>>, vector<16xf32>,
      %get3A_1088 = arith.constant 0 : index
      %get3A_1089 = tpu.vector_load %arg12[%get3A_1088] {strides = array<i32>} : memref<32xf32, #tpu.memory_space<vmem>>, vector<16xf32>,
      %get3A_1090 = vector.shape_cast %get3A_1089 : vector<16xf32> to vector<16xf32>
      %get3A_1091 = arith.constant 8 : index
      %get3A_1092 = tpu.vector_load %arg12[%get3A_1091] {strides = array<i32>} : memref<32xf32, #tpu.memory_space<vmem>>, vector<16xf32>,
      %get3A_1093 = vector.shape_cast %get3A_1092 : vector<16xf32> to vector<16xf32>
      %add3A_1094 = arith.addf %get3A_1090, %get3A_1093 : vector<16xf32>
      %swap3A_1095 = arith.constant 0 : index
      %swap3A_1096 = tpu.vector_load %arg12[%swap3A_1095] {strides = array<i32>} : memref<32xf32, #tpu.memory_space<vmem>>, vector<16xf32>,
      %swap3A_1097 = vector.shape_cast %swap3A_1096 : vector<16xf32> to vector<16xf32>
      %swap3A_1098 = vector.shape_cast %add3A_1094 : vector<16xf32> to vector<16xf32>
      tpu.vector_store %arg12[%swap3A_1095], %swap3A_1098 {strides = array<i32>} : memref<32xf32, #tpu.memory_space<vmem>>, vector<16xf32>,
      %swap3A_1099 = arith.constant 16 : index
      %swap3A_1100 = tpu.vector_load %arg12[%swap3A_1099] {strides = array<i32>} : memref<32xf32, #tpu.memory_space<vmem>>, vector<16xf32>,
      %swap3A_1101 = vector.shape_cast %swap3A_1100 : vector<16xf32> to vector<16xf32>
      %swap3A_1102 = vector.shape_cast %add3A_1094 : vector<16xf32> to vector<16xf32>
      tpu.vector_store %arg12[%swap3A_1099], %swap3A_1102 {strides = array<i32>} : memref<32xf32, #tpu.memory_space<vmem>>, vector<16xf32>,
      %get3A_1103 = arith.constant 0 : index
      %get3A_1104 = tpu.vector_load %arg12[%get3A_1103] {strides = array<i32>} : memref<32xf32, #tpu.memory_space<vmem>>, vector<16xf32>,
      %get3A_1105 = vector.shape_cast %get3A_1104 : vector<16xf32> to vector<16xf32>
      %get3A_1106 = arith.constant 4 : index
      %get3A_1107 = tpu.vector_load %arg12[%get3A_1106] {strides = array<i32>} : memref<32xf32, #tpu.memory_space<vmem>>, vector<16xf32>,
      %get3A_1108 = vector.shape_cast %get3A_1107 : vector<16xf32> to vector<16xf32>
      %add3A_1109 = arith.addf %get3A_1105, %get3A_1108 : vector<16xf32>
      %swap3A_1110 = arith.constant 0 : index
      %swap3A_1111 = tpu.vector_load %arg12[%swap3A_1110] {strides = array<i32>} : memref<32xf32, #tpu.memory_space<vmem>>, vector<16xf32>,
      %swap3A_1112 = vector.shape_cast %swap3A_1111 : vector<16xf32> to vector<16xf32>
      %swap3A_1113 = vector.shape_cast %add3A_1109 : vector<16xf32> to vector<16xf32>
      tpu.vector_store %arg12[%swap3A_1110], %swap3A_1113 {strides = array<i32>} : memref<32xf32, #tpu.memory_space<vmem>>, vector<16xf32>,
      %swap3A_1114 = arith.constant 16 : index
      %swap3A_1115 = tpu.vector_load %arg12[%swap3A_1114] {strides = array<i32>} : memref<32xf32, #tpu.memory_space<vmem>>, vector<16xf32>,
      %swap3A_1116 = vector.shape_cast %swap3A_1115 : vector<16xf32> to vector<16xf32>
      %swap3A_1117 = vector.shape_cast %add3A_1109 : vector<16xf32> to vector<16xf32>
      tpu.vector_store %arg12[%swap3A_1114], %swap3A_1117 {strides = array<i32>} : memref<32xf32, #tpu.memory_space<vmem>>, vector<16xf32>,
      %get3A_1118 = arith.constant 0 : index
      %get3A_1119 = tpu.vector_load %arg12[%get3A_1118] {strides = array<i32>} : memref<32xf32, #tpu.memory_space<vmem>>, vector<16xf32>,
      %get3A_1120 = vector.shape_cast %get3A_1119 : vector<16xf32> to vector<16xf32>
      %get3A_1121 = arith.constant 2 : index
      %get3A_1122 = tpu.vector_load %arg12[%get3A_1121] {strides = array<i32>} : memref<32xf32, #tpu.memory_space<vmem>>, vector<16xf32>,
      %get3A_1123 = vector.shape_cast %get3A_1122 : vector<16xf32> to vector<16xf32>
      %add3A_1124 = arith.addf %get3A_1120, %get3A_1123 : vector<16xf32>
      %swap3A_1125 = arith.constant 0 : index
      %swap3A_1126 = tpu.vector_load %arg12[%swap3A_1125] {strides = array<i32>} : memref<32xf32, #tpu.memory_space<vmem>>, vector<16xf32>,
      %swap3A_1127 = vector.shape_cast %swap3A_1126 : vector<16xf32> to vector<16xf32>
      %swap3A_1128 = vector.shape_cast %add3A_1124 : vector<16xf32> to vector<16xf32>
      tpu.vector_store %arg12[%swap3A_1125], %swap3A_1128 {strides = array<i32>} : memref<32xf32, #tpu.memory_space<vmem>>, vector<16xf32>,
      %swap3A_1129 = arith.constant 16 : index
      %swap3A_1130 = tpu.vector_load %arg12[%swap3A_1129] {strides = array<i32>} : memref<32xf32, #tpu.memory_space<vmem>>, vector<16xf32>,
      %swap3A_1131 = vector.shape_cast %swap3A_1130 : vector<16xf32> to vector<16xf32>
      %swap3A_1132 = vector.shape_cast %add3A_1124 : vector<16xf32> to vector<16xf32>
      tpu.vector_store %arg12[%swap3A_1129], %swap3A_1132 {strides = array<i32>} : memref<32xf32, #tpu.memory_space<vmem>>, vector<16xf32>,
      %get3A_1133 = arith.constant 0 : index
      %get3A_1134 = tpu.vector_load %arg12[%get3A_1133] {strides = array<i32>} : memref<32xf32, #tpu.memory_space<vmem>>, vector<16xf32>,
      %get3A_1135 = vector.shape_cast %get3A_1134 : vector<16xf32> to vector<16xf32>
      %get3A_1136 = arith.constant 1 : index
      %get3A_1137 = tpu.vector_load %arg12[%get3A_1136] {strides = array<i32>} : memref<32xf32, #tpu.memory_space<vmem>>, vector<16xf32>,
      %get3A_1138 = vector.shape_cast %get3A_1137 : vector<16xf32> to vector<16xf32>
      %add3A_1139 = arith.addf %get3A_1135, %get3A_1138 : vector<16xf32>
      %eq3A_1140 = arith.constant 4 : i32
      %eq3A_1141 = vector.broadcast %eq3A_1140 : i32 to vector<16xi32>
      %eq3A_1142 = arith.cmpi eq, %iota3A, %eq3A_1141 : vector<16xi32>
      %select_n3A_1143 = arith.select %eq3A_1142, %add3A_1139, %select_n3A_1071 : vector<16xi1>, vector<16xf32>
      %broadcast_in_dim3A_1144 = arith.constant 0.000000e+00 : f32
      %broadcast_in_dim3A_1145 = vector.broadcast %broadcast_in_dim3A_1144 : f32 to vector<16xf32>
      %scan3A_1146 = arith.constant 0 : i32
      %scan3A_1147 = arith.constant 128 : i32
      %scan3A_1148 = arith.addi %scan3A_1146, %scan3A_1147 : i32
      %scan3A_1149 = arith.constant 1 : i32
      %scan3A_1150 = scf.for %scan3A_3143 = %scan3A_1146 to %scan3A_1148 step %scan3A_1149 iter_args(%scan3A_3144 = %broadcast_in_dim3A_1145) -> (vector<16xf32>)  : i32 {
        %mul3A = arith.constant 16 : i32
        %mul3A_3145 = arith.muli %scan3A_3143, %mul3A : i32
        %get3A_3146 = arith.constant 1 : i32
        %get3A_3147 = arith.index_cast %get3A_3146 : i32 to index
        %get3A_3148 = arith.index_cast %mul3A_3145 : i32 to index
        %get3A_3149 = tpu.vector_load %arg7[%get3A_3147, %get3A_3148] {strides = array<i32>} : memref<4x2048xf32, #tpu.memory_space<vmem>>, vector<1x16xf32>,
        %get3A_3150 = vector.shape_cast %get3A_3149 : vector<1x16xf32> to vector<16xf32>
        %get3A_3151 = arith.constant 5 : i32
        %get3A_3152 = arith.index_cast %get3A_3151 : i32 to index
        %get3A_3153 = arith.index_cast %mul3A_3145 : i32 to index
        %get3A_3154 = tpu.vector_load %arg8[%get3A_3152, %get3A_3153] {strides = array<i32>} : memref<9x2048xf32, #tpu.memory_space<vmem>>, vector<1x16xf32>,
        %get3A_3155 = vector.shape_cast %get3A_3154 : vector<1x16xf32> to vector<16xf32>
        %mul3A_3156 = arith.mulf %get3A_3150, %get3A_3155 : vector<16xf32>
        %add3A_3157 = arith.addf %scan3A_3144, %mul3A_3156 : vector<16xf32>
        scf.yield %add3A_3157 : vector<16xf32>
      }
      %scan3A_1151 = arith.constant 128 : i32
      %swap3A_1152 = arith.constant 0 : index
      %swap3A_1153 = tpu.vector_load %arg12[%swap3A_1152] {strides = array<i32>} : memref<32xf32, #tpu.memory_space<vmem>>, vector<16xf32>,
      %swap3A_1154 = vector.shape_cast %swap3A_1153 : vector<16xf32> to vector<16xf32>
      %swap3A_1155 = vector.shape_cast %scan3A_1150 : vector<16xf32> to vector<16xf32>
      tpu.vector_store %arg12[%swap3A_1152], %swap3A_1155 {strides = array<i32>} : memref<32xf32, #tpu.memory_space<vmem>>, vector<16xf32>,
      %swap3A_1156 = arith.constant 16 : index
      %swap3A_1157 = tpu.vector_load %arg12[%swap3A_1156] {strides = array<i32>} : memref<32xf32, #tpu.memory_space<vmem>>, vector<16xf32>,
      %swap3A_1158 = vector.shape_cast %swap3A_1157 : vector<16xf32> to vector<16xf32>
      %swap3A_1159 = vector.shape_cast %scan3A_1150 : vector<16xf32> to vector<16xf32>
      tpu.vector_store %arg12[%swap3A_1156], %swap3A_1159 {strides = array<i32>} : memref<32xf32, #tpu.memory_space<vmem>>, vector<16xf32>,
      %get3A_1160 = arith.constant 0 : index
      %get3A_1161 = tpu.vector_load %arg12[%get3A_1160] {strides = array<i32>} : memref<32xf32, #tpu.memory_space<vmem>>, vector<16xf32>,
      %get3A_1162 = vector.shape_cast %get3A_1161 : vector<16xf32> to vector<16xf32>
      %get3A_1163 = arith.constant 8 : index
      %get3A_1164 = tpu.vector_load %arg12[%get3A_1163] {strides = array<i32>} : memref<32xf32, #tpu.memory_space<vmem>>, vector<16xf32>,
      %get3A_1165 = vector.shape_cast %get3A_1164 : vector<16xf32> to vector<16xf32>
      %add3A_1166 = arith.addf %get3A_1162, %get3A_1165 : vector<16xf32>
      %swap3A_1167 = arith.constant 0 : index
      %swap3A_1168 = tpu.vector_load %arg12[%swap3A_1167] {strides = array<i32>} : memref<32xf32, #tpu.memory_space<vmem>>, vector<16xf32>,
      %swap3A_1169 = vector.shape_cast %swap3A_1168 : vector<16xf32> to vector<16xf32>
      %swap3A_1170 = vector.shape_cast %add3A_1166 : vector<16xf32> to vector<16xf32>
      tpu.vector_store %arg12[%swap3A_1167], %swap3A_1170 {strides = array<i32>} : memref<32xf32, #tpu.memory_space<vmem>>, vector<16xf32>,
      %swap3A_1171 = arith.constant 16 : index
      %swap3A_1172 = tpu.vector_load %arg12[%swap3A_1171] {strides = array<i32>} : memref<32xf32, #tpu.memory_space<vmem>>, vector<16xf32>,
      %swap3A_1173 = vector.shape_cast %swap3A_1172 : vector<16xf32> to vector<16xf32>
      %swap3A_1174 = vector.shape_cast %add3A_1166 : vector<16xf32> to vector<16xf32>
      tpu.vector_store %arg12[%swap3A_1171], %swap3A_1174 {strides = array<i32>} : memref<32xf32, #tpu.memory_space<vmem>>, vector<16xf32>,
      %get3A_1175 = arith.constant 0 : index
      %get3A_1176 = tpu.vector_load %arg12[%get3A_1175] {strides = array<i32>} : memref<32xf32, #tpu.memory_space<vmem>>, vector<16xf32>,
      %get3A_1177 = vector.shape_cast %get3A_1176 : vector<16xf32> to vector<16xf32>
      %get3A_1178 = arith.constant 4 : index
      %get3A_1179 = tpu.vector_load %arg12[%get3A_1178] {strides = array<i32>} : memref<32xf32, #tpu.memory_space<vmem>>, vector<16xf32>,
      %get3A_1180 = vector.shape_cast %get3A_1179 : vector<16xf32> to vector<16xf32>
      %add3A_1181 = arith.addf %get3A_1177, %get3A_1180 : vector<16xf32>
      %swap3A_1182 = arith.constant 0 : index
      %swap3A_1183 = tpu.vector_load %arg12[%swap3A_1182] {strides = array<i32>} : memref<32xf32, #tpu.memory_space<vmem>>, vector<16xf32>,
      %swap3A_1184 = vector.shape_cast %swap3A_1183 : vector<16xf32> to vector<16xf32>
      %swap3A_1185 = vector.shape_cast %add3A_1181 : vector<16xf32> to vector<16xf32>
      tpu.vector_store %arg12[%swap3A_1182], %swap3A_1185 {strides = array<i32>} : memref<32xf32, #tpu.memory_space<vmem>>, vector<16xf32>,
      %swap3A_1186 = arith.constant 16 : index
      %swap3A_1187 = tpu.vector_load %arg12[%swap3A_1186] {strides = array<i32>} : memref<32xf32, #tpu.memory_space<vmem>>, vector<16xf32>,
      %swap3A_1188 = vector.shape_cast %swap3A_1187 : vector<16xf32> to vector<16xf32>
      %swap3A_1189 = vector.shape_cast %add3A_1181 : vector<16xf32> to vector<16xf32>
      tpu.vector_store %arg12[%swap3A_1186], %swap3A_1189 {strides = array<i32>} : memref<32xf32, #tpu.memory_space<vmem>>, vector<16xf32>,
      %get3A_1190 = arith.constant 0 : index
      %get3A_1191 = tpu.vector_load %arg12[%get3A_1190] {strides = array<i32>} : memref<32xf32, #tpu.memory_space<vmem>>, vector<16xf32>,
      %get3A_1192 = vector.shape_cast %get3A_1191 : vector<16xf32> to vector<16xf32>
      %get3A_1193 = arith.constant 2 : index
      %get3A_1194 = tpu.vector_load %arg12[%get3A_1193] {strides = array<i32>} : memref<32xf32, #tpu.memory_space<vmem>>, vector<16xf32>,
      %get3A_1195 = vector.shape_cast %get3A_1194 : vector<16xf32> to vector<16xf32>
      %add3A_1196 = arith.addf %get3A_1192, %get3A_1195 : vector<16xf32>
      %swap3A_1197 = arith.constant 0 : index
      %swap3A_1198 = tpu.vector_load %arg12[%swap3A_1197] {strides = array<i32>} : memref<32xf32, #tpu.memory_space<vmem>>, vector<16xf32>,
      %swap3A_1199 = vector.shape_cast %swap3A_1198 : vector<16xf32> to vector<16xf32>
      %swap3A_1200 = vector.shape_cast %add3A_1196 : vector<16xf32> to vector<16xf32>
      tpu.vector_store %arg12[%swap3A_1197], %swap3A_1200 {strides = array<i32>} : memref<32xf32, #tpu.memory_space<vmem>>, vector<16xf32>,
      %swap3A_1201 = arith.constant 16 : index
      %swap3A_1202 = tpu.vector_load %arg12[%swap3A_1201] {strides = array<i32>} : memref<32xf32, #tpu.memory_space<vmem>>, vector<16xf32>,
      %swap3A_1203 = vector.shape_cast %swap3A_1202 : vector<16xf32> to vector<16xf32>
      %swap3A_1204 = vector.shape_cast %add3A_1196 : vector<16xf32> to vector<16xf32>
      tpu.vector_store %arg12[%swap3A_1201], %swap3A_1204 {strides = array<i32>} : memref<32xf32, #tpu.memory_space<vmem>>, vector<16xf32>,
      %get3A_1205 = arith.constant 0 : index
      %get3A_1206 = tpu.vector_load %arg12[%get3A_1205] {strides = array<i32>} : memref<32xf32, #tpu.memory_space<vmem>>, vector<16xf32>,
      %get3A_1207 = vector.shape_cast %get3A_1206 : vector<16xf32> to vector<16xf32>
      %get3A_1208 = arith.constant 1 : index
      %get3A_1209 = tpu.vector_load %arg12[%get3A_1208] {strides = array<i32>} : memref<32xf32, #tpu.memory_space<vmem>>, vector<16xf32>,
      %get3A_1210 = vector.shape_cast %get3A_1209 : vector<16xf32> to vector<16xf32>
      %add3A_1211 = arith.addf %get3A_1207, %get3A_1210 : vector<16xf32>
      %eq3A_1212 = arith.constant 5 : i32
      %eq3A_1213 = vector.broadcast %eq3A_1212 : i32 to vector<16xi32>
      %eq3A_1214 = arith.cmpi eq, %iota3A, %eq3A_1213 : vector<16xi32>
      %select_n3A_1215 = arith.select %eq3A_1214, %add3A_1211, %select_n3A_1143 : vector<16xi1>, vector<16xf32>
      %broadcast_in_dim3A_1216 = arith.constant 0.000000e+00 : f32
      %broadcast_in_dim3A_1217 = vector.broadcast %broadcast_in_dim3A_1216 : f32 to vector<16xf32>
      %scan3A_1218 = arith.constant 0 : i32
      %scan3A_1219 = arith.constant 128 : i32
      %scan3A_1220 = arith.addi %scan3A_1218, %scan3A_1219 : i32
      %scan3A_1221 = arith.constant 1 : i32
      %scan3A_1222 = scf.for %scan3A_3143 = %scan3A_1218 to %scan3A_1220 step %scan3A_1221 iter_args(%scan3A_3144 = %broadcast_in_dim3A_1217) -> (vector<16xf32>)  : i32 {
        %mul3A = arith.constant 16 : i32
        %mul3A_3145 = arith.muli %scan3A_3143, %mul3A : i32
        %get3A_3146 = arith.constant 1 : i32
        %get3A_3147 = arith.index_cast %get3A_3146 : i32 to index
        %get3A_3148 = arith.index_cast %mul3A_3145 : i32 to index
        %get3A_3149 = tpu.vector_load %arg7[%get3A_3147, %get3A_3148] {strides = array<i32>} : memref<4x2048xf32, #tpu.memory_space<vmem>>, vector<1x16xf32>,
        %get3A_3150 = vector.shape_cast %get3A_3149 : vector<1x16xf32> to vector<16xf32>
        %get3A_3151 = arith.constant 6 : i32
        %get3A_3152 = arith.index_cast %get3A_3151 : i32 to index
        %get3A_3153 = arith.index_cast %mul3A_3145 : i32 to index
        %get3A_3154 = tpu.vector_load %arg8[%get3A_3152, %get3A_3153] {strides = array<i32>} : memref<9x2048xf32, #tpu.memory_space<vmem>>, vector<1x16xf32>,
        %get3A_3155 = vector.shape_cast %get3A_3154 : vector<1x16xf32> to vector<16xf32>
        %mul3A_3156 = arith.mulf %get3A_3150, %get3A_3155 : vector<16xf32>
        %add3A_3157 = arith.addf %scan3A_3144, %mul3A_3156 : vector<16xf32>
        scf.yield %add3A_3157 : vector<16xf32>
      }
      %scan3A_1223 = arith.constant 128 : i32
      %swap3A_1224 = arith.constant 0 : index
      %swap3A_1225 = tpu.vector_load %arg12[%swap3A_1224] {strides = array<i32>} : memref<32xf32, #tpu.memory_space<vmem>>, vector<16xf32>,
      %swap3A_1226 = vector.shape_cast %swap3A_1225 : vector<16xf32> to vector<16xf32>
      %swap3A_1227 = vector.shape_cast %scan3A_1222 : vector<16xf32> to vector<16xf32>
      tpu.vector_store %arg12[%swap3A_1224], %swap3A_1227 {strides = array<i32>} : memref<32xf32, #tpu.memory_space<vmem>>, vector<16xf32>,
      %swap3A_1228 = arith.constant 16 : index
      %swap3A_1229 = tpu.vector_load %arg12[%swap3A_1228] {strides = array<i32>} : memref<32xf32, #tpu.memory_space<vmem>>, vector<16xf32>,
      %swap3A_1230 = vector.shape_cast %swap3A_1229 : vector<16xf32> to vector<16xf32>
      %swap3A_1231 = vector.shape_cast %scan3A_1222 : vector<16xf32> to vector<16xf32>
      tpu.vector_store %arg12[%swap3A_1228], %swap3A_1231 {strides = array<i32>} : memref<32xf32, #tpu.memory_space<vmem>>, vector<16xf32>,
      %get3A_1232 = arith.constant 0 : index
      %get3A_1233 = tpu.vector_load %arg12[%get3A_1232] {strides = array<i32>} : memref<32xf32, #tpu.memory_space<vmem>>, vector<16xf32>,
      %get3A_1234 = vector.shape_cast %get3A_1233 : vector<16xf32> to vector<16xf32>
      %get3A_1235 = arith.constant 8 : index
      %get3A_1236 = tpu.vector_load %arg12[%get3A_1235] {strides = array<i32>} : memref<32xf32, #tpu.memory_space<vmem>>, vector<16xf32>,
      %get3A_1237 = vector.shape_cast %get3A_1236 : vector<16xf32> to vector<16xf32>
      %add3A_1238 = arith.addf %get3A_1234, %get3A_1237 : vector<16xf32>
      %swap3A_1239 = arith.constant 0 : index
      %swap3A_1240 = tpu.vector_load %arg12[%swap3A_1239] {strides = array<i32>} : memref<32xf32, #tpu.memory_space<vmem>>, vector<16xf32>,
      %swap3A_1241 = vector.shape_cast %swap3A_1240 : vector<16xf32> to vector<16xf32>
      %swap3A_1242 = vector.shape_cast %add3A_1238 : vector<16xf32> to vector<16xf32>
      tpu.vector_store %arg12[%swap3A_1239], %swap3A_1242 {strides = array<i32>} : memref<32xf32, #tpu.memory_space<vmem>>, vector<16xf32>,
      %swap3A_1243 = arith.constant 16 : index
      %swap3A_1244 = tpu.vector_load %arg12[%swap3A_1243] {strides = array<i32>} : memref<32xf32, #tpu.memory_space<vmem>>, vector<16xf32>,
      %swap3A_1245 = vector.shape_cast %swap3A_1244 : vector<16xf32> to vector<16xf32>
      %swap3A_1246 = vector.shape_cast %add3A_1238 : vector<16xf32> to vector<16xf32>
      tpu.vector_store %arg12[%swap3A_1243], %swap3A_1246 {strides = array<i32>} : memref<32xf32, #tpu.memory_space<vmem>>, vector<16xf32>,
      %get3A_1247 = arith.constant 0 : index
      %get3A_1248 = tpu.vector_load %arg12[%get3A_1247] {strides = array<i32>} : memref<32xf32, #tpu.memory_space<vmem>>, vector<16xf32>,
      %get3A_1249 = vector.shape_cast %get3A_1248 : vector<16xf32> to vector<16xf32>
      %get3A_1250 = arith.constant 4 : index
      %get3A_1251 = tpu.vector_load %arg12[%get3A_1250] {strides = array<i32>} : memref<32xf32, #tpu.memory_space<vmem>>, vector<16xf32>,
      %get3A_1252 = vector.shape_cast %get3A_1251 : vector<16xf32> to vector<16xf32>
      %add3A_1253 = arith.addf %get3A_1249, %get3A_1252 : vector<16xf32>
      %swap3A_1254 = arith.constant 0 : index
      %swap3A_1255 = tpu.vector_load %arg12[%swap3A_1254] {strides = array<i32>} : memref<32xf32, #tpu.memory_space<vmem>>, vector<16xf32>,
      %swap3A_1256 = vector.shape_cast %swap3A_1255 : vector<16xf32> to vector<16xf32>
      %swap3A_1257 = vector.shape_cast %add3A_1253 : vector<16xf32> to vector<16xf32>
      tpu.vector_store %arg12[%swap3A_1254], %swap3A_1257 {strides = array<i32>} : memref<32xf32, #tpu.memory_space<vmem>>, vector<16xf32>,
      %swap3A_1258 = arith.constant 16 : index
      %swap3A_1259 = tpu.vector_load %arg12[%swap3A_1258] {strides = array<i32>} : memref<32xf32, #tpu.memory_space<vmem>>, vector<16xf32>,
      %swap3A_1260 = vector.shape_cast %swap3A_1259 : vector<16xf32> to vector<16xf32>
      %swap3A_1261 = vector.shape_cast %add3A_1253 : vector<16xf32> to vector<16xf32>
      tpu.vector_store %arg12[%swap3A_1258], %swap3A_1261 {strides = array<i32>} : memref<32xf32, #tpu.memory_space<vmem>>, vector<16xf32>,
      %get3A_1262 = arith.constant 0 : index
      %get3A_1263 = tpu.vector_load %arg12[%get3A_1262] {strides = array<i32>} : memref<32xf32, #tpu.memory_space<vmem>>, vector<16xf32>,
      %get3A_1264 = vector.shape_cast %get3A_1263 : vector<16xf32> to vector<16xf32>
      %get3A_1265 = arith.constant 2 : index
      %get3A_1266 = tpu.vector_load %arg12[%get3A_1265] {strides = array<i32>} : memref<32xf32, #tpu.memory_space<vmem>>, vector<16xf32>,
      %get3A_1267 = vector.shape_cast %get3A_1266 : vector<16xf32> to vector<16xf32>
      %add3A_1268 = arith.addf %get3A_1264, %get3A_1267 : vector<16xf32>
      %swap3A_1269 = arith.constant 0 : index
      %swap3A_1270 = tpu.vector_load %arg12[%swap3A_1269] {strides = array<i32>} : memref<32xf32, #tpu.memory_space<vmem>>, vector<16xf32>,
      %swap3A_1271 = vector.shape_cast %swap3A_1270 : vector<16xf32> to vector<16xf32>
      %swap3A_1272 = vector.shape_cast %add3A_1268 : vector<16xf32> to vector<16xf32>
      tpu.vector_store %arg12[%swap3A_1269], %swap3A_1272 {strides = array<i32>} : memref<32xf32, #tpu.memory_space<vmem>>, vector<16xf32>,
      %swap3A_1273 = arith.constant 16 : index
      %swap3A_1274 = tpu.vector_load %arg12[%swap3A_1273] {strides = array<i32>} : memref<32xf32, #tpu.memory_space<vmem>>, vector<16xf32>,
      %swap3A_1275 = vector.shape_cast %swap3A_1274 : vector<16xf32> to vector<16xf32>
      %swap3A_1276 = vector.shape_cast %add3A_1268 : vector<16xf32> to vector<16xf32>
      tpu.vector_store %arg12[%swap3A_1273], %swap3A_1276 {strides = array<i32>} : memref<32xf32, #tpu.memory_space<vmem>>, vector<16xf32>,
      %get3A_1277 = arith.constant 0 : index
      %get3A_1278 = tpu.vector_load %arg12[%get3A_1277] {strides = array<i32>} : memref<32xf32, #tpu.memory_space<vmem>>, vector<16xf32>,
      %get3A_1279 = vector.shape_cast %get3A_1278 : vector<16xf32> to vector<16xf32>
      %get3A_1280 = arith.constant 1 : index
      %get3A_1281 = tpu.vector_load %arg12[%get3A_1280] {strides = array<i32>} : memref<32xf32, #tpu.memory_space<vmem>>, vector<16xf32>,
      %get3A_1282 = vector.shape_cast %get3A_1281 : vector<16xf32> to vector<16xf32>
      %add3A_1283 = arith.addf %get3A_1279, %get3A_1282 : vector<16xf32>
      %eq3A_1284 = arith.constant 6 : i32
      %eq3A_1285 = vector.broadcast %eq3A_1284 : i32 to vector<16xi32>
      %eq3A_1286 = arith.cmpi eq, %iota3A, %eq3A_1285 : vector<16xi32>
      %select_n3A_1287 = arith.select %eq3A_1286, %add3A_1283, %select_n3A_1215 : vector<16xi1>, vector<16xf32>
      %broadcast_in_dim3A_1288 = arith.constant 0.000000e+00 : f32
      %broadcast_in_dim3A_1289 = vector.broadcast %broadcast_in_dim3A_1288 : f32 to vector<16xf32>
      %scan3A_1290 = arith.constant 0 : i32
      %scan3A_1291 = arith.constant 128 : i32
      %scan3A_1292 = arith.addi %scan3A_1290, %scan3A_1291 : i32
      %scan3A_1293 = arith.constant 1 : i32
      %scan3A_1294 = scf.for %scan3A_3143 = %scan3A_1290 to %scan3A_1292 step %scan3A_1293 iter_args(%scan3A_3144 = %broadcast_in_dim3A_1289) -> (vector<16xf32>)  : i32 {
        %mul3A = arith.constant 16 : i32
        %mul3A_3145 = arith.muli %scan3A_3143, %mul3A : i32
        %get3A_3146 = arith.constant 1 : i32
        %get3A_3147 = arith.index_cast %get3A_3146 : i32 to index
        %get3A_3148 = arith.index_cast %mul3A_3145 : i32 to index
        %get3A_3149 = tpu.vector_load %arg7[%get3A_3147, %get3A_3148] {strides = array<i32>} : memref<4x2048xf32, #tpu.memory_space<vmem>>, vector<1x16xf32>,
        %get3A_3150 = vector.shape_cast %get3A_3149 : vector<1x16xf32> to vector<16xf32>
        %get3A_3151 = arith.constant 7 : i32
        %get3A_3152 = arith.index_cast %get3A_3151 : i32 to index
        %get3A_3153 = arith.index_cast %mul3A_3145 : i32 to index
        %get3A_3154 = tpu.vector_load %arg8[%get3A_3152, %get3A_3153] {strides = array<i32>} : memref<9x2048xf32, #tpu.memory_space<vmem>>, vector<1x16xf32>,
        %get3A_3155 = vector.shape_cast %get3A_3154 : vector<1x16xf32> to vector<16xf32>
        %mul3A_3156 = arith.mulf %get3A_3150, %get3A_3155 : vector<16xf32>
        %add3A_3157 = arith.addf %scan3A_3144, %mul3A_3156 : vector<16xf32>
        scf.yield %add3A_3157 : vector<16xf32>
      }
      %scan3A_1295 = arith.constant 128 : i32
      %swap3A_1296 = arith.constant 0 : index
      %swap3A_1297 = tpu.vector_load %arg12[%swap3A_1296] {strides = array<i32>} : memref<32xf32, #tpu.memory_space<vmem>>, vector<16xf32>,
      %swap3A_1298 = vector.shape_cast %swap3A_1297 : vector<16xf32> to vector<16xf32>
      %swap3A_1299 = vector.shape_cast %scan3A_1294 : vector<16xf32> to vector<16xf32>
      tpu.vector_store %arg12[%swap3A_1296], %swap3A_1299 {strides = array<i32>} : memref<32xf32, #tpu.memory_space<vmem>>, vector<16xf32>,
      %swap3A_1300 = arith.constant 16 : index
      %swap3A_1301 = tpu.vector_load %arg12[%swap3A_1300] {strides = array<i32>} : memref<32xf32, #tpu.memory_space<vmem>>, vector<16xf32>,
      %swap3A_1302 = vector.shape_cast %swap3A_1301 : vector<16xf32> to vector<16xf32>
      %swap3A_1303 = vector.shape_cast %scan3A_1294 : vector<16xf32> to vector<16xf32>
      tpu.vector_store %arg12[%swap3A_1300], %swap3A_1303 {strides = array<i32>} : memref<32xf32, #tpu.memory_space<vmem>>, vector<16xf32>,
      %get3A_1304 = arith.constant 0 : index
      %get3A_1305 = tpu.vector_load %arg12[%get3A_1304] {strides = array<i32>} : memref<32xf32, #tpu.memory_space<vmem>>, vector<16xf32>,
      %get3A_1306 = vector.shape_cast %get3A_1305 : vector<16xf32> to vector<16xf32>
      %get3A_1307 = arith.constant 8 : index
      %get3A_1308 = tpu.vector_load %arg12[%get3A_1307] {strides = array<i32>} : memref<32xf32, #tpu.memory_space<vmem>>, vector<16xf32>,
      %get3A_1309 = vector.shape_cast %get3A_1308 : vector<16xf32> to vector<16xf32>
      %add3A_1310 = arith.addf %get3A_1306, %get3A_1309 : vector<16xf32>
      %swap3A_1311 = arith.constant 0 : index
      %swap3A_1312 = tpu.vector_load %arg12[%swap3A_1311] {strides = array<i32>} : memref<32xf32, #tpu.memory_space<vmem>>, vector<16xf32>,
      %swap3A_1313 = vector.shape_cast %swap3A_1312 : vector<16xf32> to vector<16xf32>
      %swap3A_1314 = vector.shape_cast %add3A_1310 : vector<16xf32> to vector<16xf32>
      tpu.vector_store %arg12[%swap3A_1311], %swap3A_1314 {strides = array<i32>} : memref<32xf32, #tpu.memory_space<vmem>>, vector<16xf32>,
      %swap3A_1315 = arith.constant 16 : index
      %swap3A_1316 = tpu.vector_load %arg12[%swap3A_1315] {strides = array<i32>} : memref<32xf32, #tpu.memory_space<vmem>>, vector<16xf32>,
      %swap3A_1317 = vector.shape_cast %swap3A_1316 : vector<16xf32> to vector<16xf32>
      %swap3A_1318 = vector.shape_cast %add3A_1310 : vector<16xf32> to vector<16xf32>
      tpu.vector_store %arg12[%swap3A_1315], %swap3A_1318 {strides = array<i32>} : memref<32xf32, #tpu.memory_space<vmem>>, vector<16xf32>,
      %get3A_1319 = arith.constant 0 : index
      %get3A_1320 = tpu.vector_load %arg12[%get3A_1319] {strides = array<i32>} : memref<32xf32, #tpu.memory_space<vmem>>, vector<16xf32>,
      %get3A_1321 = vector.shape_cast %get3A_1320 : vector<16xf32> to vector<16xf32>
      %get3A_1322 = arith.constant 4 : index
      %get3A_1323 = tpu.vector_load %arg12[%get3A_1322] {strides = array<i32>} : memref<32xf32, #tpu.memory_space<vmem>>, vector<16xf32>,
      %get3A_1324 = vector.shape_cast %get3A_1323 : vector<16xf32> to vector<16xf32>
      %add3A_1325 = arith.addf %get3A_1321, %get3A_1324 : vector<16xf32>
      %swap3A_1326 = arith.constant 0 : index
      %swap3A_1327 = tpu.vector_load %arg12[%swap3A_1326] {strides = array<i32>} : memref<32xf32, #tpu.memory_space<vmem>>, vector<16xf32>,
      %swap3A_1328 = vector.shape_cast %swap3A_1327 : vector<16xf32> to vector<16xf32>
      %swap3A_1329 = vector.shape_cast %add3A_1325 : vector<16xf32> to vector<16xf32>
      tpu.vector_store %arg12[%swap3A_1326], %swap3A_1329 {strides = array<i32>} : memref<32xf32, #tpu.memory_space<vmem>>, vector<16xf32>,
      %swap3A_1330 = arith.constant 16 : index
      %swap3A_1331 = tpu.vector_load %arg12[%swap3A_1330] {strides = array<i32>} : memref<32xf32, #tpu.memory_space<vmem>>, vector<16xf32>,
      %swap3A_1332 = vector.shape_cast %swap3A_1331 : vector<16xf32> to vector<16xf32>
      %swap3A_1333 = vector.shape_cast %add3A_1325 : vector<16xf32> to vector<16xf32>
      tpu.vector_store %arg12[%swap3A_1330], %swap3A_1333 {strides = array<i32>} : memref<32xf32, #tpu.memory_space<vmem>>, vector<16xf32>,
      %get3A_1334 = arith.constant 0 : index
      %get3A_1335 = tpu.vector_load %arg12[%get3A_1334] {strides = array<i32>} : memref<32xf32, #tpu.memory_space<vmem>>, vector<16xf32>,
      %get3A_1336 = vector.shape_cast %get3A_1335 : vector<16xf32> to vector<16xf32>
      %get3A_1337 = arith.constant 2 : index
      %get3A_1338 = tpu.vector_load %arg12[%get3A_1337] {strides = array<i32>} : memref<32xf32, #tpu.memory_space<vmem>>, vector<16xf32>,
      %get3A_1339 = vector.shape_cast %get3A_1338 : vector<16xf32> to vector<16xf32>
      %add3A_1340 = arith.addf %get3A_1336, %get3A_1339 : vector<16xf32>
      %swap3A_1341 = arith.constant 0 : index
      %swap3A_1342 = tpu.vector_load %arg12[%swap3A_1341] {strides = array<i32>} : memref<32xf32, #tpu.memory_space<vmem>>, vector<16xf32>,
      %swap3A_1343 = vector.shape_cast %swap3A_1342 : vector<16xf32> to vector<16xf32>
      %swap3A_1344 = vector.shape_cast %add3A_1340 : vector<16xf32> to vector<16xf32>
      tpu.vector_store %arg12[%swap3A_1341], %swap3A_1344 {strides = array<i32>} : memref<32xf32, #tpu.memory_space<vmem>>, vector<16xf32>,
      %swap3A_1345 = arith.constant 16 : index
      %swap3A_1346 = tpu.vector_load %arg12[%swap3A_1345] {strides = array<i32>} : memref<32xf32, #tpu.memory_space<vmem>>, vector<16xf32>,
      %swap3A_1347 = vector.shape_cast %swap3A_1346 : vector<16xf32> to vector<16xf32>
      %swap3A_1348 = vector.shape_cast %add3A_1340 : vector<16xf32> to vector<16xf32>
      tpu.vector_store %arg12[%swap3A_1345], %swap3A_1348 {strides = array<i32>} : memref<32xf32, #tpu.memory_space<vmem>>, vector<16xf32>,
      %get3A_1349 = arith.constant 0 : index
      %get3A_1350 = tpu.vector_load %arg12[%get3A_1349] {strides = array<i32>} : memref<32xf32, #tpu.memory_space<vmem>>, vector<16xf32>,
      %get3A_1351 = vector.shape_cast %get3A_1350 : vector<16xf32> to vector<16xf32>
      %get3A_1352 = arith.constant 1 : index
      %get3A_1353 = tpu.vector_load %arg12[%get3A_1352] {strides = array<i32>} : memref<32xf32, #tpu.memory_space<vmem>>, vector<16xf32>,
      %get3A_1354 = vector.shape_cast %get3A_1353 : vector<16xf32> to vector<16xf32>
      %add3A_1355 = arith.addf %get3A_1351, %get3A_1354 : vector<16xf32>
      %eq3A_1356 = arith.constant 7 : i32
      %eq3A_1357 = vector.broadcast %eq3A_1356 : i32 to vector<16xi32>
      %eq3A_1358 = arith.cmpi eq, %iota3A, %eq3A_1357 : vector<16xi32>
      %select_n3A_1359 = arith.select %eq3A_1358, %add3A_1355, %select_n3A_1287 : vector<16xi1>, vector<16xf32>
      %broadcast_in_dim3A_1360 = arith.constant 0.000000e+00 : f32
      %broadcast_in_dim3A_1361 = vector.broadcast %broadcast_in_dim3A_1360 : f32 to vector<16xf32>
      %scan3A_1362 = arith.constant 0 : i32
      %scan3A_1363 = arith.constant 128 : i32
      %scan3A_1364 = arith.addi %scan3A_1362, %scan3A_1363 : i32
      %scan3A_1365 = arith.constant 1 : i32
      %scan3A_1366 = scf.for %scan3A_3143 = %scan3A_1362 to %scan3A_1364 step %scan3A_1365 iter_args(%scan3A_3144 = %broadcast_in_dim3A_1361) -> (vector<16xf32>)  : i32 {
        %mul3A = arith.constant 16 : i32
        %mul3A_3145 = arith.muli %scan3A_3143, %mul3A : i32
        %get3A_3146 = arith.constant 1 : i32
        %get3A_3147 = arith.index_cast %get3A_3146 : i32 to index
        %get3A_3148 = arith.index_cast %mul3A_3145 : i32 to index
        %get3A_3149 = tpu.vector_load %arg7[%get3A_3147, %get3A_3148] {strides = array<i32>} : memref<4x2048xf32, #tpu.memory_space<vmem>>, vector<1x16xf32>,
        %get3A_3150 = vector.shape_cast %get3A_3149 : vector<1x16xf32> to vector<16xf32>
        %get3A_3151 = arith.constant 8 : i32
        %get3A_3152 = arith.index_cast %get3A_3151 : i32 to index
        %get3A_3153 = arith.index_cast %mul3A_3145 : i32 to index
        %get3A_3154 = tpu.vector_load %arg8[%get3A_3152, %get3A_3153] {strides = array<i32>} : memref<9x2048xf32, #tpu.memory_space<vmem>>, vector<1x16xf32>,
        %get3A_3155 = vector.shape_cast %get3A_3154 : vector<1x16xf32> to vector<16xf32>
        %mul3A_3156 = arith.mulf %get3A_3150, %get3A_3155 : vector<16xf32>
        %add3A_3157 = arith.addf %scan3A_3144, %mul3A_3156 : vector<16xf32>
        scf.yield %add3A_3157 : vector<16xf32>
      }
      %scan3A_1367 = arith.constant 128 : i32
      %swap3A_1368 = arith.constant 0 : index
      %swap3A_1369 = tpu.vector_load %arg12[%swap3A_1368] {strides = array<i32>} : memref<32xf32, #tpu.memory_space<vmem>>, vector<16xf32>,
      %swap3A_1370 = vector.shape_cast %swap3A_1369 : vector<16xf32> to vector<16xf32>
      %swap3A_1371 = vector.shape_cast %scan3A_1366 : vector<16xf32> to vector<16xf32>
      tpu.vector_store %arg12[%swap3A_1368], %swap3A_1371 {strides = array<i32>} : memref<32xf32, #tpu.memory_space<vmem>>, vector<16xf32>,
      %swap3A_1372 = arith.constant 16 : index
      %swap3A_1373 = tpu.vector_load %arg12[%swap3A_1372] {strides = array<i32>} : memref<32xf32, #tpu.memory_space<vmem>>, vector<16xf32>,
      %swap3A_1374 = vector.shape_cast %swap3A_1373 : vector<16xf32> to vector<16xf32>
      %swap3A_1375 = vector.shape_cast %scan3A_1366 : vector<16xf32> to vector<16xf32>
      tpu.vector_store %arg12[%swap3A_1372], %swap3A_1375 {strides = array<i32>} : memref<32xf32, #tpu.memory_space<vmem>>, vector<16xf32>,
      %get3A_1376 = arith.constant 0 : index
      %get3A_1377 = tpu.vector_load %arg12[%get3A_1376] {strides = array<i32>} : memref<32xf32, #tpu.memory_space<vmem>>, vector<16xf32>,
      %get3A_1378 = vector.shape_cast %get3A_1377 : vector<16xf32> to vector<16xf32>
      %get3A_1379 = arith.constant 8 : index
      %get3A_1380 = tpu.vector_load %arg12[%get3A_1379] {strides = array<i32>} : memref<32xf32, #tpu.memory_space<vmem>>, vector<16xf32>,
      %get3A_1381 = vector.shape_cast %get3A_1380 : vector<16xf32> to vector<16xf32>
      %add3A_1382 = arith.addf %get3A_1378, %get3A_1381 : vector<16xf32>
      %swap3A_1383 = arith.constant 0 : index
      %swap3A_1384 = tpu.vector_load %arg12[%swap3A_1383] {strides = array<i32>} : memref<32xf32, #tpu.memory_space<vmem>>, vector<16xf32>,
      %swap3A_1385 = vector.shape_cast %swap3A_1384 : vector<16xf32> to vector<16xf32>
      %swap3A_1386 = vector.shape_cast %add3A_1382 : vector<16xf32> to vector<16xf32>
      tpu.vector_store %arg12[%swap3A_1383], %swap3A_1386 {strides = array<i32>} : memref<32xf32, #tpu.memory_space<vmem>>, vector<16xf32>,
      %swap3A_1387 = arith.constant 16 : index
      %swap3A_1388 = tpu.vector_load %arg12[%swap3A_1387] {strides = array<i32>} : memref<32xf32, #tpu.memory_space<vmem>>, vector<16xf32>,
      %swap3A_1389 = vector.shape_cast %swap3A_1388 : vector<16xf32> to vector<16xf32>
      %swap3A_1390 = vector.shape_cast %add3A_1382 : vector<16xf32> to vector<16xf32>
      tpu.vector_store %arg12[%swap3A_1387], %swap3A_1390 {strides = array<i32>} : memref<32xf32, #tpu.memory_space<vmem>>, vector<16xf32>,
      %get3A_1391 = arith.constant 0 : index
      %get3A_1392 = tpu.vector_load %arg12[%get3A_1391] {strides = array<i32>} : memref<32xf32, #tpu.memory_space<vmem>>, vector<16xf32>,
      %get3A_1393 = vector.shape_cast %get3A_1392 : vector<16xf32> to vector<16xf32>
      %get3A_1394 = arith.constant 4 : index
      %get3A_1395 = tpu.vector_load %arg12[%get3A_1394] {strides = array<i32>} : memref<32xf32, #tpu.memory_space<vmem>>, vector<16xf32>,
      %get3A_1396 = vector.shape_cast %get3A_1395 : vector<16xf32> to vector<16xf32>
      %add3A_1397 = arith.addf %get3A_1393, %get3A_1396 : vector<16xf32>
      %swap3A_1398 = arith.constant 0 : index
      %swap3A_1399 = tpu.vector_load %arg12[%swap3A_1398] {strides = array<i32>} : memref<32xf32, #tpu.memory_space<vmem>>, vector<16xf32>,
      %swap3A_1400 = vector.shape_cast %swap3A_1399 : vector<16xf32> to vector<16xf32>
      %swap3A_1401 = vector.shape_cast %add3A_1397 : vector<16xf32> to vector<16xf32>
      tpu.vector_store %arg12[%swap3A_1398], %swap3A_1401 {strides = array<i32>} : memref<32xf32, #tpu.memory_space<vmem>>, vector<16xf32>,
      %swap3A_1402 = arith.constant 16 : index
      %swap3A_1403 = tpu.vector_load %arg12[%swap3A_1402] {strides = array<i32>} : memref<32xf32, #tpu.memory_space<vmem>>, vector<16xf32>,
      %swap3A_1404 = vector.shape_cast %swap3A_1403 : vector<16xf32> to vector<16xf32>
      %swap3A_1405 = vector.shape_cast %add3A_1397 : vector<16xf32> to vector<16xf32>
      tpu.vector_store %arg12[%swap3A_1402], %swap3A_1405 {strides = array<i32>} : memref<32xf32, #tpu.memory_space<vmem>>, vector<16xf32>,
      %get3A_1406 = arith.constant 0 : index
      %get3A_1407 = tpu.vector_load %arg12[%get3A_1406] {strides = array<i32>} : memref<32xf32, #tpu.memory_space<vmem>>, vector<16xf32>,
      %get3A_1408 = vector.shape_cast %get3A_1407 : vector<16xf32> to vector<16xf32>
      %get3A_1409 = arith.constant 2 : index
      %get3A_1410 = tpu.vector_load %arg12[%get3A_1409] {strides = array<i32>} : memref<32xf32, #tpu.memory_space<vmem>>, vector<16xf32>,
      %get3A_1411 = vector.shape_cast %get3A_1410 : vector<16xf32> to vector<16xf32>
      %add3A_1412 = arith.addf %get3A_1408, %get3A_1411 : vector<16xf32>
      %swap3A_1413 = arith.constant 0 : index
      %swap3A_1414 = tpu.vector_load %arg12[%swap3A_1413] {strides = array<i32>} : memref<32xf32, #tpu.memory_space<vmem>>, vector<16xf32>,
      %swap3A_1415 = vector.shape_cast %swap3A_1414 : vector<16xf32> to vector<16xf32>
      %swap3A_1416 = vector.shape_cast %add3A_1412 : vector<16xf32> to vector<16xf32>
      tpu.vector_store %arg12[%swap3A_1413], %swap3A_1416 {strides = array<i32>} : memref<32xf32, #tpu.memory_space<vmem>>, vector<16xf32>,
      %swap3A_1417 = arith.constant 16 : index
      %swap3A_1418 = tpu.vector_load %arg12[%swap3A_1417] {strides = array<i32>} : memref<32xf32, #tpu.memory_space<vmem>>, vector<16xf32>,
      %swap3A_1419 = vector.shape_cast %swap3A_1418 : vector<16xf32> to vector<16xf32>
      %swap3A_1420 = vector.shape_cast %add3A_1412 : vector<16xf32> to vector<16xf32>
      tpu.vector_store %arg12[%swap3A_1417], %swap3A_1420 {strides = array<i32>} : memref<32xf32, #tpu.memory_space<vmem>>, vector<16xf32>,
      %get3A_1421 = arith.constant 0 : index
      %get3A_1422 = tpu.vector_load %arg12[%get3A_1421] {strides = array<i32>} : memref<32xf32, #tpu.memory_space<vmem>>, vector<16xf32>,
      %get3A_1423 = vector.shape_cast %get3A_1422 : vector<16xf32> to vector<16xf32>
      %get3A_1424 = arith.constant 1 : index
      %get3A_1425 = tpu.vector_load %arg12[%get3A_1424] {strides = array<i32>} : memref<32xf32, #tpu.memory_space<vmem>>, vector<16xf32>,
      %get3A_1426 = vector.shape_cast %get3A_1425 : vector<16xf32> to vector<16xf32>
      %add3A_1427 = arith.addf %get3A_1423, %get3A_1426 : vector<16xf32>
      %eq3A_1428 = arith.constant 8 : i32
      %eq3A_1429 = vector.broadcast %eq3A_1428 : i32 to vector<16xi32>
      %eq3A_1430 = arith.cmpi eq, %iota3A, %eq3A_1429 : vector<16xi32>
      %select_n3A_1431 = arith.select %eq3A_1430, %add3A_1427, %select_n3A_1359 : vector<16xi1>, vector<16xf32>
      %get3A_1432 = arith.constant 0 : index
      %get3A_1433 = tpu.vector_load %arg9[%get3A_1432] {strides = array<i32>} : memref<16xf32, #tpu.memory_space<vmem>>, vector<16xf32>,
      %get3A_1434 = vector.shape_cast %get3A_1433 : vector<16xf32> to vector<16xf32>
      %add3A_1435 = arith.addf %select_n3A_1431, %get3A_1434 : vector<16xf32>
      %swap3A_1436 = arith.constant 0 : index
      %swap3A_1437 = tpu.vector_load %arg12[%swap3A_1436] {strides = array<i32>} : memref<32xf32, #tpu.memory_space<vmem>>, vector<16xf32>,
      %swap3A_1438 = vector.shape_cast %swap3A_1437 : vector<16xf32> to vector<16xf32>
      %swap3A_1439 = vector.shape_cast %add3A_1435 : vector<16xf32> to vector<16xf32>
      tpu.vector_store %arg12[%swap3A_1436], %swap3A_1439 {strides = array<i32>} : memref<32xf32, #tpu.memory_space<vmem>>, vector<16xf32>,
      %swap3A_1440 = arith.constant 16 : index
      %swap3A_1441 = tpu.vector_load %arg12[%swap3A_1440] {strides = array<i32>} : memref<32xf32, #tpu.memory_space<vmem>>, vector<16xf32>,
      %swap3A_1442 = vector.shape_cast %swap3A_1441 : vector<16xf32> to vector<16xf32>
      %swap3A_1443 = vector.shape_cast %add3A_1435 : vector<16xf32> to vector<16xf32>
      tpu.vector_store %arg12[%swap3A_1440], %swap3A_1443 {strides = array<i32>} : memref<32xf32, #tpu.memory_space<vmem>>, vector<16xf32>,
      %get3A_1444 = arith.constant 0 : index
      %get3A_1445 = tpu.vector_load %arg12[%get3A_1444] {strides = array<i32>} : memref<32xf32, #tpu.memory_space<vmem>>, vector<16xf32>,
      %get3A_1446 = vector.shape_cast %get3A_1445 : vector<16xf32> to vector<16xf32>
      %get3A_1447 = arith.constant 8 : index
      %get3A_1448 = tpu.vector_load %arg12[%get3A_1447] {strides = array<i32>} : memref<32xf32, #tpu.memory_space<vmem>>, vector<16xf32>,
      %get3A_1449 = vector.shape_cast %get3A_1448 : vector<16xf32> to vector<16xf32>
      %max3A_1450 = arith.maximumf %get3A_1446, %get3A_1449 : vector<16xf32>
      %swap3A_1451 = arith.constant 0 : index
      %swap3A_1452 = tpu.vector_load %arg12[%swap3A_1451] {strides = array<i32>} : memref<32xf32, #tpu.memory_space<vmem>>, vector<16xf32>,
      %swap3A_1453 = vector.shape_cast %swap3A_1452 : vector<16xf32> to vector<16xf32>
      %swap3A_1454 = vector.shape_cast %max3A_1450 : vector<16xf32> to vector<16xf32>
      tpu.vector_store %arg12[%swap3A_1451], %swap3A_1454 {strides = array<i32>} : memref<32xf32, #tpu.memory_space<vmem>>, vector<16xf32>,
      %swap3A_1455 = arith.constant 16 : index
      %swap3A_1456 = tpu.vector_load %arg12[%swap3A_1455] {strides = array<i32>} : memref<32xf32, #tpu.memory_space<vmem>>, vector<16xf32>,
      %swap3A_1457 = vector.shape_cast %swap3A_1456 : vector<16xf32> to vector<16xf32>
      %swap3A_1458 = vector.shape_cast %max3A_1450 : vector<16xf32> to vector<16xf32>
      tpu.vector_store %arg12[%swap3A_1455], %swap3A_1458 {strides = array<i32>} : memref<32xf32, #tpu.memory_space<vmem>>, vector<16xf32>,
      %get3A_1459 = arith.constant 0 : index
      %get3A_1460 = tpu.vector_load %arg12[%get3A_1459] {strides = array<i32>} : memref<32xf32, #tpu.memory_space<vmem>>, vector<16xf32>,
      %get3A_1461 = vector.shape_cast %get3A_1460 : vector<16xf32> to vector<16xf32>
      %get3A_1462 = arith.constant 4 : index
      %get3A_1463 = tpu.vector_load %arg12[%get3A_1462] {strides = array<i32>} : memref<32xf32, #tpu.memory_space<vmem>>, vector<16xf32>,
      %get3A_1464 = vector.shape_cast %get3A_1463 : vector<16xf32> to vector<16xf32>
      %max3A_1465 = arith.maximumf %get3A_1461, %get3A_1464 : vector<16xf32>
      %swap3A_1466 = arith.constant 0 : index
      %swap3A_1467 = tpu.vector_load %arg12[%swap3A_1466] {strides = array<i32>} : memref<32xf32, #tpu.memory_space<vmem>>, vector<16xf32>,
      %swap3A_1468 = vector.shape_cast %swap3A_1467 : vector<16xf32> to vector<16xf32>
      %swap3A_1469 = vector.shape_cast %max3A_1465 : vector<16xf32> to vector<16xf32>
      tpu.vector_store %arg12[%swap3A_1466], %swap3A_1469 {strides = array<i32>} : memref<32xf32, #tpu.memory_space<vmem>>, vector<16xf32>,
      %swap3A_1470 = arith.constant 16 : index
      %swap3A_1471 = tpu.vector_load %arg12[%swap3A_1470] {strides = array<i32>} : memref<32xf32, #tpu.memory_space<vmem>>, vector<16xf32>,
      %swap3A_1472 = vector.shape_cast %swap3A_1471 : vector<16xf32> to vector<16xf32>
      %swap3A_1473 = vector.shape_cast %max3A_1465 : vector<16xf32> to vector<16xf32>
      tpu.vector_store %arg12[%swap3A_1470], %swap3A_1473 {strides = array<i32>} : memref<32xf32, #tpu.memory_space<vmem>>, vector<16xf32>,
      %get3A_1474 = arith.constant 0 : index
      %get3A_1475 = tpu.vector_load %arg12[%get3A_1474] {strides = array<i32>} : memref<32xf32, #tpu.memory_space<vmem>>, vector<16xf32>,
      %get3A_1476 = vector.shape_cast %get3A_1475 : vector<16xf32> to vector<16xf32>
      %get3A_1477 = arith.constant 2 : index
      %get3A_1478 = tpu.vector_load %arg12[%get3A_1477] {strides = array<i32>} : memref<32xf32, #tpu.memory_space<vmem>>, vector<16xf32>,
      %get3A_1479 = vector.shape_cast %get3A_1478 : vector<16xf32> to vector<16xf32>
      %max3A_1480 = arith.maximumf %get3A_1476, %get3A_1479 : vector<16xf32>
      %swap3A_1481 = arith.constant 0 : index
      %swap3A_1482 = tpu.vector_load %arg12[%swap3A_1481] {strides = array<i32>} : memref<32xf32, #tpu.memory_space<vmem>>, vector<16xf32>,
      %swap3A_1483 = vector.shape_cast %swap3A_1482 : vector<16xf32> to vector<16xf32>
      %swap3A_1484 = vector.shape_cast %max3A_1480 : vector<16xf32> to vector<16xf32>
      tpu.vector_store %arg12[%swap3A_1481], %swap3A_1484 {strides = array<i32>} : memref<32xf32, #tpu.memory_space<vmem>>, vector<16xf32>,
      %swap3A_1485 = arith.constant 16 : index
      %swap3A_1486 = tpu.vector_load %arg12[%swap3A_1485] {strides = array<i32>} : memref<32xf32, #tpu.memory_space<vmem>>, vector<16xf32>,
      %swap3A_1487 = vector.shape_cast %swap3A_1486 : vector<16xf32> to vector<16xf32>
      %swap3A_1488 = vector.shape_cast %max3A_1480 : vector<16xf32> to vector<16xf32>
      tpu.vector_store %arg12[%swap3A_1485], %swap3A_1488 {strides = array<i32>} : memref<32xf32, #tpu.memory_space<vmem>>, vector<16xf32>,
      %get3A_1489 = arith.constant 0 : index
      %get3A_1490 = tpu.vector_load %arg12[%get3A_1489] {strides = array<i32>} : memref<32xf32, #tpu.memory_space<vmem>>, vector<16xf32>,
      %get3A_1491 = vector.shape_cast %get3A_1490 : vector<16xf32> to vector<16xf32>
      %get3A_1492 = arith.constant 1 : index
      %get3A_1493 = tpu.vector_load %arg12[%get3A_1492] {strides = array<i32>} : memref<32xf32, #tpu.memory_space<vmem>>, vector<16xf32>,
      %get3A_1494 = vector.shape_cast %get3A_1493 : vector<16xf32> to vector<16xf32>
      %max3A_1495 = arith.maximumf %get3A_1491, %get3A_1494 : vector<16xf32>
      %eq3A_1496 = arith.cmpf oeq, %add3A_1435, %max3A_1495 : vector<16xf32>
      %jit3A_1497 = arith.constant 16 : i32
      %broadcast_in_dim3A_1498 = vector.broadcast %jit3A_1497 : i32 to vector<16xi32>
      %select_n3A_1499 = arith.select %eq3A_1496, %iota3A, %broadcast_in_dim3A_1498 : vector<16xi1>, vector<16xi32>
      %swap3A_1500 = arith.constant 0 : index
      %swap3A_1501 = tpu.vector_load %arg13[%swap3A_1500] {strides = array<i32>} : memref<32xi32, #tpu.memory_space<vmem>>, vector<16xi32>,
      %swap3A_1502 = vector.shape_cast %swap3A_1501 : vector<16xi32> to vector<16xi32>
      %swap3A_1503 = vector.shape_cast %select_n3A_1499 : vector<16xi32> to vector<16xi32>
      tpu.vector_store %arg13[%swap3A_1500], %swap3A_1503 {strides = array<i32>} : memref<32xi32, #tpu.memory_space<vmem>>, vector<16xi32>,
      %swap3A_1504 = arith.constant 16 : index
      %swap3A_1505 = tpu.vector_load %arg13[%swap3A_1504] {strides = array<i32>} : memref<32xi32, #tpu.memory_space<vmem>>, vector<16xi32>,
      %swap3A_1506 = vector.shape_cast %swap3A_1505 : vector<16xi32> to vector<16xi32>
      %swap3A_1507 = vector.shape_cast %select_n3A_1499 : vector<16xi32> to vector<16xi32>
      tpu.vector_store %arg13[%swap3A_1504], %swap3A_1507 {strides = array<i32>} : memref<32xi32, #tpu.memory_space<vmem>>, vector<16xi32>,
      %get3A_1508 = arith.constant 0 : index
      %get3A_1509 = tpu.vector_load %arg13[%get3A_1508] {strides = array<i32>} : memref<32xi32, #tpu.memory_space<vmem>>, vector<16xi32>,
      %get3A_1510 = vector.shape_cast %get3A_1509 : vector<16xi32> to vector<16xi32>
      %get3A_1511 = arith.constant 8 : index
      %get3A_1512 = tpu.vector_load %arg13[%get3A_1511] {strides = array<i32>} : memref<32xi32, #tpu.memory_space<vmem>>, vector<16xi32>,
      %get3A_1513 = vector.shape_cast %get3A_1512 : vector<16xi32> to vector<16xi32>
      %min3A_1514 = arith.minsi %get3A_1510, %get3A_1513 : vector<16xi32>
      %swap3A_1515 = arith.constant 0 : index
      %swap3A_1516 = tpu.vector_load %arg13[%swap3A_1515] {strides = array<i32>} : memref<32xi32, #tpu.memory_space<vmem>>, vector<16xi32>,
      %swap3A_1517 = vector.shape_cast %swap3A_1516 : vector<16xi32> to vector<16xi32>
      %swap3A_1518 = vector.shape_cast %min3A_1514 : vector<16xi32> to vector<16xi32>
      tpu.vector_store %arg13[%swap3A_1515], %swap3A_1518 {strides = array<i32>} : memref<32xi32, #tpu.memory_space<vmem>>, vector<16xi32>,
      %swap3A_1519 = arith.constant 16 : index
      %swap3A_1520 = tpu.vector_load %arg13[%swap3A_1519] {strides = array<i32>} : memref<32xi32, #tpu.memory_space<vmem>>, vector<16xi32>,
      %swap3A_1521 = vector.shape_cast %swap3A_1520 : vector<16xi32> to vector<16xi32>
      %swap3A_1522 = vector.shape_cast %min3A_1514 : vector<16xi32> to vector<16xi32>
      tpu.vector_store %arg13[%swap3A_1519], %swap3A_1522 {strides = array<i32>} : memref<32xi32, #tpu.memory_space<vmem>>, vector<16xi32>,
      %get3A_1523 = arith.constant 0 : index
      %get3A_1524 = tpu.vector_load %arg13[%get3A_1523] {strides = array<i32>} : memref<32xi32, #tpu.memory_space<vmem>>, vector<16xi32>,
      %get3A_1525 = vector.shape_cast %get3A_1524 : vector<16xi32> to vector<16xi32>
      %get3A_1526 = arith.constant 4 : index
      %get3A_1527 = tpu.vector_load %arg13[%get3A_1526] {strides = array<i32>} : memref<32xi32, #tpu.memory_space<vmem>>, vector<16xi32>,
      %get3A_1528 = vector.shape_cast %get3A_1527 : vector<16xi32> to vector<16xi32>
      %min3A_1529 = arith.minsi %get3A_1525, %get3A_1528 : vector<16xi32>
      %swap3A_1530 = arith.constant 0 : index
      %swap3A_1531 = tpu.vector_load %arg13[%swap3A_1530] {strides = array<i32>} : memref<32xi32, #tpu.memory_space<vmem>>, vector<16xi32>,
      %swap3A_1532 = vector.shape_cast %swap3A_1531 : vector<16xi32> to vector<16xi32>
      %swap3A_1533 = vector.shape_cast %min3A_1529 : vector<16xi32> to vector<16xi32>
      tpu.vector_store %arg13[%swap3A_1530], %swap3A_1533 {strides = array<i32>} : memref<32xi32, #tpu.memory_space<vmem>>, vector<16xi32>,
      %swap3A_1534 = arith.constant 16 : index
      %swap3A_1535 = tpu.vector_load %arg13[%swap3A_1534] {strides = array<i32>} : memref<32xi32, #tpu.memory_space<vmem>>, vector<16xi32>,
      %swap3A_1536 = vector.shape_cast %swap3A_1535 : vector<16xi32> to vector<16xi32>
      %swap3A_1537 = vector.shape_cast %min3A_1529 : vector<16xi32> to vector<16xi32>
      tpu.vector_store %arg13[%swap3A_1534], %swap3A_1537 {strides = array<i32>} : memref<32xi32, #tpu.memory_space<vmem>>, vector<16xi32>,
      %get3A_1538 = arith.constant 0 : index
      %get3A_1539 = tpu.vector_load %arg13[%get3A_1538] {strides = array<i32>} : memref<32xi32, #tpu.memory_space<vmem>>, vector<16xi32>,
      %get3A_1540 = vector.shape_cast %get3A_1539 : vector<16xi32> to vector<16xi32>
      %get3A_1541 = arith.constant 2 : index
      %get3A_1542 = tpu.vector_load %arg13[%get3A_1541] {strides = array<i32>} : memref<32xi32, #tpu.memory_space<vmem>>, vector<16xi32>,
      %get3A_1543 = vector.shape_cast %get3A_1542 : vector<16xi32> to vector<16xi32>
      %min3A_1544 = arith.minsi %get3A_1540, %get3A_1543 : vector<16xi32>
      %swap3A_1545 = arith.constant 0 : index
      %swap3A_1546 = tpu.vector_load %arg13[%swap3A_1545] {strides = array<i32>} : memref<32xi32, #tpu.memory_space<vmem>>, vector<16xi32>,
      %swap3A_1547 = vector.shape_cast %swap3A_1546 : vector<16xi32> to vector<16xi32>
      %swap3A_1548 = vector.shape_cast %min3A_1544 : vector<16xi32> to vector<16xi32>
      tpu.vector_store %arg13[%swap3A_1545], %swap3A_1548 {strides = array<i32>} : memref<32xi32, #tpu.memory_space<vmem>>, vector<16xi32>,
      %swap3A_1549 = arith.constant 16 : index
      %swap3A_1550 = tpu.vector_load %arg13[%swap3A_1549] {strides = array<i32>} : memref<32xi32, #tpu.memory_space<vmem>>, vector<16xi32>,
      %swap3A_1551 = vector.shape_cast %swap3A_1550 : vector<16xi32> to vector<16xi32>
      %swap3A_1552 = vector.shape_cast %min3A_1544 : vector<16xi32> to vector<16xi32>
      tpu.vector_store %arg13[%swap3A_1549], %swap3A_1552 {strides = array<i32>} : memref<32xi32, #tpu.memory_space<vmem>>, vector<16xi32>,
      %get3A_1553 = arith.constant 0 : index
      %get3A_1554 = tpu.vector_load %arg13[%get3A_1553] {strides = array<i32>} : memref<32xi32, #tpu.memory_space<vmem>>, vector<16xi32>,
      %get3A_1555 = vector.shape_cast %get3A_1554 : vector<16xi32> to vector<16xi32>
      %get3A_1556 = arith.constant 1 : index
      %get3A_1557 = tpu.vector_load %arg13[%get3A_1556] {strides = array<i32>} : memref<32xi32, #tpu.memory_space<vmem>>, vector<16xi32>,
      %get3A_1558 = vector.shape_cast %get3A_1557 : vector<16xi32> to vector<16xi32>
      %min3A_1559 = arith.minsi %get3A_1555, %get3A_1558 : vector<16xi32>
      %eq3A_1560 = arith.constant 8 : i32
      %eq3A_1561 = vector.broadcast %eq3A_1560 : i32 to vector<16xi32>
      %eq3A_1562 = arith.cmpi eq, %min3A_1559, %eq3A_1561 : vector<16xi32>
      %scan3A_1563 = arith.constant 0 : i32
      %scan3A_1564 = arith.constant 0 : i32
      %scan3A_1565 = arith.constant 128 : i32
      %scan3A_1566 = arith.addi %scan3A_1564, %scan3A_1565 : i32
      %scan3A_1567 = arith.constant 1 : i32
      scf.for %scan3A_3143 = %scan3A_1564 to %scan3A_1566 step %scan3A_1567  : i32 {
        %mul3A = arith.constant 16 : i32
        %mul3A_3144 = arith.muli %scan3A_3143, %mul3A : i32
        %get3A_3145 = arith.constant 1 : i32
        %get3A_3146 = arith.index_cast %get3A_3145 : i32 to index
        %get3A_3147 = arith.index_cast %mul3A_3144 : i32 to index
        %get3A_3148 = tpu.vector_load %arg7[%get3A_3146, %get3A_3147] {strides = array<i32>} : memref<4x2048xf32, #tpu.memory_space<vmem>>, vector<1x16xf32>,
        %get3A_3149 = vector.shape_cast %get3A_3148 : vector<1x16xf32> to vector<16xf32>
        %broadcast_in_dim3A_3150 = arith.constant 0.000000e+00 : f32
        %broadcast_in_dim3A_3151 = vector.broadcast %broadcast_in_dim3A_3150 : f32 to vector<16xf32>
        %eq3A_3152 = arith.constant 0 : i32
        %eq3A_3153 = vector.broadcast %eq3A_3152 : i32 to vector<16xi32>
        %eq3A_3154 = arith.cmpi eq, %min3A_1559, %eq3A_3153 : vector<16xi32>
        %get3A_3155 = arith.constant 0 : i32
        %get3A_3156 = arith.index_cast %get3A_3155 : i32 to index
        %get3A_3157 = arith.index_cast %mul3A_3144 : i32 to index
        %get3A_3158 = tpu.vector_load %arg10[%get3A_3156, %get3A_3157] {strides = array<i32>} : memref<8x2048xf32, #tpu.memory_space<vmem>>, vector<1x16xf32>,
        %get3A_3159 = vector.shape_cast %get3A_3158 : vector<1x16xf32> to vector<16xf32>
        %select_n3A_3160 = arith.select %eq3A_3154, %get3A_3159, %broadcast_in_dim3A_3151 : vector<16xi1>, vector<16xf32>
        %eq3A_3161 = arith.constant 1 : i32
        %eq3A_3162 = vector.broadcast %eq3A_3161 : i32 to vector<16xi32>
        %eq3A_3163 = arith.cmpi eq, %min3A_1559, %eq3A_3162 : vector<16xi32>
        %get3A_3164 = arith.constant 1 : i32
        %get3A_3165 = arith.index_cast %get3A_3164 : i32 to index
        %get3A_3166 = arith.index_cast %mul3A_3144 : i32 to index
        %get3A_3167 = tpu.vector_load %arg10[%get3A_3165, %get3A_3166] {strides = array<i32>} : memref<8x2048xf32, #tpu.memory_space<vmem>>, vector<1x16xf32>,
        %get3A_3168 = vector.shape_cast %get3A_3167 : vector<1x16xf32> to vector<16xf32>
        %select_n3A_3169 = arith.select %eq3A_3163, %get3A_3168, %select_n3A_3160 : vector<16xi1>, vector<16xf32>
        %eq3A_3170 = arith.constant 2 : i32
        %eq3A_3171 = vector.broadcast %eq3A_3170 : i32 to vector<16xi32>
        %eq3A_3172 = arith.cmpi eq, %min3A_1559, %eq3A_3171 : vector<16xi32>
        %get3A_3173 = arith.constant 2 : i32
        %get3A_3174 = arith.index_cast %get3A_3173 : i32 to index
        %get3A_3175 = arith.index_cast %mul3A_3144 : i32 to index
        %get3A_3176 = tpu.vector_load %arg10[%get3A_3174, %get3A_3175] {strides = array<i32>} : memref<8x2048xf32, #tpu.memory_space<vmem>>, vector<1x16xf32>,
        %get3A_3177 = vector.shape_cast %get3A_3176 : vector<1x16xf32> to vector<16xf32>
        %select_n3A_3178 = arith.select %eq3A_3172, %get3A_3177, %select_n3A_3169 : vector<16xi1>, vector<16xf32>
        %eq3A_3179 = arith.constant 3 : i32
        %eq3A_3180 = vector.broadcast %eq3A_3179 : i32 to vector<16xi32>
        %eq3A_3181 = arith.cmpi eq, %min3A_1559, %eq3A_3180 : vector<16xi32>
        %get3A_3182 = arith.constant 3 : i32
        %get3A_3183 = arith.index_cast %get3A_3182 : i32 to index
        %get3A_3184 = arith.index_cast %mul3A_3144 : i32 to index
        %get3A_3185 = tpu.vector_load %arg10[%get3A_3183, %get3A_3184] {strides = array<i32>} : memref<8x2048xf32, #tpu.memory_space<vmem>>, vector<1x16xf32>,
        %get3A_3186 = vector.shape_cast %get3A_3185 : vector<1x16xf32> to vector<16xf32>
        %select_n3A_3187 = arith.select %eq3A_3181, %get3A_3186, %select_n3A_3178 : vector<16xi1>, vector<16xf32>
        %eq3A_3188 = arith.constant 4 : i32
        %eq3A_3189 = vector.broadcast %eq3A_3188 : i32 to vector<16xi32>
        %eq3A_3190 = arith.cmpi eq, %min3A_1559, %eq3A_3189 : vector<16xi32>
        %get3A_3191 = arith.constant 4 : i32
        %get3A_3192 = arith.index_cast %get3A_3191 : i32 to index
        %get3A_3193 = arith.index_cast %mul3A_3144 : i32 to index
        %get3A_3194 = tpu.vector_load %arg10[%get3A_3192, %get3A_3193] {strides = array<i32>} : memref<8x2048xf32, #tpu.memory_space<vmem>>, vector<1x16xf32>,
        %get3A_3195 = vector.shape_cast %get3A_3194 : vector<1x16xf32> to vector<16xf32>
        %select_n3A_3196 = arith.select %eq3A_3190, %get3A_3195, %select_n3A_3187 : vector<16xi1>, vector<16xf32>
        %eq3A_3197 = arith.constant 5 : i32
        %eq3A_3198 = vector.broadcast %eq3A_3197 : i32 to vector<16xi32>
        %eq3A_3199 = arith.cmpi eq, %min3A_1559, %eq3A_3198 : vector<16xi32>
        %get3A_3200 = arith.constant 5 : i32
        %get3A_3201 = arith.index_cast %get3A_3200 : i32 to index
        %get3A_3202 = arith.index_cast %mul3A_3144 : i32 to index
        %get3A_3203 = tpu.vector_load %arg10[%get3A_3201, %get3A_3202] {strides = array<i32>} : memref<8x2048xf32, #tpu.memory_space<vmem>>, vector<1x16xf32>,
        %get3A_3204 = vector.shape_cast %get3A_3203 : vector<1x16xf32> to vector<16xf32>
        %select_n3A_3205 = arith.select %eq3A_3199, %get3A_3204, %select_n3A_3196 : vector<16xi1>, vector<16xf32>
        %eq3A_3206 = arith.constant 6 : i32
        %eq3A_3207 = vector.broadcast %eq3A_3206 : i32 to vector<16xi32>
        %eq3A_3208 = arith.cmpi eq, %min3A_1559, %eq3A_3207 : vector<16xi32>
        %get3A_3209 = arith.constant 6 : i32
        %get3A_3210 = arith.index_cast %get3A_3209 : i32 to index
        %get3A_3211 = arith.index_cast %mul3A_3144 : i32 to index
        %get3A_3212 = tpu.vector_load %arg10[%get3A_3210, %get3A_3211] {strides = array<i32>} : memref<8x2048xf32, #tpu.memory_space<vmem>>, vector<1x16xf32>,
        %get3A_3213 = vector.shape_cast %get3A_3212 : vector<1x16xf32> to vector<16xf32>
        %select_n3A_3214 = arith.select %eq3A_3208, %get3A_3213, %select_n3A_3205 : vector<16xi1>, vector<16xf32>
        %eq3A_3215 = arith.constant 7 : i32
        %eq3A_3216 = vector.broadcast %eq3A_3215 : i32 to vector<16xi32>
        %eq3A_3217 = arith.cmpi eq, %min3A_1559, %eq3A_3216 : vector<16xi32>
        %get3A_3218 = arith.constant 7 : i32
        %get3A_3219 = arith.index_cast %get3A_3218 : i32 to index
        %get3A_3220 = arith.index_cast %mul3A_3144 : i32 to index
        %get3A_3221 = tpu.vector_load %arg10[%get3A_3219, %get3A_3220] {strides = array<i32>} : memref<8x2048xf32, #tpu.memory_space<vmem>>, vector<1x16xf32>,
        %get3A_3222 = vector.shape_cast %get3A_3221 : vector<1x16xf32> to vector<16xf32>
        %select_n3A_3223 = arith.select %eq3A_3217, %get3A_3222, %select_n3A_3214 : vector<16xi1>, vector<16xf32>
        %select_n3A_3224 = arith.select %eq3A_1562, %get3A_3149, %select_n3A_3223 : vector<16xi1>, vector<16xf32>
        %swap3A_3225 = arith.constant 1 : i32
        %swap3A_3226 = arith.index_cast %swap3A_3225 : i32 to index
        %swap3A_3227 = arith.index_cast %mul3A_3144 : i32 to index
        %swap3A_3228 = tpu.vector_load %arg11[%swap3A_3226, %swap3A_3227] {strides = array<i32>} : memref<4x2048xf32, #tpu.memory_space<vmem>>, vector<1x16xf32>,
        %swap3A_3229 = vector.shape_cast %swap3A_3228 : vector<1x16xf32> to vector<16xf32>
        %swap3A_3230 = vector.shape_cast %select_n3A_3224 : vector<16xf32> to vector<1x16xf32>
        tpu.vector_store %arg11[%swap3A_3226, %swap3A_3227], %swap3A_3230 {strides = array<i32>} : memref<4x2048xf32, #tpu.memory_space<vmem>>, vector<1x16xf32>,
      }
      %scan3A_1568 = arith.constant 128 : i32
      %broadcast_in_dim3A_1569 = arith.constant -3.000000e+38 : f32
      %broadcast_in_dim3A_1570 = vector.broadcast %broadcast_in_dim3A_1569 : f32 to vector<16xf32>
      %broadcast_in_dim3A_1571 = arith.constant 0.000000e+00 : f32
      %broadcast_in_dim3A_1572 = vector.broadcast %broadcast_in_dim3A_1571 : f32 to vector<16xf32>
      %scan3A_1573 = arith.constant 0 : i32
      %scan3A_1574 = arith.constant 128 : i32
      %scan3A_1575 = arith.addi %scan3A_1573, %scan3A_1574 : i32
      %scan3A_1576 = arith.constant 1 : i32
      %scan3A_1577 = scf.for %scan3A_3143 = %scan3A_1573 to %scan3A_1575 step %scan3A_1576 iter_args(%scan3A_3144 = %broadcast_in_dim3A_1572) -> (vector<16xf32>)  : i32 {
        %mul3A = arith.constant 16 : i32
        %mul3A_3145 = arith.muli %scan3A_3143, %mul3A : i32
        %get3A_3146 = arith.constant 2 : i32
        %get3A_3147 = arith.index_cast %get3A_3146 : i32 to index
        %get3A_3148 = arith.index_cast %mul3A_3145 : i32 to index
        %get3A_3149 = tpu.vector_load %arg7[%get3A_3147, %get3A_3148] {strides = array<i32>} : memref<4x2048xf32, #tpu.memory_space<vmem>>, vector<1x16xf32>,
        %get3A_3150 = vector.shape_cast %get3A_3149 : vector<1x16xf32> to vector<16xf32>
        %get3A_3151 = arith.constant 0 : i32
        %get3A_3152 = arith.index_cast %get3A_3151 : i32 to index
        %get3A_3153 = arith.index_cast %mul3A_3145 : i32 to index
        %get3A_3154 = tpu.vector_load %arg8[%get3A_3152, %get3A_3153] {strides = array<i32>} : memref<9x2048xf32, #tpu.memory_space<vmem>>, vector<1x16xf32>,
        %get3A_3155 = vector.shape_cast %get3A_3154 : vector<1x16xf32> to vector<16xf32>
        %mul3A_3156 = arith.mulf %get3A_3150, %get3A_3155 : vector<16xf32>
        %add3A_3157 = arith.addf %scan3A_3144, %mul3A_3156 : vector<16xf32>
        scf.yield %add3A_3157 : vector<16xf32>
      }
      %scan3A_1578 = arith.constant 128 : i32
      %swap3A_1579 = arith.constant 0 : index
      %swap3A_1580 = tpu.vector_load %arg12[%swap3A_1579] {strides = array<i32>} : memref<32xf32, #tpu.memory_space<vmem>>, vector<16xf32>,
      %swap3A_1581 = vector.shape_cast %swap3A_1580 : vector<16xf32> to vector<16xf32>
      %swap3A_1582 = vector.shape_cast %scan3A_1577 : vector<16xf32> to vector<16xf32>
      tpu.vector_store %arg12[%swap3A_1579], %swap3A_1582 {strides = array<i32>} : memref<32xf32, #tpu.memory_space<vmem>>, vector<16xf32>,
      %swap3A_1583 = arith.constant 16 : index
      %swap3A_1584 = tpu.vector_load %arg12[%swap3A_1583] {strides = array<i32>} : memref<32xf32, #tpu.memory_space<vmem>>, vector<16xf32>,
      %swap3A_1585 = vector.shape_cast %swap3A_1584 : vector<16xf32> to vector<16xf32>
      %swap3A_1586 = vector.shape_cast %scan3A_1577 : vector<16xf32> to vector<16xf32>
      tpu.vector_store %arg12[%swap3A_1583], %swap3A_1586 {strides = array<i32>} : memref<32xf32, #tpu.memory_space<vmem>>, vector<16xf32>,
      %get3A_1587 = arith.constant 0 : index
      %get3A_1588 = tpu.vector_load %arg12[%get3A_1587] {strides = array<i32>} : memref<32xf32, #tpu.memory_space<vmem>>, vector<16xf32>,
      %get3A_1589 = vector.shape_cast %get3A_1588 : vector<16xf32> to vector<16xf32>
      %get3A_1590 = arith.constant 8 : index
      %get3A_1591 = tpu.vector_load %arg12[%get3A_1590] {strides = array<i32>} : memref<32xf32, #tpu.memory_space<vmem>>, vector<16xf32>,
      %get3A_1592 = vector.shape_cast %get3A_1591 : vector<16xf32> to vector<16xf32>
      %add3A_1593 = arith.addf %get3A_1589, %get3A_1592 : vector<16xf32>
      %swap3A_1594 = arith.constant 0 : index
      %swap3A_1595 = tpu.vector_load %arg12[%swap3A_1594] {strides = array<i32>} : memref<32xf32, #tpu.memory_space<vmem>>, vector<16xf32>,
      %swap3A_1596 = vector.shape_cast %swap3A_1595 : vector<16xf32> to vector<16xf32>
      %swap3A_1597 = vector.shape_cast %add3A_1593 : vector<16xf32> to vector<16xf32>
      tpu.vector_store %arg12[%swap3A_1594], %swap3A_1597 {strides = array<i32>} : memref<32xf32, #tpu.memory_space<vmem>>, vector<16xf32>,
      %swap3A_1598 = arith.constant 16 : index
      %swap3A_1599 = tpu.vector_load %arg12[%swap3A_1598] {strides = array<i32>} : memref<32xf32, #tpu.memory_space<vmem>>, vector<16xf32>,
      %swap3A_1600 = vector.shape_cast %swap3A_1599 : vector<16xf32> to vector<16xf32>
      %swap3A_1601 = vector.shape_cast %add3A_1593 : vector<16xf32> to vector<16xf32>
      tpu.vector_store %arg12[%swap3A_1598], %swap3A_1601 {strides = array<i32>} : memref<32xf32, #tpu.memory_space<vmem>>, vector<16xf32>,
      %get3A_1602 = arith.constant 0 : index
      %get3A_1603 = tpu.vector_load %arg12[%get3A_1602] {strides = array<i32>} : memref<32xf32, #tpu.memory_space<vmem>>, vector<16xf32>,
      %get3A_1604 = vector.shape_cast %get3A_1603 : vector<16xf32> to vector<16xf32>
      %get3A_1605 = arith.constant 4 : index
      %get3A_1606 = tpu.vector_load %arg12[%get3A_1605] {strides = array<i32>} : memref<32xf32, #tpu.memory_space<vmem>>, vector<16xf32>,
      %get3A_1607 = vector.shape_cast %get3A_1606 : vector<16xf32> to vector<16xf32>
      %add3A_1608 = arith.addf %get3A_1604, %get3A_1607 : vector<16xf32>
      %swap3A_1609 = arith.constant 0 : index
      %swap3A_1610 = tpu.vector_load %arg12[%swap3A_1609] {strides = array<i32>} : memref<32xf32, #tpu.memory_space<vmem>>, vector<16xf32>,
      %swap3A_1611 = vector.shape_cast %swap3A_1610 : vector<16xf32> to vector<16xf32>
      %swap3A_1612 = vector.shape_cast %add3A_1608 : vector<16xf32> to vector<16xf32>
      tpu.vector_store %arg12[%swap3A_1609], %swap3A_1612 {strides = array<i32>} : memref<32xf32, #tpu.memory_space<vmem>>, vector<16xf32>,
      %swap3A_1613 = arith.constant 16 : index
      %swap3A_1614 = tpu.vector_load %arg12[%swap3A_1613] {strides = array<i32>} : memref<32xf32, #tpu.memory_space<vmem>>, vector<16xf32>,
      %swap3A_1615 = vector.shape_cast %swap3A_1614 : vector<16xf32> to vector<16xf32>
      %swap3A_1616 = vector.shape_cast %add3A_1608 : vector<16xf32> to vector<16xf32>
      tpu.vector_store %arg12[%swap3A_1613], %swap3A_1616 {strides = array<i32>} : memref<32xf32, #tpu.memory_space<vmem>>, vector<16xf32>,
      %get3A_1617 = arith.constant 0 : index
      %get3A_1618 = tpu.vector_load %arg12[%get3A_1617] {strides = array<i32>} : memref<32xf32, #tpu.memory_space<vmem>>, vector<16xf32>,
      %get3A_1619 = vector.shape_cast %get3A_1618 : vector<16xf32> to vector<16xf32>
      %get3A_1620 = arith.constant 2 : index
      %get3A_1621 = tpu.vector_load %arg12[%get3A_1620] {strides = array<i32>} : memref<32xf32, #tpu.memory_space<vmem>>, vector<16xf32>,
      %get3A_1622 = vector.shape_cast %get3A_1621 : vector<16xf32> to vector<16xf32>
      %add3A_1623 = arith.addf %get3A_1619, %get3A_1622 : vector<16xf32>
      %swap3A_1624 = arith.constant 0 : index
      %swap3A_1625 = tpu.vector_load %arg12[%swap3A_1624] {strides = array<i32>} : memref<32xf32, #tpu.memory_space<vmem>>, vector<16xf32>,
      %swap3A_1626 = vector.shape_cast %swap3A_1625 : vector<16xf32> to vector<16xf32>
      %swap3A_1627 = vector.shape_cast %add3A_1623 : vector<16xf32> to vector<16xf32>
      tpu.vector_store %arg12[%swap3A_1624], %swap3A_1627 {strides = array<i32>} : memref<32xf32, #tpu.memory_space<vmem>>, vector<16xf32>,
      %swap3A_1628 = arith.constant 16 : index
      %swap3A_1629 = tpu.vector_load %arg12[%swap3A_1628] {strides = array<i32>} : memref<32xf32, #tpu.memory_space<vmem>>, vector<16xf32>,
      %swap3A_1630 = vector.shape_cast %swap3A_1629 : vector<16xf32> to vector<16xf32>
      %swap3A_1631 = vector.shape_cast %add3A_1623 : vector<16xf32> to vector<16xf32>
      tpu.vector_store %arg12[%swap3A_1628], %swap3A_1631 {strides = array<i32>} : memref<32xf32, #tpu.memory_space<vmem>>, vector<16xf32>,
      %get3A_1632 = arith.constant 0 : index
      %get3A_1633 = tpu.vector_load %arg12[%get3A_1632] {strides = array<i32>} : memref<32xf32, #tpu.memory_space<vmem>>, vector<16xf32>,
      %get3A_1634 = vector.shape_cast %get3A_1633 : vector<16xf32> to vector<16xf32>
      %get3A_1635 = arith.constant 1 : index
      %get3A_1636 = tpu.vector_load %arg12[%get3A_1635] {strides = array<i32>} : memref<32xf32, #tpu.memory_space<vmem>>, vector<16xf32>,
      %get3A_1637 = vector.shape_cast %get3A_1636 : vector<16xf32> to vector<16xf32>
      %add3A_1638 = arith.addf %get3A_1634, %get3A_1637 : vector<16xf32>
      %eq3A_1639 = arith.constant 0 : i32
      %eq3A_1640 = vector.broadcast %eq3A_1639 : i32 to vector<16xi32>
      %eq3A_1641 = arith.cmpi eq, %iota3A, %eq3A_1640 : vector<16xi32>
      %select_n3A_1642 = arith.select %eq3A_1641, %add3A_1638, %broadcast_in_dim3A_1570 : vector<16xi1>, vector<16xf32>
      %broadcast_in_dim3A_1643 = arith.constant 0.000000e+00 : f32
      %broadcast_in_dim3A_1644 = vector.broadcast %broadcast_in_dim3A_1643 : f32 to vector<16xf32>
      %scan3A_1645 = arith.constant 0 : i32
      %scan3A_1646 = arith.constant 128 : i32
      %scan3A_1647 = arith.addi %scan3A_1645, %scan3A_1646 : i32
      %scan3A_1648 = arith.constant 1 : i32
      %scan3A_1649 = scf.for %scan3A_3143 = %scan3A_1645 to %scan3A_1647 step %scan3A_1648 iter_args(%scan3A_3144 = %broadcast_in_dim3A_1644) -> (vector<16xf32>)  : i32 {
        %mul3A = arith.constant 16 : i32
        %mul3A_3145 = arith.muli %scan3A_3143, %mul3A : i32
        %get3A_3146 = arith.constant 2 : i32
        %get3A_3147 = arith.index_cast %get3A_3146 : i32 to index
        %get3A_3148 = arith.index_cast %mul3A_3145 : i32 to index
        %get3A_3149 = tpu.vector_load %arg7[%get3A_3147, %get3A_3148] {strides = array<i32>} : memref<4x2048xf32, #tpu.memory_space<vmem>>, vector<1x16xf32>,
        %get3A_3150 = vector.shape_cast %get3A_3149 : vector<1x16xf32> to vector<16xf32>
        %get3A_3151 = arith.constant 1 : i32
        %get3A_3152 = arith.index_cast %get3A_3151 : i32 to index
        %get3A_3153 = arith.index_cast %mul3A_3145 : i32 to index
        %get3A_3154 = tpu.vector_load %arg8[%get3A_3152, %get3A_3153] {strides = array<i32>} : memref<9x2048xf32, #tpu.memory_space<vmem>>, vector<1x16xf32>,
        %get3A_3155 = vector.shape_cast %get3A_3154 : vector<1x16xf32> to vector<16xf32>
        %mul3A_3156 = arith.mulf %get3A_3150, %get3A_3155 : vector<16xf32>
        %add3A_3157 = arith.addf %scan3A_3144, %mul3A_3156 : vector<16xf32>
        scf.yield %add3A_3157 : vector<16xf32>
      }
      %scan3A_1650 = arith.constant 128 : i32
      %swap3A_1651 = arith.constant 0 : index
      %swap3A_1652 = tpu.vector_load %arg12[%swap3A_1651] {strides = array<i32>} : memref<32xf32, #tpu.memory_space<vmem>>, vector<16xf32>,
      %swap3A_1653 = vector.shape_cast %swap3A_1652 : vector<16xf32> to vector<16xf32>
      %swap3A_1654 = vector.shape_cast %scan3A_1649 : vector<16xf32> to vector<16xf32>
      tpu.vector_store %arg12[%swap3A_1651], %swap3A_1654 {strides = array<i32>} : memref<32xf32, #tpu.memory_space<vmem>>, vector<16xf32>,
      %swap3A_1655 = arith.constant 16 : index
      %swap3A_1656 = tpu.vector_load %arg12[%swap3A_1655] {strides = array<i32>} : memref<32xf32, #tpu.memory_space<vmem>>, vector<16xf32>,
      %swap3A_1657 = vector.shape_cast %swap3A_1656 : vector<16xf32> to vector<16xf32>
      %swap3A_1658 = vector.shape_cast %scan3A_1649 : vector<16xf32> to vector<16xf32>
      tpu.vector_store %arg12[%swap3A_1655], %swap3A_1658 {strides = array<i32>} : memref<32xf32, #tpu.memory_space<vmem>>, vector<16xf32>,
      %get3A_1659 = arith.constant 0 : index
      %get3A_1660 = tpu.vector_load %arg12[%get3A_1659] {strides = array<i32>} : memref<32xf32, #tpu.memory_space<vmem>>, vector<16xf32>,
      %get3A_1661 = vector.shape_cast %get3A_1660 : vector<16xf32> to vector<16xf32>
      %get3A_1662 = arith.constant 8 : index
      %get3A_1663 = tpu.vector_load %arg12[%get3A_1662] {strides = array<i32>} : memref<32xf32, #tpu.memory_space<vmem>>, vector<16xf32>,
      %get3A_1664 = vector.shape_cast %get3A_1663 : vector<16xf32> to vector<16xf32>
      %add3A_1665 = arith.addf %get3A_1661, %get3A_1664 : vector<16xf32>
      %swap3A_1666 = arith.constant 0 : index
      %swap3A_1667 = tpu.vector_load %arg12[%swap3A_1666] {strides = array<i32>} : memref<32xf32, #tpu.memory_space<vmem>>, vector<16xf32>,
      %swap3A_1668 = vector.shape_cast %swap3A_1667 : vector<16xf32> to vector<16xf32>
      %swap3A_1669 = vector.shape_cast %add3A_1665 : vector<16xf32> to vector<16xf32>
      tpu.vector_store %arg12[%swap3A_1666], %swap3A_1669 {strides = array<i32>} : memref<32xf32, #tpu.memory_space<vmem>>, vector<16xf32>,
      %swap3A_1670 = arith.constant 16 : index
      %swap3A_1671 = tpu.vector_load %arg12[%swap3A_1670] {strides = array<i32>} : memref<32xf32, #tpu.memory_space<vmem>>, vector<16xf32>,
      %swap3A_1672 = vector.shape_cast %swap3A_1671 : vector<16xf32> to vector<16xf32>
      %swap3A_1673 = vector.shape_cast %add3A_1665 : vector<16xf32> to vector<16xf32>
      tpu.vector_store %arg12[%swap3A_1670], %swap3A_1673 {strides = array<i32>} : memref<32xf32, #tpu.memory_space<vmem>>, vector<16xf32>,
      %get3A_1674 = arith.constant 0 : index
      %get3A_1675 = tpu.vector_load %arg12[%get3A_1674] {strides = array<i32>} : memref<32xf32, #tpu.memory_space<vmem>>, vector<16xf32>,
      %get3A_1676 = vector.shape_cast %get3A_1675 : vector<16xf32> to vector<16xf32>
      %get3A_1677 = arith.constant 4 : index
      %get3A_1678 = tpu.vector_load %arg12[%get3A_1677] {strides = array<i32>} : memref<32xf32, #tpu.memory_space<vmem>>, vector<16xf32>,
      %get3A_1679 = vector.shape_cast %get3A_1678 : vector<16xf32> to vector<16xf32>
      %add3A_1680 = arith.addf %get3A_1676, %get3A_1679 : vector<16xf32>
      %swap3A_1681 = arith.constant 0 : index
      %swap3A_1682 = tpu.vector_load %arg12[%swap3A_1681] {strides = array<i32>} : memref<32xf32, #tpu.memory_space<vmem>>, vector<16xf32>,
      %swap3A_1683 = vector.shape_cast %swap3A_1682 : vector<16xf32> to vector<16xf32>
      %swap3A_1684 = vector.shape_cast %add3A_1680 : vector<16xf32> to vector<16xf32>
      tpu.vector_store %arg12[%swap3A_1681], %swap3A_1684 {strides = array<i32>} : memref<32xf32, #tpu.memory_space<vmem>>, vector<16xf32>,
      %swap3A_1685 = arith.constant 16 : index
      %swap3A_1686 = tpu.vector_load %arg12[%swap3A_1685] {strides = array<i32>} : memref<32xf32, #tpu.memory_space<vmem>>, vector<16xf32>,
      %swap3A_1687 = vector.shape_cast %swap3A_1686 : vector<16xf32> to vector<16xf32>
      %swap3A_1688 = vector.shape_cast %add3A_1680 : vector<16xf32> to vector<16xf32>
      tpu.vector_store %arg12[%swap3A_1685], %swap3A_1688 {strides = array<i32>} : memref<32xf32, #tpu.memory_space<vmem>>, vector<16xf32>,
      %get3A_1689 = arith.constant 0 : index
      %get3A_1690 = tpu.vector_load %arg12[%get3A_1689] {strides = array<i32>} : memref<32xf32, #tpu.memory_space<vmem>>, vector<16xf32>,
      %get3A_1691 = vector.shape_cast %get3A_1690 : vector<16xf32> to vector<16xf32>
      %get3A_1692 = arith.constant 2 : index
      %get3A_1693 = tpu.vector_load %arg12[%get3A_1692] {strides = array<i32>} : memref<32xf32, #tpu.memory_space<vmem>>, vector<16xf32>,
      %get3A_1694 = vector.shape_cast %get3A_1693 : vector<16xf32> to vector<16xf32>
      %add3A_1695 = arith.addf %get3A_1691, %get3A_1694 : vector<16xf32>
      %swap3A_1696 = arith.constant 0 : index
      %swap3A_1697 = tpu.vector_load %arg12[%swap3A_1696] {strides = array<i32>} : memref<32xf32, #tpu.memory_space<vmem>>, vector<16xf32>,
      %swap3A_1698 = vector.shape_cast %swap3A_1697 : vector<16xf32> to vector<16xf32>
      %swap3A_1699 = vector.shape_cast %add3A_1695 : vector<16xf32> to vector<16xf32>
      tpu.vector_store %arg12[%swap3A_1696], %swap3A_1699 {strides = array<i32>} : memref<32xf32, #tpu.memory_space<vmem>>, vector<16xf32>,
      %swap3A_1700 = arith.constant 16 : index
      %swap3A_1701 = tpu.vector_load %arg12[%swap3A_1700] {strides = array<i32>} : memref<32xf32, #tpu.memory_space<vmem>>, vector<16xf32>,
      %swap3A_1702 = vector.shape_cast %swap3A_1701 : vector<16xf32> to vector<16xf32>
      %swap3A_1703 = vector.shape_cast %add3A_1695 : vector<16xf32> to vector<16xf32>
      tpu.vector_store %arg12[%swap3A_1700], %swap3A_1703 {strides = array<i32>} : memref<32xf32, #tpu.memory_space<vmem>>, vector<16xf32>,
      %get3A_1704 = arith.constant 0 : index
      %get3A_1705 = tpu.vector_load %arg12[%get3A_1704] {strides = array<i32>} : memref<32xf32, #tpu.memory_space<vmem>>, vector<16xf32>,
      %get3A_1706 = vector.shape_cast %get3A_1705 : vector<16xf32> to vector<16xf32>
      %get3A_1707 = arith.constant 1 : index
      %get3A_1708 = tpu.vector_load %arg12[%get3A_1707] {strides = array<i32>} : memref<32xf32, #tpu.memory_space<vmem>>, vector<16xf32>,
      %get3A_1709 = vector.shape_cast %get3A_1708 : vector<16xf32> to vector<16xf32>
      %add3A_1710 = arith.addf %get3A_1706, %get3A_1709 : vector<16xf32>
      %eq3A_1711 = arith.constant 1 : i32
      %eq3A_1712 = vector.broadcast %eq3A_1711 : i32 to vector<16xi32>
      %eq3A_1713 = arith.cmpi eq, %iota3A, %eq3A_1712 : vector<16xi32>
      %select_n3A_1714 = arith.select %eq3A_1713, %add3A_1710, %select_n3A_1642 : vector<16xi1>, vector<16xf32>
      %broadcast_in_dim3A_1715 = arith.constant 0.000000e+00 : f32
      %broadcast_in_dim3A_1716 = vector.broadcast %broadcast_in_dim3A_1715 : f32 to vector<16xf32>
      %scan3A_1717 = arith.constant 0 : i32
      %scan3A_1718 = arith.constant 128 : i32
      %scan3A_1719 = arith.addi %scan3A_1717, %scan3A_1718 : i32
      %scan3A_1720 = arith.constant 1 : i32
      %scan3A_1721 = scf.for %scan3A_3143 = %scan3A_1717 to %scan3A_1719 step %scan3A_1720 iter_args(%scan3A_3144 = %broadcast_in_dim3A_1716) -> (vector<16xf32>)  : i32 {
        %mul3A = arith.constant 16 : i32
        %mul3A_3145 = arith.muli %scan3A_3143, %mul3A : i32
        %get3A_3146 = arith.constant 2 : i32
        %get3A_3147 = arith.index_cast %get3A_3146 : i32 to index
        %get3A_3148 = arith.index_cast %mul3A_3145 : i32 to index
        %get3A_3149 = tpu.vector_load %arg7[%get3A_3147, %get3A_3148] {strides = array<i32>} : memref<4x2048xf32, #tpu.memory_space<vmem>>, vector<1x16xf32>,
        %get3A_3150 = vector.shape_cast %get3A_3149 : vector<1x16xf32> to vector<16xf32>
        %get3A_3151 = arith.constant 2 : i32
        %get3A_3152 = arith.index_cast %get3A_3151 : i32 to index
        %get3A_3153 = arith.index_cast %mul3A_3145 : i32 to index
        %get3A_3154 = tpu.vector_load %arg8[%get3A_3152, %get3A_3153] {strides = array<i32>} : memref<9x2048xf32, #tpu.memory_space<vmem>>, vector<1x16xf32>,
        %get3A_3155 = vector.shape_cast %get3A_3154 : vector<1x16xf32> to vector<16xf32>
        %mul3A_3156 = arith.mulf %get3A_3150, %get3A_3155 : vector<16xf32>
        %add3A_3157 = arith.addf %scan3A_3144, %mul3A_3156 : vector<16xf32>
        scf.yield %add3A_3157 : vector<16xf32>
      }
      %scan3A_1722 = arith.constant 128 : i32
      %swap3A_1723 = arith.constant 0 : index
      %swap3A_1724 = tpu.vector_load %arg12[%swap3A_1723] {strides = array<i32>} : memref<32xf32, #tpu.memory_space<vmem>>, vector<16xf32>,
      %swap3A_1725 = vector.shape_cast %swap3A_1724 : vector<16xf32> to vector<16xf32>
      %swap3A_1726 = vector.shape_cast %scan3A_1721 : vector<16xf32> to vector<16xf32>
      tpu.vector_store %arg12[%swap3A_1723], %swap3A_1726 {strides = array<i32>} : memref<32xf32, #tpu.memory_space<vmem>>, vector<16xf32>,
      %swap3A_1727 = arith.constant 16 : index
      %swap3A_1728 = tpu.vector_load %arg12[%swap3A_1727] {strides = array<i32>} : memref<32xf32, #tpu.memory_space<vmem>>, vector<16xf32>,
      %swap3A_1729 = vector.shape_cast %swap3A_1728 : vector<16xf32> to vector<16xf32>
      %swap3A_1730 = vector.shape_cast %scan3A_1721 : vector<16xf32> to vector<16xf32>
      tpu.vector_store %arg12[%swap3A_1727], %swap3A_1730 {strides = array<i32>} : memref<32xf32, #tpu.memory_space<vmem>>, vector<16xf32>,
      %get3A_1731 = arith.constant 0 : index
      %get3A_1732 = tpu.vector_load %arg12[%get3A_1731] {strides = array<i32>} : memref<32xf32, #tpu.memory_space<vmem>>, vector<16xf32>,
      %get3A_1733 = vector.shape_cast %get3A_1732 : vector<16xf32> to vector<16xf32>
      %get3A_1734 = arith.constant 8 : index
      %get3A_1735 = tpu.vector_load %arg12[%get3A_1734] {strides = array<i32>} : memref<32xf32, #tpu.memory_space<vmem>>, vector<16xf32>,
      %get3A_1736 = vector.shape_cast %get3A_1735 : vector<16xf32> to vector<16xf32>
      %add3A_1737 = arith.addf %get3A_1733, %get3A_1736 : vector<16xf32>
      %swap3A_1738 = arith.constant 0 : index
      %swap3A_1739 = tpu.vector_load %arg12[%swap3A_1738] {strides = array<i32>} : memref<32xf32, #tpu.memory_space<vmem>>, vector<16xf32>,
      %swap3A_1740 = vector.shape_cast %swap3A_1739 : vector<16xf32> to vector<16xf32>
      %swap3A_1741 = vector.shape_cast %add3A_1737 : vector<16xf32> to vector<16xf32>
      tpu.vector_store %arg12[%swap3A_1738], %swap3A_1741 {strides = array<i32>} : memref<32xf32, #tpu.memory_space<vmem>>, vector<16xf32>,
      %swap3A_1742 = arith.constant 16 : index
      %swap3A_1743 = tpu.vector_load %arg12[%swap3A_1742] {strides = array<i32>} : memref<32xf32, #tpu.memory_space<vmem>>, vector<16xf32>,
      %swap3A_1744 = vector.shape_cast %swap3A_1743 : vector<16xf32> to vector<16xf32>
      %swap3A_1745 = vector.shape_cast %add3A_1737 : vector<16xf32> to vector<16xf32>
      tpu.vector_store %arg12[%swap3A_1742], %swap3A_1745 {strides = array<i32>} : memref<32xf32, #tpu.memory_space<vmem>>, vector<16xf32>,
      %get3A_1746 = arith.constant 0 : index
      %get3A_1747 = tpu.vector_load %arg12[%get3A_1746] {strides = array<i32>} : memref<32xf32, #tpu.memory_space<vmem>>, vector<16xf32>,
      %get3A_1748 = vector.shape_cast %get3A_1747 : vector<16xf32> to vector<16xf32>
      %get3A_1749 = arith.constant 4 : index
      %get3A_1750 = tpu.vector_load %arg12[%get3A_1749] {strides = array<i32>} : memref<32xf32, #tpu.memory_space<vmem>>, vector<16xf32>,
      %get3A_1751 = vector.shape_cast %get3A_1750 : vector<16xf32> to vector<16xf32>
      %add3A_1752 = arith.addf %get3A_1748, %get3A_1751 : vector<16xf32>
      %swap3A_1753 = arith.constant 0 : index
      %swap3A_1754 = tpu.vector_load %arg12[%swap3A_1753] {strides = array<i32>} : memref<32xf32, #tpu.memory_space<vmem>>, vector<16xf32>,
      %swap3A_1755 = vector.shape_cast %swap3A_1754 : vector<16xf32> to vector<16xf32>
      %swap3A_1756 = vector.shape_cast %add3A_1752 : vector<16xf32> to vector<16xf32>
      tpu.vector_store %arg12[%swap3A_1753], %swap3A_1756 {strides = array<i32>} : memref<32xf32, #tpu.memory_space<vmem>>, vector<16xf32>,
      %swap3A_1757 = arith.constant 16 : index
      %swap3A_1758 = tpu.vector_load %arg12[%swap3A_1757] {strides = array<i32>} : memref<32xf32, #tpu.memory_space<vmem>>, vector<16xf32>,
      %swap3A_1759 = vector.shape_cast %swap3A_1758 : vector<16xf32> to vector<16xf32>
      %swap3A_1760 = vector.shape_cast %add3A_1752 : vector<16xf32> to vector<16xf32>
      tpu.vector_store %arg12[%swap3A_1757], %swap3A_1760 {strides = array<i32>} : memref<32xf32, #tpu.memory_space<vmem>>, vector<16xf32>,
      %get3A_1761 = arith.constant 0 : index
      %get3A_1762 = tpu.vector_load %arg12[%get3A_1761] {strides = array<i32>} : memref<32xf32, #tpu.memory_space<vmem>>, vector<16xf32>,
      %get3A_1763 = vector.shape_cast %get3A_1762 : vector<16xf32> to vector<16xf32>
      %get3A_1764 = arith.constant 2 : index
      %get3A_1765 = tpu.vector_load %arg12[%get3A_1764] {strides = array<i32>} : memref<32xf32, #tpu.memory_space<vmem>>, vector<16xf32>,
      %get3A_1766 = vector.shape_cast %get3A_1765 : vector<16xf32> to vector<16xf32>
      %add3A_1767 = arith.addf %get3A_1763, %get3A_1766 : vector<16xf32>
      %swap3A_1768 = arith.constant 0 : index
      %swap3A_1769 = tpu.vector_load %arg12[%swap3A_1768] {strides = array<i32>} : memref<32xf32, #tpu.memory_space<vmem>>, vector<16xf32>,
      %swap3A_1770 = vector.shape_cast %swap3A_1769 : vector<16xf32> to vector<16xf32>
      %swap3A_1771 = vector.shape_cast %add3A_1767 : vector<16xf32> to vector<16xf32>
      tpu.vector_store %arg12[%swap3A_1768], %swap3A_1771 {strides = array<i32>} : memref<32xf32, #tpu.memory_space<vmem>>, vector<16xf32>,
      %swap3A_1772 = arith.constant 16 : index
      %swap3A_1773 = tpu.vector_load %arg12[%swap3A_1772] {strides = array<i32>} : memref<32xf32, #tpu.memory_space<vmem>>, vector<16xf32>,
      %swap3A_1774 = vector.shape_cast %swap3A_1773 : vector<16xf32> to vector<16xf32>
      %swap3A_1775 = vector.shape_cast %add3A_1767 : vector<16xf32> to vector<16xf32>
      tpu.vector_store %arg12[%swap3A_1772], %swap3A_1775 {strides = array<i32>} : memref<32xf32, #tpu.memory_space<vmem>>, vector<16xf32>,
      %get3A_1776 = arith.constant 0 : index
      %get3A_1777 = tpu.vector_load %arg12[%get3A_1776] {strides = array<i32>} : memref<32xf32, #tpu.memory_space<vmem>>, vector<16xf32>,
      %get3A_1778 = vector.shape_cast %get3A_1777 : vector<16xf32> to vector<16xf32>
      %get3A_1779 = arith.constant 1 : index
      %get3A_1780 = tpu.vector_load %arg12[%get3A_1779] {strides = array<i32>} : memref<32xf32, #tpu.memory_space<vmem>>, vector<16xf32>,
      %get3A_1781 = vector.shape_cast %get3A_1780 : vector<16xf32> to vector<16xf32>
      %add3A_1782 = arith.addf %get3A_1778, %get3A_1781 : vector<16xf32>
      %eq3A_1783 = arith.constant 2 : i32
      %eq3A_1784 = vector.broadcast %eq3A_1783 : i32 to vector<16xi32>
      %eq3A_1785 = arith.cmpi eq, %iota3A, %eq3A_1784 : vector<16xi32>
      %select_n3A_1786 = arith.select %eq3A_1785, %add3A_1782, %select_n3A_1714 : vector<16xi1>, vector<16xf32>
      %broadcast_in_dim3A_1787 = arith.constant 0.000000e+00 : f32
      %broadcast_in_dim3A_1788 = vector.broadcast %broadcast_in_dim3A_1787 : f32 to vector<16xf32>
      %scan3A_1789 = arith.constant 0 : i32
      %scan3A_1790 = arith.constant 128 : i32
      %scan3A_1791 = arith.addi %scan3A_1789, %scan3A_1790 : i32
      %scan3A_1792 = arith.constant 1 : i32
      %scan3A_1793 = scf.for %scan3A_3143 = %scan3A_1789 to %scan3A_1791 step %scan3A_1792 iter_args(%scan3A_3144 = %broadcast_in_dim3A_1788) -> (vector<16xf32>)  : i32 {
        %mul3A = arith.constant 16 : i32
        %mul3A_3145 = arith.muli %scan3A_3143, %mul3A : i32
        %get3A_3146 = arith.constant 2 : i32
        %get3A_3147 = arith.index_cast %get3A_3146 : i32 to index
        %get3A_3148 = arith.index_cast %mul3A_3145 : i32 to index
        %get3A_3149 = tpu.vector_load %arg7[%get3A_3147, %get3A_3148] {strides = array<i32>} : memref<4x2048xf32, #tpu.memory_space<vmem>>, vector<1x16xf32>,
        %get3A_3150 = vector.shape_cast %get3A_3149 : vector<1x16xf32> to vector<16xf32>
        %get3A_3151 = arith.constant 3 : i32
        %get3A_3152 = arith.index_cast %get3A_3151 : i32 to index
        %get3A_3153 = arith.index_cast %mul3A_3145 : i32 to index
        %get3A_3154 = tpu.vector_load %arg8[%get3A_3152, %get3A_3153] {strides = array<i32>} : memref<9x2048xf32, #tpu.memory_space<vmem>>, vector<1x16xf32>,
        %get3A_3155 = vector.shape_cast %get3A_3154 : vector<1x16xf32> to vector<16xf32>
        %mul3A_3156 = arith.mulf %get3A_3150, %get3A_3155 : vector<16xf32>
        %add3A_3157 = arith.addf %scan3A_3144, %mul3A_3156 : vector<16xf32>
        scf.yield %add3A_3157 : vector<16xf32>
      }
      %scan3A_1794 = arith.constant 128 : i32
      %swap3A_1795 = arith.constant 0 : index
      %swap3A_1796 = tpu.vector_load %arg12[%swap3A_1795] {strides = array<i32>} : memref<32xf32, #tpu.memory_space<vmem>>, vector<16xf32>,
      %swap3A_1797 = vector.shape_cast %swap3A_1796 : vector<16xf32> to vector<16xf32>
      %swap3A_1798 = vector.shape_cast %scan3A_1793 : vector<16xf32> to vector<16xf32>
      tpu.vector_store %arg12[%swap3A_1795], %swap3A_1798 {strides = array<i32>} : memref<32xf32, #tpu.memory_space<vmem>>, vector<16xf32>,
      %swap3A_1799 = arith.constant 16 : index
      %swap3A_1800 = tpu.vector_load %arg12[%swap3A_1799] {strides = array<i32>} : memref<32xf32, #tpu.memory_space<vmem>>, vector<16xf32>,
      %swap3A_1801 = vector.shape_cast %swap3A_1800 : vector<16xf32> to vector<16xf32>
      %swap3A_1802 = vector.shape_cast %scan3A_1793 : vector<16xf32> to vector<16xf32>
      tpu.vector_store %arg12[%swap3A_1799], %swap3A_1802 {strides = array<i32>} : memref<32xf32, #tpu.memory_space<vmem>>, vector<16xf32>,
      %get3A_1803 = arith.constant 0 : index
      %get3A_1804 = tpu.vector_load %arg12[%get3A_1803] {strides = array<i32>} : memref<32xf32, #tpu.memory_space<vmem>>, vector<16xf32>,
      %get3A_1805 = vector.shape_cast %get3A_1804 : vector<16xf32> to vector<16xf32>
      %get3A_1806 = arith.constant 8 : index
      %get3A_1807 = tpu.vector_load %arg12[%get3A_1806] {strides = array<i32>} : memref<32xf32, #tpu.memory_space<vmem>>, vector<16xf32>,
      %get3A_1808 = vector.shape_cast %get3A_1807 : vector<16xf32> to vector<16xf32>
      %add3A_1809 = arith.addf %get3A_1805, %get3A_1808 : vector<16xf32>
      %swap3A_1810 = arith.constant 0 : index
      %swap3A_1811 = tpu.vector_load %arg12[%swap3A_1810] {strides = array<i32>} : memref<32xf32, #tpu.memory_space<vmem>>, vector<16xf32>,
      %swap3A_1812 = vector.shape_cast %swap3A_1811 : vector<16xf32> to vector<16xf32>
      %swap3A_1813 = vector.shape_cast %add3A_1809 : vector<16xf32> to vector<16xf32>
      tpu.vector_store %arg12[%swap3A_1810], %swap3A_1813 {strides = array<i32>} : memref<32xf32, #tpu.memory_space<vmem>>, vector<16xf32>,
      %swap3A_1814 = arith.constant 16 : index
      %swap3A_1815 = tpu.vector_load %arg12[%swap3A_1814] {strides = array<i32>} : memref<32xf32, #tpu.memory_space<vmem>>, vector<16xf32>,
      %swap3A_1816 = vector.shape_cast %swap3A_1815 : vector<16xf32> to vector<16xf32>
      %swap3A_1817 = vector.shape_cast %add3A_1809 : vector<16xf32> to vector<16xf32>
      tpu.vector_store %arg12[%swap3A_1814], %swap3A_1817 {strides = array<i32>} : memref<32xf32, #tpu.memory_space<vmem>>, vector<16xf32>,
      %get3A_1818 = arith.constant 0 : index
      %get3A_1819 = tpu.vector_load %arg12[%get3A_1818] {strides = array<i32>} : memref<32xf32, #tpu.memory_space<vmem>>, vector<16xf32>,
      %get3A_1820 = vector.shape_cast %get3A_1819 : vector<16xf32> to vector<16xf32>
      %get3A_1821 = arith.constant 4 : index
      %get3A_1822 = tpu.vector_load %arg12[%get3A_1821] {strides = array<i32>} : memref<32xf32, #tpu.memory_space<vmem>>, vector<16xf32>,
      %get3A_1823 = vector.shape_cast %get3A_1822 : vector<16xf32> to vector<16xf32>
      %add3A_1824 = arith.addf %get3A_1820, %get3A_1823 : vector<16xf32>
      %swap3A_1825 = arith.constant 0 : index
      %swap3A_1826 = tpu.vector_load %arg12[%swap3A_1825] {strides = array<i32>} : memref<32xf32, #tpu.memory_space<vmem>>, vector<16xf32>,
      %swap3A_1827 = vector.shape_cast %swap3A_1826 : vector<16xf32> to vector<16xf32>
      %swap3A_1828 = vector.shape_cast %add3A_1824 : vector<16xf32> to vector<16xf32>
      tpu.vector_store %arg12[%swap3A_1825], %swap3A_1828 {strides = array<i32>} : memref<32xf32, #tpu.memory_space<vmem>>, vector<16xf32>,
      %swap3A_1829 = arith.constant 16 : index
      %swap3A_1830 = tpu.vector_load %arg12[%swap3A_1829] {strides = array<i32>} : memref<32xf32, #tpu.memory_space<vmem>>, vector<16xf32>,
      %swap3A_1831 = vector.shape_cast %swap3A_1830 : vector<16xf32> to vector<16xf32>
      %swap3A_1832 = vector.shape_cast %add3A_1824 : vector<16xf32> to vector<16xf32>
      tpu.vector_store %arg12[%swap3A_1829], %swap3A_1832 {strides = array<i32>} : memref<32xf32, #tpu.memory_space<vmem>>, vector<16xf32>,
      %get3A_1833 = arith.constant 0 : index
      %get3A_1834 = tpu.vector_load %arg12[%get3A_1833] {strides = array<i32>} : memref<32xf32, #tpu.memory_space<vmem>>, vector<16xf32>,
      %get3A_1835 = vector.shape_cast %get3A_1834 : vector<16xf32> to vector<16xf32>
      %get3A_1836 = arith.constant 2 : index
      %get3A_1837 = tpu.vector_load %arg12[%get3A_1836] {strides = array<i32>} : memref<32xf32, #tpu.memory_space<vmem>>, vector<16xf32>,
      %get3A_1838 = vector.shape_cast %get3A_1837 : vector<16xf32> to vector<16xf32>
      %add3A_1839 = arith.addf %get3A_1835, %get3A_1838 : vector<16xf32>
      %swap3A_1840 = arith.constant 0 : index
      %swap3A_1841 = tpu.vector_load %arg12[%swap3A_1840] {strides = array<i32>} : memref<32xf32, #tpu.memory_space<vmem>>, vector<16xf32>,
      %swap3A_1842 = vector.shape_cast %swap3A_1841 : vector<16xf32> to vector<16xf32>
      %swap3A_1843 = vector.shape_cast %add3A_1839 : vector<16xf32> to vector<16xf32>
      tpu.vector_store %arg12[%swap3A_1840], %swap3A_1843 {strides = array<i32>} : memref<32xf32, #tpu.memory_space<vmem>>, vector<16xf32>,
      %swap3A_1844 = arith.constant 16 : index
      %swap3A_1845 = tpu.vector_load %arg12[%swap3A_1844] {strides = array<i32>} : memref<32xf32, #tpu.memory_space<vmem>>, vector<16xf32>,
      %swap3A_1846 = vector.shape_cast %swap3A_1845 : vector<16xf32> to vector<16xf32>
      %swap3A_1847 = vector.shape_cast %add3A_1839 : vector<16xf32> to vector<16xf32>
      tpu.vector_store %arg12[%swap3A_1844], %swap3A_1847 {strides = array<i32>} : memref<32xf32, #tpu.memory_space<vmem>>, vector<16xf32>,
      %get3A_1848 = arith.constant 0 : index
      %get3A_1849 = tpu.vector_load %arg12[%get3A_1848] {strides = array<i32>} : memref<32xf32, #tpu.memory_space<vmem>>, vector<16xf32>,
      %get3A_1850 = vector.shape_cast %get3A_1849 : vector<16xf32> to vector<16xf32>
      %get3A_1851 = arith.constant 1 : index
      %get3A_1852 = tpu.vector_load %arg12[%get3A_1851] {strides = array<i32>} : memref<32xf32, #tpu.memory_space<vmem>>, vector<16xf32>,
      %get3A_1853 = vector.shape_cast %get3A_1852 : vector<16xf32> to vector<16xf32>
      %add3A_1854 = arith.addf %get3A_1850, %get3A_1853 : vector<16xf32>
      %eq3A_1855 = arith.constant 3 : i32
      %eq3A_1856 = vector.broadcast %eq3A_1855 : i32 to vector<16xi32>
      %eq3A_1857 = arith.cmpi eq, %iota3A, %eq3A_1856 : vector<16xi32>
      %select_n3A_1858 = arith.select %eq3A_1857, %add3A_1854, %select_n3A_1786 : vector<16xi1>, vector<16xf32>
      %broadcast_in_dim3A_1859 = arith.constant 0.000000e+00 : f32
      %broadcast_in_dim3A_1860 = vector.broadcast %broadcast_in_dim3A_1859 : f32 to vector<16xf32>
      %scan3A_1861 = arith.constant 0 : i32
      %scan3A_1862 = arith.constant 128 : i32
      %scan3A_1863 = arith.addi %scan3A_1861, %scan3A_1862 : i32
      %scan3A_1864 = arith.constant 1 : i32
      %scan3A_1865 = scf.for %scan3A_3143 = %scan3A_1861 to %scan3A_1863 step %scan3A_1864 iter_args(%scan3A_3144 = %broadcast_in_dim3A_1860) -> (vector<16xf32>)  : i32 {
        %mul3A = arith.constant 16 : i32
        %mul3A_3145 = arith.muli %scan3A_3143, %mul3A : i32
        %get3A_3146 = arith.constant 2 : i32
        %get3A_3147 = arith.index_cast %get3A_3146 : i32 to index
        %get3A_3148 = arith.index_cast %mul3A_3145 : i32 to index
        %get3A_3149 = tpu.vector_load %arg7[%get3A_3147, %get3A_3148] {strides = array<i32>} : memref<4x2048xf32, #tpu.memory_space<vmem>>, vector<1x16xf32>,
        %get3A_3150 = vector.shape_cast %get3A_3149 : vector<1x16xf32> to vector<16xf32>
        %get3A_3151 = arith.constant 4 : i32
        %get3A_3152 = arith.index_cast %get3A_3151 : i32 to index
        %get3A_3153 = arith.index_cast %mul3A_3145 : i32 to index
        %get3A_3154 = tpu.vector_load %arg8[%get3A_3152, %get3A_3153] {strides = array<i32>} : memref<9x2048xf32, #tpu.memory_space<vmem>>, vector<1x16xf32>,
        %get3A_3155 = vector.shape_cast %get3A_3154 : vector<1x16xf32> to vector<16xf32>
        %mul3A_3156 = arith.mulf %get3A_3150, %get3A_3155 : vector<16xf32>
        %add3A_3157 = arith.addf %scan3A_3144, %mul3A_3156 : vector<16xf32>
        scf.yield %add3A_3157 : vector<16xf32>
      }
      %scan3A_1866 = arith.constant 128 : i32
      %swap3A_1867 = arith.constant 0 : index
      %swap3A_1868 = tpu.vector_load %arg12[%swap3A_1867] {strides = array<i32>} : memref<32xf32, #tpu.memory_space<vmem>>, vector<16xf32>,
      %swap3A_1869 = vector.shape_cast %swap3A_1868 : vector<16xf32> to vector<16xf32>
      %swap3A_1870 = vector.shape_cast %scan3A_1865 : vector<16xf32> to vector<16xf32>
      tpu.vector_store %arg12[%swap3A_1867], %swap3A_1870 {strides = array<i32>} : memref<32xf32, #tpu.memory_space<vmem>>, vector<16xf32>,
      %swap3A_1871 = arith.constant 16 : index
      %swap3A_1872 = tpu.vector_load %arg12[%swap3A_1871] {strides = array<i32>} : memref<32xf32, #tpu.memory_space<vmem>>, vector<16xf32>,
      %swap3A_1873 = vector.shape_cast %swap3A_1872 : vector<16xf32> to vector<16xf32>
      %swap3A_1874 = vector.shape_cast %scan3A_1865 : vector<16xf32> to vector<16xf32>
      tpu.vector_store %arg12[%swap3A_1871], %swap3A_1874 {strides = array<i32>} : memref<32xf32, #tpu.memory_space<vmem>>, vector<16xf32>,
      %get3A_1875 = arith.constant 0 : index
      %get3A_1876 = tpu.vector_load %arg12[%get3A_1875] {strides = array<i32>} : memref<32xf32, #tpu.memory_space<vmem>>, vector<16xf32>,
      %get3A_1877 = vector.shape_cast %get3A_1876 : vector<16xf32> to vector<16xf32>
      %get3A_1878 = arith.constant 8 : index
      %get3A_1879 = tpu.vector_load %arg12[%get3A_1878] {strides = array<i32>} : memref<32xf32, #tpu.memory_space<vmem>>, vector<16xf32>,
      %get3A_1880 = vector.shape_cast %get3A_1879 : vector<16xf32> to vector<16xf32>
      %add3A_1881 = arith.addf %get3A_1877, %get3A_1880 : vector<16xf32>
      %swap3A_1882 = arith.constant 0 : index
      %swap3A_1883 = tpu.vector_load %arg12[%swap3A_1882] {strides = array<i32>} : memref<32xf32, #tpu.memory_space<vmem>>, vector<16xf32>,
      %swap3A_1884 = vector.shape_cast %swap3A_1883 : vector<16xf32> to vector<16xf32>
      %swap3A_1885 = vector.shape_cast %add3A_1881 : vector<16xf32> to vector<16xf32>
      tpu.vector_store %arg12[%swap3A_1882], %swap3A_1885 {strides = array<i32>} : memref<32xf32, #tpu.memory_space<vmem>>, vector<16xf32>,
      %swap3A_1886 = arith.constant 16 : index
      %swap3A_1887 = tpu.vector_load %arg12[%swap3A_1886] {strides = array<i32>} : memref<32xf32, #tpu.memory_space<vmem>>, vector<16xf32>,
      %swap3A_1888 = vector.shape_cast %swap3A_1887 : vector<16xf32> to vector<16xf32>
      %swap3A_1889 = vector.shape_cast %add3A_1881 : vector<16xf32> to vector<16xf32>
      tpu.vector_store %arg12[%swap3A_1886], %swap3A_1889 {strides = array<i32>} : memref<32xf32, #tpu.memory_space<vmem>>, vector<16xf32>,
      %get3A_1890 = arith.constant 0 : index
      %get3A_1891 = tpu.vector_load %arg12[%get3A_1890] {strides = array<i32>} : memref<32xf32, #tpu.memory_space<vmem>>, vector<16xf32>,
      %get3A_1892 = vector.shape_cast %get3A_1891 : vector<16xf32> to vector<16xf32>
      %get3A_1893 = arith.constant 4 : index
      %get3A_1894 = tpu.vector_load %arg12[%get3A_1893] {strides = array<i32>} : memref<32xf32, #tpu.memory_space<vmem>>, vector<16xf32>,
      %get3A_1895 = vector.shape_cast %get3A_1894 : vector<16xf32> to vector<16xf32>
      %add3A_1896 = arith.addf %get3A_1892, %get3A_1895 : vector<16xf32>
      %swap3A_1897 = arith.constant 0 : index
      %swap3A_1898 = tpu.vector_load %arg12[%swap3A_1897] {strides = array<i32>} : memref<32xf32, #tpu.memory_space<vmem>>, vector<16xf32>,
      %swap3A_1899 = vector.shape_cast %swap3A_1898 : vector<16xf32> to vector<16xf32>
      %swap3A_1900 = vector.shape_cast %add3A_1896 : vector<16xf32> to vector<16xf32>
      tpu.vector_store %arg12[%swap3A_1897], %swap3A_1900 {strides = array<i32>} : memref<32xf32, #tpu.memory_space<vmem>>, vector<16xf32>,
      %swap3A_1901 = arith.constant 16 : index
      %swap3A_1902 = tpu.vector_load %arg12[%swap3A_1901] {strides = array<i32>} : memref<32xf32, #tpu.memory_space<vmem>>, vector<16xf32>,
      %swap3A_1903 = vector.shape_cast %swap3A_1902 : vector<16xf32> to vector<16xf32>
      %swap3A_1904 = vector.shape_cast %add3A_1896 : vector<16xf32> to vector<16xf32>
      tpu.vector_store %arg12[%swap3A_1901], %swap3A_1904 {strides = array<i32>} : memref<32xf32, #tpu.memory_space<vmem>>, vector<16xf32>,
      %get3A_1905 = arith.constant 0 : index
      %get3A_1906 = tpu.vector_load %arg12[%get3A_1905] {strides = array<i32>} : memref<32xf32, #tpu.memory_space<vmem>>, vector<16xf32>,
      %get3A_1907 = vector.shape_cast %get3A_1906 : vector<16xf32> to vector<16xf32>
      %get3A_1908 = arith.constant 2 : index
      %get3A_1909 = tpu.vector_load %arg12[%get3A_1908] {strides = array<i32>} : memref<32xf32, #tpu.memory_space<vmem>>, vector<16xf32>,
      %get3A_1910 = vector.shape_cast %get3A_1909 : vector<16xf32> to vector<16xf32>
      %add3A_1911 = arith.addf %get3A_1907, %get3A_1910 : vector<16xf32>
      %swap3A_1912 = arith.constant 0 : index
      %swap3A_1913 = tpu.vector_load %arg12[%swap3A_1912] {strides = array<i32>} : memref<32xf32, #tpu.memory_space<vmem>>, vector<16xf32>,
      %swap3A_1914 = vector.shape_cast %swap3A_1913 : vector<16xf32> to vector<16xf32>
      %swap3A_1915 = vector.shape_cast %add3A_1911 : vector<16xf32> to vector<16xf32>
      tpu.vector_store %arg12[%swap3A_1912], %swap3A_1915 {strides = array<i32>} : memref<32xf32, #tpu.memory_space<vmem>>, vector<16xf32>,
      %swap3A_1916 = arith.constant 16 : index
      %swap3A_1917 = tpu.vector_load %arg12[%swap3A_1916] {strides = array<i32>} : memref<32xf32, #tpu.memory_space<vmem>>, vector<16xf32>,
      %swap3A_1918 = vector.shape_cast %swap3A_1917 : vector<16xf32> to vector<16xf32>
      %swap3A_1919 = vector.shape_cast %add3A_1911 : vector<16xf32> to vector<16xf32>
      tpu.vector_store %arg12[%swap3A_1916], %swap3A_1919 {strides = array<i32>} : memref<32xf32, #tpu.memory_space<vmem>>, vector<16xf32>,
      %get3A_1920 = arith.constant 0 : index
      %get3A_1921 = tpu.vector_load %arg12[%get3A_1920] {strides = array<i32>} : memref<32xf32, #tpu.memory_space<vmem>>, vector<16xf32>,
      %get3A_1922 = vector.shape_cast %get3A_1921 : vector<16xf32> to vector<16xf32>
      %get3A_1923 = arith.constant 1 : index
      %get3A_1924 = tpu.vector_load %arg12[%get3A_1923] {strides = array<i32>} : memref<32xf32, #tpu.memory_space<vmem>>, vector<16xf32>,
      %get3A_1925 = vector.shape_cast %get3A_1924 : vector<16xf32> to vector<16xf32>
      %add3A_1926 = arith.addf %get3A_1922, %get3A_1925 : vector<16xf32>
      %eq3A_1927 = arith.constant 4 : i32
      %eq3A_1928 = vector.broadcast %eq3A_1927 : i32 to vector<16xi32>
      %eq3A_1929 = arith.cmpi eq, %iota3A, %eq3A_1928 : vector<16xi32>
      %select_n3A_1930 = arith.select %eq3A_1929, %add3A_1926, %select_n3A_1858 : vector<16xi1>, vector<16xf32>
      %broadcast_in_dim3A_1931 = arith.constant 0.000000e+00 : f32
      %broadcast_in_dim3A_1932 = vector.broadcast %broadcast_in_dim3A_1931 : f32 to vector<16xf32>
      %scan3A_1933 = arith.constant 0 : i32
      %scan3A_1934 = arith.constant 128 : i32
      %scan3A_1935 = arith.addi %scan3A_1933, %scan3A_1934 : i32
      %scan3A_1936 = arith.constant 1 : i32
      %scan3A_1937 = scf.for %scan3A_3143 = %scan3A_1933 to %scan3A_1935 step %scan3A_1936 iter_args(%scan3A_3144 = %broadcast_in_dim3A_1932) -> (vector<16xf32>)  : i32 {
        %mul3A = arith.constant 16 : i32
        %mul3A_3145 = arith.muli %scan3A_3143, %mul3A : i32
        %get3A_3146 = arith.constant 2 : i32
        %get3A_3147 = arith.index_cast %get3A_3146 : i32 to index
        %get3A_3148 = arith.index_cast %mul3A_3145 : i32 to index
        %get3A_3149 = tpu.vector_load %arg7[%get3A_3147, %get3A_3148] {strides = array<i32>} : memref<4x2048xf32, #tpu.memory_space<vmem>>, vector<1x16xf32>,
        %get3A_3150 = vector.shape_cast %get3A_3149 : vector<1x16xf32> to vector<16xf32>
        %get3A_3151 = arith.constant 5 : i32
        %get3A_3152 = arith.index_cast %get3A_3151 : i32 to index
        %get3A_3153 = arith.index_cast %mul3A_3145 : i32 to index
        %get3A_3154 = tpu.vector_load %arg8[%get3A_3152, %get3A_3153] {strides = array<i32>} : memref<9x2048xf32, #tpu.memory_space<vmem>>, vector<1x16xf32>,
        %get3A_3155 = vector.shape_cast %get3A_3154 : vector<1x16xf32> to vector<16xf32>
        %mul3A_3156 = arith.mulf %get3A_3150, %get3A_3155 : vector<16xf32>
        %add3A_3157 = arith.addf %scan3A_3144, %mul3A_3156 : vector<16xf32>
        scf.yield %add3A_3157 : vector<16xf32>
      }
      %scan3A_1938 = arith.constant 128 : i32
      %swap3A_1939 = arith.constant 0 : index
      %swap3A_1940 = tpu.vector_load %arg12[%swap3A_1939] {strides = array<i32>} : memref<32xf32, #tpu.memory_space<vmem>>, vector<16xf32>,
      %swap3A_1941 = vector.shape_cast %swap3A_1940 : vector<16xf32> to vector<16xf32>
      %swap3A_1942 = vector.shape_cast %scan3A_1937 : vector<16xf32> to vector<16xf32>
      tpu.vector_store %arg12[%swap3A_1939], %swap3A_1942 {strides = array<i32>} : memref<32xf32, #tpu.memory_space<vmem>>, vector<16xf32>,
      %swap3A_1943 = arith.constant 16 : index
      %swap3A_1944 = tpu.vector_load %arg12[%swap3A_1943] {strides = array<i32>} : memref<32xf32, #tpu.memory_space<vmem>>, vector<16xf32>,
      %swap3A_1945 = vector.shape_cast %swap3A_1944 : vector<16xf32> to vector<16xf32>
      %swap3A_1946 = vector.shape_cast %scan3A_1937 : vector<16xf32> to vector<16xf32>
      tpu.vector_store %arg12[%swap3A_1943], %swap3A_1946 {strides = array<i32>} : memref<32xf32, #tpu.memory_space<vmem>>, vector<16xf32>,
      %get3A_1947 = arith.constant 0 : index
      %get3A_1948 = tpu.vector_load %arg12[%get3A_1947] {strides = array<i32>} : memref<32xf32, #tpu.memory_space<vmem>>, vector<16xf32>,
      %get3A_1949 = vector.shape_cast %get3A_1948 : vector<16xf32> to vector<16xf32>
      %get3A_1950 = arith.constant 8 : index
      %get3A_1951 = tpu.vector_load %arg12[%get3A_1950] {strides = array<i32>} : memref<32xf32, #tpu.memory_space<vmem>>, vector<16xf32>,
      %get3A_1952 = vector.shape_cast %get3A_1951 : vector<16xf32> to vector<16xf32>
      %add3A_1953 = arith.addf %get3A_1949, %get3A_1952 : vector<16xf32>
      %swap3A_1954 = arith.constant 0 : index
      %swap3A_1955 = tpu.vector_load %arg12[%swap3A_1954] {strides = array<i32>} : memref<32xf32, #tpu.memory_space<vmem>>, vector<16xf32>,
      %swap3A_1956 = vector.shape_cast %swap3A_1955 : vector<16xf32> to vector<16xf32>
      %swap3A_1957 = vector.shape_cast %add3A_1953 : vector<16xf32> to vector<16xf32>
      tpu.vector_store %arg12[%swap3A_1954], %swap3A_1957 {strides = array<i32>} : memref<32xf32, #tpu.memory_space<vmem>>, vector<16xf32>,
      %swap3A_1958 = arith.constant 16 : index
      %swap3A_1959 = tpu.vector_load %arg12[%swap3A_1958] {strides = array<i32>} : memref<32xf32, #tpu.memory_space<vmem>>, vector<16xf32>,
      %swap3A_1960 = vector.shape_cast %swap3A_1959 : vector<16xf32> to vector<16xf32>
      %swap3A_1961 = vector.shape_cast %add3A_1953 : vector<16xf32> to vector<16xf32>
      tpu.vector_store %arg12[%swap3A_1958], %swap3A_1961 {strides = array<i32>} : memref<32xf32, #tpu.memory_space<vmem>>, vector<16xf32>,
      %get3A_1962 = arith.constant 0 : index
      %get3A_1963 = tpu.vector_load %arg12[%get3A_1962] {strides = array<i32>} : memref<32xf32, #tpu.memory_space<vmem>>, vector<16xf32>,
      %get3A_1964 = vector.shape_cast %get3A_1963 : vector<16xf32> to vector<16xf32>
      %get3A_1965 = arith.constant 4 : index
      %get3A_1966 = tpu.vector_load %arg12[%get3A_1965] {strides = array<i32>} : memref<32xf32, #tpu.memory_space<vmem>>, vector<16xf32>,
      %get3A_1967 = vector.shape_cast %get3A_1966 : vector<16xf32> to vector<16xf32>
      %add3A_1968 = arith.addf %get3A_1964, %get3A_1967 : vector<16xf32>
      %swap3A_1969 = arith.constant 0 : index
      %swap3A_1970 = tpu.vector_load %arg12[%swap3A_1969] {strides = array<i32>} : memref<32xf32, #tpu.memory_space<vmem>>, vector<16xf32>,
      %swap3A_1971 = vector.shape_cast %swap3A_1970 : vector<16xf32> to vector<16xf32>
      %swap3A_1972 = vector.shape_cast %add3A_1968 : vector<16xf32> to vector<16xf32>
      tpu.vector_store %arg12[%swap3A_1969], %swap3A_1972 {strides = array<i32>} : memref<32xf32, #tpu.memory_space<vmem>>, vector<16xf32>,
      %swap3A_1973 = arith.constant 16 : index
      %swap3A_1974 = tpu.vector_load %arg12[%swap3A_1973] {strides = array<i32>} : memref<32xf32, #tpu.memory_space<vmem>>, vector<16xf32>,
      %swap3A_1975 = vector.shape_cast %swap3A_1974 : vector<16xf32> to vector<16xf32>
      %swap3A_1976 = vector.shape_cast %add3A_1968 : vector<16xf32> to vector<16xf32>
      tpu.vector_store %arg12[%swap3A_1973], %swap3A_1976 {strides = array<i32>} : memref<32xf32, #tpu.memory_space<vmem>>, vector<16xf32>,
      %get3A_1977 = arith.constant 0 : index
      %get3A_1978 = tpu.vector_load %arg12[%get3A_1977] {strides = array<i32>} : memref<32xf32, #tpu.memory_space<vmem>>, vector<16xf32>,
      %get3A_1979 = vector.shape_cast %get3A_1978 : vector<16xf32> to vector<16xf32>
      %get3A_1980 = arith.constant 2 : index
      %get3A_1981 = tpu.vector_load %arg12[%get3A_1980] {strides = array<i32>} : memref<32xf32, #tpu.memory_space<vmem>>, vector<16xf32>,
      %get3A_1982 = vector.shape_cast %get3A_1981 : vector<16xf32> to vector<16xf32>
      %add3A_1983 = arith.addf %get3A_1979, %get3A_1982 : vector<16xf32>
      %swap3A_1984 = arith.constant 0 : index
      %swap3A_1985 = tpu.vector_load %arg12[%swap3A_1984] {strides = array<i32>} : memref<32xf32, #tpu.memory_space<vmem>>, vector<16xf32>,
      %swap3A_1986 = vector.shape_cast %swap3A_1985 : vector<16xf32> to vector<16xf32>
      %swap3A_1987 = vector.shape_cast %add3A_1983 : vector<16xf32> to vector<16xf32>
      tpu.vector_store %arg12[%swap3A_1984], %swap3A_1987 {strides = array<i32>} : memref<32xf32, #tpu.memory_space<vmem>>, vector<16xf32>,
      %swap3A_1988 = arith.constant 16 : index
      %swap3A_1989 = tpu.vector_load %arg12[%swap3A_1988] {strides = array<i32>} : memref<32xf32, #tpu.memory_space<vmem>>, vector<16xf32>,
      %swap3A_1990 = vector.shape_cast %swap3A_1989 : vector<16xf32> to vector<16xf32>
      %swap3A_1991 = vector.shape_cast %add3A_1983 : vector<16xf32> to vector<16xf32>
      tpu.vector_store %arg12[%swap3A_1988], %swap3A_1991 {strides = array<i32>} : memref<32xf32, #tpu.memory_space<vmem>>, vector<16xf32>,
      %get3A_1992 = arith.constant 0 : index
      %get3A_1993 = tpu.vector_load %arg12[%get3A_1992] {strides = array<i32>} : memref<32xf32, #tpu.memory_space<vmem>>, vector<16xf32>,
      %get3A_1994 = vector.shape_cast %get3A_1993 : vector<16xf32> to vector<16xf32>
      %get3A_1995 = arith.constant 1 : index
      %get3A_1996 = tpu.vector_load %arg12[%get3A_1995] {strides = array<i32>} : memref<32xf32, #tpu.memory_space<vmem>>, vector<16xf32>,
      %get3A_1997 = vector.shape_cast %get3A_1996 : vector<16xf32> to vector<16xf32>
      %add3A_1998 = arith.addf %get3A_1994, %get3A_1997 : vector<16xf32>
      %eq3A_1999 = arith.constant 5 : i32
      %eq3A_2000 = vector.broadcast %eq3A_1999 : i32 to vector<16xi32>
      %eq3A_2001 = arith.cmpi eq, %iota3A, %eq3A_2000 : vector<16xi32>
      %select_n3A_2002 = arith.select %eq3A_2001, %add3A_1998, %select_n3A_1930 : vector<16xi1>, vector<16xf32>
      %broadcast_in_dim3A_2003 = arith.constant 0.000000e+00 : f32
      %broadcast_in_dim3A_2004 = vector.broadcast %broadcast_in_dim3A_2003 : f32 to vector<16xf32>
      %scan3A_2005 = arith.constant 0 : i32
      %scan3A_2006 = arith.constant 128 : i32
      %scan3A_2007 = arith.addi %scan3A_2005, %scan3A_2006 : i32
      %scan3A_2008 = arith.constant 1 : i32
      %scan3A_2009 = scf.for %scan3A_3143 = %scan3A_2005 to %scan3A_2007 step %scan3A_2008 iter_args(%scan3A_3144 = %broadcast_in_dim3A_2004) -> (vector<16xf32>)  : i32 {
        %mul3A = arith.constant 16 : i32
        %mul3A_3145 = arith.muli %scan3A_3143, %mul3A : i32
        %get3A_3146 = arith.constant 2 : i32
        %get3A_3147 = arith.index_cast %get3A_3146 : i32 to index
        %get3A_3148 = arith.index_cast %mul3A_3145 : i32 to index
        %get3A_3149 = tpu.vector_load %arg7[%get3A_3147, %get3A_3148] {strides = array<i32>} : memref<4x2048xf32, #tpu.memory_space<vmem>>, vector<1x16xf32>,
        %get3A_3150 = vector.shape_cast %get3A_3149 : vector<1x16xf32> to vector<16xf32>
        %get3A_3151 = arith.constant 6 : i32
        %get3A_3152 = arith.index_cast %get3A_3151 : i32 to index
        %get3A_3153 = arith.index_cast %mul3A_3145 : i32 to index
        %get3A_3154 = tpu.vector_load %arg8[%get3A_3152, %get3A_3153] {strides = array<i32>} : memref<9x2048xf32, #tpu.memory_space<vmem>>, vector<1x16xf32>,
        %get3A_3155 = vector.shape_cast %get3A_3154 : vector<1x16xf32> to vector<16xf32>
        %mul3A_3156 = arith.mulf %get3A_3150, %get3A_3155 : vector<16xf32>
        %add3A_3157 = arith.addf %scan3A_3144, %mul3A_3156 : vector<16xf32>
        scf.yield %add3A_3157 : vector<16xf32>
      }
      %scan3A_2010 = arith.constant 128 : i32
      %swap3A_2011 = arith.constant 0 : index
      %swap3A_2012 = tpu.vector_load %arg12[%swap3A_2011] {strides = array<i32>} : memref<32xf32, #tpu.memory_space<vmem>>, vector<16xf32>,
      %swap3A_2013 = vector.shape_cast %swap3A_2012 : vector<16xf32> to vector<16xf32>
      %swap3A_2014 = vector.shape_cast %scan3A_2009 : vector<16xf32> to vector<16xf32>
      tpu.vector_store %arg12[%swap3A_2011], %swap3A_2014 {strides = array<i32>} : memref<32xf32, #tpu.memory_space<vmem>>, vector<16xf32>,
      %swap3A_2015 = arith.constant 16 : index
      %swap3A_2016 = tpu.vector_load %arg12[%swap3A_2015] {strides = array<i32>} : memref<32xf32, #tpu.memory_space<vmem>>, vector<16xf32>,
      %swap3A_2017 = vector.shape_cast %swap3A_2016 : vector<16xf32> to vector<16xf32>
      %swap3A_2018 = vector.shape_cast %scan3A_2009 : vector<16xf32> to vector<16xf32>
      tpu.vector_store %arg12[%swap3A_2015], %swap3A_2018 {strides = array<i32>} : memref<32xf32, #tpu.memory_space<vmem>>, vector<16xf32>,
      %get3A_2019 = arith.constant 0 : index
      %get3A_2020 = tpu.vector_load %arg12[%get3A_2019] {strides = array<i32>} : memref<32xf32, #tpu.memory_space<vmem>>, vector<16xf32>,
      %get3A_2021 = vector.shape_cast %get3A_2020 : vector<16xf32> to vector<16xf32>
      %get3A_2022 = arith.constant 8 : index
      %get3A_2023 = tpu.vector_load %arg12[%get3A_2022] {strides = array<i32>} : memref<32xf32, #tpu.memory_space<vmem>>, vector<16xf32>,
      %get3A_2024 = vector.shape_cast %get3A_2023 : vector<16xf32> to vector<16xf32>
      %add3A_2025 = arith.addf %get3A_2021, %get3A_2024 : vector<16xf32>
      %swap3A_2026 = arith.constant 0 : index
      %swap3A_2027 = tpu.vector_load %arg12[%swap3A_2026] {strides = array<i32>} : memref<32xf32, #tpu.memory_space<vmem>>, vector<16xf32>,
      %swap3A_2028 = vector.shape_cast %swap3A_2027 : vector<16xf32> to vector<16xf32>
      %swap3A_2029 = vector.shape_cast %add3A_2025 : vector<16xf32> to vector<16xf32>
      tpu.vector_store %arg12[%swap3A_2026], %swap3A_2029 {strides = array<i32>} : memref<32xf32, #tpu.memory_space<vmem>>, vector<16xf32>,
      %swap3A_2030 = arith.constant 16 : index
      %swap3A_2031 = tpu.vector_load %arg12[%swap3A_2030] {strides = array<i32>} : memref<32xf32, #tpu.memory_space<vmem>>, vector<16xf32>,
      %swap3A_2032 = vector.shape_cast %swap3A_2031 : vector<16xf32> to vector<16xf32>
      %swap3A_2033 = vector.shape_cast %add3A_2025 : vector<16xf32> to vector<16xf32>
      tpu.vector_store %arg12[%swap3A_2030], %swap3A_2033 {strides = array<i32>} : memref<32xf32, #tpu.memory_space<vmem>>, vector<16xf32>,
      %get3A_2034 = arith.constant 0 : index
      %get3A_2035 = tpu.vector_load %arg12[%get3A_2034] {strides = array<i32>} : memref<32xf32, #tpu.memory_space<vmem>>, vector<16xf32>,
      %get3A_2036 = vector.shape_cast %get3A_2035 : vector<16xf32> to vector<16xf32>
      %get3A_2037 = arith.constant 4 : index
      %get3A_2038 = tpu.vector_load %arg12[%get3A_2037] {strides = array<i32>} : memref<32xf32, #tpu.memory_space<vmem>>, vector<16xf32>,
      %get3A_2039 = vector.shape_cast %get3A_2038 : vector<16xf32> to vector<16xf32>
      %add3A_2040 = arith.addf %get3A_2036, %get3A_2039 : vector<16xf32>
      %swap3A_2041 = arith.constant 0 : index
      %swap3A_2042 = tpu.vector_load %arg12[%swap3A_2041] {strides = array<i32>} : memref<32xf32, #tpu.memory_space<vmem>>, vector<16xf32>,
      %swap3A_2043 = vector.shape_cast %swap3A_2042 : vector<16xf32> to vector<16xf32>
      %swap3A_2044 = vector.shape_cast %add3A_2040 : vector<16xf32> to vector<16xf32>
      tpu.vector_store %arg12[%swap3A_2041], %swap3A_2044 {strides = array<i32>} : memref<32xf32, #tpu.memory_space<vmem>>, vector<16xf32>,
      %swap3A_2045 = arith.constant 16 : index
      %swap3A_2046 = tpu.vector_load %arg12[%swap3A_2045] {strides = array<i32>} : memref<32xf32, #tpu.memory_space<vmem>>, vector<16xf32>,
      %swap3A_2047 = vector.shape_cast %swap3A_2046 : vector<16xf32> to vector<16xf32>
      %swap3A_2048 = vector.shape_cast %add3A_2040 : vector<16xf32> to vector<16xf32>
      tpu.vector_store %arg12[%swap3A_2045], %swap3A_2048 {strides = array<i32>} : memref<32xf32, #tpu.memory_space<vmem>>, vector<16xf32>,
      %get3A_2049 = arith.constant 0 : index
      %get3A_2050 = tpu.vector_load %arg12[%get3A_2049] {strides = array<i32>} : memref<32xf32, #tpu.memory_space<vmem>>, vector<16xf32>,
      %get3A_2051 = vector.shape_cast %get3A_2050 : vector<16xf32> to vector<16xf32>
      %get3A_2052 = arith.constant 2 : index
      %get3A_2053 = tpu.vector_load %arg12[%get3A_2052] {strides = array<i32>} : memref<32xf32, #tpu.memory_space<vmem>>, vector<16xf32>,
      %get3A_2054 = vector.shape_cast %get3A_2053 : vector<16xf32> to vector<16xf32>
      %add3A_2055 = arith.addf %get3A_2051, %get3A_2054 : vector<16xf32>
      %swap3A_2056 = arith.constant 0 : index
      %swap3A_2057 = tpu.vector_load %arg12[%swap3A_2056] {strides = array<i32>} : memref<32xf32, #tpu.memory_space<vmem>>, vector<16xf32>,
      %swap3A_2058 = vector.shape_cast %swap3A_2057 : vector<16xf32> to vector<16xf32>
      %swap3A_2059 = vector.shape_cast %add3A_2055 : vector<16xf32> to vector<16xf32>
      tpu.vector_store %arg12[%swap3A_2056], %swap3A_2059 {strides = array<i32>} : memref<32xf32, #tpu.memory_space<vmem>>, vector<16xf32>,
      %swap3A_2060 = arith.constant 16 : index
      %swap3A_2061 = tpu.vector_load %arg12[%swap3A_2060] {strides = array<i32>} : memref<32xf32, #tpu.memory_space<vmem>>, vector<16xf32>,
      %swap3A_2062 = vector.shape_cast %swap3A_2061 : vector<16xf32> to vector<16xf32>
      %swap3A_2063 = vector.shape_cast %add3A_2055 : vector<16xf32> to vector<16xf32>
      tpu.vector_store %arg12[%swap3A_2060], %swap3A_2063 {strides = array<i32>} : memref<32xf32, #tpu.memory_space<vmem>>, vector<16xf32>,
      %get3A_2064 = arith.constant 0 : index
      %get3A_2065 = tpu.vector_load %arg12[%get3A_2064] {strides = array<i32>} : memref<32xf32, #tpu.memory_space<vmem>>, vector<16xf32>,
      %get3A_2066 = vector.shape_cast %get3A_2065 : vector<16xf32> to vector<16xf32>
      %get3A_2067 = arith.constant 1 : index
      %get3A_2068 = tpu.vector_load %arg12[%get3A_2067] {strides = array<i32>} : memref<32xf32, #tpu.memory_space<vmem>>, vector<16xf32>,
      %get3A_2069 = vector.shape_cast %get3A_2068 : vector<16xf32> to vector<16xf32>
      %add3A_2070 = arith.addf %get3A_2066, %get3A_2069 : vector<16xf32>
      %eq3A_2071 = arith.constant 6 : i32
      %eq3A_2072 = vector.broadcast %eq3A_2071 : i32 to vector<16xi32>
      %eq3A_2073 = arith.cmpi eq, %iota3A, %eq3A_2072 : vector<16xi32>
      %select_n3A_2074 = arith.select %eq3A_2073, %add3A_2070, %select_n3A_2002 : vector<16xi1>, vector<16xf32>
      %broadcast_in_dim3A_2075 = arith.constant 0.000000e+00 : f32
      %broadcast_in_dim3A_2076 = vector.broadcast %broadcast_in_dim3A_2075 : f32 to vector<16xf32>
      %scan3A_2077 = arith.constant 0 : i32
      %scan3A_2078 = arith.constant 128 : i32
      %scan3A_2079 = arith.addi %scan3A_2077, %scan3A_2078 : i32
      %scan3A_2080 = arith.constant 1 : i32
      %scan3A_2081 = scf.for %scan3A_3143 = %scan3A_2077 to %scan3A_2079 step %scan3A_2080 iter_args(%scan3A_3144 = %broadcast_in_dim3A_2076) -> (vector<16xf32>)  : i32 {
        %mul3A = arith.constant 16 : i32
        %mul3A_3145 = arith.muli %scan3A_3143, %mul3A : i32
        %get3A_3146 = arith.constant 2 : i32
        %get3A_3147 = arith.index_cast %get3A_3146 : i32 to index
        %get3A_3148 = arith.index_cast %mul3A_3145 : i32 to index
        %get3A_3149 = tpu.vector_load %arg7[%get3A_3147, %get3A_3148] {strides = array<i32>} : memref<4x2048xf32, #tpu.memory_space<vmem>>, vector<1x16xf32>,
        %get3A_3150 = vector.shape_cast %get3A_3149 : vector<1x16xf32> to vector<16xf32>
        %get3A_3151 = arith.constant 7 : i32
        %get3A_3152 = arith.index_cast %get3A_3151 : i32 to index
        %get3A_3153 = arith.index_cast %mul3A_3145 : i32 to index
        %get3A_3154 = tpu.vector_load %arg8[%get3A_3152, %get3A_3153] {strides = array<i32>} : memref<9x2048xf32, #tpu.memory_space<vmem>>, vector<1x16xf32>,
        %get3A_3155 = vector.shape_cast %get3A_3154 : vector<1x16xf32> to vector<16xf32>
        %mul3A_3156 = arith.mulf %get3A_3150, %get3A_3155 : vector<16xf32>
        %add3A_3157 = arith.addf %scan3A_3144, %mul3A_3156 : vector<16xf32>
        scf.yield %add3A_3157 : vector<16xf32>
      }
      %scan3A_2082 = arith.constant 128 : i32
      %swap3A_2083 = arith.constant 0 : index
      %swap3A_2084 = tpu.vector_load %arg12[%swap3A_2083] {strides = array<i32>} : memref<32xf32, #tpu.memory_space<vmem>>, vector<16xf32>,
      %swap3A_2085 = vector.shape_cast %swap3A_2084 : vector<16xf32> to vector<16xf32>
      %swap3A_2086 = vector.shape_cast %scan3A_2081 : vector<16xf32> to vector<16xf32>
      tpu.vector_store %arg12[%swap3A_2083], %swap3A_2086 {strides = array<i32>} : memref<32xf32, #tpu.memory_space<vmem>>, vector<16xf32>,
      %swap3A_2087 = arith.constant 16 : index
      %swap3A_2088 = tpu.vector_load %arg12[%swap3A_2087] {strides = array<i32>} : memref<32xf32, #tpu.memory_space<vmem>>, vector<16xf32>,
      %swap3A_2089 = vector.shape_cast %swap3A_2088 : vector<16xf32> to vector<16xf32>
      %swap3A_2090 = vector.shape_cast %scan3A_2081 : vector<16xf32> to vector<16xf32>
      tpu.vector_store %arg12[%swap3A_2087], %swap3A_2090 {strides = array<i32>} : memref<32xf32, #tpu.memory_space<vmem>>, vector<16xf32>,
      %get3A_2091 = arith.constant 0 : index
      %get3A_2092 = tpu.vector_load %arg12[%get3A_2091] {strides = array<i32>} : memref<32xf32, #tpu.memory_space<vmem>>, vector<16xf32>,
      %get3A_2093 = vector.shape_cast %get3A_2092 : vector<16xf32> to vector<16xf32>
      %get3A_2094 = arith.constant 8 : index
      %get3A_2095 = tpu.vector_load %arg12[%get3A_2094] {strides = array<i32>} : memref<32xf32, #tpu.memory_space<vmem>>, vector<16xf32>,
      %get3A_2096 = vector.shape_cast %get3A_2095 : vector<16xf32> to vector<16xf32>
      %add3A_2097 = arith.addf %get3A_2093, %get3A_2096 : vector<16xf32>
      %swap3A_2098 = arith.constant 0 : index
      %swap3A_2099 = tpu.vector_load %arg12[%swap3A_2098] {strides = array<i32>} : memref<32xf32, #tpu.memory_space<vmem>>, vector<16xf32>,
      %swap3A_2100 = vector.shape_cast %swap3A_2099 : vector<16xf32> to vector<16xf32>
      %swap3A_2101 = vector.shape_cast %add3A_2097 : vector<16xf32> to vector<16xf32>
      tpu.vector_store %arg12[%swap3A_2098], %swap3A_2101 {strides = array<i32>} : memref<32xf32, #tpu.memory_space<vmem>>, vector<16xf32>,
      %swap3A_2102 = arith.constant 16 : index
      %swap3A_2103 = tpu.vector_load %arg12[%swap3A_2102] {strides = array<i32>} : memref<32xf32, #tpu.memory_space<vmem>>, vector<16xf32>,
      %swap3A_2104 = vector.shape_cast %swap3A_2103 : vector<16xf32> to vector<16xf32>
      %swap3A_2105 = vector.shape_cast %add3A_2097 : vector<16xf32> to vector<16xf32>
      tpu.vector_store %arg12[%swap3A_2102], %swap3A_2105 {strides = array<i32>} : memref<32xf32, #tpu.memory_space<vmem>>, vector<16xf32>,
      %get3A_2106 = arith.constant 0 : index
      %get3A_2107 = tpu.vector_load %arg12[%get3A_2106] {strides = array<i32>} : memref<32xf32, #tpu.memory_space<vmem>>, vector<16xf32>,
      %get3A_2108 = vector.shape_cast %get3A_2107 : vector<16xf32> to vector<16xf32>
      %get3A_2109 = arith.constant 4 : index
      %get3A_2110 = tpu.vector_load %arg12[%get3A_2109] {strides = array<i32>} : memref<32xf32, #tpu.memory_space<vmem>>, vector<16xf32>,
      %get3A_2111 = vector.shape_cast %get3A_2110 : vector<16xf32> to vector<16xf32>
      %add3A_2112 = arith.addf %get3A_2108, %get3A_2111 : vector<16xf32>
      %swap3A_2113 = arith.constant 0 : index
      %swap3A_2114 = tpu.vector_load %arg12[%swap3A_2113] {strides = array<i32>} : memref<32xf32, #tpu.memory_space<vmem>>, vector<16xf32>,
      %swap3A_2115 = vector.shape_cast %swap3A_2114 : vector<16xf32> to vector<16xf32>
      %swap3A_2116 = vector.shape_cast %add3A_2112 : vector<16xf32> to vector<16xf32>
      tpu.vector_store %arg12[%swap3A_2113], %swap3A_2116 {strides = array<i32>} : memref<32xf32, #tpu.memory_space<vmem>>, vector<16xf32>,
      %swap3A_2117 = arith.constant 16 : index
      %swap3A_2118 = tpu.vector_load %arg12[%swap3A_2117] {strides = array<i32>} : memref<32xf32, #tpu.memory_space<vmem>>, vector<16xf32>,
      %swap3A_2119 = vector.shape_cast %swap3A_2118 : vector<16xf32> to vector<16xf32>
      %swap3A_2120 = vector.shape_cast %add3A_2112 : vector<16xf32> to vector<16xf32>
      tpu.vector_store %arg12[%swap3A_2117], %swap3A_2120 {strides = array<i32>} : memref<32xf32, #tpu.memory_space<vmem>>, vector<16xf32>,
      %get3A_2121 = arith.constant 0 : index
      %get3A_2122 = tpu.vector_load %arg12[%get3A_2121] {strides = array<i32>} : memref<32xf32, #tpu.memory_space<vmem>>, vector<16xf32>,
      %get3A_2123 = vector.shape_cast %get3A_2122 : vector<16xf32> to vector<16xf32>
      %get3A_2124 = arith.constant 2 : index
      %get3A_2125 = tpu.vector_load %arg12[%get3A_2124] {strides = array<i32>} : memref<32xf32, #tpu.memory_space<vmem>>, vector<16xf32>,
      %get3A_2126 = vector.shape_cast %get3A_2125 : vector<16xf32> to vector<16xf32>
      %add3A_2127 = arith.addf %get3A_2123, %get3A_2126 : vector<16xf32>
      %swap3A_2128 = arith.constant 0 : index
      %swap3A_2129 = tpu.vector_load %arg12[%swap3A_2128] {strides = array<i32>} : memref<32xf32, #tpu.memory_space<vmem>>, vector<16xf32>,
      %swap3A_2130 = vector.shape_cast %swap3A_2129 : vector<16xf32> to vector<16xf32>
      %swap3A_2131 = vector.shape_cast %add3A_2127 : vector<16xf32> to vector<16xf32>
      tpu.vector_store %arg12[%swap3A_2128], %swap3A_2131 {strides = array<i32>} : memref<32xf32, #tpu.memory_space<vmem>>, vector<16xf32>,
      %swap3A_2132 = arith.constant 16 : index
      %swap3A_2133 = tpu.vector_load %arg12[%swap3A_2132] {strides = array<i32>} : memref<32xf32, #tpu.memory_space<vmem>>, vector<16xf32>,
      %swap3A_2134 = vector.shape_cast %swap3A_2133 : vector<16xf32> to vector<16xf32>
      %swap3A_2135 = vector.shape_cast %add3A_2127 : vector<16xf32> to vector<16xf32>
      tpu.vector_store %arg12[%swap3A_2132], %swap3A_2135 {strides = array<i32>} : memref<32xf32, #tpu.memory_space<vmem>>, vector<16xf32>,
      %get3A_2136 = arith.constant 0 : index
      %get3A_2137 = tpu.vector_load %arg12[%get3A_2136] {strides = array<i32>} : memref<32xf32, #tpu.memory_space<vmem>>, vector<16xf32>,
      %get3A_2138 = vector.shape_cast %get3A_2137 : vector<16xf32> to vector<16xf32>
      %get3A_2139 = arith.constant 1 : index
      %get3A_2140 = tpu.vector_load %arg12[%get3A_2139] {strides = array<i32>} : memref<32xf32, #tpu.memory_space<vmem>>, vector<16xf32>,
      %get3A_2141 = vector.shape_cast %get3A_2140 : vector<16xf32> to vector<16xf32>
      %add3A_2142 = arith.addf %get3A_2138, %get3A_2141 : vector<16xf32>
      %eq3A_2143 = arith.constant 7 : i32
      %eq3A_2144 = vector.broadcast %eq3A_2143 : i32 to vector<16xi32>
      %eq3A_2145 = arith.cmpi eq, %iota3A, %eq3A_2144 : vector<16xi32>
      %select_n3A_2146 = arith.select %eq3A_2145, %add3A_2142, %select_n3A_2074 : vector<16xi1>, vector<16xf32>
      %broadcast_in_dim3A_2147 = arith.constant 0.000000e+00 : f32
      %broadcast_in_dim3A_2148 = vector.broadcast %broadcast_in_dim3A_2147 : f32 to vector<16xf32>
      %scan3A_2149 = arith.constant 0 : i32
      %scan3A_2150 = arith.constant 128 : i32
      %scan3A_2151 = arith.addi %scan3A_2149, %scan3A_2150 : i32
      %scan3A_2152 = arith.constant 1 : i32
      %scan3A_2153 = scf.for %scan3A_3143 = %scan3A_2149 to %scan3A_2151 step %scan3A_2152 iter_args(%scan3A_3144 = %broadcast_in_dim3A_2148) -> (vector<16xf32>)  : i32 {
        %mul3A = arith.constant 16 : i32
        %mul3A_3145 = arith.muli %scan3A_3143, %mul3A : i32
        %get3A_3146 = arith.constant 2 : i32
        %get3A_3147 = arith.index_cast %get3A_3146 : i32 to index
        %get3A_3148 = arith.index_cast %mul3A_3145 : i32 to index
        %get3A_3149 = tpu.vector_load %arg7[%get3A_3147, %get3A_3148] {strides = array<i32>} : memref<4x2048xf32, #tpu.memory_space<vmem>>, vector<1x16xf32>,
        %get3A_3150 = vector.shape_cast %get3A_3149 : vector<1x16xf32> to vector<16xf32>
        %get3A_3151 = arith.constant 8 : i32
        %get3A_3152 = arith.index_cast %get3A_3151 : i32 to index
        %get3A_3153 = arith.index_cast %mul3A_3145 : i32 to index
        %get3A_3154 = tpu.vector_load %arg8[%get3A_3152, %get3A_3153] {strides = array<i32>} : memref<9x2048xf32, #tpu.memory_space<vmem>>, vector<1x16xf32>,
        %get3A_3155 = vector.shape_cast %get3A_3154 : vector<1x16xf32> to vector<16xf32>
        %mul3A_3156 = arith.mulf %get3A_3150, %get3A_3155 : vector<16xf32>
        %add3A_3157 = arith.addf %scan3A_3144, %mul3A_3156 : vector<16xf32>
        scf.yield %add3A_3157 : vector<16xf32>
      }
      %scan3A_2154 = arith.constant 128 : i32
      %swap3A_2155 = arith.constant 0 : index
      %swap3A_2156 = tpu.vector_load %arg12[%swap3A_2155] {strides = array<i32>} : memref<32xf32, #tpu.memory_space<vmem>>, vector<16xf32>,
      %swap3A_2157 = vector.shape_cast %swap3A_2156 : vector<16xf32> to vector<16xf32>
      %swap3A_2158 = vector.shape_cast %scan3A_2153 : vector<16xf32> to vector<16xf32>
      tpu.vector_store %arg12[%swap3A_2155], %swap3A_2158 {strides = array<i32>} : memref<32xf32, #tpu.memory_space<vmem>>, vector<16xf32>,
      %swap3A_2159 = arith.constant 16 : index
      %swap3A_2160 = tpu.vector_load %arg12[%swap3A_2159] {strides = array<i32>} : memref<32xf32, #tpu.memory_space<vmem>>, vector<16xf32>,
      %swap3A_2161 = vector.shape_cast %swap3A_2160 : vector<16xf32> to vector<16xf32>
      %swap3A_2162 = vector.shape_cast %scan3A_2153 : vector<16xf32> to vector<16xf32>
      tpu.vector_store %arg12[%swap3A_2159], %swap3A_2162 {strides = array<i32>} : memref<32xf32, #tpu.memory_space<vmem>>, vector<16xf32>,
      %get3A_2163 = arith.constant 0 : index
      %get3A_2164 = tpu.vector_load %arg12[%get3A_2163] {strides = array<i32>} : memref<32xf32, #tpu.memory_space<vmem>>, vector<16xf32>,
      %get3A_2165 = vector.shape_cast %get3A_2164 : vector<16xf32> to vector<16xf32>
      %get3A_2166 = arith.constant 8 : index
      %get3A_2167 = tpu.vector_load %arg12[%get3A_2166] {strides = array<i32>} : memref<32xf32, #tpu.memory_space<vmem>>, vector<16xf32>,
      %get3A_2168 = vector.shape_cast %get3A_2167 : vector<16xf32> to vector<16xf32>
      %add3A_2169 = arith.addf %get3A_2165, %get3A_2168 : vector<16xf32>
      %swap3A_2170 = arith.constant 0 : index
      %swap3A_2171 = tpu.vector_load %arg12[%swap3A_2170] {strides = array<i32>} : memref<32xf32, #tpu.memory_space<vmem>>, vector<16xf32>,
      %swap3A_2172 = vector.shape_cast %swap3A_2171 : vector<16xf32> to vector<16xf32>
      %swap3A_2173 = vector.shape_cast %add3A_2169 : vector<16xf32> to vector<16xf32>
      tpu.vector_store %arg12[%swap3A_2170], %swap3A_2173 {strides = array<i32>} : memref<32xf32, #tpu.memory_space<vmem>>, vector<16xf32>,
      %swap3A_2174 = arith.constant 16 : index
      %swap3A_2175 = tpu.vector_load %arg12[%swap3A_2174] {strides = array<i32>} : memref<32xf32, #tpu.memory_space<vmem>>, vector<16xf32>,
      %swap3A_2176 = vector.shape_cast %swap3A_2175 : vector<16xf32> to vector<16xf32>
      %swap3A_2177 = vector.shape_cast %add3A_2169 : vector<16xf32> to vector<16xf32>
      tpu.vector_store %arg12[%swap3A_2174], %swap3A_2177 {strides = array<i32>} : memref<32xf32, #tpu.memory_space<vmem>>, vector<16xf32>,
      %get3A_2178 = arith.constant 0 : index
      %get3A_2179 = tpu.vector_load %arg12[%get3A_2178] {strides = array<i32>} : memref<32xf32, #tpu.memory_space<vmem>>, vector<16xf32>,
      %get3A_2180 = vector.shape_cast %get3A_2179 : vector<16xf32> to vector<16xf32>
      %get3A_2181 = arith.constant 4 : index
      %get3A_2182 = tpu.vector_load %arg12[%get3A_2181] {strides = array<i32>} : memref<32xf32, #tpu.memory_space<vmem>>, vector<16xf32>,
      %get3A_2183 = vector.shape_cast %get3A_2182 : vector<16xf32> to vector<16xf32>
      %add3A_2184 = arith.addf %get3A_2180, %get3A_2183 : vector<16xf32>
      %swap3A_2185 = arith.constant 0 : index
      %swap3A_2186 = tpu.vector_load %arg12[%swap3A_2185] {strides = array<i32>} : memref<32xf32, #tpu.memory_space<vmem>>, vector<16xf32>,
      %swap3A_2187 = vector.shape_cast %swap3A_2186 : vector<16xf32> to vector<16xf32>
      %swap3A_2188 = vector.shape_cast %add3A_2184 : vector<16xf32> to vector<16xf32>
      tpu.vector_store %arg12[%swap3A_2185], %swap3A_2188 {strides = array<i32>} : memref<32xf32, #tpu.memory_space<vmem>>, vector<16xf32>,
      %swap3A_2189 = arith.constant 16 : index
      %swap3A_2190 = tpu.vector_load %arg12[%swap3A_2189] {strides = array<i32>} : memref<32xf32, #tpu.memory_space<vmem>>, vector<16xf32>,
      %swap3A_2191 = vector.shape_cast %swap3A_2190 : vector<16xf32> to vector<16xf32>
      %swap3A_2192 = vector.shape_cast %add3A_2184 : vector<16xf32> to vector<16xf32>
      tpu.vector_store %arg12[%swap3A_2189], %swap3A_2192 {strides = array<i32>} : memref<32xf32, #tpu.memory_space<vmem>>, vector<16xf32>,
      %get3A_2193 = arith.constant 0 : index
      %get3A_2194 = tpu.vector_load %arg12[%get3A_2193] {strides = array<i32>} : memref<32xf32, #tpu.memory_space<vmem>>, vector<16xf32>,
      %get3A_2195 = vector.shape_cast %get3A_2194 : vector<16xf32> to vector<16xf32>
      %get3A_2196 = arith.constant 2 : index
      %get3A_2197 = tpu.vector_load %arg12[%get3A_2196] {strides = array<i32>} : memref<32xf32, #tpu.memory_space<vmem>>, vector<16xf32>,
      %get3A_2198 = vector.shape_cast %get3A_2197 : vector<16xf32> to vector<16xf32>
      %add3A_2199 = arith.addf %get3A_2195, %get3A_2198 : vector<16xf32>
      %swap3A_2200 = arith.constant 0 : index
      %swap3A_2201 = tpu.vector_load %arg12[%swap3A_2200] {strides = array<i32>} : memref<32xf32, #tpu.memory_space<vmem>>, vector<16xf32>,
      %swap3A_2202 = vector.shape_cast %swap3A_2201 : vector<16xf32> to vector<16xf32>
      %swap3A_2203 = vector.shape_cast %add3A_2199 : vector<16xf32> to vector<16xf32>
      tpu.vector_store %arg12[%swap3A_2200], %swap3A_2203 {strides = array<i32>} : memref<32xf32, #tpu.memory_space<vmem>>, vector<16xf32>,
      %swap3A_2204 = arith.constant 16 : index
      %swap3A_2205 = tpu.vector_load %arg12[%swap3A_2204] {strides = array<i32>} : memref<32xf32, #tpu.memory_space<vmem>>, vector<16xf32>,
      %swap3A_2206 = vector.shape_cast %swap3A_2205 : vector<16xf32> to vector<16xf32>
      %swap3A_2207 = vector.shape_cast %add3A_2199 : vector<16xf32> to vector<16xf32>
      tpu.vector_store %arg12[%swap3A_2204], %swap3A_2207 {strides = array<i32>} : memref<32xf32, #tpu.memory_space<vmem>>, vector<16xf32>,
      %get3A_2208 = arith.constant 0 : index
      %get3A_2209 = tpu.vector_load %arg12[%get3A_2208] {strides = array<i32>} : memref<32xf32, #tpu.memory_space<vmem>>, vector<16xf32>,
      %get3A_2210 = vector.shape_cast %get3A_2209 : vector<16xf32> to vector<16xf32>
      %get3A_2211 = arith.constant 1 : index
      %get3A_2212 = tpu.vector_load %arg12[%get3A_2211] {strides = array<i32>} : memref<32xf32, #tpu.memory_space<vmem>>, vector<16xf32>,
      %get3A_2213 = vector.shape_cast %get3A_2212 : vector<16xf32> to vector<16xf32>
      %add3A_2214 = arith.addf %get3A_2210, %get3A_2213 : vector<16xf32>
      %eq3A_2215 = arith.constant 8 : i32
      %eq3A_2216 = vector.broadcast %eq3A_2215 : i32 to vector<16xi32>
      %eq3A_2217 = arith.cmpi eq, %iota3A, %eq3A_2216 : vector<16xi32>
      %select_n3A_2218 = arith.select %eq3A_2217, %add3A_2214, %select_n3A_2146 : vector<16xi1>, vector<16xf32>
      %get3A_2219 = arith.constant 0 : index
      %get3A_2220 = tpu.vector_load %arg9[%get3A_2219] {strides = array<i32>} : memref<16xf32, #tpu.memory_space<vmem>>, vector<16xf32>,
      %get3A_2221 = vector.shape_cast %get3A_2220 : vector<16xf32> to vector<16xf32>
      %add3A_2222 = arith.addf %select_n3A_2218, %get3A_2221 : vector<16xf32>
      %swap3A_2223 = arith.constant 0 : index
      %swap3A_2224 = tpu.vector_load %arg12[%swap3A_2223] {strides = array<i32>} : memref<32xf32, #tpu.memory_space<vmem>>, vector<16xf32>,
      %swap3A_2225 = vector.shape_cast %swap3A_2224 : vector<16xf32> to vector<16xf32>
      %swap3A_2226 = vector.shape_cast %add3A_2222 : vector<16xf32> to vector<16xf32>
      tpu.vector_store %arg12[%swap3A_2223], %swap3A_2226 {strides = array<i32>} : memref<32xf32, #tpu.memory_space<vmem>>, vector<16xf32>,
      %swap3A_2227 = arith.constant 16 : index
      %swap3A_2228 = tpu.vector_load %arg12[%swap3A_2227] {strides = array<i32>} : memref<32xf32, #tpu.memory_space<vmem>>, vector<16xf32>,
      %swap3A_2229 = vector.shape_cast %swap3A_2228 : vector<16xf32> to vector<16xf32>
      %swap3A_2230 = vector.shape_cast %add3A_2222 : vector<16xf32> to vector<16xf32>
      tpu.vector_store %arg12[%swap3A_2227], %swap3A_2230 {strides = array<i32>} : memref<32xf32, #tpu.memory_space<vmem>>, vector<16xf32>,
      %get3A_2231 = arith.constant 0 : index
      %get3A_2232 = tpu.vector_load %arg12[%get3A_2231] {strides = array<i32>} : memref<32xf32, #tpu.memory_space<vmem>>, vector<16xf32>,
      %get3A_2233 = vector.shape_cast %get3A_2232 : vector<16xf32> to vector<16xf32>
      %get3A_2234 = arith.constant 8 : index
      %get3A_2235 = tpu.vector_load %arg12[%get3A_2234] {strides = array<i32>} : memref<32xf32, #tpu.memory_space<vmem>>, vector<16xf32>,
      %get3A_2236 = vector.shape_cast %get3A_2235 : vector<16xf32> to vector<16xf32>
      %max3A_2237 = arith.maximumf %get3A_2233, %get3A_2236 : vector<16xf32>
      %swap3A_2238 = arith.constant 0 : index
      %swap3A_2239 = tpu.vector_load %arg12[%swap3A_2238] {strides = array<i32>} : memref<32xf32, #tpu.memory_space<vmem>>, vector<16xf32>,
      %swap3A_2240 = vector.shape_cast %swap3A_2239 : vector<16xf32> to vector<16xf32>
      %swap3A_2241 = vector.shape_cast %max3A_2237 : vector<16xf32> to vector<16xf32>
      tpu.vector_store %arg12[%swap3A_2238], %swap3A_2241 {strides = array<i32>} : memref<32xf32, #tpu.memory_space<vmem>>, vector<16xf32>,
      %swap3A_2242 = arith.constant 16 : index
      %swap3A_2243 = tpu.vector_load %arg12[%swap3A_2242] {strides = array<i32>} : memref<32xf32, #tpu.memory_space<vmem>>, vector<16xf32>,
      %swap3A_2244 = vector.shape_cast %swap3A_2243 : vector<16xf32> to vector<16xf32>
      %swap3A_2245 = vector.shape_cast %max3A_2237 : vector<16xf32> to vector<16xf32>
      tpu.vector_store %arg12[%swap3A_2242], %swap3A_2245 {strides = array<i32>} : memref<32xf32, #tpu.memory_space<vmem>>, vector<16xf32>,
      %get3A_2246 = arith.constant 0 : index
      %get3A_2247 = tpu.vector_load %arg12[%get3A_2246] {strides = array<i32>} : memref<32xf32, #tpu.memory_space<vmem>>, vector<16xf32>,
      %get3A_2248 = vector.shape_cast %get3A_2247 : vector<16xf32> to vector<16xf32>
      %get3A_2249 = arith.constant 4 : index
      %get3A_2250 = tpu.vector_load %arg12[%get3A_2249] {strides = array<i32>} : memref<32xf32, #tpu.memory_space<vmem>>, vector<16xf32>,
      %get3A_2251 = vector.shape_cast %get3A_2250 : vector<16xf32> to vector<16xf32>
      %max3A_2252 = arith.maximumf %get3A_2248, %get3A_2251 : vector<16xf32>
      %swap3A_2253 = arith.constant 0 : index
      %swap3A_2254 = tpu.vector_load %arg12[%swap3A_2253] {strides = array<i32>} : memref<32xf32, #tpu.memory_space<vmem>>, vector<16xf32>,
      %swap3A_2255 = vector.shape_cast %swap3A_2254 : vector<16xf32> to vector<16xf32>
      %swap3A_2256 = vector.shape_cast %max3A_2252 : vector<16xf32> to vector<16xf32>
      tpu.vector_store %arg12[%swap3A_2253], %swap3A_2256 {strides = array<i32>} : memref<32xf32, #tpu.memory_space<vmem>>, vector<16xf32>,
      %swap3A_2257 = arith.constant 16 : index
      %swap3A_2258 = tpu.vector_load %arg12[%swap3A_2257] {strides = array<i32>} : memref<32xf32, #tpu.memory_space<vmem>>, vector<16xf32>,
      %swap3A_2259 = vector.shape_cast %swap3A_2258 : vector<16xf32> to vector<16xf32>
      %swap3A_2260 = vector.shape_cast %max3A_2252 : vector<16xf32> to vector<16xf32>
      tpu.vector_store %arg12[%swap3A_2257], %swap3A_2260 {strides = array<i32>} : memref<32xf32, #tpu.memory_space<vmem>>, vector<16xf32>,
      %get3A_2261 = arith.constant 0 : index
      %get3A_2262 = tpu.vector_load %arg12[%get3A_2261] {strides = array<i32>} : memref<32xf32, #tpu.memory_space<vmem>>, vector<16xf32>,
      %get3A_2263 = vector.shape_cast %get3A_2262 : vector<16xf32> to vector<16xf32>
      %get3A_2264 = arith.constant 2 : index
      %get3A_2265 = tpu.vector_load %arg12[%get3A_2264] {strides = array<i32>} : memref<32xf32, #tpu.memory_space<vmem>>, vector<16xf32>,
      %get3A_2266 = vector.shape_cast %get3A_2265 : vector<16xf32> to vector<16xf32>
      %max3A_2267 = arith.maximumf %get3A_2263, %get3A_2266 : vector<16xf32>
      %swap3A_2268 = arith.constant 0 : index
      %swap3A_2269 = tpu.vector_load %arg12[%swap3A_2268] {strides = array<i32>} : memref<32xf32, #tpu.memory_space<vmem>>, vector<16xf32>,
      %swap3A_2270 = vector.shape_cast %swap3A_2269 : vector<16xf32> to vector<16xf32>
      %swap3A_2271 = vector.shape_cast %max3A_2267 : vector<16xf32> to vector<16xf32>
      tpu.vector_store %arg12[%swap3A_2268], %swap3A_2271 {strides = array<i32>} : memref<32xf32, #tpu.memory_space<vmem>>, vector<16xf32>,
      %swap3A_2272 = arith.constant 16 : index
      %swap3A_2273 = tpu.vector_load %arg12[%swap3A_2272] {strides = array<i32>} : memref<32xf32, #tpu.memory_space<vmem>>, vector<16xf32>,
      %swap3A_2274 = vector.shape_cast %swap3A_2273 : vector<16xf32> to vector<16xf32>
      %swap3A_2275 = vector.shape_cast %max3A_2267 : vector<16xf32> to vector<16xf32>
      tpu.vector_store %arg12[%swap3A_2272], %swap3A_2275 {strides = array<i32>} : memref<32xf32, #tpu.memory_space<vmem>>, vector<16xf32>,
      %get3A_2276 = arith.constant 0 : index
      %get3A_2277 = tpu.vector_load %arg12[%get3A_2276] {strides = array<i32>} : memref<32xf32, #tpu.memory_space<vmem>>, vector<16xf32>,
      %get3A_2278 = vector.shape_cast %get3A_2277 : vector<16xf32> to vector<16xf32>
      %get3A_2279 = arith.constant 1 : index
      %get3A_2280 = tpu.vector_load %arg12[%get3A_2279] {strides = array<i32>} : memref<32xf32, #tpu.memory_space<vmem>>, vector<16xf32>,
      %get3A_2281 = vector.shape_cast %get3A_2280 : vector<16xf32> to vector<16xf32>
      %max3A_2282 = arith.maximumf %get3A_2278, %get3A_2281 : vector<16xf32>
      %eq3A_2283 = arith.cmpf oeq, %add3A_2222, %max3A_2282 : vector<16xf32>
      %jit3A_2284 = arith.constant 16 : i32
      %broadcast_in_dim3A_2285 = vector.broadcast %jit3A_2284 : i32 to vector<16xi32>
      %select_n3A_2286 = arith.select %eq3A_2283, %iota3A, %broadcast_in_dim3A_2285 : vector<16xi1>, vector<16xi32>
      %swap3A_2287 = arith.constant 0 : index
      %swap3A_2288 = tpu.vector_load %arg13[%swap3A_2287] {strides = array<i32>} : memref<32xi32, #tpu.memory_space<vmem>>, vector<16xi32>,
      %swap3A_2289 = vector.shape_cast %swap3A_2288 : vector<16xi32> to vector<16xi32>
      %swap3A_2290 = vector.shape_cast %select_n3A_2286 : vector<16xi32> to vector<16xi32>
      tpu.vector_store %arg13[%swap3A_2287], %swap3A_2290 {strides = array<i32>} : memref<32xi32, #tpu.memory_space<vmem>>, vector<16xi32>,
      %swap3A_2291 = arith.constant 16 : index
      %swap3A_2292 = tpu.vector_load %arg13[%swap3A_2291] {strides = array<i32>} : memref<32xi32, #tpu.memory_space<vmem>>, vector<16xi32>,
      %swap3A_2293 = vector.shape_cast %swap3A_2292 : vector<16xi32> to vector<16xi32>
      %swap3A_2294 = vector.shape_cast %select_n3A_2286 : vector<16xi32> to vector<16xi32>
      tpu.vector_store %arg13[%swap3A_2291], %swap3A_2294 {strides = array<i32>} : memref<32xi32, #tpu.memory_space<vmem>>, vector<16xi32>,
      %get3A_2295 = arith.constant 0 : index
      %get3A_2296 = tpu.vector_load %arg13[%get3A_2295] {strides = array<i32>} : memref<32xi32, #tpu.memory_space<vmem>>, vector<16xi32>,
      %get3A_2297 = vector.shape_cast %get3A_2296 : vector<16xi32> to vector<16xi32>
      %get3A_2298 = arith.constant 8 : index
      %get3A_2299 = tpu.vector_load %arg13[%get3A_2298] {strides = array<i32>} : memref<32xi32, #tpu.memory_space<vmem>>, vector<16xi32>,
      %get3A_2300 = vector.shape_cast %get3A_2299 : vector<16xi32> to vector<16xi32>
      %min3A_2301 = arith.minsi %get3A_2297, %get3A_2300 : vector<16xi32>
      %swap3A_2302 = arith.constant 0 : index
      %swap3A_2303 = tpu.vector_load %arg13[%swap3A_2302] {strides = array<i32>} : memref<32xi32, #tpu.memory_space<vmem>>, vector<16xi32>,
      %swap3A_2304 = vector.shape_cast %swap3A_2303 : vector<16xi32> to vector<16xi32>
      %swap3A_2305 = vector.shape_cast %min3A_2301 : vector<16xi32> to vector<16xi32>
      tpu.vector_store %arg13[%swap3A_2302], %swap3A_2305 {strides = array<i32>} : memref<32xi32, #tpu.memory_space<vmem>>, vector<16xi32>,
      %swap3A_2306 = arith.constant 16 : index
      %swap3A_2307 = tpu.vector_load %arg13[%swap3A_2306] {strides = array<i32>} : memref<32xi32, #tpu.memory_space<vmem>>, vector<16xi32>,
      %swap3A_2308 = vector.shape_cast %swap3A_2307 : vector<16xi32> to vector<16xi32>
      %swap3A_2309 = vector.shape_cast %min3A_2301 : vector<16xi32> to vector<16xi32>
      tpu.vector_store %arg13[%swap3A_2306], %swap3A_2309 {strides = array<i32>} : memref<32xi32, #tpu.memory_space<vmem>>, vector<16xi32>,
      %get3A_2310 = arith.constant 0 : index
      %get3A_2311 = tpu.vector_load %arg13[%get3A_2310] {strides = array<i32>} : memref<32xi32, #tpu.memory_space<vmem>>, vector<16xi32>,
      %get3A_2312 = vector.shape_cast %get3A_2311 : vector<16xi32> to vector<16xi32>
      %get3A_2313 = arith.constant 4 : index
      %get3A_2314 = tpu.vector_load %arg13[%get3A_2313] {strides = array<i32>} : memref<32xi32, #tpu.memory_space<vmem>>, vector<16xi32>,
      %get3A_2315 = vector.shape_cast %get3A_2314 : vector<16xi32> to vector<16xi32>
      %min3A_2316 = arith.minsi %get3A_2312, %get3A_2315 : vector<16xi32>
      %swap3A_2317 = arith.constant 0 : index
      %swap3A_2318 = tpu.vector_load %arg13[%swap3A_2317] {strides = array<i32>} : memref<32xi32, #tpu.memory_space<vmem>>, vector<16xi32>,
      %swap3A_2319 = vector.shape_cast %swap3A_2318 : vector<16xi32> to vector<16xi32>
      %swap3A_2320 = vector.shape_cast %min3A_2316 : vector<16xi32> to vector<16xi32>
      tpu.vector_store %arg13[%swap3A_2317], %swap3A_2320 {strides = array<i32>} : memref<32xi32, #tpu.memory_space<vmem>>, vector<16xi32>,
      %swap3A_2321 = arith.constant 16 : index
      %swap3A_2322 = tpu.vector_load %arg13[%swap3A_2321] {strides = array<i32>} : memref<32xi32, #tpu.memory_space<vmem>>, vector<16xi32>,
      %swap3A_2323 = vector.shape_cast %swap3A_2322 : vector<16xi32> to vector<16xi32>
      %swap3A_2324 = vector.shape_cast %min3A_2316 : vector<16xi32> to vector<16xi32>
      tpu.vector_store %arg13[%swap3A_2321], %swap3A_2324 {strides = array<i32>} : memref<32xi32, #tpu.memory_space<vmem>>, vector<16xi32>,
      %get3A_2325 = arith.constant 0 : index
      %get3A_2326 = tpu.vector_load %arg13[%get3A_2325] {strides = array<i32>} : memref<32xi32, #tpu.memory_space<vmem>>, vector<16xi32>,
      %get3A_2327 = vector.shape_cast %get3A_2326 : vector<16xi32> to vector<16xi32>
      %get3A_2328 = arith.constant 2 : index
      %get3A_2329 = tpu.vector_load %arg13[%get3A_2328] {strides = array<i32>} : memref<32xi32, #tpu.memory_space<vmem>>, vector<16xi32>,
      %get3A_2330 = vector.shape_cast %get3A_2329 : vector<16xi32> to vector<16xi32>
      %min3A_2331 = arith.minsi %get3A_2327, %get3A_2330 : vector<16xi32>
      %swap3A_2332 = arith.constant 0 : index
      %swap3A_2333 = tpu.vector_load %arg13[%swap3A_2332] {strides = array<i32>} : memref<32xi32, #tpu.memory_space<vmem>>, vector<16xi32>,
      %swap3A_2334 = vector.shape_cast %swap3A_2333 : vector<16xi32> to vector<16xi32>
      %swap3A_2335 = vector.shape_cast %min3A_2331 : vector<16xi32> to vector<16xi32>
      tpu.vector_store %arg13[%swap3A_2332], %swap3A_2335 {strides = array<i32>} : memref<32xi32, #tpu.memory_space<vmem>>, vector<16xi32>,
      %swap3A_2336 = arith.constant 16 : index
      %swap3A_2337 = tpu.vector_load %arg13[%swap3A_2336] {strides = array<i32>} : memref<32xi32, #tpu.memory_space<vmem>>, vector<16xi32>,
      %swap3A_2338 = vector.shape_cast %swap3A_2337 : vector<16xi32> to vector<16xi32>
      %swap3A_2339 = vector.shape_cast %min3A_2331 : vector<16xi32> to vector<16xi32>
      tpu.vector_store %arg13[%swap3A_2336], %swap3A_2339 {strides = array<i32>} : memref<32xi32, #tpu.memory_space<vmem>>, vector<16xi32>,
      %get3A_2340 = arith.constant 0 : index
      %get3A_2341 = tpu.vector_load %arg13[%get3A_2340] {strides = array<i32>} : memref<32xi32, #tpu.memory_space<vmem>>, vector<16xi32>,
      %get3A_2342 = vector.shape_cast %get3A_2341 : vector<16xi32> to vector<16xi32>
      %get3A_2343 = arith.constant 1 : index
      %get3A_2344 = tpu.vector_load %arg13[%get3A_2343] {strides = array<i32>} : memref<32xi32, #tpu.memory_space<vmem>>, vector<16xi32>,
      %get3A_2345 = vector.shape_cast %get3A_2344 : vector<16xi32> to vector<16xi32>
      %min3A_2346 = arith.minsi %get3A_2342, %get3A_2345 : vector<16xi32>
      %eq3A_2347 = arith.constant 8 : i32
      %eq3A_2348 = vector.broadcast %eq3A_2347 : i32 to vector<16xi32>
      %eq3A_2349 = arith.cmpi eq, %min3A_2346, %eq3A_2348 : vector<16xi32>
      %scan3A_2350 = arith.constant 0 : i32
      %scan3A_2351 = arith.constant 0 : i32
      %scan3A_2352 = arith.constant 128 : i32
      %scan3A_2353 = arith.addi %scan3A_2351, %scan3A_2352 : i32
      %scan3A_2354 = arith.constant 1 : i32
      scf.for %scan3A_3143 = %scan3A_2351 to %scan3A_2353 step %scan3A_2354  : i32 {
        %mul3A = arith.constant 16 : i32
        %mul3A_3144 = arith.muli %scan3A_3143, %mul3A : i32
        %get3A_3145 = arith.constant 2 : i32
        %get3A_3146 = arith.index_cast %get3A_3145 : i32 to index
        %get3A_3147 = arith.index_cast %mul3A_3144 : i32 to index
        %get3A_3148 = tpu.vector_load %arg7[%get3A_3146, %get3A_3147] {strides = array<i32>} : memref<4x2048xf32, #tpu.memory_space<vmem>>, vector<1x16xf32>,
        %get3A_3149 = vector.shape_cast %get3A_3148 : vector<1x16xf32> to vector<16xf32>
        %broadcast_in_dim3A_3150 = arith.constant 0.000000e+00 : f32
        %broadcast_in_dim3A_3151 = vector.broadcast %broadcast_in_dim3A_3150 : f32 to vector<16xf32>
        %eq3A_3152 = arith.constant 0 : i32
        %eq3A_3153 = vector.broadcast %eq3A_3152 : i32 to vector<16xi32>
        %eq3A_3154 = arith.cmpi eq, %min3A_2346, %eq3A_3153 : vector<16xi32>
        %get3A_3155 = arith.constant 0 : i32
        %get3A_3156 = arith.index_cast %get3A_3155 : i32 to index
        %get3A_3157 = arith.index_cast %mul3A_3144 : i32 to index
        %get3A_3158 = tpu.vector_load %arg10[%get3A_3156, %get3A_3157] {strides = array<i32>} : memref<8x2048xf32, #tpu.memory_space<vmem>>, vector<1x16xf32>,
        %get3A_3159 = vector.shape_cast %get3A_3158 : vector<1x16xf32> to vector<16xf32>
        %select_n3A_3160 = arith.select %eq3A_3154, %get3A_3159, %broadcast_in_dim3A_3151 : vector<16xi1>, vector<16xf32>
        %eq3A_3161 = arith.constant 1 : i32
        %eq3A_3162 = vector.broadcast %eq3A_3161 : i32 to vector<16xi32>
        %eq3A_3163 = arith.cmpi eq, %min3A_2346, %eq3A_3162 : vector<16xi32>
        %get3A_3164 = arith.constant 1 : i32
        %get3A_3165 = arith.index_cast %get3A_3164 : i32 to index
        %get3A_3166 = arith.index_cast %mul3A_3144 : i32 to index
        %get3A_3167 = tpu.vector_load %arg10[%get3A_3165, %get3A_3166] {strides = array<i32>} : memref<8x2048xf32, #tpu.memory_space<vmem>>, vector<1x16xf32>,
        %get3A_3168 = vector.shape_cast %get3A_3167 : vector<1x16xf32> to vector<16xf32>
        %select_n3A_3169 = arith.select %eq3A_3163, %get3A_3168, %select_n3A_3160 : vector<16xi1>, vector<16xf32>
        %eq3A_3170 = arith.constant 2 : i32
        %eq3A_3171 = vector.broadcast %eq3A_3170 : i32 to vector<16xi32>
        %eq3A_3172 = arith.cmpi eq, %min3A_2346, %eq3A_3171 : vector<16xi32>
        %get3A_3173 = arith.constant 2 : i32
        %get3A_3174 = arith.index_cast %get3A_3173 : i32 to index
        %get3A_3175 = arith.index_cast %mul3A_3144 : i32 to index
        %get3A_3176 = tpu.vector_load %arg10[%get3A_3174, %get3A_3175] {strides = array<i32>} : memref<8x2048xf32, #tpu.memory_space<vmem>>, vector<1x16xf32>,
        %get3A_3177 = vector.shape_cast %get3A_3176 : vector<1x16xf32> to vector<16xf32>
        %select_n3A_3178 = arith.select %eq3A_3172, %get3A_3177, %select_n3A_3169 : vector<16xi1>, vector<16xf32>
        %eq3A_3179 = arith.constant 3 : i32
        %eq3A_3180 = vector.broadcast %eq3A_3179 : i32 to vector<16xi32>
        %eq3A_3181 = arith.cmpi eq, %min3A_2346, %eq3A_3180 : vector<16xi32>
        %get3A_3182 = arith.constant 3 : i32
        %get3A_3183 = arith.index_cast %get3A_3182 : i32 to index
        %get3A_3184 = arith.index_cast %mul3A_3144 : i32 to index
        %get3A_3185 = tpu.vector_load %arg10[%get3A_3183, %get3A_3184] {strides = array<i32>} : memref<8x2048xf32, #tpu.memory_space<vmem>>, vector<1x16xf32>,
        %get3A_3186 = vector.shape_cast %get3A_3185 : vector<1x16xf32> to vector<16xf32>
        %select_n3A_3187 = arith.select %eq3A_3181, %get3A_3186, %select_n3A_3178 : vector<16xi1>, vector<16xf32>
        %eq3A_3188 = arith.constant 4 : i32
        %eq3A_3189 = vector.broadcast %eq3A_3188 : i32 to vector<16xi32>
        %eq3A_3190 = arith.cmpi eq, %min3A_2346, %eq3A_3189 : vector<16xi32>
        %get3A_3191 = arith.constant 4 : i32
        %get3A_3192 = arith.index_cast %get3A_3191 : i32 to index
        %get3A_3193 = arith.index_cast %mul3A_3144 : i32 to index
        %get3A_3194 = tpu.vector_load %arg10[%get3A_3192, %get3A_3193] {strides = array<i32>} : memref<8x2048xf32, #tpu.memory_space<vmem>>, vector<1x16xf32>,
        %get3A_3195 = vector.shape_cast %get3A_3194 : vector<1x16xf32> to vector<16xf32>
        %select_n3A_3196 = arith.select %eq3A_3190, %get3A_3195, %select_n3A_3187 : vector<16xi1>, vector<16xf32>
        %eq3A_3197 = arith.constant 5 : i32
        %eq3A_3198 = vector.broadcast %eq3A_3197 : i32 to vector<16xi32>
        %eq3A_3199 = arith.cmpi eq, %min3A_2346, %eq3A_3198 : vector<16xi32>
        %get3A_3200 = arith.constant 5 : i32
        %get3A_3201 = arith.index_cast %get3A_3200 : i32 to index
        %get3A_3202 = arith.index_cast %mul3A_3144 : i32 to index
        %get3A_3203 = tpu.vector_load %arg10[%get3A_3201, %get3A_3202] {strides = array<i32>} : memref<8x2048xf32, #tpu.memory_space<vmem>>, vector<1x16xf32>,
        %get3A_3204 = vector.shape_cast %get3A_3203 : vector<1x16xf32> to vector<16xf32>
        %select_n3A_3205 = arith.select %eq3A_3199, %get3A_3204, %select_n3A_3196 : vector<16xi1>, vector<16xf32>
        %eq3A_3206 = arith.constant 6 : i32
        %eq3A_3207 = vector.broadcast %eq3A_3206 : i32 to vector<16xi32>
        %eq3A_3208 = arith.cmpi eq, %min3A_2346, %eq3A_3207 : vector<16xi32>
        %get3A_3209 = arith.constant 6 : i32
        %get3A_3210 = arith.index_cast %get3A_3209 : i32 to index
        %get3A_3211 = arith.index_cast %mul3A_3144 : i32 to index
        %get3A_3212 = tpu.vector_load %arg10[%get3A_3210, %get3A_3211] {strides = array<i32>} : memref<8x2048xf32, #tpu.memory_space<vmem>>, vector<1x16xf32>,
        %get3A_3213 = vector.shape_cast %get3A_3212 : vector<1x16xf32> to vector<16xf32>
        %select_n3A_3214 = arith.select %eq3A_3208, %get3A_3213, %select_n3A_3205 : vector<16xi1>, vector<16xf32>
        %eq3A_3215 = arith.constant 7 : i32
        %eq3A_3216 = vector.broadcast %eq3A_3215 : i32 to vector<16xi32>
        %eq3A_3217 = arith.cmpi eq, %min3A_2346, %eq3A_3216 : vector<16xi32>
        %get3A_3218 = arith.constant 7 : i32
        %get3A_3219 = arith.index_cast %get3A_3218 : i32 to index
        %get3A_3220 = arith.index_cast %mul3A_3144 : i32 to index
        %get3A_3221 = tpu.vector_load %arg10[%get3A_3219, %get3A_3220] {strides = array<i32>} : memref<8x2048xf32, #tpu.memory_space<vmem>>, vector<1x16xf32>,
        %get3A_3222 = vector.shape_cast %get3A_3221 : vector<1x16xf32> to vector<16xf32>
        %select_n3A_3223 = arith.select %eq3A_3217, %get3A_3222, %select_n3A_3214 : vector<16xi1>, vector<16xf32>
        %select_n3A_3224 = arith.select %eq3A_2349, %get3A_3149, %select_n3A_3223 : vector<16xi1>, vector<16xf32>
        %swap3A_3225 = arith.constant 2 : i32
        %swap3A_3226 = arith.index_cast %swap3A_3225 : i32 to index
        %swap3A_3227 = arith.index_cast %mul3A_3144 : i32 to index
        %swap3A_3228 = tpu.vector_load %arg11[%swap3A_3226, %swap3A_3227] {strides = array<i32>} : memref<4x2048xf32, #tpu.memory_space<vmem>>, vector<1x16xf32>,
        %swap3A_3229 = vector.shape_cast %swap3A_3228 : vector<1x16xf32> to vector<16xf32>
        %swap3A_3230 = vector.shape_cast %select_n3A_3224 : vector<16xf32> to vector<1x16xf32>
        tpu.vector_store %arg11[%swap3A_3226, %swap3A_3227], %swap3A_3230 {strides = array<i32>} : memref<4x2048xf32, #tpu.memory_space<vmem>>, vector<1x16xf32>,
      }
      %scan3A_2355 = arith.constant 128 : i32
      %broadcast_in_dim3A_2356 = arith.constant -3.000000e+38 : f32
      %broadcast_in_dim3A_2357 = vector.broadcast %broadcast_in_dim3A_2356 : f32 to vector<16xf32>
      %broadcast_in_dim3A_2358 = arith.constant 0.000000e+00 : f32
      %broadcast_in_dim3A_2359 = vector.broadcast %broadcast_in_dim3A_2358 : f32 to vector<16xf32>
      %scan3A_2360 = arith.constant 0 : i32
      %scan3A_2361 = arith.constant 128 : i32
      %scan3A_2362 = arith.addi %scan3A_2360, %scan3A_2361 : i32
      %scan3A_2363 = arith.constant 1 : i32
      %scan3A_2364 = scf.for %scan3A_3143 = %scan3A_2360 to %scan3A_2362 step %scan3A_2363 iter_args(%scan3A_3144 = %broadcast_in_dim3A_2359) -> (vector<16xf32>)  : i32 {
        %mul3A = arith.constant 16 : i32
        %mul3A_3145 = arith.muli %scan3A_3143, %mul3A : i32
        %get3A_3146 = arith.constant 3 : i32
        %get3A_3147 = arith.index_cast %get3A_3146 : i32 to index
        %get3A_3148 = arith.index_cast %mul3A_3145 : i32 to index
        %get3A_3149 = tpu.vector_load %arg7[%get3A_3147, %get3A_3148] {strides = array<i32>} : memref<4x2048xf32, #tpu.memory_space<vmem>>, vector<1x16xf32>,
        %get3A_3150 = vector.shape_cast %get3A_3149 : vector<1x16xf32> to vector<16xf32>
        %get3A_3151 = arith.constant 0 : i32
        %get3A_3152 = arith.index_cast %get3A_3151 : i32 to index
        %get3A_3153 = arith.index_cast %mul3A_3145 : i32 to index
        %get3A_3154 = tpu.vector_load %arg8[%get3A_3152, %get3A_3153] {strides = array<i32>} : memref<9x2048xf32, #tpu.memory_space<vmem>>, vector<1x16xf32>,
        %get3A_3155 = vector.shape_cast %get3A_3154 : vector<1x16xf32> to vector<16xf32>
        %mul3A_3156 = arith.mulf %get3A_3150, %get3A_3155 : vector<16xf32>
        %add3A_3157 = arith.addf %scan3A_3144, %mul3A_3156 : vector<16xf32>
        scf.yield %add3A_3157 : vector<16xf32>
      }
      %scan3A_2365 = arith.constant 128 : i32
      %swap3A_2366 = arith.constant 0 : index
      %swap3A_2367 = tpu.vector_load %arg12[%swap3A_2366] {strides = array<i32>} : memref<32xf32, #tpu.memory_space<vmem>>, vector<16xf32>,
      %swap3A_2368 = vector.shape_cast %swap3A_2367 : vector<16xf32> to vector<16xf32>
      %swap3A_2369 = vector.shape_cast %scan3A_2364 : vector<16xf32> to vector<16xf32>
      tpu.vector_store %arg12[%swap3A_2366], %swap3A_2369 {strides = array<i32>} : memref<32xf32, #tpu.memory_space<vmem>>, vector<16xf32>,
      %swap3A_2370 = arith.constant 16 : index
      %swap3A_2371 = tpu.vector_load %arg12[%swap3A_2370] {strides = array<i32>} : memref<32xf32, #tpu.memory_space<vmem>>, vector<16xf32>,
      %swap3A_2372 = vector.shape_cast %swap3A_2371 : vector<16xf32> to vector<16xf32>
      %swap3A_2373 = vector.shape_cast %scan3A_2364 : vector<16xf32> to vector<16xf32>
      tpu.vector_store %arg12[%swap3A_2370], %swap3A_2373 {strides = array<i32>} : memref<32xf32, #tpu.memory_space<vmem>>, vector<16xf32>,
      %get3A_2374 = arith.constant 0 : index
      %get3A_2375 = tpu.vector_load %arg12[%get3A_2374] {strides = array<i32>} : memref<32xf32, #tpu.memory_space<vmem>>, vector<16xf32>,
      %get3A_2376 = vector.shape_cast %get3A_2375 : vector<16xf32> to vector<16xf32>
      %get3A_2377 = arith.constant 8 : index
      %get3A_2378 = tpu.vector_load %arg12[%get3A_2377] {strides = array<i32>} : memref<32xf32, #tpu.memory_space<vmem>>, vector<16xf32>,
      %get3A_2379 = vector.shape_cast %get3A_2378 : vector<16xf32> to vector<16xf32>
      %add3A_2380 = arith.addf %get3A_2376, %get3A_2379 : vector<16xf32>
      %swap3A_2381 = arith.constant 0 : index
      %swap3A_2382 = tpu.vector_load %arg12[%swap3A_2381] {strides = array<i32>} : memref<32xf32, #tpu.memory_space<vmem>>, vector<16xf32>,
      %swap3A_2383 = vector.shape_cast %swap3A_2382 : vector<16xf32> to vector<16xf32>
      %swap3A_2384 = vector.shape_cast %add3A_2380 : vector<16xf32> to vector<16xf32>
      tpu.vector_store %arg12[%swap3A_2381], %swap3A_2384 {strides = array<i32>} : memref<32xf32, #tpu.memory_space<vmem>>, vector<16xf32>,
      %swap3A_2385 = arith.constant 16 : index
      %swap3A_2386 = tpu.vector_load %arg12[%swap3A_2385] {strides = array<i32>} : memref<32xf32, #tpu.memory_space<vmem>>, vector<16xf32>,
      %swap3A_2387 = vector.shape_cast %swap3A_2386 : vector<16xf32> to vector<16xf32>
      %swap3A_2388 = vector.shape_cast %add3A_2380 : vector<16xf32> to vector<16xf32>
      tpu.vector_store %arg12[%swap3A_2385], %swap3A_2388 {strides = array<i32>} : memref<32xf32, #tpu.memory_space<vmem>>, vector<16xf32>,
      %get3A_2389 = arith.constant 0 : index
      %get3A_2390 = tpu.vector_load %arg12[%get3A_2389] {strides = array<i32>} : memref<32xf32, #tpu.memory_space<vmem>>, vector<16xf32>,
      %get3A_2391 = vector.shape_cast %get3A_2390 : vector<16xf32> to vector<16xf32>
      %get3A_2392 = arith.constant 4 : index
      %get3A_2393 = tpu.vector_load %arg12[%get3A_2392] {strides = array<i32>} : memref<32xf32, #tpu.memory_space<vmem>>, vector<16xf32>,
      %get3A_2394 = vector.shape_cast %get3A_2393 : vector<16xf32> to vector<16xf32>
      %add3A_2395 = arith.addf %get3A_2391, %get3A_2394 : vector<16xf32>
      %swap3A_2396 = arith.constant 0 : index
      %swap3A_2397 = tpu.vector_load %arg12[%swap3A_2396] {strides = array<i32>} : memref<32xf32, #tpu.memory_space<vmem>>, vector<16xf32>,
      %swap3A_2398 = vector.shape_cast %swap3A_2397 : vector<16xf32> to vector<16xf32>
      %swap3A_2399 = vector.shape_cast %add3A_2395 : vector<16xf32> to vector<16xf32>
      tpu.vector_store %arg12[%swap3A_2396], %swap3A_2399 {strides = array<i32>} : memref<32xf32, #tpu.memory_space<vmem>>, vector<16xf32>,
      %swap3A_2400 = arith.constant 16 : index
      %swap3A_2401 = tpu.vector_load %arg12[%swap3A_2400] {strides = array<i32>} : memref<32xf32, #tpu.memory_space<vmem>>, vector<16xf32>,
      %swap3A_2402 = vector.shape_cast %swap3A_2401 : vector<16xf32> to vector<16xf32>
      %swap3A_2403 = vector.shape_cast %add3A_2395 : vector<16xf32> to vector<16xf32>
      tpu.vector_store %arg12[%swap3A_2400], %swap3A_2403 {strides = array<i32>} : memref<32xf32, #tpu.memory_space<vmem>>, vector<16xf32>,
      %get3A_2404 = arith.constant 0 : index
      %get3A_2405 = tpu.vector_load %arg12[%get3A_2404] {strides = array<i32>} : memref<32xf32, #tpu.memory_space<vmem>>, vector<16xf32>,
      %get3A_2406 = vector.shape_cast %get3A_2405 : vector<16xf32> to vector<16xf32>
      %get3A_2407 = arith.constant 2 : index
      %get3A_2408 = tpu.vector_load %arg12[%get3A_2407] {strides = array<i32>} : memref<32xf32, #tpu.memory_space<vmem>>, vector<16xf32>,
      %get3A_2409 = vector.shape_cast %get3A_2408 : vector<16xf32> to vector<16xf32>
      %add3A_2410 = arith.addf %get3A_2406, %get3A_2409 : vector<16xf32>
      %swap3A_2411 = arith.constant 0 : index
      %swap3A_2412 = tpu.vector_load %arg12[%swap3A_2411] {strides = array<i32>} : memref<32xf32, #tpu.memory_space<vmem>>, vector<16xf32>,
      %swap3A_2413 = vector.shape_cast %swap3A_2412 : vector<16xf32> to vector<16xf32>
      %swap3A_2414 = vector.shape_cast %add3A_2410 : vector<16xf32> to vector<16xf32>
      tpu.vector_store %arg12[%swap3A_2411], %swap3A_2414 {strides = array<i32>} : memref<32xf32, #tpu.memory_space<vmem>>, vector<16xf32>,
      %swap3A_2415 = arith.constant 16 : index
      %swap3A_2416 = tpu.vector_load %arg12[%swap3A_2415] {strides = array<i32>} : memref<32xf32, #tpu.memory_space<vmem>>, vector<16xf32>,
      %swap3A_2417 = vector.shape_cast %swap3A_2416 : vector<16xf32> to vector<16xf32>
      %swap3A_2418 = vector.shape_cast %add3A_2410 : vector<16xf32> to vector<16xf32>
      tpu.vector_store %arg12[%swap3A_2415], %swap3A_2418 {strides = array<i32>} : memref<32xf32, #tpu.memory_space<vmem>>, vector<16xf32>,
      %get3A_2419 = arith.constant 0 : index
      %get3A_2420 = tpu.vector_load %arg12[%get3A_2419] {strides = array<i32>} : memref<32xf32, #tpu.memory_space<vmem>>, vector<16xf32>,
      %get3A_2421 = vector.shape_cast %get3A_2420 : vector<16xf32> to vector<16xf32>
      %get3A_2422 = arith.constant 1 : index
      %get3A_2423 = tpu.vector_load %arg12[%get3A_2422] {strides = array<i32>} : memref<32xf32, #tpu.memory_space<vmem>>, vector<16xf32>,
      %get3A_2424 = vector.shape_cast %get3A_2423 : vector<16xf32> to vector<16xf32>
      %add3A_2425 = arith.addf %get3A_2421, %get3A_2424 : vector<16xf32>
      %eq3A_2426 = arith.constant 0 : i32
      %eq3A_2427 = vector.broadcast %eq3A_2426 : i32 to vector<16xi32>
      %eq3A_2428 = arith.cmpi eq, %iota3A, %eq3A_2427 : vector<16xi32>
      %select_n3A_2429 = arith.select %eq3A_2428, %add3A_2425, %broadcast_in_dim3A_2357 : vector<16xi1>, vector<16xf32>
      %broadcast_in_dim3A_2430 = arith.constant 0.000000e+00 : f32
      %broadcast_in_dim3A_2431 = vector.broadcast %broadcast_in_dim3A_2430 : f32 to vector<16xf32>
      %scan3A_2432 = arith.constant 0 : i32
      %scan3A_2433 = arith.constant 128 : i32
      %scan3A_2434 = arith.addi %scan3A_2432, %scan3A_2433 : i32
      %scan3A_2435 = arith.constant 1 : i32
      %scan3A_2436 = scf.for %scan3A_3143 = %scan3A_2432 to %scan3A_2434 step %scan3A_2435 iter_args(%scan3A_3144 = %broadcast_in_dim3A_2431) -> (vector<16xf32>)  : i32 {
        %mul3A = arith.constant 16 : i32
        %mul3A_3145 = arith.muli %scan3A_3143, %mul3A : i32
        %get3A_3146 = arith.constant 3 : i32
        %get3A_3147 = arith.index_cast %get3A_3146 : i32 to index
        %get3A_3148 = arith.index_cast %mul3A_3145 : i32 to index
        %get3A_3149 = tpu.vector_load %arg7[%get3A_3147, %get3A_3148] {strides = array<i32>} : memref<4x2048xf32, #tpu.memory_space<vmem>>, vector<1x16xf32>,
        %get3A_3150 = vector.shape_cast %get3A_3149 : vector<1x16xf32> to vector<16xf32>
        %get3A_3151 = arith.constant 1 : i32
        %get3A_3152 = arith.index_cast %get3A_3151 : i32 to index
        %get3A_3153 = arith.index_cast %mul3A_3145 : i32 to index
        %get3A_3154 = tpu.vector_load %arg8[%get3A_3152, %get3A_3153] {strides = array<i32>} : memref<9x2048xf32, #tpu.memory_space<vmem>>, vector<1x16xf32>,
        %get3A_3155 = vector.shape_cast %get3A_3154 : vector<1x16xf32> to vector<16xf32>
        %mul3A_3156 = arith.mulf %get3A_3150, %get3A_3155 : vector<16xf32>
        %add3A_3157 = arith.addf %scan3A_3144, %mul3A_3156 : vector<16xf32>
        scf.yield %add3A_3157 : vector<16xf32>
      }
      %scan3A_2437 = arith.constant 128 : i32
      %swap3A_2438 = arith.constant 0 : index
      %swap3A_2439 = tpu.vector_load %arg12[%swap3A_2438] {strides = array<i32>} : memref<32xf32, #tpu.memory_space<vmem>>, vector<16xf32>,
      %swap3A_2440 = vector.shape_cast %swap3A_2439 : vector<16xf32> to vector<16xf32>
      %swap3A_2441 = vector.shape_cast %scan3A_2436 : vector<16xf32> to vector<16xf32>
      tpu.vector_store %arg12[%swap3A_2438], %swap3A_2441 {strides = array<i32>} : memref<32xf32, #tpu.memory_space<vmem>>, vector<16xf32>,
      %swap3A_2442 = arith.constant 16 : index
      %swap3A_2443 = tpu.vector_load %arg12[%swap3A_2442] {strides = array<i32>} : memref<32xf32, #tpu.memory_space<vmem>>, vector<16xf32>,
      %swap3A_2444 = vector.shape_cast %swap3A_2443 : vector<16xf32> to vector<16xf32>
      %swap3A_2445 = vector.shape_cast %scan3A_2436 : vector<16xf32> to vector<16xf32>
      tpu.vector_store %arg12[%swap3A_2442], %swap3A_2445 {strides = array<i32>} : memref<32xf32, #tpu.memory_space<vmem>>, vector<16xf32>,
      %get3A_2446 = arith.constant 0 : index
      %get3A_2447 = tpu.vector_load %arg12[%get3A_2446] {strides = array<i32>} : memref<32xf32, #tpu.memory_space<vmem>>, vector<16xf32>,
      %get3A_2448 = vector.shape_cast %get3A_2447 : vector<16xf32> to vector<16xf32>
      %get3A_2449 = arith.constant 8 : index
      %get3A_2450 = tpu.vector_load %arg12[%get3A_2449] {strides = array<i32>} : memref<32xf32, #tpu.memory_space<vmem>>, vector<16xf32>,
      %get3A_2451 = vector.shape_cast %get3A_2450 : vector<16xf32> to vector<16xf32>
      %add3A_2452 = arith.addf %get3A_2448, %get3A_2451 : vector<16xf32>
      %swap3A_2453 = arith.constant 0 : index
      %swap3A_2454 = tpu.vector_load %arg12[%swap3A_2453] {strides = array<i32>} : memref<32xf32, #tpu.memory_space<vmem>>, vector<16xf32>,
      %swap3A_2455 = vector.shape_cast %swap3A_2454 : vector<16xf32> to vector<16xf32>
      %swap3A_2456 = vector.shape_cast %add3A_2452 : vector<16xf32> to vector<16xf32>
      tpu.vector_store %arg12[%swap3A_2453], %swap3A_2456 {strides = array<i32>} : memref<32xf32, #tpu.memory_space<vmem>>, vector<16xf32>,
      %swap3A_2457 = arith.constant 16 : index
      %swap3A_2458 = tpu.vector_load %arg12[%swap3A_2457] {strides = array<i32>} : memref<32xf32, #tpu.memory_space<vmem>>, vector<16xf32>,
      %swap3A_2459 = vector.shape_cast %swap3A_2458 : vector<16xf32> to vector<16xf32>
      %swap3A_2460 = vector.shape_cast %add3A_2452 : vector<16xf32> to vector<16xf32>
      tpu.vector_store %arg12[%swap3A_2457], %swap3A_2460 {strides = array<i32>} : memref<32xf32, #tpu.memory_space<vmem>>, vector<16xf32>,
      %get3A_2461 = arith.constant 0 : index
      %get3A_2462 = tpu.vector_load %arg12[%get3A_2461] {strides = array<i32>} : memref<32xf32, #tpu.memory_space<vmem>>, vector<16xf32>,
      %get3A_2463 = vector.shape_cast %get3A_2462 : vector<16xf32> to vector<16xf32>
      %get3A_2464 = arith.constant 4 : index
      %get3A_2465 = tpu.vector_load %arg12[%get3A_2464] {strides = array<i32>} : memref<32xf32, #tpu.memory_space<vmem>>, vector<16xf32>,
      %get3A_2466 = vector.shape_cast %get3A_2465 : vector<16xf32> to vector<16xf32>
      %add3A_2467 = arith.addf %get3A_2463, %get3A_2466 : vector<16xf32>
      %swap3A_2468 = arith.constant 0 : index
      %swap3A_2469 = tpu.vector_load %arg12[%swap3A_2468] {strides = array<i32>} : memref<32xf32, #tpu.memory_space<vmem>>, vector<16xf32>,
      %swap3A_2470 = vector.shape_cast %swap3A_2469 : vector<16xf32> to vector<16xf32>
      %swap3A_2471 = vector.shape_cast %add3A_2467 : vector<16xf32> to vector<16xf32>
      tpu.vector_store %arg12[%swap3A_2468], %swap3A_2471 {strides = array<i32>} : memref<32xf32, #tpu.memory_space<vmem>>, vector<16xf32>,
      %swap3A_2472 = arith.constant 16 : index
      %swap3A_2473 = tpu.vector_load %arg12[%swap3A_2472] {strides = array<i32>} : memref<32xf32, #tpu.memory_space<vmem>>, vector<16xf32>,
      %swap3A_2474 = vector.shape_cast %swap3A_2473 : vector<16xf32> to vector<16xf32>
      %swap3A_2475 = vector.shape_cast %add3A_2467 : vector<16xf32> to vector<16xf32>
      tpu.vector_store %arg12[%swap3A_2472], %swap3A_2475 {strides = array<i32>} : memref<32xf32, #tpu.memory_space<vmem>>, vector<16xf32>,
      %get3A_2476 = arith.constant 0 : index
      %get3A_2477 = tpu.vector_load %arg12[%get3A_2476] {strides = array<i32>} : memref<32xf32, #tpu.memory_space<vmem>>, vector<16xf32>,
      %get3A_2478 = vector.shape_cast %get3A_2477 : vector<16xf32> to vector<16xf32>
      %get3A_2479 = arith.constant 2 : index
      %get3A_2480 = tpu.vector_load %arg12[%get3A_2479] {strides = array<i32>} : memref<32xf32, #tpu.memory_space<vmem>>, vector<16xf32>,
      %get3A_2481 = vector.shape_cast %get3A_2480 : vector<16xf32> to vector<16xf32>
      %add3A_2482 = arith.addf %get3A_2478, %get3A_2481 : vector<16xf32>
      %swap3A_2483 = arith.constant 0 : index
      %swap3A_2484 = tpu.vector_load %arg12[%swap3A_2483] {strides = array<i32>} : memref<32xf32, #tpu.memory_space<vmem>>, vector<16xf32>,
      %swap3A_2485 = vector.shape_cast %swap3A_2484 : vector<16xf32> to vector<16xf32>
      %swap3A_2486 = vector.shape_cast %add3A_2482 : vector<16xf32> to vector<16xf32>
      tpu.vector_store %arg12[%swap3A_2483], %swap3A_2486 {strides = array<i32>} : memref<32xf32, #tpu.memory_space<vmem>>, vector<16xf32>,
      %swap3A_2487 = arith.constant 16 : index
      %swap3A_2488 = tpu.vector_load %arg12[%swap3A_2487] {strides = array<i32>} : memref<32xf32, #tpu.memory_space<vmem>>, vector<16xf32>,
      %swap3A_2489 = vector.shape_cast %swap3A_2488 : vector<16xf32> to vector<16xf32>
      %swap3A_2490 = vector.shape_cast %add3A_2482 : vector<16xf32> to vector<16xf32>
      tpu.vector_store %arg12[%swap3A_2487], %swap3A_2490 {strides = array<i32>} : memref<32xf32, #tpu.memory_space<vmem>>, vector<16xf32>,
      %get3A_2491 = arith.constant 0 : index
      %get3A_2492 = tpu.vector_load %arg12[%get3A_2491] {strides = array<i32>} : memref<32xf32, #tpu.memory_space<vmem>>, vector<16xf32>,
      %get3A_2493 = vector.shape_cast %get3A_2492 : vector<16xf32> to vector<16xf32>
      %get3A_2494 = arith.constant 1 : index
      %get3A_2495 = tpu.vector_load %arg12[%get3A_2494] {strides = array<i32>} : memref<32xf32, #tpu.memory_space<vmem>>, vector<16xf32>,
      %get3A_2496 = vector.shape_cast %get3A_2495 : vector<16xf32> to vector<16xf32>
      %add3A_2497 = arith.addf %get3A_2493, %get3A_2496 : vector<16xf32>
      %eq3A_2498 = arith.constant 1 : i32
      %eq3A_2499 = vector.broadcast %eq3A_2498 : i32 to vector<16xi32>
      %eq3A_2500 = arith.cmpi eq, %iota3A, %eq3A_2499 : vector<16xi32>
      %select_n3A_2501 = arith.select %eq3A_2500, %add3A_2497, %select_n3A_2429 : vector<16xi1>, vector<16xf32>
      %broadcast_in_dim3A_2502 = arith.constant 0.000000e+00 : f32
      %broadcast_in_dim3A_2503 = vector.broadcast %broadcast_in_dim3A_2502 : f32 to vector<16xf32>
      %scan3A_2504 = arith.constant 0 : i32
      %scan3A_2505 = arith.constant 128 : i32
      %scan3A_2506 = arith.addi %scan3A_2504, %scan3A_2505 : i32
      %scan3A_2507 = arith.constant 1 : i32
      %scan3A_2508 = scf.for %scan3A_3143 = %scan3A_2504 to %scan3A_2506 step %scan3A_2507 iter_args(%scan3A_3144 = %broadcast_in_dim3A_2503) -> (vector<16xf32>)  : i32 {
        %mul3A = arith.constant 16 : i32
        %mul3A_3145 = arith.muli %scan3A_3143, %mul3A : i32
        %get3A_3146 = arith.constant 3 : i32
        %get3A_3147 = arith.index_cast %get3A_3146 : i32 to index
        %get3A_3148 = arith.index_cast %mul3A_3145 : i32 to index
        %get3A_3149 = tpu.vector_load %arg7[%get3A_3147, %get3A_3148] {strides = array<i32>} : memref<4x2048xf32, #tpu.memory_space<vmem>>, vector<1x16xf32>,
        %get3A_3150 = vector.shape_cast %get3A_3149 : vector<1x16xf32> to vector<16xf32>
        %get3A_3151 = arith.constant 2 : i32
        %get3A_3152 = arith.index_cast %get3A_3151 : i32 to index
        %get3A_3153 = arith.index_cast %mul3A_3145 : i32 to index
        %get3A_3154 = tpu.vector_load %arg8[%get3A_3152, %get3A_3153] {strides = array<i32>} : memref<9x2048xf32, #tpu.memory_space<vmem>>, vector<1x16xf32>,
        %get3A_3155 = vector.shape_cast %get3A_3154 : vector<1x16xf32> to vector<16xf32>
        %mul3A_3156 = arith.mulf %get3A_3150, %get3A_3155 : vector<16xf32>
        %add3A_3157 = arith.addf %scan3A_3144, %mul3A_3156 : vector<16xf32>
        scf.yield %add3A_3157 : vector<16xf32>
      }
      %scan3A_2509 = arith.constant 128 : i32
      %swap3A_2510 = arith.constant 0 : index
      %swap3A_2511 = tpu.vector_load %arg12[%swap3A_2510] {strides = array<i32>} : memref<32xf32, #tpu.memory_space<vmem>>, vector<16xf32>,
      %swap3A_2512 = vector.shape_cast %swap3A_2511 : vector<16xf32> to vector<16xf32>
      %swap3A_2513 = vector.shape_cast %scan3A_2508 : vector<16xf32> to vector<16xf32>
      tpu.vector_store %arg12[%swap3A_2510], %swap3A_2513 {strides = array<i32>} : memref<32xf32, #tpu.memory_space<vmem>>, vector<16xf32>,
      %swap3A_2514 = arith.constant 16 : index
      %swap3A_2515 = tpu.vector_load %arg12[%swap3A_2514] {strides = array<i32>} : memref<32xf32, #tpu.memory_space<vmem>>, vector<16xf32>,
      %swap3A_2516 = vector.shape_cast %swap3A_2515 : vector<16xf32> to vector<16xf32>
      %swap3A_2517 = vector.shape_cast %scan3A_2508 : vector<16xf32> to vector<16xf32>
      tpu.vector_store %arg12[%swap3A_2514], %swap3A_2517 {strides = array<i32>} : memref<32xf32, #tpu.memory_space<vmem>>, vector<16xf32>,
      %get3A_2518 = arith.constant 0 : index
      %get3A_2519 = tpu.vector_load %arg12[%get3A_2518] {strides = array<i32>} : memref<32xf32, #tpu.memory_space<vmem>>, vector<16xf32>,
      %get3A_2520 = vector.shape_cast %get3A_2519 : vector<16xf32> to vector<16xf32>
      %get3A_2521 = arith.constant 8 : index
      %get3A_2522 = tpu.vector_load %arg12[%get3A_2521] {strides = array<i32>} : memref<32xf32, #tpu.memory_space<vmem>>, vector<16xf32>,
      %get3A_2523 = vector.shape_cast %get3A_2522 : vector<16xf32> to vector<16xf32>
      %add3A_2524 = arith.addf %get3A_2520, %get3A_2523 : vector<16xf32>
      %swap3A_2525 = arith.constant 0 : index
      %swap3A_2526 = tpu.vector_load %arg12[%swap3A_2525] {strides = array<i32>} : memref<32xf32, #tpu.memory_space<vmem>>, vector<16xf32>,
      %swap3A_2527 = vector.shape_cast %swap3A_2526 : vector<16xf32> to vector<16xf32>
      %swap3A_2528 = vector.shape_cast %add3A_2524 : vector<16xf32> to vector<16xf32>
      tpu.vector_store %arg12[%swap3A_2525], %swap3A_2528 {strides = array<i32>} : memref<32xf32, #tpu.memory_space<vmem>>, vector<16xf32>,
      %swap3A_2529 = arith.constant 16 : index
      %swap3A_2530 = tpu.vector_load %arg12[%swap3A_2529] {strides = array<i32>} : memref<32xf32, #tpu.memory_space<vmem>>, vector<16xf32>,
      %swap3A_2531 = vector.shape_cast %swap3A_2530 : vector<16xf32> to vector<16xf32>
      %swap3A_2532 = vector.shape_cast %add3A_2524 : vector<16xf32> to vector<16xf32>
      tpu.vector_store %arg12[%swap3A_2529], %swap3A_2532 {strides = array<i32>} : memref<32xf32, #tpu.memory_space<vmem>>, vector<16xf32>,
      %get3A_2533 = arith.constant 0 : index
      %get3A_2534 = tpu.vector_load %arg12[%get3A_2533] {strides = array<i32>} : memref<32xf32, #tpu.memory_space<vmem>>, vector<16xf32>,
      %get3A_2535 = vector.shape_cast %get3A_2534 : vector<16xf32> to vector<16xf32>
      %get3A_2536 = arith.constant 4 : index
      %get3A_2537 = tpu.vector_load %arg12[%get3A_2536] {strides = array<i32>} : memref<32xf32, #tpu.memory_space<vmem>>, vector<16xf32>,
      %get3A_2538 = vector.shape_cast %get3A_2537 : vector<16xf32> to vector<16xf32>
      %add3A_2539 = arith.addf %get3A_2535, %get3A_2538 : vector<16xf32>
      %swap3A_2540 = arith.constant 0 : index
      %swap3A_2541 = tpu.vector_load %arg12[%swap3A_2540] {strides = array<i32>} : memref<32xf32, #tpu.memory_space<vmem>>, vector<16xf32>,
      %swap3A_2542 = vector.shape_cast %swap3A_2541 : vector<16xf32> to vector<16xf32>
      %swap3A_2543 = vector.shape_cast %add3A_2539 : vector<16xf32> to vector<16xf32>
      tpu.vector_store %arg12[%swap3A_2540], %swap3A_2543 {strides = array<i32>} : memref<32xf32, #tpu.memory_space<vmem>>, vector<16xf32>,
      %swap3A_2544 = arith.constant 16 : index
      %swap3A_2545 = tpu.vector_load %arg12[%swap3A_2544] {strides = array<i32>} : memref<32xf32, #tpu.memory_space<vmem>>, vector<16xf32>,
      %swap3A_2546 = vector.shape_cast %swap3A_2545 : vector<16xf32> to vector<16xf32>
      %swap3A_2547 = vector.shape_cast %add3A_2539 : vector<16xf32> to vector<16xf32>
      tpu.vector_store %arg12[%swap3A_2544], %swap3A_2547 {strides = array<i32>} : memref<32xf32, #tpu.memory_space<vmem>>, vector<16xf32>,
      %get3A_2548 = arith.constant 0 : index
      %get3A_2549 = tpu.vector_load %arg12[%get3A_2548] {strides = array<i32>} : memref<32xf32, #tpu.memory_space<vmem>>, vector<16xf32>,
      %get3A_2550 = vector.shape_cast %get3A_2549 : vector<16xf32> to vector<16xf32>
      %get3A_2551 = arith.constant 2 : index
      %get3A_2552 = tpu.vector_load %arg12[%get3A_2551] {strides = array<i32>} : memref<32xf32, #tpu.memory_space<vmem>>, vector<16xf32>,
      %get3A_2553 = vector.shape_cast %get3A_2552 : vector<16xf32> to vector<16xf32>
      %add3A_2554 = arith.addf %get3A_2550, %get3A_2553 : vector<16xf32>
      %swap3A_2555 = arith.constant 0 : index
      %swap3A_2556 = tpu.vector_load %arg12[%swap3A_2555] {strides = array<i32>} : memref<32xf32, #tpu.memory_space<vmem>>, vector<16xf32>,
      %swap3A_2557 = vector.shape_cast %swap3A_2556 : vector<16xf32> to vector<16xf32>
      %swap3A_2558 = vector.shape_cast %add3A_2554 : vector<16xf32> to vector<16xf32>
      tpu.vector_store %arg12[%swap3A_2555], %swap3A_2558 {strides = array<i32>} : memref<32xf32, #tpu.memory_space<vmem>>, vector<16xf32>,
      %swap3A_2559 = arith.constant 16 : index
      %swap3A_2560 = tpu.vector_load %arg12[%swap3A_2559] {strides = array<i32>} : memref<32xf32, #tpu.memory_space<vmem>>, vector<16xf32>,
      %swap3A_2561 = vector.shape_cast %swap3A_2560 : vector<16xf32> to vector<16xf32>
      %swap3A_2562 = vector.shape_cast %add3A_2554 : vector<16xf32> to vector<16xf32>
      tpu.vector_store %arg12[%swap3A_2559], %swap3A_2562 {strides = array<i32>} : memref<32xf32, #tpu.memory_space<vmem>>, vector<16xf32>,
      %get3A_2563 = arith.constant 0 : index
      %get3A_2564 = tpu.vector_load %arg12[%get3A_2563] {strides = array<i32>} : memref<32xf32, #tpu.memory_space<vmem>>, vector<16xf32>,
      %get3A_2565 = vector.shape_cast %get3A_2564 : vector<16xf32> to vector<16xf32>
      %get3A_2566 = arith.constant 1 : index
      %get3A_2567 = tpu.vector_load %arg12[%get3A_2566] {strides = array<i32>} : memref<32xf32, #tpu.memory_space<vmem>>, vector<16xf32>,
      %get3A_2568 = vector.shape_cast %get3A_2567 : vector<16xf32> to vector<16xf32>
      %add3A_2569 = arith.addf %get3A_2565, %get3A_2568 : vector<16xf32>
      %eq3A_2570 = arith.constant 2 : i32
      %eq3A_2571 = vector.broadcast %eq3A_2570 : i32 to vector<16xi32>
      %eq3A_2572 = arith.cmpi eq, %iota3A, %eq3A_2571 : vector<16xi32>
      %select_n3A_2573 = arith.select %eq3A_2572, %add3A_2569, %select_n3A_2501 : vector<16xi1>, vector<16xf32>
      %broadcast_in_dim3A_2574 = arith.constant 0.000000e+00 : f32
      %broadcast_in_dim3A_2575 = vector.broadcast %broadcast_in_dim3A_2574 : f32 to vector<16xf32>
      %scan3A_2576 = arith.constant 0 : i32
      %scan3A_2577 = arith.constant 128 : i32
      %scan3A_2578 = arith.addi %scan3A_2576, %scan3A_2577 : i32
      %scan3A_2579 = arith.constant 1 : i32
      %scan3A_2580 = scf.for %scan3A_3143 = %scan3A_2576 to %scan3A_2578 step %scan3A_2579 iter_args(%scan3A_3144 = %broadcast_in_dim3A_2575) -> (vector<16xf32>)  : i32 {
        %mul3A = arith.constant 16 : i32
        %mul3A_3145 = arith.muli %scan3A_3143, %mul3A : i32
        %get3A_3146 = arith.constant 3 : i32
        %get3A_3147 = arith.index_cast %get3A_3146 : i32 to index
        %get3A_3148 = arith.index_cast %mul3A_3145 : i32 to index
        %get3A_3149 = tpu.vector_load %arg7[%get3A_3147, %get3A_3148] {strides = array<i32>} : memref<4x2048xf32, #tpu.memory_space<vmem>>, vector<1x16xf32>,
        %get3A_3150 = vector.shape_cast %get3A_3149 : vector<1x16xf32> to vector<16xf32>
        %get3A_3151 = arith.constant 3 : i32
        %get3A_3152 = arith.index_cast %get3A_3151 : i32 to index
        %get3A_3153 = arith.index_cast %mul3A_3145 : i32 to index
        %get3A_3154 = tpu.vector_load %arg8[%get3A_3152, %get3A_3153] {strides = array<i32>} : memref<9x2048xf32, #tpu.memory_space<vmem>>, vector<1x16xf32>,
        %get3A_3155 = vector.shape_cast %get3A_3154 : vector<1x16xf32> to vector<16xf32>
        %mul3A_3156 = arith.mulf %get3A_3150, %get3A_3155 : vector<16xf32>
        %add3A_3157 = arith.addf %scan3A_3144, %mul3A_3156 : vector<16xf32>
        scf.yield %add3A_3157 : vector<16xf32>
      }
      %scan3A_2581 = arith.constant 128 : i32
      %swap3A_2582 = arith.constant 0 : index
      %swap3A_2583 = tpu.vector_load %arg12[%swap3A_2582] {strides = array<i32>} : memref<32xf32, #tpu.memory_space<vmem>>, vector<16xf32>,
      %swap3A_2584 = vector.shape_cast %swap3A_2583 : vector<16xf32> to vector<16xf32>
      %swap3A_2585 = vector.shape_cast %scan3A_2580 : vector<16xf32> to vector<16xf32>
      tpu.vector_store %arg12[%swap3A_2582], %swap3A_2585 {strides = array<i32>} : memref<32xf32, #tpu.memory_space<vmem>>, vector<16xf32>,
      %swap3A_2586 = arith.constant 16 : index
      %swap3A_2587 = tpu.vector_load %arg12[%swap3A_2586] {strides = array<i32>} : memref<32xf32, #tpu.memory_space<vmem>>, vector<16xf32>,
      %swap3A_2588 = vector.shape_cast %swap3A_2587 : vector<16xf32> to vector<16xf32>
      %swap3A_2589 = vector.shape_cast %scan3A_2580 : vector<16xf32> to vector<16xf32>
      tpu.vector_store %arg12[%swap3A_2586], %swap3A_2589 {strides = array<i32>} : memref<32xf32, #tpu.memory_space<vmem>>, vector<16xf32>,
      %get3A_2590 = arith.constant 0 : index
      %get3A_2591 = tpu.vector_load %arg12[%get3A_2590] {strides = array<i32>} : memref<32xf32, #tpu.memory_space<vmem>>, vector<16xf32>,
      %get3A_2592 = vector.shape_cast %get3A_2591 : vector<16xf32> to vector<16xf32>
      %get3A_2593 = arith.constant 8 : index
      %get3A_2594 = tpu.vector_load %arg12[%get3A_2593] {strides = array<i32>} : memref<32xf32, #tpu.memory_space<vmem>>, vector<16xf32>,
      %get3A_2595 = vector.shape_cast %get3A_2594 : vector<16xf32> to vector<16xf32>
      %add3A_2596 = arith.addf %get3A_2592, %get3A_2595 : vector<16xf32>
      %swap3A_2597 = arith.constant 0 : index
      %swap3A_2598 = tpu.vector_load %arg12[%swap3A_2597] {strides = array<i32>} : memref<32xf32, #tpu.memory_space<vmem>>, vector<16xf32>,
      %swap3A_2599 = vector.shape_cast %swap3A_2598 : vector<16xf32> to vector<16xf32>
      %swap3A_2600 = vector.shape_cast %add3A_2596 : vector<16xf32> to vector<16xf32>
      tpu.vector_store %arg12[%swap3A_2597], %swap3A_2600 {strides = array<i32>} : memref<32xf32, #tpu.memory_space<vmem>>, vector<16xf32>,
      %swap3A_2601 = arith.constant 16 : index
      %swap3A_2602 = tpu.vector_load %arg12[%swap3A_2601] {strides = array<i32>} : memref<32xf32, #tpu.memory_space<vmem>>, vector<16xf32>,
      %swap3A_2603 = vector.shape_cast %swap3A_2602 : vector<16xf32> to vector<16xf32>
      %swap3A_2604 = vector.shape_cast %add3A_2596 : vector<16xf32> to vector<16xf32>
      tpu.vector_store %arg12[%swap3A_2601], %swap3A_2604 {strides = array<i32>} : memref<32xf32, #tpu.memory_space<vmem>>, vector<16xf32>,
      %get3A_2605 = arith.constant 0 : index
      %get3A_2606 = tpu.vector_load %arg12[%get3A_2605] {strides = array<i32>} : memref<32xf32, #tpu.memory_space<vmem>>, vector<16xf32>,
      %get3A_2607 = vector.shape_cast %get3A_2606 : vector<16xf32> to vector<16xf32>
      %get3A_2608 = arith.constant 4 : index
      %get3A_2609 = tpu.vector_load %arg12[%get3A_2608] {strides = array<i32>} : memref<32xf32, #tpu.memory_space<vmem>>, vector<16xf32>,
      %get3A_2610 = vector.shape_cast %get3A_2609 : vector<16xf32> to vector<16xf32>
      %add3A_2611 = arith.addf %get3A_2607, %get3A_2610 : vector<16xf32>
      %swap3A_2612 = arith.constant 0 : index
      %swap3A_2613 = tpu.vector_load %arg12[%swap3A_2612] {strides = array<i32>} : memref<32xf32, #tpu.memory_space<vmem>>, vector<16xf32>,
      %swap3A_2614 = vector.shape_cast %swap3A_2613 : vector<16xf32> to vector<16xf32>
      %swap3A_2615 = vector.shape_cast %add3A_2611 : vector<16xf32> to vector<16xf32>
      tpu.vector_store %arg12[%swap3A_2612], %swap3A_2615 {strides = array<i32>} : memref<32xf32, #tpu.memory_space<vmem>>, vector<16xf32>,
      %swap3A_2616 = arith.constant 16 : index
      %swap3A_2617 = tpu.vector_load %arg12[%swap3A_2616] {strides = array<i32>} : memref<32xf32, #tpu.memory_space<vmem>>, vector<16xf32>,
      %swap3A_2618 = vector.shape_cast %swap3A_2617 : vector<16xf32> to vector<16xf32>
      %swap3A_2619 = vector.shape_cast %add3A_2611 : vector<16xf32> to vector<16xf32>
      tpu.vector_store %arg12[%swap3A_2616], %swap3A_2619 {strides = array<i32>} : memref<32xf32, #tpu.memory_space<vmem>>, vector<16xf32>,
      %get3A_2620 = arith.constant 0 : index
      %get3A_2621 = tpu.vector_load %arg12[%get3A_2620] {strides = array<i32>} : memref<32xf32, #tpu.memory_space<vmem>>, vector<16xf32>,
      %get3A_2622 = vector.shape_cast %get3A_2621 : vector<16xf32> to vector<16xf32>
      %get3A_2623 = arith.constant 2 : index
      %get3A_2624 = tpu.vector_load %arg12[%get3A_2623] {strides = array<i32>} : memref<32xf32, #tpu.memory_space<vmem>>, vector<16xf32>,
      %get3A_2625 = vector.shape_cast %get3A_2624 : vector<16xf32> to vector<16xf32>
      %add3A_2626 = arith.addf %get3A_2622, %get3A_2625 : vector<16xf32>
      %swap3A_2627 = arith.constant 0 : index
      %swap3A_2628 = tpu.vector_load %arg12[%swap3A_2627] {strides = array<i32>} : memref<32xf32, #tpu.memory_space<vmem>>, vector<16xf32>,
      %swap3A_2629 = vector.shape_cast %swap3A_2628 : vector<16xf32> to vector<16xf32>
      %swap3A_2630 = vector.shape_cast %add3A_2626 : vector<16xf32> to vector<16xf32>
      tpu.vector_store %arg12[%swap3A_2627], %swap3A_2630 {strides = array<i32>} : memref<32xf32, #tpu.memory_space<vmem>>, vector<16xf32>,
      %swap3A_2631 = arith.constant 16 : index
      %swap3A_2632 = tpu.vector_load %arg12[%swap3A_2631] {strides = array<i32>} : memref<32xf32, #tpu.memory_space<vmem>>, vector<16xf32>,
      %swap3A_2633 = vector.shape_cast %swap3A_2632 : vector<16xf32> to vector<16xf32>
      %swap3A_2634 = vector.shape_cast %add3A_2626 : vector<16xf32> to vector<16xf32>
      tpu.vector_store %arg12[%swap3A_2631], %swap3A_2634 {strides = array<i32>} : memref<32xf32, #tpu.memory_space<vmem>>, vector<16xf32>,
      %get3A_2635 = arith.constant 0 : index
      %get3A_2636 = tpu.vector_load %arg12[%get3A_2635] {strides = array<i32>} : memref<32xf32, #tpu.memory_space<vmem>>, vector<16xf32>,
      %get3A_2637 = vector.shape_cast %get3A_2636 : vector<16xf32> to vector<16xf32>
      %get3A_2638 = arith.constant 1 : index
      %get3A_2639 = tpu.vector_load %arg12[%get3A_2638] {strides = array<i32>} : memref<32xf32, #tpu.memory_space<vmem>>, vector<16xf32>,
      %get3A_2640 = vector.shape_cast %get3A_2639 : vector<16xf32> to vector<16xf32>
      %add3A_2641 = arith.addf %get3A_2637, %get3A_2640 : vector<16xf32>
      %eq3A_2642 = arith.constant 3 : i32
      %eq3A_2643 = vector.broadcast %eq3A_2642 : i32 to vector<16xi32>
      %eq3A_2644 = arith.cmpi eq, %iota3A, %eq3A_2643 : vector<16xi32>
      %select_n3A_2645 = arith.select %eq3A_2644, %add3A_2641, %select_n3A_2573 : vector<16xi1>, vector<16xf32>
      %broadcast_in_dim3A_2646 = arith.constant 0.000000e+00 : f32
      %broadcast_in_dim3A_2647 = vector.broadcast %broadcast_in_dim3A_2646 : f32 to vector<16xf32>
      %scan3A_2648 = arith.constant 0 : i32
      %scan3A_2649 = arith.constant 128 : i32
      %scan3A_2650 = arith.addi %scan3A_2648, %scan3A_2649 : i32
      %scan3A_2651 = arith.constant 1 : i32
      %scan3A_2652 = scf.for %scan3A_3143 = %scan3A_2648 to %scan3A_2650 step %scan3A_2651 iter_args(%scan3A_3144 = %broadcast_in_dim3A_2647) -> (vector<16xf32>)  : i32 {
        %mul3A = arith.constant 16 : i32
        %mul3A_3145 = arith.muli %scan3A_3143, %mul3A : i32
        %get3A_3146 = arith.constant 3 : i32
        %get3A_3147 = arith.index_cast %get3A_3146 : i32 to index
        %get3A_3148 = arith.index_cast %mul3A_3145 : i32 to index
        %get3A_3149 = tpu.vector_load %arg7[%get3A_3147, %get3A_3148] {strides = array<i32>} : memref<4x2048xf32, #tpu.memory_space<vmem>>, vector<1x16xf32>,
        %get3A_3150 = vector.shape_cast %get3A_3149 : vector<1x16xf32> to vector<16xf32>
        %get3A_3151 = arith.constant 4 : i32
        %get3A_3152 = arith.index_cast %get3A_3151 : i32 to index
        %get3A_3153 = arith.index_cast %mul3A_3145 : i32 to index
        %get3A_3154 = tpu.vector_load %arg8[%get3A_3152, %get3A_3153] {strides = array<i32>} : memref<9x2048xf32, #tpu.memory_space<vmem>>, vector<1x16xf32>,
        %get3A_3155 = vector.shape_cast %get3A_3154 : vector<1x16xf32> to vector<16xf32>
        %mul3A_3156 = arith.mulf %get3A_3150, %get3A_3155 : vector<16xf32>
        %add3A_3157 = arith.addf %scan3A_3144, %mul3A_3156 : vector<16xf32>
        scf.yield %add3A_3157 : vector<16xf32>
      }
      %scan3A_2653 = arith.constant 128 : i32
      %swap3A_2654 = arith.constant 0 : index
      %swap3A_2655 = tpu.vector_load %arg12[%swap3A_2654] {strides = array<i32>} : memref<32xf32, #tpu.memory_space<vmem>>, vector<16xf32>,
      %swap3A_2656 = vector.shape_cast %swap3A_2655 : vector<16xf32> to vector<16xf32>
      %swap3A_2657 = vector.shape_cast %scan3A_2652 : vector<16xf32> to vector<16xf32>
      tpu.vector_store %arg12[%swap3A_2654], %swap3A_2657 {strides = array<i32>} : memref<32xf32, #tpu.memory_space<vmem>>, vector<16xf32>,
      %swap3A_2658 = arith.constant 16 : index
      %swap3A_2659 = tpu.vector_load %arg12[%swap3A_2658] {strides = array<i32>} : memref<32xf32, #tpu.memory_space<vmem>>, vector<16xf32>,
      %swap3A_2660 = vector.shape_cast %swap3A_2659 : vector<16xf32> to vector<16xf32>
      %swap3A_2661 = vector.shape_cast %scan3A_2652 : vector<16xf32> to vector<16xf32>
      tpu.vector_store %arg12[%swap3A_2658], %swap3A_2661 {strides = array<i32>} : memref<32xf32, #tpu.memory_space<vmem>>, vector<16xf32>,
      %get3A_2662 = arith.constant 0 : index
      %get3A_2663 = tpu.vector_load %arg12[%get3A_2662] {strides = array<i32>} : memref<32xf32, #tpu.memory_space<vmem>>, vector<16xf32>,
      %get3A_2664 = vector.shape_cast %get3A_2663 : vector<16xf32> to vector<16xf32>
      %get3A_2665 = arith.constant 8 : index
      %get3A_2666 = tpu.vector_load %arg12[%get3A_2665] {strides = array<i32>} : memref<32xf32, #tpu.memory_space<vmem>>, vector<16xf32>,
      %get3A_2667 = vector.shape_cast %get3A_2666 : vector<16xf32> to vector<16xf32>
      %add3A_2668 = arith.addf %get3A_2664, %get3A_2667 : vector<16xf32>
      %swap3A_2669 = arith.constant 0 : index
      %swap3A_2670 = tpu.vector_load %arg12[%swap3A_2669] {strides = array<i32>} : memref<32xf32, #tpu.memory_space<vmem>>, vector<16xf32>,
      %swap3A_2671 = vector.shape_cast %swap3A_2670 : vector<16xf32> to vector<16xf32>
      %swap3A_2672 = vector.shape_cast %add3A_2668 : vector<16xf32> to vector<16xf32>
      tpu.vector_store %arg12[%swap3A_2669], %swap3A_2672 {strides = array<i32>} : memref<32xf32, #tpu.memory_space<vmem>>, vector<16xf32>,
      %swap3A_2673 = arith.constant 16 : index
      %swap3A_2674 = tpu.vector_load %arg12[%swap3A_2673] {strides = array<i32>} : memref<32xf32, #tpu.memory_space<vmem>>, vector<16xf32>,
      %swap3A_2675 = vector.shape_cast %swap3A_2674 : vector<16xf32> to vector<16xf32>
      %swap3A_2676 = vector.shape_cast %add3A_2668 : vector<16xf32> to vector<16xf32>
      tpu.vector_store %arg12[%swap3A_2673], %swap3A_2676 {strides = array<i32>} : memref<32xf32, #tpu.memory_space<vmem>>, vector<16xf32>,
      %get3A_2677 = arith.constant 0 : index
      %get3A_2678 = tpu.vector_load %arg12[%get3A_2677] {strides = array<i32>} : memref<32xf32, #tpu.memory_space<vmem>>, vector<16xf32>,
      %get3A_2679 = vector.shape_cast %get3A_2678 : vector<16xf32> to vector<16xf32>
      %get3A_2680 = arith.constant 4 : index
      %get3A_2681 = tpu.vector_load %arg12[%get3A_2680] {strides = array<i32>} : memref<32xf32, #tpu.memory_space<vmem>>, vector<16xf32>,
      %get3A_2682 = vector.shape_cast %get3A_2681 : vector<16xf32> to vector<16xf32>
      %add3A_2683 = arith.addf %get3A_2679, %get3A_2682 : vector<16xf32>
      %swap3A_2684 = arith.constant 0 : index
      %swap3A_2685 = tpu.vector_load %arg12[%swap3A_2684] {strides = array<i32>} : memref<32xf32, #tpu.memory_space<vmem>>, vector<16xf32>,
      %swap3A_2686 = vector.shape_cast %swap3A_2685 : vector<16xf32> to vector<16xf32>
      %swap3A_2687 = vector.shape_cast %add3A_2683 : vector<16xf32> to vector<16xf32>
      tpu.vector_store %arg12[%swap3A_2684], %swap3A_2687 {strides = array<i32>} : memref<32xf32, #tpu.memory_space<vmem>>, vector<16xf32>,
      %swap3A_2688 = arith.constant 16 : index
      %swap3A_2689 = tpu.vector_load %arg12[%swap3A_2688] {strides = array<i32>} : memref<32xf32, #tpu.memory_space<vmem>>, vector<16xf32>,
      %swap3A_2690 = vector.shape_cast %swap3A_2689 : vector<16xf32> to vector<16xf32>
      %swap3A_2691 = vector.shape_cast %add3A_2683 : vector<16xf32> to vector<16xf32>
      tpu.vector_store %arg12[%swap3A_2688], %swap3A_2691 {strides = array<i32>} : memref<32xf32, #tpu.memory_space<vmem>>, vector<16xf32>,
      %get3A_2692 = arith.constant 0 : index
      %get3A_2693 = tpu.vector_load %arg12[%get3A_2692] {strides = array<i32>} : memref<32xf32, #tpu.memory_space<vmem>>, vector<16xf32>,
      %get3A_2694 = vector.shape_cast %get3A_2693 : vector<16xf32> to vector<16xf32>
      %get3A_2695 = arith.constant 2 : index
      %get3A_2696 = tpu.vector_load %arg12[%get3A_2695] {strides = array<i32>} : memref<32xf32, #tpu.memory_space<vmem>>, vector<16xf32>,
      %get3A_2697 = vector.shape_cast %get3A_2696 : vector<16xf32> to vector<16xf32>
      %add3A_2698 = arith.addf %get3A_2694, %get3A_2697 : vector<16xf32>
      %swap3A_2699 = arith.constant 0 : index
      %swap3A_2700 = tpu.vector_load %arg12[%swap3A_2699] {strides = array<i32>} : memref<32xf32, #tpu.memory_space<vmem>>, vector<16xf32>,
      %swap3A_2701 = vector.shape_cast %swap3A_2700 : vector<16xf32> to vector<16xf32>
      %swap3A_2702 = vector.shape_cast %add3A_2698 : vector<16xf32> to vector<16xf32>
      tpu.vector_store %arg12[%swap3A_2699], %swap3A_2702 {strides = array<i32>} : memref<32xf32, #tpu.memory_space<vmem>>, vector<16xf32>,
      %swap3A_2703 = arith.constant 16 : index
      %swap3A_2704 = tpu.vector_load %arg12[%swap3A_2703] {strides = array<i32>} : memref<32xf32, #tpu.memory_space<vmem>>, vector<16xf32>,
      %swap3A_2705 = vector.shape_cast %swap3A_2704 : vector<16xf32> to vector<16xf32>
      %swap3A_2706 = vector.shape_cast %add3A_2698 : vector<16xf32> to vector<16xf32>
      tpu.vector_store %arg12[%swap3A_2703], %swap3A_2706 {strides = array<i32>} : memref<32xf32, #tpu.memory_space<vmem>>, vector<16xf32>,
      %get3A_2707 = arith.constant 0 : index
      %get3A_2708 = tpu.vector_load %arg12[%get3A_2707] {strides = array<i32>} : memref<32xf32, #tpu.memory_space<vmem>>, vector<16xf32>,
      %get3A_2709 = vector.shape_cast %get3A_2708 : vector<16xf32> to vector<16xf32>
      %get3A_2710 = arith.constant 1 : index
      %get3A_2711 = tpu.vector_load %arg12[%get3A_2710] {strides = array<i32>} : memref<32xf32, #tpu.memory_space<vmem>>, vector<16xf32>,
      %get3A_2712 = vector.shape_cast %get3A_2711 : vector<16xf32> to vector<16xf32>
      %add3A_2713 = arith.addf %get3A_2709, %get3A_2712 : vector<16xf32>
      %eq3A_2714 = arith.constant 4 : i32
      %eq3A_2715 = vector.broadcast %eq3A_2714 : i32 to vector<16xi32>
      %eq3A_2716 = arith.cmpi eq, %iota3A, %eq3A_2715 : vector<16xi32>
      %select_n3A_2717 = arith.select %eq3A_2716, %add3A_2713, %select_n3A_2645 : vector<16xi1>, vector<16xf32>
      %broadcast_in_dim3A_2718 = arith.constant 0.000000e+00 : f32
      %broadcast_in_dim3A_2719 = vector.broadcast %broadcast_in_dim3A_2718 : f32 to vector<16xf32>
      %scan3A_2720 = arith.constant 0 : i32
      %scan3A_2721 = arith.constant 128 : i32
      %scan3A_2722 = arith.addi %scan3A_2720, %scan3A_2721 : i32
      %scan3A_2723 = arith.constant 1 : i32
      %scan3A_2724 = scf.for %scan3A_3143 = %scan3A_2720 to %scan3A_2722 step %scan3A_2723 iter_args(%scan3A_3144 = %broadcast_in_dim3A_2719) -> (vector<16xf32>)  : i32 {
        %mul3A = arith.constant 16 : i32
        %mul3A_3145 = arith.muli %scan3A_3143, %mul3A : i32
        %get3A_3146 = arith.constant 3 : i32
        %get3A_3147 = arith.index_cast %get3A_3146 : i32 to index
        %get3A_3148 = arith.index_cast %mul3A_3145 : i32 to index
        %get3A_3149 = tpu.vector_load %arg7[%get3A_3147, %get3A_3148] {strides = array<i32>} : memref<4x2048xf32, #tpu.memory_space<vmem>>, vector<1x16xf32>,
        %get3A_3150 = vector.shape_cast %get3A_3149 : vector<1x16xf32> to vector<16xf32>
        %get3A_3151 = arith.constant 5 : i32
        %get3A_3152 = arith.index_cast %get3A_3151 : i32 to index
        %get3A_3153 = arith.index_cast %mul3A_3145 : i32 to index
        %get3A_3154 = tpu.vector_load %arg8[%get3A_3152, %get3A_3153] {strides = array<i32>} : memref<9x2048xf32, #tpu.memory_space<vmem>>, vector<1x16xf32>,
        %get3A_3155 = vector.shape_cast %get3A_3154 : vector<1x16xf32> to vector<16xf32>
        %mul3A_3156 = arith.mulf %get3A_3150, %get3A_3155 : vector<16xf32>
        %add3A_3157 = arith.addf %scan3A_3144, %mul3A_3156 : vector<16xf32>
        scf.yield %add3A_3157 : vector<16xf32>
      }
      %scan3A_2725 = arith.constant 128 : i32
      %swap3A_2726 = arith.constant 0 : index
      %swap3A_2727 = tpu.vector_load %arg12[%swap3A_2726] {strides = array<i32>} : memref<32xf32, #tpu.memory_space<vmem>>, vector<16xf32>,
      %swap3A_2728 = vector.shape_cast %swap3A_2727 : vector<16xf32> to vector<16xf32>
      %swap3A_2729 = vector.shape_cast %scan3A_2724 : vector<16xf32> to vector<16xf32>
      tpu.vector_store %arg12[%swap3A_2726], %swap3A_2729 {strides = array<i32>} : memref<32xf32, #tpu.memory_space<vmem>>, vector<16xf32>,
      %swap3A_2730 = arith.constant 16 : index
      %swap3A_2731 = tpu.vector_load %arg12[%swap3A_2730] {strides = array<i32>} : memref<32xf32, #tpu.memory_space<vmem>>, vector<16xf32>,
      %swap3A_2732 = vector.shape_cast %swap3A_2731 : vector<16xf32> to vector<16xf32>
      %swap3A_2733 = vector.shape_cast %scan3A_2724 : vector<16xf32> to vector<16xf32>
      tpu.vector_store %arg12[%swap3A_2730], %swap3A_2733 {strides = array<i32>} : memref<32xf32, #tpu.memory_space<vmem>>, vector<16xf32>,
      %get3A_2734 = arith.constant 0 : index
      %get3A_2735 = tpu.vector_load %arg12[%get3A_2734] {strides = array<i32>} : memref<32xf32, #tpu.memory_space<vmem>>, vector<16xf32>,
      %get3A_2736 = vector.shape_cast %get3A_2735 : vector<16xf32> to vector<16xf32>
      %get3A_2737 = arith.constant 8 : index
      %get3A_2738 = tpu.vector_load %arg12[%get3A_2737] {strides = array<i32>} : memref<32xf32, #tpu.memory_space<vmem>>, vector<16xf32>,
      %get3A_2739 = vector.shape_cast %get3A_2738 : vector<16xf32> to vector<16xf32>
      %add3A_2740 = arith.addf %get3A_2736, %get3A_2739 : vector<16xf32>
      %swap3A_2741 = arith.constant 0 : index
      %swap3A_2742 = tpu.vector_load %arg12[%swap3A_2741] {strides = array<i32>} : memref<32xf32, #tpu.memory_space<vmem>>, vector<16xf32>,
      %swap3A_2743 = vector.shape_cast %swap3A_2742 : vector<16xf32> to vector<16xf32>
      %swap3A_2744 = vector.shape_cast %add3A_2740 : vector<16xf32> to vector<16xf32>
      tpu.vector_store %arg12[%swap3A_2741], %swap3A_2744 {strides = array<i32>} : memref<32xf32, #tpu.memory_space<vmem>>, vector<16xf32>,
      %swap3A_2745 = arith.constant 16 : index
      %swap3A_2746 = tpu.vector_load %arg12[%swap3A_2745] {strides = array<i32>} : memref<32xf32, #tpu.memory_space<vmem>>, vector<16xf32>,
      %swap3A_2747 = vector.shape_cast %swap3A_2746 : vector<16xf32> to vector<16xf32>
      %swap3A_2748 = vector.shape_cast %add3A_2740 : vector<16xf32> to vector<16xf32>
      tpu.vector_store %arg12[%swap3A_2745], %swap3A_2748 {strides = array<i32>} : memref<32xf32, #tpu.memory_space<vmem>>, vector<16xf32>,
      %get3A_2749 = arith.constant 0 : index
      %get3A_2750 = tpu.vector_load %arg12[%get3A_2749] {strides = array<i32>} : memref<32xf32, #tpu.memory_space<vmem>>, vector<16xf32>,
      %get3A_2751 = vector.shape_cast %get3A_2750 : vector<16xf32> to vector<16xf32>
      %get3A_2752 = arith.constant 4 : index
      %get3A_2753 = tpu.vector_load %arg12[%get3A_2752] {strides = array<i32>} : memref<32xf32, #tpu.memory_space<vmem>>, vector<16xf32>,
      %get3A_2754 = vector.shape_cast %get3A_2753 : vector<16xf32> to vector<16xf32>
      %add3A_2755 = arith.addf %get3A_2751, %get3A_2754 : vector<16xf32>
      %swap3A_2756 = arith.constant 0 : index
      %swap3A_2757 = tpu.vector_load %arg12[%swap3A_2756] {strides = array<i32>} : memref<32xf32, #tpu.memory_space<vmem>>, vector<16xf32>,
      %swap3A_2758 = vector.shape_cast %swap3A_2757 : vector<16xf32> to vector<16xf32>
      %swap3A_2759 = vector.shape_cast %add3A_2755 : vector<16xf32> to vector<16xf32>
      tpu.vector_store %arg12[%swap3A_2756], %swap3A_2759 {strides = array<i32>} : memref<32xf32, #tpu.memory_space<vmem>>, vector<16xf32>,
      %swap3A_2760 = arith.constant 16 : index
      %swap3A_2761 = tpu.vector_load %arg12[%swap3A_2760] {strides = array<i32>} : memref<32xf32, #tpu.memory_space<vmem>>, vector<16xf32>,
      %swap3A_2762 = vector.shape_cast %swap3A_2761 : vector<16xf32> to vector<16xf32>
      %swap3A_2763 = vector.shape_cast %add3A_2755 : vector<16xf32> to vector<16xf32>
      tpu.vector_store %arg12[%swap3A_2760], %swap3A_2763 {strides = array<i32>} : memref<32xf32, #tpu.memory_space<vmem>>, vector<16xf32>,
      %get3A_2764 = arith.constant 0 : index
      %get3A_2765 = tpu.vector_load %arg12[%get3A_2764] {strides = array<i32>} : memref<32xf32, #tpu.memory_space<vmem>>, vector<16xf32>,
      %get3A_2766 = vector.shape_cast %get3A_2765 : vector<16xf32> to vector<16xf32>
      %get3A_2767 = arith.constant 2 : index
      %get3A_2768 = tpu.vector_load %arg12[%get3A_2767] {strides = array<i32>} : memref<32xf32, #tpu.memory_space<vmem>>, vector<16xf32>,
      %get3A_2769 = vector.shape_cast %get3A_2768 : vector<16xf32> to vector<16xf32>
      %add3A_2770 = arith.addf %get3A_2766, %get3A_2769 : vector<16xf32>
      %swap3A_2771 = arith.constant 0 : index
      %swap3A_2772 = tpu.vector_load %arg12[%swap3A_2771] {strides = array<i32>} : memref<32xf32, #tpu.memory_space<vmem>>, vector<16xf32>,
      %swap3A_2773 = vector.shape_cast %swap3A_2772 : vector<16xf32> to vector<16xf32>
      %swap3A_2774 = vector.shape_cast %add3A_2770 : vector<16xf32> to vector<16xf32>
      tpu.vector_store %arg12[%swap3A_2771], %swap3A_2774 {strides = array<i32>} : memref<32xf32, #tpu.memory_space<vmem>>, vector<16xf32>,
      %swap3A_2775 = arith.constant 16 : index
      %swap3A_2776 = tpu.vector_load %arg12[%swap3A_2775] {strides = array<i32>} : memref<32xf32, #tpu.memory_space<vmem>>, vector<16xf32>,
      %swap3A_2777 = vector.shape_cast %swap3A_2776 : vector<16xf32> to vector<16xf32>
      %swap3A_2778 = vector.shape_cast %add3A_2770 : vector<16xf32> to vector<16xf32>
      tpu.vector_store %arg12[%swap3A_2775], %swap3A_2778 {strides = array<i32>} : memref<32xf32, #tpu.memory_space<vmem>>, vector<16xf32>,
      %get3A_2779 = arith.constant 0 : index
      %get3A_2780 = tpu.vector_load %arg12[%get3A_2779] {strides = array<i32>} : memref<32xf32, #tpu.memory_space<vmem>>, vector<16xf32>,
      %get3A_2781 = vector.shape_cast %get3A_2780 : vector<16xf32> to vector<16xf32>
      %get3A_2782 = arith.constant 1 : index
      %get3A_2783 = tpu.vector_load %arg12[%get3A_2782] {strides = array<i32>} : memref<32xf32, #tpu.memory_space<vmem>>, vector<16xf32>,
      %get3A_2784 = vector.shape_cast %get3A_2783 : vector<16xf32> to vector<16xf32>
      %add3A_2785 = arith.addf %get3A_2781, %get3A_2784 : vector<16xf32>
      %eq3A_2786 = arith.constant 5 : i32
      %eq3A_2787 = vector.broadcast %eq3A_2786 : i32 to vector<16xi32>
      %eq3A_2788 = arith.cmpi eq, %iota3A, %eq3A_2787 : vector<16xi32>
      %select_n3A_2789 = arith.select %eq3A_2788, %add3A_2785, %select_n3A_2717 : vector<16xi1>, vector<16xf32>
      %broadcast_in_dim3A_2790 = arith.constant 0.000000e+00 : f32
      %broadcast_in_dim3A_2791 = vector.broadcast %broadcast_in_dim3A_2790 : f32 to vector<16xf32>
      %scan3A_2792 = arith.constant 0 : i32
      %scan3A_2793 = arith.constant 128 : i32
      %scan3A_2794 = arith.addi %scan3A_2792, %scan3A_2793 : i32
      %scan3A_2795 = arith.constant 1 : i32
      %scan3A_2796 = scf.for %scan3A_3143 = %scan3A_2792 to %scan3A_2794 step %scan3A_2795 iter_args(%scan3A_3144 = %broadcast_in_dim3A_2791) -> (vector<16xf32>)  : i32 {
        %mul3A = arith.constant 16 : i32
        %mul3A_3145 = arith.muli %scan3A_3143, %mul3A : i32
        %get3A_3146 = arith.constant 3 : i32
        %get3A_3147 = arith.index_cast %get3A_3146 : i32 to index
        %get3A_3148 = arith.index_cast %mul3A_3145 : i32 to index
        %get3A_3149 = tpu.vector_load %arg7[%get3A_3147, %get3A_3148] {strides = array<i32>} : memref<4x2048xf32, #tpu.memory_space<vmem>>, vector<1x16xf32>,
        %get3A_3150 = vector.shape_cast %get3A_3149 : vector<1x16xf32> to vector<16xf32>
        %get3A_3151 = arith.constant 6 : i32
        %get3A_3152 = arith.index_cast %get3A_3151 : i32 to index
        %get3A_3153 = arith.index_cast %mul3A_3145 : i32 to index
        %get3A_3154 = tpu.vector_load %arg8[%get3A_3152, %get3A_3153] {strides = array<i32>} : memref<9x2048xf32, #tpu.memory_space<vmem>>, vector<1x16xf32>,
        %get3A_3155 = vector.shape_cast %get3A_3154 : vector<1x16xf32> to vector<16xf32>
        %mul3A_3156 = arith.mulf %get3A_3150, %get3A_3155 : vector<16xf32>
        %add3A_3157 = arith.addf %scan3A_3144, %mul3A_3156 : vector<16xf32>
        scf.yield %add3A_3157 : vector<16xf32>
      }
      %scan3A_2797 = arith.constant 128 : i32
      %swap3A_2798 = arith.constant 0 : index
      %swap3A_2799 = tpu.vector_load %arg12[%swap3A_2798] {strides = array<i32>} : memref<32xf32, #tpu.memory_space<vmem>>, vector<16xf32>,
      %swap3A_2800 = vector.shape_cast %swap3A_2799 : vector<16xf32> to vector<16xf32>
      %swap3A_2801 = vector.shape_cast %scan3A_2796 : vector<16xf32> to vector<16xf32>
      tpu.vector_store %arg12[%swap3A_2798], %swap3A_2801 {strides = array<i32>} : memref<32xf32, #tpu.memory_space<vmem>>, vector<16xf32>,
      %swap3A_2802 = arith.constant 16 : index
      %swap3A_2803 = tpu.vector_load %arg12[%swap3A_2802] {strides = array<i32>} : memref<32xf32, #tpu.memory_space<vmem>>, vector<16xf32>,
      %swap3A_2804 = vector.shape_cast %swap3A_2803 : vector<16xf32> to vector<16xf32>
      %swap3A_2805 = vector.shape_cast %scan3A_2796 : vector<16xf32> to vector<16xf32>
      tpu.vector_store %arg12[%swap3A_2802], %swap3A_2805 {strides = array<i32>} : memref<32xf32, #tpu.memory_space<vmem>>, vector<16xf32>,
      %get3A_2806 = arith.constant 0 : index
      %get3A_2807 = tpu.vector_load %arg12[%get3A_2806] {strides = array<i32>} : memref<32xf32, #tpu.memory_space<vmem>>, vector<16xf32>,
      %get3A_2808 = vector.shape_cast %get3A_2807 : vector<16xf32> to vector<16xf32>
      %get3A_2809 = arith.constant 8 : index
      %get3A_2810 = tpu.vector_load %arg12[%get3A_2809] {strides = array<i32>} : memref<32xf32, #tpu.memory_space<vmem>>, vector<16xf32>,
      %get3A_2811 = vector.shape_cast %get3A_2810 : vector<16xf32> to vector<16xf32>
      %add3A_2812 = arith.addf %get3A_2808, %get3A_2811 : vector<16xf32>
      %swap3A_2813 = arith.constant 0 : index
      %swap3A_2814 = tpu.vector_load %arg12[%swap3A_2813] {strides = array<i32>} : memref<32xf32, #tpu.memory_space<vmem>>, vector<16xf32>,
      %swap3A_2815 = vector.shape_cast %swap3A_2814 : vector<16xf32> to vector<16xf32>
      %swap3A_2816 = vector.shape_cast %add3A_2812 : vector<16xf32> to vector<16xf32>
      tpu.vector_store %arg12[%swap3A_2813], %swap3A_2816 {strides = array<i32>} : memref<32xf32, #tpu.memory_space<vmem>>, vector<16xf32>,
      %swap3A_2817 = arith.constant 16 : index
      %swap3A_2818 = tpu.vector_load %arg12[%swap3A_2817] {strides = array<i32>} : memref<32xf32, #tpu.memory_space<vmem>>, vector<16xf32>,
      %swap3A_2819 = vector.shape_cast %swap3A_2818 : vector<16xf32> to vector<16xf32>
      %swap3A_2820 = vector.shape_cast %add3A_2812 : vector<16xf32> to vector<16xf32>
      tpu.vector_store %arg12[%swap3A_2817], %swap3A_2820 {strides = array<i32>} : memref<32xf32, #tpu.memory_space<vmem>>, vector<16xf32>,
      %get3A_2821 = arith.constant 0 : index
      %get3A_2822 = tpu.vector_load %arg12[%get3A_2821] {strides = array<i32>} : memref<32xf32, #tpu.memory_space<vmem>>, vector<16xf32>,
      %get3A_2823 = vector.shape_cast %get3A_2822 : vector<16xf32> to vector<16xf32>
      %get3A_2824 = arith.constant 4 : index
      %get3A_2825 = tpu.vector_load %arg12[%get3A_2824] {strides = array<i32>} : memref<32xf32, #tpu.memory_space<vmem>>, vector<16xf32>,
      %get3A_2826 = vector.shape_cast %get3A_2825 : vector<16xf32> to vector<16xf32>
      %add3A_2827 = arith.addf %get3A_2823, %get3A_2826 : vector<16xf32>
      %swap3A_2828 = arith.constant 0 : index
      %swap3A_2829 = tpu.vector_load %arg12[%swap3A_2828] {strides = array<i32>} : memref<32xf32, #tpu.memory_space<vmem>>, vector<16xf32>,
      %swap3A_2830 = vector.shape_cast %swap3A_2829 : vector<16xf32> to vector<16xf32>
      %swap3A_2831 = vector.shape_cast %add3A_2827 : vector<16xf32> to vector<16xf32>
      tpu.vector_store %arg12[%swap3A_2828], %swap3A_2831 {strides = array<i32>} : memref<32xf32, #tpu.memory_space<vmem>>, vector<16xf32>,
      %swap3A_2832 = arith.constant 16 : index
      %swap3A_2833 = tpu.vector_load %arg12[%swap3A_2832] {strides = array<i32>} : memref<32xf32, #tpu.memory_space<vmem>>, vector<16xf32>,
      %swap3A_2834 = vector.shape_cast %swap3A_2833 : vector<16xf32> to vector<16xf32>
      %swap3A_2835 = vector.shape_cast %add3A_2827 : vector<16xf32> to vector<16xf32>
      tpu.vector_store %arg12[%swap3A_2832], %swap3A_2835 {strides = array<i32>} : memref<32xf32, #tpu.memory_space<vmem>>, vector<16xf32>,
      %get3A_2836 = arith.constant 0 : index
      %get3A_2837 = tpu.vector_load %arg12[%get3A_2836] {strides = array<i32>} : memref<32xf32, #tpu.memory_space<vmem>>, vector<16xf32>,
      %get3A_2838 = vector.shape_cast %get3A_2837 : vector<16xf32> to vector<16xf32>
      %get3A_2839 = arith.constant 2 : index
      %get3A_2840 = tpu.vector_load %arg12[%get3A_2839] {strides = array<i32>} : memref<32xf32, #tpu.memory_space<vmem>>, vector<16xf32>,
      %get3A_2841 = vector.shape_cast %get3A_2840 : vector<16xf32> to vector<16xf32>
      %add3A_2842 = arith.addf %get3A_2838, %get3A_2841 : vector<16xf32>
      %swap3A_2843 = arith.constant 0 : index
      %swap3A_2844 = tpu.vector_load %arg12[%swap3A_2843] {strides = array<i32>} : memref<32xf32, #tpu.memory_space<vmem>>, vector<16xf32>,
      %swap3A_2845 = vector.shape_cast %swap3A_2844 : vector<16xf32> to vector<16xf32>
      %swap3A_2846 = vector.shape_cast %add3A_2842 : vector<16xf32> to vector<16xf32>
      tpu.vector_store %arg12[%swap3A_2843], %swap3A_2846 {strides = array<i32>} : memref<32xf32, #tpu.memory_space<vmem>>, vector<16xf32>,
      %swap3A_2847 = arith.constant 16 : index
      %swap3A_2848 = tpu.vector_load %arg12[%swap3A_2847] {strides = array<i32>} : memref<32xf32, #tpu.memory_space<vmem>>, vector<16xf32>,
      %swap3A_2849 = vector.shape_cast %swap3A_2848 : vector<16xf32> to vector<16xf32>
      %swap3A_2850 = vector.shape_cast %add3A_2842 : vector<16xf32> to vector<16xf32>
      tpu.vector_store %arg12[%swap3A_2847], %swap3A_2850 {strides = array<i32>} : memref<32xf32, #tpu.memory_space<vmem>>, vector<16xf32>,
      %get3A_2851 = arith.constant 0 : index
      %get3A_2852 = tpu.vector_load %arg12[%get3A_2851] {strides = array<i32>} : memref<32xf32, #tpu.memory_space<vmem>>, vector<16xf32>,
      %get3A_2853 = vector.shape_cast %get3A_2852 : vector<16xf32> to vector<16xf32>
      %get3A_2854 = arith.constant 1 : index
      %get3A_2855 = tpu.vector_load %arg12[%get3A_2854] {strides = array<i32>} : memref<32xf32, #tpu.memory_space<vmem>>, vector<16xf32>,
      %get3A_2856 = vector.shape_cast %get3A_2855 : vector<16xf32> to vector<16xf32>
      %add3A_2857 = arith.addf %get3A_2853, %get3A_2856 : vector<16xf32>
      %eq3A_2858 = arith.constant 6 : i32
      %eq3A_2859 = vector.broadcast %eq3A_2858 : i32 to vector<16xi32>
      %eq3A_2860 = arith.cmpi eq, %iota3A, %eq3A_2859 : vector<16xi32>
      %select_n3A_2861 = arith.select %eq3A_2860, %add3A_2857, %select_n3A_2789 : vector<16xi1>, vector<16xf32>
      %broadcast_in_dim3A_2862 = arith.constant 0.000000e+00 : f32
      %broadcast_in_dim3A_2863 = vector.broadcast %broadcast_in_dim3A_2862 : f32 to vector<16xf32>
      %scan3A_2864 = arith.constant 0 : i32
      %scan3A_2865 = arith.constant 128 : i32
      %scan3A_2866 = arith.addi %scan3A_2864, %scan3A_2865 : i32
      %scan3A_2867 = arith.constant 1 : i32
      %scan3A_2868 = scf.for %scan3A_3143 = %scan3A_2864 to %scan3A_2866 step %scan3A_2867 iter_args(%scan3A_3144 = %broadcast_in_dim3A_2863) -> (vector<16xf32>)  : i32 {
        %mul3A = arith.constant 16 : i32
        %mul3A_3145 = arith.muli %scan3A_3143, %mul3A : i32
        %get3A_3146 = arith.constant 3 : i32
        %get3A_3147 = arith.index_cast %get3A_3146 : i32 to index
        %get3A_3148 = arith.index_cast %mul3A_3145 : i32 to index
        %get3A_3149 = tpu.vector_load %arg7[%get3A_3147, %get3A_3148] {strides = array<i32>} : memref<4x2048xf32, #tpu.memory_space<vmem>>, vector<1x16xf32>,
        %get3A_3150 = vector.shape_cast %get3A_3149 : vector<1x16xf32> to vector<16xf32>
        %get3A_3151 = arith.constant 7 : i32
        %get3A_3152 = arith.index_cast %get3A_3151 : i32 to index
        %get3A_3153 = arith.index_cast %mul3A_3145 : i32 to index
        %get3A_3154 = tpu.vector_load %arg8[%get3A_3152, %get3A_3153] {strides = array<i32>} : memref<9x2048xf32, #tpu.memory_space<vmem>>, vector<1x16xf32>,
        %get3A_3155 = vector.shape_cast %get3A_3154 : vector<1x16xf32> to vector<16xf32>
        %mul3A_3156 = arith.mulf %get3A_3150, %get3A_3155 : vector<16xf32>
        %add3A_3157 = arith.addf %scan3A_3144, %mul3A_3156 : vector<16xf32>
        scf.yield %add3A_3157 : vector<16xf32>
      }
      %scan3A_2869 = arith.constant 128 : i32
      %swap3A_2870 = arith.constant 0 : index
      %swap3A_2871 = tpu.vector_load %arg12[%swap3A_2870] {strides = array<i32>} : memref<32xf32, #tpu.memory_space<vmem>>, vector<16xf32>,
      %swap3A_2872 = vector.shape_cast %swap3A_2871 : vector<16xf32> to vector<16xf32>
      %swap3A_2873 = vector.shape_cast %scan3A_2868 : vector<16xf32> to vector<16xf32>
      tpu.vector_store %arg12[%swap3A_2870], %swap3A_2873 {strides = array<i32>} : memref<32xf32, #tpu.memory_space<vmem>>, vector<16xf32>,
      %swap3A_2874 = arith.constant 16 : index
      %swap3A_2875 = tpu.vector_load %arg12[%swap3A_2874] {strides = array<i32>} : memref<32xf32, #tpu.memory_space<vmem>>, vector<16xf32>,
      %swap3A_2876 = vector.shape_cast %swap3A_2875 : vector<16xf32> to vector<16xf32>
      %swap3A_2877 = vector.shape_cast %scan3A_2868 : vector<16xf32> to vector<16xf32>
      tpu.vector_store %arg12[%swap3A_2874], %swap3A_2877 {strides = array<i32>} : memref<32xf32, #tpu.memory_space<vmem>>, vector<16xf32>,
      %get3A_2878 = arith.constant 0 : index
      %get3A_2879 = tpu.vector_load %arg12[%get3A_2878] {strides = array<i32>} : memref<32xf32, #tpu.memory_space<vmem>>, vector<16xf32>,
      %get3A_2880 = vector.shape_cast %get3A_2879 : vector<16xf32> to vector<16xf32>
      %get3A_2881 = arith.constant 8 : index
      %get3A_2882 = tpu.vector_load %arg12[%get3A_2881] {strides = array<i32>} : memref<32xf32, #tpu.memory_space<vmem>>, vector<16xf32>,
      %get3A_2883 = vector.shape_cast %get3A_2882 : vector<16xf32> to vector<16xf32>
      %add3A_2884 = arith.addf %get3A_2880, %get3A_2883 : vector<16xf32>
      %swap3A_2885 = arith.constant 0 : index
      %swap3A_2886 = tpu.vector_load %arg12[%swap3A_2885] {strides = array<i32>} : memref<32xf32, #tpu.memory_space<vmem>>, vector<16xf32>,
      %swap3A_2887 = vector.shape_cast %swap3A_2886 : vector<16xf32> to vector<16xf32>
      %swap3A_2888 = vector.shape_cast %add3A_2884 : vector<16xf32> to vector<16xf32>
      tpu.vector_store %arg12[%swap3A_2885], %swap3A_2888 {strides = array<i32>} : memref<32xf32, #tpu.memory_space<vmem>>, vector<16xf32>,
      %swap3A_2889 = arith.constant 16 : index
      %swap3A_2890 = tpu.vector_load %arg12[%swap3A_2889] {strides = array<i32>} : memref<32xf32, #tpu.memory_space<vmem>>, vector<16xf32>,
      %swap3A_2891 = vector.shape_cast %swap3A_2890 : vector<16xf32> to vector<16xf32>
      %swap3A_2892 = vector.shape_cast %add3A_2884 : vector<16xf32> to vector<16xf32>
      tpu.vector_store %arg12[%swap3A_2889], %swap3A_2892 {strides = array<i32>} : memref<32xf32, #tpu.memory_space<vmem>>, vector<16xf32>,
      %get3A_2893 = arith.constant 0 : index
      %get3A_2894 = tpu.vector_load %arg12[%get3A_2893] {strides = array<i32>} : memref<32xf32, #tpu.memory_space<vmem>>, vector<16xf32>,
      %get3A_2895 = vector.shape_cast %get3A_2894 : vector<16xf32> to vector<16xf32>
      %get3A_2896 = arith.constant 4 : index
      %get3A_2897 = tpu.vector_load %arg12[%get3A_2896] {strides = array<i32>} : memref<32xf32, #tpu.memory_space<vmem>>, vector<16xf32>,
      %get3A_2898 = vector.shape_cast %get3A_2897 : vector<16xf32> to vector<16xf32>
      %add3A_2899 = arith.addf %get3A_2895, %get3A_2898 : vector<16xf32>
      %swap3A_2900 = arith.constant 0 : index
      %swap3A_2901 = tpu.vector_load %arg12[%swap3A_2900] {strides = array<i32>} : memref<32xf32, #tpu.memory_space<vmem>>, vector<16xf32>,
      %swap3A_2902 = vector.shape_cast %swap3A_2901 : vector<16xf32> to vector<16xf32>
      %swap3A_2903 = vector.shape_cast %add3A_2899 : vector<16xf32> to vector<16xf32>
      tpu.vector_store %arg12[%swap3A_2900], %swap3A_2903 {strides = array<i32>} : memref<32xf32, #tpu.memory_space<vmem>>, vector<16xf32>,
      %swap3A_2904 = arith.constant 16 : index
      %swap3A_2905 = tpu.vector_load %arg12[%swap3A_2904] {strides = array<i32>} : memref<32xf32, #tpu.memory_space<vmem>>, vector<16xf32>,
      %swap3A_2906 = vector.shape_cast %swap3A_2905 : vector<16xf32> to vector<16xf32>
      %swap3A_2907 = vector.shape_cast %add3A_2899 : vector<16xf32> to vector<16xf32>
      tpu.vector_store %arg12[%swap3A_2904], %swap3A_2907 {strides = array<i32>} : memref<32xf32, #tpu.memory_space<vmem>>, vector<16xf32>,
      %get3A_2908 = arith.constant 0 : index
      %get3A_2909 = tpu.vector_load %arg12[%get3A_2908] {strides = array<i32>} : memref<32xf32, #tpu.memory_space<vmem>>, vector<16xf32>,
      %get3A_2910 = vector.shape_cast %get3A_2909 : vector<16xf32> to vector<16xf32>
      %get3A_2911 = arith.constant 2 : index
      %get3A_2912 = tpu.vector_load %arg12[%get3A_2911] {strides = array<i32>} : memref<32xf32, #tpu.memory_space<vmem>>, vector<16xf32>,
      %get3A_2913 = vector.shape_cast %get3A_2912 : vector<16xf32> to vector<16xf32>
      %add3A_2914 = arith.addf %get3A_2910, %get3A_2913 : vector<16xf32>
      %swap3A_2915 = arith.constant 0 : index
      %swap3A_2916 = tpu.vector_load %arg12[%swap3A_2915] {strides = array<i32>} : memref<32xf32, #tpu.memory_space<vmem>>, vector<16xf32>,
      %swap3A_2917 = vector.shape_cast %swap3A_2916 : vector<16xf32> to vector<16xf32>
      %swap3A_2918 = vector.shape_cast %add3A_2914 : vector<16xf32> to vector<16xf32>
      tpu.vector_store %arg12[%swap3A_2915], %swap3A_2918 {strides = array<i32>} : memref<32xf32, #tpu.memory_space<vmem>>, vector<16xf32>,
      %swap3A_2919 = arith.constant 16 : index
      %swap3A_2920 = tpu.vector_load %arg12[%swap3A_2919] {strides = array<i32>} : memref<32xf32, #tpu.memory_space<vmem>>, vector<16xf32>,
      %swap3A_2921 = vector.shape_cast %swap3A_2920 : vector<16xf32> to vector<16xf32>
      %swap3A_2922 = vector.shape_cast %add3A_2914 : vector<16xf32> to vector<16xf32>
      tpu.vector_store %arg12[%swap3A_2919], %swap3A_2922 {strides = array<i32>} : memref<32xf32, #tpu.memory_space<vmem>>, vector<16xf32>,
      %get3A_2923 = arith.constant 0 : index
      %get3A_2924 = tpu.vector_load %arg12[%get3A_2923] {strides = array<i32>} : memref<32xf32, #tpu.memory_space<vmem>>, vector<16xf32>,
      %get3A_2925 = vector.shape_cast %get3A_2924 : vector<16xf32> to vector<16xf32>
      %get3A_2926 = arith.constant 1 : index
      %get3A_2927 = tpu.vector_load %arg12[%get3A_2926] {strides = array<i32>} : memref<32xf32, #tpu.memory_space<vmem>>, vector<16xf32>,
      %get3A_2928 = vector.shape_cast %get3A_2927 : vector<16xf32> to vector<16xf32>
      %add3A_2929 = arith.addf %get3A_2925, %get3A_2928 : vector<16xf32>
      %eq3A_2930 = arith.constant 7 : i32
      %eq3A_2931 = vector.broadcast %eq3A_2930 : i32 to vector<16xi32>
      %eq3A_2932 = arith.cmpi eq, %iota3A, %eq3A_2931 : vector<16xi32>
      %select_n3A_2933 = arith.select %eq3A_2932, %add3A_2929, %select_n3A_2861 : vector<16xi1>, vector<16xf32>
      %broadcast_in_dim3A_2934 = arith.constant 0.000000e+00 : f32
      %broadcast_in_dim3A_2935 = vector.broadcast %broadcast_in_dim3A_2934 : f32 to vector<16xf32>
      %scan3A_2936 = arith.constant 0 : i32
      %scan3A_2937 = arith.constant 128 : i32
      %scan3A_2938 = arith.addi %scan3A_2936, %scan3A_2937 : i32
      %scan3A_2939 = arith.constant 1 : i32
      %scan3A_2940 = scf.for %scan3A_3143 = %scan3A_2936 to %scan3A_2938 step %scan3A_2939 iter_args(%scan3A_3144 = %broadcast_in_dim3A_2935) -> (vector<16xf32>)  : i32 {
        %mul3A = arith.constant 16 : i32
        %mul3A_3145 = arith.muli %scan3A_3143, %mul3A : i32
        %get3A_3146 = arith.constant 3 : i32
        %get3A_3147 = arith.index_cast %get3A_3146 : i32 to index
        %get3A_3148 = arith.index_cast %mul3A_3145 : i32 to index
        %get3A_3149 = tpu.vector_load %arg7[%get3A_3147, %get3A_3148] {strides = array<i32>} : memref<4x2048xf32, #tpu.memory_space<vmem>>, vector<1x16xf32>,
        %get3A_3150 = vector.shape_cast %get3A_3149 : vector<1x16xf32> to vector<16xf32>
        %get3A_3151 = arith.constant 8 : i32
        %get3A_3152 = arith.index_cast %get3A_3151 : i32 to index
        %get3A_3153 = arith.index_cast %mul3A_3145 : i32 to index
        %get3A_3154 = tpu.vector_load %arg8[%get3A_3152, %get3A_3153] {strides = array<i32>} : memref<9x2048xf32, #tpu.memory_space<vmem>>, vector<1x16xf32>,
        %get3A_3155 = vector.shape_cast %get3A_3154 : vector<1x16xf32> to vector<16xf32>
        %mul3A_3156 = arith.mulf %get3A_3150, %get3A_3155 : vector<16xf32>
        %add3A_3157 = arith.addf %scan3A_3144, %mul3A_3156 : vector<16xf32>
        scf.yield %add3A_3157 : vector<16xf32>
      }
      %scan3A_2941 = arith.constant 128 : i32
      %swap3A_2942 = arith.constant 0 : index
      %swap3A_2943 = tpu.vector_load %arg12[%swap3A_2942] {strides = array<i32>} : memref<32xf32, #tpu.memory_space<vmem>>, vector<16xf32>,
      %swap3A_2944 = vector.shape_cast %swap3A_2943 : vector<16xf32> to vector<16xf32>
      %swap3A_2945 = vector.shape_cast %scan3A_2940 : vector<16xf32> to vector<16xf32>
      tpu.vector_store %arg12[%swap3A_2942], %swap3A_2945 {strides = array<i32>} : memref<32xf32, #tpu.memory_space<vmem>>, vector<16xf32>,
      %swap3A_2946 = arith.constant 16 : index
      %swap3A_2947 = tpu.vector_load %arg12[%swap3A_2946] {strides = array<i32>} : memref<32xf32, #tpu.memory_space<vmem>>, vector<16xf32>,
      %swap3A_2948 = vector.shape_cast %swap3A_2947 : vector<16xf32> to vector<16xf32>
      %swap3A_2949 = vector.shape_cast %scan3A_2940 : vector<16xf32> to vector<16xf32>
      tpu.vector_store %arg12[%swap3A_2946], %swap3A_2949 {strides = array<i32>} : memref<32xf32, #tpu.memory_space<vmem>>, vector<16xf32>,
      %get3A_2950 = arith.constant 0 : index
      %get3A_2951 = tpu.vector_load %arg12[%get3A_2950] {strides = array<i32>} : memref<32xf32, #tpu.memory_space<vmem>>, vector<16xf32>,
      %get3A_2952 = vector.shape_cast %get3A_2951 : vector<16xf32> to vector<16xf32>
      %get3A_2953 = arith.constant 8 : index
      %get3A_2954 = tpu.vector_load %arg12[%get3A_2953] {strides = array<i32>} : memref<32xf32, #tpu.memory_space<vmem>>, vector<16xf32>,
      %get3A_2955 = vector.shape_cast %get3A_2954 : vector<16xf32> to vector<16xf32>
      %add3A_2956 = arith.addf %get3A_2952, %get3A_2955 : vector<16xf32>
      %swap3A_2957 = arith.constant 0 : index
      %swap3A_2958 = tpu.vector_load %arg12[%swap3A_2957] {strides = array<i32>} : memref<32xf32, #tpu.memory_space<vmem>>, vector<16xf32>,
      %swap3A_2959 = vector.shape_cast %swap3A_2958 : vector<16xf32> to vector<16xf32>
      %swap3A_2960 = vector.shape_cast %add3A_2956 : vector<16xf32> to vector<16xf32>
      tpu.vector_store %arg12[%swap3A_2957], %swap3A_2960 {strides = array<i32>} : memref<32xf32, #tpu.memory_space<vmem>>, vector<16xf32>,
      %swap3A_2961 = arith.constant 16 : index
      %swap3A_2962 = tpu.vector_load %arg12[%swap3A_2961] {strides = array<i32>} : memref<32xf32, #tpu.memory_space<vmem>>, vector<16xf32>,
      %swap3A_2963 = vector.shape_cast %swap3A_2962 : vector<16xf32> to vector<16xf32>
      %swap3A_2964 = vector.shape_cast %add3A_2956 : vector<16xf32> to vector<16xf32>
      tpu.vector_store %arg12[%swap3A_2961], %swap3A_2964 {strides = array<i32>} : memref<32xf32, #tpu.memory_space<vmem>>, vector<16xf32>,
      %get3A_2965 = arith.constant 0 : index
      %get3A_2966 = tpu.vector_load %arg12[%get3A_2965] {strides = array<i32>} : memref<32xf32, #tpu.memory_space<vmem>>, vector<16xf32>,
      %get3A_2967 = vector.shape_cast %get3A_2966 : vector<16xf32> to vector<16xf32>
      %get3A_2968 = arith.constant 4 : index
      %get3A_2969 = tpu.vector_load %arg12[%get3A_2968] {strides = array<i32>} : memref<32xf32, #tpu.memory_space<vmem>>, vector<16xf32>,
      %get3A_2970 = vector.shape_cast %get3A_2969 : vector<16xf32> to vector<16xf32>
      %add3A_2971 = arith.addf %get3A_2967, %get3A_2970 : vector<16xf32>
      %swap3A_2972 = arith.constant 0 : index
      %swap3A_2973 = tpu.vector_load %arg12[%swap3A_2972] {strides = array<i32>} : memref<32xf32, #tpu.memory_space<vmem>>, vector<16xf32>,
      %swap3A_2974 = vector.shape_cast %swap3A_2973 : vector<16xf32> to vector<16xf32>
      %swap3A_2975 = vector.shape_cast %add3A_2971 : vector<16xf32> to vector<16xf32>
      tpu.vector_store %arg12[%swap3A_2972], %swap3A_2975 {strides = array<i32>} : memref<32xf32, #tpu.memory_space<vmem>>, vector<16xf32>,
      %swap3A_2976 = arith.constant 16 : index
      %swap3A_2977 = tpu.vector_load %arg12[%swap3A_2976] {strides = array<i32>} : memref<32xf32, #tpu.memory_space<vmem>>, vector<16xf32>,
      %swap3A_2978 = vector.shape_cast %swap3A_2977 : vector<16xf32> to vector<16xf32>
      %swap3A_2979 = vector.shape_cast %add3A_2971 : vector<16xf32> to vector<16xf32>
      tpu.vector_store %arg12[%swap3A_2976], %swap3A_2979 {strides = array<i32>} : memref<32xf32, #tpu.memory_space<vmem>>, vector<16xf32>,
      %get3A_2980 = arith.constant 0 : index
      %get3A_2981 = tpu.vector_load %arg12[%get3A_2980] {strides = array<i32>} : memref<32xf32, #tpu.memory_space<vmem>>, vector<16xf32>,
      %get3A_2982 = vector.shape_cast %get3A_2981 : vector<16xf32> to vector<16xf32>
      %get3A_2983 = arith.constant 2 : index
      %get3A_2984 = tpu.vector_load %arg12[%get3A_2983] {strides = array<i32>} : memref<32xf32, #tpu.memory_space<vmem>>, vector<16xf32>,
      %get3A_2985 = vector.shape_cast %get3A_2984 : vector<16xf32> to vector<16xf32>
      %add3A_2986 = arith.addf %get3A_2982, %get3A_2985 : vector<16xf32>
      %swap3A_2987 = arith.constant 0 : index
      %swap3A_2988 = tpu.vector_load %arg12[%swap3A_2987] {strides = array<i32>} : memref<32xf32, #tpu.memory_space<vmem>>, vector<16xf32>,
      %swap3A_2989 = vector.shape_cast %swap3A_2988 : vector<16xf32> to vector<16xf32>
      %swap3A_2990 = vector.shape_cast %add3A_2986 : vector<16xf32> to vector<16xf32>
      tpu.vector_store %arg12[%swap3A_2987], %swap3A_2990 {strides = array<i32>} : memref<32xf32, #tpu.memory_space<vmem>>, vector<16xf32>,
      %swap3A_2991 = arith.constant 16 : index
      %swap3A_2992 = tpu.vector_load %arg12[%swap3A_2991] {strides = array<i32>} : memref<32xf32, #tpu.memory_space<vmem>>, vector<16xf32>,
      %swap3A_2993 = vector.shape_cast %swap3A_2992 : vector<16xf32> to vector<16xf32>
      %swap3A_2994 = vector.shape_cast %add3A_2986 : vector<16xf32> to vector<16xf32>
      tpu.vector_store %arg12[%swap3A_2991], %swap3A_2994 {strides = array<i32>} : memref<32xf32, #tpu.memory_space<vmem>>, vector<16xf32>,
      %get3A_2995 = arith.constant 0 : index
      %get3A_2996 = tpu.vector_load %arg12[%get3A_2995] {strides = array<i32>} : memref<32xf32, #tpu.memory_space<vmem>>, vector<16xf32>,
      %get3A_2997 = vector.shape_cast %get3A_2996 : vector<16xf32> to vector<16xf32>
      %get3A_2998 = arith.constant 1 : index
      %get3A_2999 = tpu.vector_load %arg12[%get3A_2998] {strides = array<i32>} : memref<32xf32, #tpu.memory_space<vmem>>, vector<16xf32>,
      %get3A_3000 = vector.shape_cast %get3A_2999 : vector<16xf32> to vector<16xf32>
      %add3A_3001 = arith.addf %get3A_2997, %get3A_3000 : vector<16xf32>
      %eq3A_3002 = arith.constant 8 : i32
      %eq3A_3003 = vector.broadcast %eq3A_3002 : i32 to vector<16xi32>
      %eq3A_3004 = arith.cmpi eq, %iota3A, %eq3A_3003 : vector<16xi32>
      %select_n3A_3005 = arith.select %eq3A_3004, %add3A_3001, %select_n3A_2933 : vector<16xi1>, vector<16xf32>
      %get3A_3006 = arith.constant 0 : index
      %get3A_3007 = tpu.vector_load %arg9[%get3A_3006] {strides = array<i32>} : memref<16xf32, #tpu.memory_space<vmem>>, vector<16xf32>,
      %get3A_3008 = vector.shape_cast %get3A_3007 : vector<16xf32> to vector<16xf32>
      %add3A_3009 = arith.addf %select_n3A_3005, %get3A_3008 : vector<16xf32>
      %swap3A_3010 = arith.constant 0 : index
      %swap3A_3011 = tpu.vector_load %arg12[%swap3A_3010] {strides = array<i32>} : memref<32xf32, #tpu.memory_space<vmem>>, vector<16xf32>,
      %swap3A_3012 = vector.shape_cast %swap3A_3011 : vector<16xf32> to vector<16xf32>
      %swap3A_3013 = vector.shape_cast %add3A_3009 : vector<16xf32> to vector<16xf32>
      tpu.vector_store %arg12[%swap3A_3010], %swap3A_3013 {strides = array<i32>} : memref<32xf32, #tpu.memory_space<vmem>>, vector<16xf32>,
      %swap3A_3014 = arith.constant 16 : index
      %swap3A_3015 = tpu.vector_load %arg12[%swap3A_3014] {strides = array<i32>} : memref<32xf32, #tpu.memory_space<vmem>>, vector<16xf32>,
      %swap3A_3016 = vector.shape_cast %swap3A_3015 : vector<16xf32> to vector<16xf32>
      %swap3A_3017 = vector.shape_cast %add3A_3009 : vector<16xf32> to vector<16xf32>
      tpu.vector_store %arg12[%swap3A_3014], %swap3A_3017 {strides = array<i32>} : memref<32xf32, #tpu.memory_space<vmem>>, vector<16xf32>,
      %get3A_3018 = arith.constant 0 : index
      %get3A_3019 = tpu.vector_load %arg12[%get3A_3018] {strides = array<i32>} : memref<32xf32, #tpu.memory_space<vmem>>, vector<16xf32>,
      %get3A_3020 = vector.shape_cast %get3A_3019 : vector<16xf32> to vector<16xf32>
      %get3A_3021 = arith.constant 8 : index
      %get3A_3022 = tpu.vector_load %arg12[%get3A_3021] {strides = array<i32>} : memref<32xf32, #tpu.memory_space<vmem>>, vector<16xf32>,
      %get3A_3023 = vector.shape_cast %get3A_3022 : vector<16xf32> to vector<16xf32>
      %max3A_3024 = arith.maximumf %get3A_3020, %get3A_3023 : vector<16xf32>
      %swap3A_3025 = arith.constant 0 : index
      %swap3A_3026 = tpu.vector_load %arg12[%swap3A_3025] {strides = array<i32>} : memref<32xf32, #tpu.memory_space<vmem>>, vector<16xf32>,
      %swap3A_3027 = vector.shape_cast %swap3A_3026 : vector<16xf32> to vector<16xf32>
      %swap3A_3028 = vector.shape_cast %max3A_3024 : vector<16xf32> to vector<16xf32>
      tpu.vector_store %arg12[%swap3A_3025], %swap3A_3028 {strides = array<i32>} : memref<32xf32, #tpu.memory_space<vmem>>, vector<16xf32>,
      %swap3A_3029 = arith.constant 16 : index
      %swap3A_3030 = tpu.vector_load %arg12[%swap3A_3029] {strides = array<i32>} : memref<32xf32, #tpu.memory_space<vmem>>, vector<16xf32>,
      %swap3A_3031 = vector.shape_cast %swap3A_3030 : vector<16xf32> to vector<16xf32>
      %swap3A_3032 = vector.shape_cast %max3A_3024 : vector<16xf32> to vector<16xf32>
      tpu.vector_store %arg12[%swap3A_3029], %swap3A_3032 {strides = array<i32>} : memref<32xf32, #tpu.memory_space<vmem>>, vector<16xf32>,
      %get3A_3033 = arith.constant 0 : index
      %get3A_3034 = tpu.vector_load %arg12[%get3A_3033] {strides = array<i32>} : memref<32xf32, #tpu.memory_space<vmem>>, vector<16xf32>,
      %get3A_3035 = vector.shape_cast %get3A_3034 : vector<16xf32> to vector<16xf32>
      %get3A_3036 = arith.constant 4 : index
      %get3A_3037 = tpu.vector_load %arg12[%get3A_3036] {strides = array<i32>} : memref<32xf32, #tpu.memory_space<vmem>>, vector<16xf32>,
      %get3A_3038 = vector.shape_cast %get3A_3037 : vector<16xf32> to vector<16xf32>
      %max3A_3039 = arith.maximumf %get3A_3035, %get3A_3038 : vector<16xf32>
      %swap3A_3040 = arith.constant 0 : index
      %swap3A_3041 = tpu.vector_load %arg12[%swap3A_3040] {strides = array<i32>} : memref<32xf32, #tpu.memory_space<vmem>>, vector<16xf32>,
      %swap3A_3042 = vector.shape_cast %swap3A_3041 : vector<16xf32> to vector<16xf32>
      %swap3A_3043 = vector.shape_cast %max3A_3039 : vector<16xf32> to vector<16xf32>
      tpu.vector_store %arg12[%swap3A_3040], %swap3A_3043 {strides = array<i32>} : memref<32xf32, #tpu.memory_space<vmem>>, vector<16xf32>,
      %swap3A_3044 = arith.constant 16 : index
      %swap3A_3045 = tpu.vector_load %arg12[%swap3A_3044] {strides = array<i32>} : memref<32xf32, #tpu.memory_space<vmem>>, vector<16xf32>,
      %swap3A_3046 = vector.shape_cast %swap3A_3045 : vector<16xf32> to vector<16xf32>
      %swap3A_3047 = vector.shape_cast %max3A_3039 : vector<16xf32> to vector<16xf32>
      tpu.vector_store %arg12[%swap3A_3044], %swap3A_3047 {strides = array<i32>} : memref<32xf32, #tpu.memory_space<vmem>>, vector<16xf32>,
      %get3A_3048 = arith.constant 0 : index
      %get3A_3049 = tpu.vector_load %arg12[%get3A_3048] {strides = array<i32>} : memref<32xf32, #tpu.memory_space<vmem>>, vector<16xf32>,
      %get3A_3050 = vector.shape_cast %get3A_3049 : vector<16xf32> to vector<16xf32>
      %get3A_3051 = arith.constant 2 : index
      %get3A_3052 = tpu.vector_load %arg12[%get3A_3051] {strides = array<i32>} : memref<32xf32, #tpu.memory_space<vmem>>, vector<16xf32>,
      %get3A_3053 = vector.shape_cast %get3A_3052 : vector<16xf32> to vector<16xf32>
      %max3A_3054 = arith.maximumf %get3A_3050, %get3A_3053 : vector<16xf32>
      %swap3A_3055 = arith.constant 0 : index
      %swap3A_3056 = tpu.vector_load %arg12[%swap3A_3055] {strides = array<i32>} : memref<32xf32, #tpu.memory_space<vmem>>, vector<16xf32>,
      %swap3A_3057 = vector.shape_cast %swap3A_3056 : vector<16xf32> to vector<16xf32>
      %swap3A_3058 = vector.shape_cast %max3A_3054 : vector<16xf32> to vector<16xf32>
      tpu.vector_store %arg12[%swap3A_3055], %swap3A_3058 {strides = array<i32>} : memref<32xf32, #tpu.memory_space<vmem>>, vector<16xf32>,
      %swap3A_3059 = arith.constant 16 : index
      %swap3A_3060 = tpu.vector_load %arg12[%swap3A_3059] {strides = array<i32>} : memref<32xf32, #tpu.memory_space<vmem>>, vector<16xf32>,
      %swap3A_3061 = vector.shape_cast %swap3A_3060 : vector<16xf32> to vector<16xf32>
      %swap3A_3062 = vector.shape_cast %max3A_3054 : vector<16xf32> to vector<16xf32>
      tpu.vector_store %arg12[%swap3A_3059], %swap3A_3062 {strides = array<i32>} : memref<32xf32, #tpu.memory_space<vmem>>, vector<16xf32>,
      %get3A_3063 = arith.constant 0 : index
      %get3A_3064 = tpu.vector_load %arg12[%get3A_3063] {strides = array<i32>} : memref<32xf32, #tpu.memory_space<vmem>>, vector<16xf32>,
      %get3A_3065 = vector.shape_cast %get3A_3064 : vector<16xf32> to vector<16xf32>
      %get3A_3066 = arith.constant 1 : index
      %get3A_3067 = tpu.vector_load %arg12[%get3A_3066] {strides = array<i32>} : memref<32xf32, #tpu.memory_space<vmem>>, vector<16xf32>,
      %get3A_3068 = vector.shape_cast %get3A_3067 : vector<16xf32> to vector<16xf32>
      %max3A_3069 = arith.maximumf %get3A_3065, %get3A_3068 : vector<16xf32>
      %eq3A_3070 = arith.cmpf oeq, %add3A_3009, %max3A_3069 : vector<16xf32>
      %jit3A_3071 = arith.constant 16 : i32
      %broadcast_in_dim3A_3072 = vector.broadcast %jit3A_3071 : i32 to vector<16xi32>
      %select_n3A_3073 = arith.select %eq3A_3070, %iota3A, %broadcast_in_dim3A_3072 : vector<16xi1>, vector<16xi32>
      %swap3A_3074 = arith.constant 0 : index
      %swap3A_3075 = tpu.vector_load %arg13[%swap3A_3074] {strides = array<i32>} : memref<32xi32, #tpu.memory_space<vmem>>, vector<16xi32>,
      %swap3A_3076 = vector.shape_cast %swap3A_3075 : vector<16xi32> to vector<16xi32>
      %swap3A_3077 = vector.shape_cast %select_n3A_3073 : vector<16xi32> to vector<16xi32>
      tpu.vector_store %arg13[%swap3A_3074], %swap3A_3077 {strides = array<i32>} : memref<32xi32, #tpu.memory_space<vmem>>, vector<16xi32>,
      %swap3A_3078 = arith.constant 16 : index
      %swap3A_3079 = tpu.vector_load %arg13[%swap3A_3078] {strides = array<i32>} : memref<32xi32, #tpu.memory_space<vmem>>, vector<16xi32>,
      %swap3A_3080 = vector.shape_cast %swap3A_3079 : vector<16xi32> to vector<16xi32>
      %swap3A_3081 = vector.shape_cast %select_n3A_3073 : vector<16xi32> to vector<16xi32>
      tpu.vector_store %arg13[%swap3A_3078], %swap3A_3081 {strides = array<i32>} : memref<32xi32, #tpu.memory_space<vmem>>, vector<16xi32>,
      %get3A_3082 = arith.constant 0 : index
      %get3A_3083 = tpu.vector_load %arg13[%get3A_3082] {strides = array<i32>} : memref<32xi32, #tpu.memory_space<vmem>>, vector<16xi32>,
      %get3A_3084 = vector.shape_cast %get3A_3083 : vector<16xi32> to vector<16xi32>
      %get3A_3085 = arith.constant 8 : index
      %get3A_3086 = tpu.vector_load %arg13[%get3A_3085] {strides = array<i32>} : memref<32xi32, #tpu.memory_space<vmem>>, vector<16xi32>,
      %get3A_3087 = vector.shape_cast %get3A_3086 : vector<16xi32> to vector<16xi32>
      %min3A_3088 = arith.minsi %get3A_3084, %get3A_3087 : vector<16xi32>
      %swap3A_3089 = arith.constant 0 : index
      %swap3A_3090 = tpu.vector_load %arg13[%swap3A_3089] {strides = array<i32>} : memref<32xi32, #tpu.memory_space<vmem>>, vector<16xi32>,
      %swap3A_3091 = vector.shape_cast %swap3A_3090 : vector<16xi32> to vector<16xi32>
      %swap3A_3092 = vector.shape_cast %min3A_3088 : vector<16xi32> to vector<16xi32>
      tpu.vector_store %arg13[%swap3A_3089], %swap3A_3092 {strides = array<i32>} : memref<32xi32, #tpu.memory_space<vmem>>, vector<16xi32>,
      %swap3A_3093 = arith.constant 16 : index
      %swap3A_3094 = tpu.vector_load %arg13[%swap3A_3093] {strides = array<i32>} : memref<32xi32, #tpu.memory_space<vmem>>, vector<16xi32>,
      %swap3A_3095 = vector.shape_cast %swap3A_3094 : vector<16xi32> to vector<16xi32>
      %swap3A_3096 = vector.shape_cast %min3A_3088 : vector<16xi32> to vector<16xi32>
      tpu.vector_store %arg13[%swap3A_3093], %swap3A_3096 {strides = array<i32>} : memref<32xi32, #tpu.memory_space<vmem>>, vector<16xi32>,
      %get3A_3097 = arith.constant 0 : index
      %get3A_3098 = tpu.vector_load %arg13[%get3A_3097] {strides = array<i32>} : memref<32xi32, #tpu.memory_space<vmem>>, vector<16xi32>,
      %get3A_3099 = vector.shape_cast %get3A_3098 : vector<16xi32> to vector<16xi32>
      %get3A_3100 = arith.constant 4 : index
      %get3A_3101 = tpu.vector_load %arg13[%get3A_3100] {strides = array<i32>} : memref<32xi32, #tpu.memory_space<vmem>>, vector<16xi32>,
      %get3A_3102 = vector.shape_cast %get3A_3101 : vector<16xi32> to vector<16xi32>
      %min3A_3103 = arith.minsi %get3A_3099, %get3A_3102 : vector<16xi32>
      %swap3A_3104 = arith.constant 0 : index
      %swap3A_3105 = tpu.vector_load %arg13[%swap3A_3104] {strides = array<i32>} : memref<32xi32, #tpu.memory_space<vmem>>, vector<16xi32>,
      %swap3A_3106 = vector.shape_cast %swap3A_3105 : vector<16xi32> to vector<16xi32>
      %swap3A_3107 = vector.shape_cast %min3A_3103 : vector<16xi32> to vector<16xi32>
      tpu.vector_store %arg13[%swap3A_3104], %swap3A_3107 {strides = array<i32>} : memref<32xi32, #tpu.memory_space<vmem>>, vector<16xi32>,
      %swap3A_3108 = arith.constant 16 : index
      %swap3A_3109 = tpu.vector_load %arg13[%swap3A_3108] {strides = array<i32>} : memref<32xi32, #tpu.memory_space<vmem>>, vector<16xi32>,
      %swap3A_3110 = vector.shape_cast %swap3A_3109 : vector<16xi32> to vector<16xi32>
      %swap3A_3111 = vector.shape_cast %min3A_3103 : vector<16xi32> to vector<16xi32>
      tpu.vector_store %arg13[%swap3A_3108], %swap3A_3111 {strides = array<i32>} : memref<32xi32, #tpu.memory_space<vmem>>, vector<16xi32>,
      %get3A_3112 = arith.constant 0 : index
      %get3A_3113 = tpu.vector_load %arg13[%get3A_3112] {strides = array<i32>} : memref<32xi32, #tpu.memory_space<vmem>>, vector<16xi32>,
      %get3A_3114 = vector.shape_cast %get3A_3113 : vector<16xi32> to vector<16xi32>
      %get3A_3115 = arith.constant 2 : index
      %get3A_3116 = tpu.vector_load %arg13[%get3A_3115] {strides = array<i32>} : memref<32xi32, #tpu.memory_space<vmem>>, vector<16xi32>,
      %get3A_3117 = vector.shape_cast %get3A_3116 : vector<16xi32> to vector<16xi32>
      %min3A_3118 = arith.minsi %get3A_3114, %get3A_3117 : vector<16xi32>
      %swap3A_3119 = arith.constant 0 : index
      %swap3A_3120 = tpu.vector_load %arg13[%swap3A_3119] {strides = array<i32>} : memref<32xi32, #tpu.memory_space<vmem>>, vector<16xi32>,
      %swap3A_3121 = vector.shape_cast %swap3A_3120 : vector<16xi32> to vector<16xi32>
      %swap3A_3122 = vector.shape_cast %min3A_3118 : vector<16xi32> to vector<16xi32>
      tpu.vector_store %arg13[%swap3A_3119], %swap3A_3122 {strides = array<i32>} : memref<32xi32, #tpu.memory_space<vmem>>, vector<16xi32>,
      %swap3A_3123 = arith.constant 16 : index
      %swap3A_3124 = tpu.vector_load %arg13[%swap3A_3123] {strides = array<i32>} : memref<32xi32, #tpu.memory_space<vmem>>, vector<16xi32>,
      %swap3A_3125 = vector.shape_cast %swap3A_3124 : vector<16xi32> to vector<16xi32>
      %swap3A_3126 = vector.shape_cast %min3A_3118 : vector<16xi32> to vector<16xi32>
      tpu.vector_store %arg13[%swap3A_3123], %swap3A_3126 {strides = array<i32>} : memref<32xi32, #tpu.memory_space<vmem>>, vector<16xi32>,
      %get3A_3127 = arith.constant 0 : index
      %get3A_3128 = tpu.vector_load %arg13[%get3A_3127] {strides = array<i32>} : memref<32xi32, #tpu.memory_space<vmem>>, vector<16xi32>,
      %get3A_3129 = vector.shape_cast %get3A_3128 : vector<16xi32> to vector<16xi32>
      %get3A_3130 = arith.constant 1 : index
      %get3A_3131 = tpu.vector_load %arg13[%get3A_3130] {strides = array<i32>} : memref<32xi32, #tpu.memory_space<vmem>>, vector<16xi32>,
      %get3A_3132 = vector.shape_cast %get3A_3131 : vector<16xi32> to vector<16xi32>
      %min3A_3133 = arith.minsi %get3A_3129, %get3A_3132 : vector<16xi32>
      %eq3A_3134 = arith.constant 8 : i32
      %eq3A_3135 = vector.broadcast %eq3A_3134 : i32 to vector<16xi32>
      %eq3A_3136 = arith.cmpi eq, %min3A_3133, %eq3A_3135 : vector<16xi32>
      %scan3A_3137 = arith.constant 0 : i32
      %scan3A_3138 = arith.constant 0 : i32
      %scan3A_3139 = arith.constant 128 : i32
      %scan3A_3140 = arith.addi %scan3A_3138, %scan3A_3139 : i32
      %scan3A_3141 = arith.constant 1 : i32
      scf.for %scan3A_3143 = %scan3A_3138 to %scan3A_3140 step %scan3A_3141  : i32 {
        %mul3A = arith.constant 16 : i32
        %mul3A_3144 = arith.muli %scan3A_3143, %mul3A : i32
        %get3A_3145 = arith.constant 3 : i32
        %get3A_3146 = arith.index_cast %get3A_3145 : i32 to index
        %get3A_3147 = arith.index_cast %mul3A_3144 : i32 to index
        %get3A_3148 = tpu.vector_load %arg7[%get3A_3146, %get3A_3147] {strides = array<i32>} : memref<4x2048xf32, #tpu.memory_space<vmem>>, vector<1x16xf32>,
        %get3A_3149 = vector.shape_cast %get3A_3148 : vector<1x16xf32> to vector<16xf32>
        %broadcast_in_dim3A_3150 = arith.constant 0.000000e+00 : f32
        %broadcast_in_dim3A_3151 = vector.broadcast %broadcast_in_dim3A_3150 : f32 to vector<16xf32>
        %eq3A_3152 = arith.constant 0 : i32
        %eq3A_3153 = vector.broadcast %eq3A_3152 : i32 to vector<16xi32>
        %eq3A_3154 = arith.cmpi eq, %min3A_3133, %eq3A_3153 : vector<16xi32>
        %get3A_3155 = arith.constant 0 : i32
        %get3A_3156 = arith.index_cast %get3A_3155 : i32 to index
        %get3A_3157 = arith.index_cast %mul3A_3144 : i32 to index
        %get3A_3158 = tpu.vector_load %arg10[%get3A_3156, %get3A_3157] {strides = array<i32>} : memref<8x2048xf32, #tpu.memory_space<vmem>>, vector<1x16xf32>,
        %get3A_3159 = vector.shape_cast %get3A_3158 : vector<1x16xf32> to vector<16xf32>
        %select_n3A_3160 = arith.select %eq3A_3154, %get3A_3159, %broadcast_in_dim3A_3151 : vector<16xi1>, vector<16xf32>
        %eq3A_3161 = arith.constant 1 : i32
        %eq3A_3162 = vector.broadcast %eq3A_3161 : i32 to vector<16xi32>
        %eq3A_3163 = arith.cmpi eq, %min3A_3133, %eq3A_3162 : vector<16xi32>
        %get3A_3164 = arith.constant 1 : i32
        %get3A_3165 = arith.index_cast %get3A_3164 : i32 to index
        %get3A_3166 = arith.index_cast %mul3A_3144 : i32 to index
        %get3A_3167 = tpu.vector_load %arg10[%get3A_3165, %get3A_3166] {strides = array<i32>} : memref<8x2048xf32, #tpu.memory_space<vmem>>, vector<1x16xf32>,
        %get3A_3168 = vector.shape_cast %get3A_3167 : vector<1x16xf32> to vector<16xf32>
        %select_n3A_3169 = arith.select %eq3A_3163, %get3A_3168, %select_n3A_3160 : vector<16xi1>, vector<16xf32>
        %eq3A_3170 = arith.constant 2 : i32
        %eq3A_3171 = vector.broadcast %eq3A_3170 : i32 to vector<16xi32>
        %eq3A_3172 = arith.cmpi eq, %min3A_3133, %eq3A_3171 : vector<16xi32>
        %get3A_3173 = arith.constant 2 : i32
        %get3A_3174 = arith.index_cast %get3A_3173 : i32 to index
        %get3A_3175 = arith.index_cast %mul3A_3144 : i32 to index
        %get3A_3176 = tpu.vector_load %arg10[%get3A_3174, %get3A_3175] {strides = array<i32>} : memref<8x2048xf32, #tpu.memory_space<vmem>>, vector<1x16xf32>,
        %get3A_3177 = vector.shape_cast %get3A_3176 : vector<1x16xf32> to vector<16xf32>
        %select_n3A_3178 = arith.select %eq3A_3172, %get3A_3177, %select_n3A_3169 : vector<16xi1>, vector<16xf32>
        %eq3A_3179 = arith.constant 3 : i32
        %eq3A_3180 = vector.broadcast %eq3A_3179 : i32 to vector<16xi32>
        %eq3A_3181 = arith.cmpi eq, %min3A_3133, %eq3A_3180 : vector<16xi32>
        %get3A_3182 = arith.constant 3 : i32
        %get3A_3183 = arith.index_cast %get3A_3182 : i32 to index
        %get3A_3184 = arith.index_cast %mul3A_3144 : i32 to index
        %get3A_3185 = tpu.vector_load %arg10[%get3A_3183, %get3A_3184] {strides = array<i32>} : memref<8x2048xf32, #tpu.memory_space<vmem>>, vector<1x16xf32>,
        %get3A_3186 = vector.shape_cast %get3A_3185 : vector<1x16xf32> to vector<16xf32>
        %select_n3A_3187 = arith.select %eq3A_3181, %get3A_3186, %select_n3A_3178 : vector<16xi1>, vector<16xf32>
        %eq3A_3188 = arith.constant 4 : i32
        %eq3A_3189 = vector.broadcast %eq3A_3188 : i32 to vector<16xi32>
        %eq3A_3190 = arith.cmpi eq, %min3A_3133, %eq3A_3189 : vector<16xi32>
        %get3A_3191 = arith.constant 4 : i32
        %get3A_3192 = arith.index_cast %get3A_3191 : i32 to index
        %get3A_3193 = arith.index_cast %mul3A_3144 : i32 to index
        %get3A_3194 = tpu.vector_load %arg10[%get3A_3192, %get3A_3193] {strides = array<i32>} : memref<8x2048xf32, #tpu.memory_space<vmem>>, vector<1x16xf32>,
        %get3A_3195 = vector.shape_cast %get3A_3194 : vector<1x16xf32> to vector<16xf32>
        %select_n3A_3196 = arith.select %eq3A_3190, %get3A_3195, %select_n3A_3187 : vector<16xi1>, vector<16xf32>
        %eq3A_3197 = arith.constant 5 : i32
        %eq3A_3198 = vector.broadcast %eq3A_3197 : i32 to vector<16xi32>
        %eq3A_3199 = arith.cmpi eq, %min3A_3133, %eq3A_3198 : vector<16xi32>
        %get3A_3200 = arith.constant 5 : i32
        %get3A_3201 = arith.index_cast %get3A_3200 : i32 to index
        %get3A_3202 = arith.index_cast %mul3A_3144 : i32 to index
        %get3A_3203 = tpu.vector_load %arg10[%get3A_3201, %get3A_3202] {strides = array<i32>} : memref<8x2048xf32, #tpu.memory_space<vmem>>, vector<1x16xf32>,
        %get3A_3204 = vector.shape_cast %get3A_3203 : vector<1x16xf32> to vector<16xf32>
        %select_n3A_3205 = arith.select %eq3A_3199, %get3A_3204, %select_n3A_3196 : vector<16xi1>, vector<16xf32>
        %eq3A_3206 = arith.constant 6 : i32
        %eq3A_3207 = vector.broadcast %eq3A_3206 : i32 to vector<16xi32>
        %eq3A_3208 = arith.cmpi eq, %min3A_3133, %eq3A_3207 : vector<16xi32>
        %get3A_3209 = arith.constant 6 : i32
        %get3A_3210 = arith.index_cast %get3A_3209 : i32 to index
        %get3A_3211 = arith.index_cast %mul3A_3144 : i32 to index
        %get3A_3212 = tpu.vector_load %arg10[%get3A_3210, %get3A_3211] {strides = array<i32>} : memref<8x2048xf32, #tpu.memory_space<vmem>>, vector<1x16xf32>,
        %get3A_3213 = vector.shape_cast %get3A_3212 : vector<1x16xf32> to vector<16xf32>
        %select_n3A_3214 = arith.select %eq3A_3208, %get3A_3213, %select_n3A_3205 : vector<16xi1>, vector<16xf32>
        %eq3A_3215 = arith.constant 7 : i32
        %eq3A_3216 = vector.broadcast %eq3A_3215 : i32 to vector<16xi32>
        %eq3A_3217 = arith.cmpi eq, %min3A_3133, %eq3A_3216 : vector<16xi32>
        %get3A_3218 = arith.constant 7 : i32
        %get3A_3219 = arith.index_cast %get3A_3218 : i32 to index
        %get3A_3220 = arith.index_cast %mul3A_3144 : i32 to index
        %get3A_3221 = tpu.vector_load %arg10[%get3A_3219, %get3A_3220] {strides = array<i32>} : memref<8x2048xf32, #tpu.memory_space<vmem>>, vector<1x16xf32>,
        %get3A_3222 = vector.shape_cast %get3A_3221 : vector<1x16xf32> to vector<16xf32>
        %select_n3A_3223 = arith.select %eq3A_3217, %get3A_3222, %select_n3A_3214 : vector<16xi1>, vector<16xf32>
        %select_n3A_3224 = arith.select %eq3A_3136, %get3A_3149, %select_n3A_3223 : vector<16xi1>, vector<16xf32>
        %swap3A_3225 = arith.constant 3 : i32
        %swap3A_3226 = arith.index_cast %swap3A_3225 : i32 to index
        %swap3A_3227 = arith.index_cast %mul3A_3144 : i32 to index
        %swap3A_3228 = tpu.vector_load %arg11[%swap3A_3226, %swap3A_3227] {strides = array<i32>} : memref<4x2048xf32, #tpu.memory_space<vmem>>, vector<1x16xf32>,
        %swap3A_3229 = vector.shape_cast %swap3A_3228 : vector<1x16xf32> to vector<16xf32>
        %swap3A_3230 = vector.shape_cast %select_n3A_3224 : vector<16xf32> to vector<1x16xf32>
        tpu.vector_store %arg11[%swap3A_3226, %swap3A_3227], %swap3A_3230 {strides = array<i32>} : memref<4x2048xf32, #tpu.memory_space<vmem>>, vector<1x16xf32>,
      }
      %scan3A_3142 = arith.constant 128 : i32
      "tpu.region"() ({
        %run_scoped3A = tpu.sem_alloc : memref<!tpu.dma_semaphore, #tpu.memory_space<semaphore_mem>>
        tpu.enqueue_dma source(%arg11 : memref<4x2048xf32, #tpu.memory_space<vmem>>) target(%arg6 : memref<4x2048xf32, #tpu.memory_space<hbm>>) target_semaphore(%run_scoped3A : memref<!tpu.dma_semaphore, #tpu.memory_space<semaphore_mem>>)
        tpu.wait_dma2 semaphore(%run_scoped3A : memref<!tpu.dma_semaphore, #tpu.memory_space<semaphore_mem>>) src(%arg11 : memref<4x2048xf32, #tpu.memory_space<vmem>>) dst(%arg6 : memref<4x2048xf32, #tpu.memory_space<hbm>>)
        tpu.yield
      }) : () -> ()
    } else {
    }
    return
  }
}

module attributes {stable_mosaic.version = 14 : i64} {
  func.func @_copy_kernel(%arg0: i32, %arg1: memref<1024x2048xf32, #tpu.memory_space<vmem>>, %arg2: memref<1024x2048xf32, #tpu.memory_space<vmem>>) attributes {dimension_semantics = [#tpu.dimension_semantics<arbitrary>], iteration_bounds = array<i64: 16>, scalar_prefetch = 0 : i64, scratch_operands = 0 : i64, tpu.core_type = #tpu.core_type<tc>, window_params = [{transform_indices = @transform_0, window_bounds = array<i64: 1024, 2048>}, {transform_indices = @transform_1, window_bounds = array<i64: 1024, 2048>}]} {
    %get3A = arith.constant 0 : index
    %get3A_0 = arith.constant 0 : index
    %get3A_1 = vector.load %arg1[%get3A, %get3A_0] : memref<1024x2048xf32, #tpu.memory_space<vmem>>, vector<1024x2048xf32>
    %swap3A = arith.constant 0 : index
    %swap3A_2 = arith.constant 0 : index
    %swap3A_3 = vector.load %arg2[%swap3A, %swap3A_2] : memref<1024x2048xf32, #tpu.memory_space<vmem>>, vector<1024x2048xf32>
    tpu.vector_store %arg2[%swap3A, %swap3A_2], %get3A_1 {strides = array<i32>} : memref<1024x2048xf32, #tpu.memory_space<vmem>>, vector<1024x2048xf32>,
    return
  }
  func.func @transform_0(%arg0: i32) -> (i32, i32) {
    %c0_i32 = arith.constant 0 : i32
    %c0_i32_0 = arith.constant 0 : i32
    return %arg0, %c0_i32 : i32, i32
  }
  func.func @transform_1(%arg0: i32) -> (i32, i32) {
    %c0_i32 = arith.constant 0 : i32
    %c0_i32_0 = arith.constant 0 : i32
    return %arg0, %c0_i32 : i32, i32
  }
}

module attributes {stable_mosaic.version = 14 : i64} {
  func.func @_patch_kernel(%arg0: i32, %arg1: memref<4x8x2048xf32, #tpu.memory_space<vmem>>, %arg2: memref<4x2048xf32, #tpu.memory_space<vmem>>, %arg3: memref<4x8x2048xf32, #tpu.memory_space<vmem>>) attributes {dimension_semantics = [#tpu.dimension_semantics<arbitrary>], iteration_bounds = array<i64: 1>, scalar_prefetch = 0 : i64, scratch_operands = 0 : i64, tpu.core_type = #tpu.core_type<tc>, window_params = [{transform_indices = @transform_0, window_bounds = array<i64: 4, 8, 2048>}, {pipeline_mode = #tpu.pipeline_mode<synchronous>, transform_indices = @transform_1, window_bounds = array<i64: 4, 2048>}, {transform_indices = @transform_2, window_bounds = array<i64: 4, 8, 2048>}]} {
    %get3A = arith.constant 0 : index
    %get3A_0 = arith.constant 0 : index
    %get3A_1 = arith.constant 0 : index
    %get3A_2 = vector.load %arg1[%get3A, %get3A_0, %get3A_1] : memref<4x8x2048xf32, #tpu.memory_space<vmem>>, vector<4x8x2048xf32>
    %swap3A = arith.constant 0 : index
    %swap3A_3 = arith.constant 0 : index
    %swap3A_4 = arith.constant 0 : index
    %swap3A_5 = vector.load %arg3[%swap3A, %swap3A_3, %swap3A_4] : memref<4x8x2048xf32, #tpu.memory_space<vmem>>, vector<4x8x2048xf32>
    tpu.vector_store %arg3[%swap3A, %swap3A_3, %swap3A_4], %get3A_2 {strides = array<i32>} : memref<4x8x2048xf32, #tpu.memory_space<vmem>>, vector<4x8x2048xf32>,
    %get3A_6 = arith.constant 0 : index
    %get3A_7 = arith.constant 0 : index
    %get3A_8 = vector.load %arg2[%get3A_6, %get3A_7] : memref<4x2048xf32, #tpu.memory_space<vmem>>, vector<4x2048xf32>
    %swap3A_9 = arith.constant 0 : index
    %swap3A_10 = arith.constant 7 : index
    %swap3A_11 = arith.constant 0 : index
    %swap3A_12 = vector.load %arg3[%swap3A_9, %swap3A_10, %swap3A_11] : memref<4x8x2048xf32, #tpu.memory_space<vmem>>, vector<4x1x2048xf32>
    %swap3A_13 = vector.shape_cast %swap3A_12 : vector<4x1x2048xf32> to vector<4x2048xf32>
    %swap3A_14 = vector.shape_cast %get3A_8 : vector<4x2048xf32> to vector<4x1x2048xf32>
    tpu.vector_store %arg3[%swap3A_9, %swap3A_10, %swap3A_11], %swap3A_14 {strides = array<i32>} : memref<4x8x2048xf32, #tpu.memory_space<vmem>>, vector<4x1x2048xf32>,
    return
  }
  func.func @transform_0(%arg0: i32) -> (i32, i32, i32) {
    %c0_i32 = arith.constant 0 : i32
    %c511_i32 = arith.constant 511 : i32
    %c0_i32_0 = arith.constant 0 : i32
    %c0_i32_1 = arith.constant 0 : i32
    return %c0_i32, %c511_i32, %c0_i32_0 : i32, i32, i32
  }
  func.func @transform_1(%arg0: i32) -> (i32, i32) {
    %c0_i32 = arith.constant 0 : i32
    %c0_i32_0 = arith.constant 0 : i32
    %c0_i32_1 = arith.constant 0 : i32
    return %c0_i32, %c0_i32_0 : i32, i32
  }
  func.func @transform_2(%arg0: i32) -> (i32, i32, i32) {
    %c0_i32 = arith.constant 0 : i32
    %c511_i32 = arith.constant 511 : i32
    %c0_i32_0 = arith.constant 0 : i32
    %c0_i32_1 = arith.constant 0 : i32
    return %c0_i32, %c511_i32, %c0_i32_0 : i32, i32, i32
  }
}

</mosaic_0001>

<sc_bundles>
// kernel: kernel.5.cloned.1.call-start
scs
__scs_entry_jumppad:
0x0: {  	(pc) =	sbr.rel $0x88, $3  }
0x1: {  	(tag) =	ssettag $0x0;
	lr =	simm.s32 $0x1  }
0x2: {  	[smem:$0x3F9D] =	sst lr;
	_ =	strace $0xD0000000  }
0x3: {  	_ = 	snop  }
0x4: {  	_ = 	snop  }
0x5: {  	_ = 	snop  }
0x6: {  	_ = 	snop  }
0x7: {  	_ = 	snop  }
__scs_overlays_trampoline_lowered:
0x8: {  	[smem:$0x3FAC] =	sst s0  }
0x9: {  	[smem:$0x3FAD] =	sst s1  }
0xa: {  	[smem:$0x3FAE] =	sst s2  }
0xb: {  	[smem:$0x3FAF] =	sst s3  }
0xc: {  	[smem:$0x3FB0] =	sst s4  }
0xd: {  	[smem:$0x3FB1] =	sst s5  }
0xe: {  	[smem:$0x3FB2] =	sst s6  }
0xf: {  	[smem:$0x3FB3] =	sst s7  }
0x10: {  	[smem:$0x3FB4] =	sst s8  }
0x11: {  	[smem:$0x3FB5] =	sst s9;
	s0 =	simm.s32 @!p0 $0x0  }
0x12: {  	s1 =	sld [smem:$0x3F9B];
	s0 =	simm.s32 @p0 $0x1  }
0x13: {  	[smem:$0x3FB6] =	sst s0;
	s0 =	simm.s32 @!p1 $0x0  }
0x14: {  	s2 =	sld [smem:$0x3F9A];
	s0 =	simm.s32 @p1 $0x1  }
0x15: {  	[smem:$0x3FB7] =	sst s0;
	s0 =	simm.s32 @!p2 $0x0  }
0x16: {  	s3 =	sld [smem:$0x3FDB];
	s0 =	simm.s32 @p2 $0x1  }
0x17: {  	s4 =	simm.s32 $0x1BF5;
	[smem:$0x3FB9] =	sst s0  }
0x18: {  	s0 =	sld [smem:$0x3F9C];
	_ =	swait.ge [sflag:s4], $0x0  }
0x19: {  	s7 =	sld [smem:$0x3F9D]  }
0x1a: {  	s8 =	sadd.s32 $0xFFFFE003, lr  }
0x1b: {  	s9 =	sadd.s32 $0xFFFFFEF7, lr;
	s5 =	simm.s32 $0xFFFFFFFF;
	p2 =	slt.u32 s8, $0xFFFFF086  }
0x1c: {  	p1 =	slt.u32 s9, $0xF7A;
	s5 =	simm.s32 @!p2 $0x0  }
0x1d: {  	s5 =	simm.s32 @p1 $0x1;
	p0 =	seq.s32 s7, s2  }
0x1e: {  	s7 =	smul.u32 @!p0 $0xF7A, s2;
	p2 =	seq.s32 @!p0 s5, $0x0  }
0x1f: {  	s9 =	smul.u32 $0xF7A, s1;
	s8 =	simm.s32 @!p0 $0x1BF5;
	p2 =	por !p2, p0  }
0x20: {  	[sflag:s8] =	ssyncset.s32 @!p0 $0xFFFFF086;
	s6 =	sadd.s32 @!p0 s3, s7;
	s7 =	simm.s32 @!p0 $0x108  }
0x21: {  	s3 =	sadd.s32 s3, s9;
	s6 =	sadd.s32 @!p0 $0x88, s6;
	s7 =	simm.s32 @p2 $0x1082  }
0x22: {  	[simem:s7], [sflag:s8] =	dma.local @!p0 [hbm:s6], $0xF7A  }
0x23: {  	s9 =	sor.u32 $0xD0000000, s2;
	s6 =	simm.s32 $0x108;
	_ =	swait.ge @!p0 [sflag:s8], $0x0  }
0x24: {  	s3 =	sadd.s32 $0x88, s3;
	s6 =	simm.s32 @!p1 $0x1082;
	[sflag:s4] =	ssyncset.s32 $0xFFFFF086  }
0x25: {  	[simem:s6], [sflag:s4] =	dma.local [hbm:s3], $0xF7A  }
0x26: {  	[smem:$0x3F9D] =	sst s1;
	(tag) =	ssettag s2;
	_ =	strace s9  }
0x27: {  	s1 =	sld [smem:$0x3FAD]  }
0x28: {  	s2 =	sld [smem:$0x3FAE]  }
0x29: {  	s4 =	sld [smem:$0x3FB0]  }
0x2a: {  	p0 =	seq.s32 s5, $0x0;
	s5 =	sld [smem:$0x3FB1]  }
0x2b: {  	s6 =	sld [smem:$0x3FB2]  }
0x2c: {  	s7 =	sld [smem:$0x3FB3]  }
0x2d: {  	s3 =	simm.s32 $0x108;
	s8 =	sld [smem:$0x3FB4]  }
0x2e: {  	s3 =	simm.s32 @!p0 $0x1082;
	s9 =	sld [smem:$0x3FB5]  }
0x2f: {  	lr =	sadd.s32 s0, s3;
	s0 =	sld [smem:$0x3FAC]  }
0x30: {  	s3 =	sld [smem:$0x3FAF]  }
0x31: {  	[smem:$0x3FB8] =	sst s10  }
0x32: {  	s10 =	sld [smem:$0x3FB6];
	_ =	sdelay $0x3  }
0x33: {  	p0 =	seq.s32 s10, $0x1;
	s10 =	sld [smem:$0x3FB8];
	_ =	sdelay $0x3  }
0x34: {  	[smem:$0x3FB8] =	sst s10  }
0x35: {  	s10 =	sld [smem:$0x3FB7];
	_ =	sdelay $0x3  }
0x36: {  	p1 =	seq.s32 s10, $0x1;
	s10 =	sld [smem:$0x3FB8];
	_ =	sdelay $0x3  }
0x37: {  	[smem:$0x3FB8] =	sst s10  }
0x38: {  	s10 =	sld [smem:$0x3FB9]  }
0x39: {  	_ = 	snop;
	(pc) =	sbr.ind lr, $3  }
0x3a: {  	_ = 	snop  }
0x3b: {  	_ = 	snop  }
0x3c: {  	p2 =	seq.s32 s10, $0x1;
	s10 =	sld [smem:$0x3FB8]  }
0x3d: {  	_ =	shalt  }
0x3e: {  	_ =	shalt  }
0x3f: {  	_ =	shalt  }
0x40: {  	_ =	shalt  }
0x41: {  	_ =	shalt  }
0x42: {  	_ =	shalt  }
0x43: {  	_ =	shalt  }
0x44: {  	_ =	shalt  }
0x45: {  	_ =	shalt  }
0x46: {  	_ =	shalt  }
0x47: {  	_ =	shalt  }
0x48: {  	_ =	shalt  }
0x49: {  	_ =	shalt  }
0x4a: {  	_ =	shalt  }
0x4b: {  	_ =	shalt  }
0x4c: {  	_ =	shalt  }
0x4d: {  	_ =	shalt  }
0x4e: {  	_ =	shalt  }
0x4f: {  	_ =	shalt  }
0x50: {  	_ =	shalt  }
0x51: {  	_ =	shalt  }
0x52: {  	_ =	shalt  }
0x53: {  	_ =	shalt  }
0x54: {  	_ =	shalt  }
0x55: {  	_ =	shalt  }
0x56: {  	_ =	shalt  }
0x57: {  	_ =	shalt  }
0x58: {  	_ =	shalt  }
0x59: {  	_ =	shalt  }
0x5a: {  	_ =	shalt  }
0x5b: {  	_ =	shalt  }
0x5c: {  	_ =	shalt  }
0x5d: {  	_ =	shalt  }
0x5e: {  	_ =	shalt  }
0x5f: {  	_ =	shalt  }
0x60: {  	_ =	shalt  }
0x61: {  	_ =	shalt  }
0x62: {  	_ =	shalt  }
0x63: {  	_ =	shalt  }
0x64: {  	_ =	shalt  }
0x65: {  	_ =	shalt  }
0x66: {  	_ =	shalt  }
0x67: {  	_ =	shalt  }
0x68: {  	_ =	shalt  }
0x69: {  	_ =	shalt  }
0x6a: {  	_ =	shalt  }
0x6b: {  	_ =	shalt  }
0x6c: {  	_ =	shalt  }
0x6d: {  	_ =	shalt  }
0x6e: {  	_ =	shalt  }
0x6f: {  	_ =	shalt  }
0x70: {  	_ =	shalt  }
0x71: {  	_ =	shalt  }
0x72: {  	_ =	shalt  }
0x73: {  	_ =	shalt  }
0x74: {  	_ =	shalt  }
0x75: {  	_ =	shalt  }
0x76: {  	_ =	shalt  }
0x77: {  	_ =	shalt  }
0x78: {  	_ =	shalt  }
0x79: {  	_ =	shalt  }
0x7a: {  	_ =	shalt  }
0x7b: {  	_ =	shalt  }
0x7c: {  	_ =	shalt  }
0x7d: {  	_ =	shalt  }
0x7e: {  	_ =	shalt  }
0x7f: {  	_ =	shalt  }
0x80: {  	_ =	shalt  }
0x81: {  	_ =	shalt  }
0x82: {  	_ =	shalt  }
0x83: {  	_ =	shalt  }
0x84: {  	_ =	shalt  }
0x85: {  	_ =	shalt  }
0x86: {  	_ =	shalt  }
0x87: {  	_ =	shalt  }
.Lfunc_end0:
.L_simem_size_0:
called_computation_lowered:
.L_overlay_start_0:
0x88: {  	s2 =	sld [smem:$0x3FD9]  }
0x89: {  	s3 =	sld [smem:$0x3FFE];
	_ =	sdelay $0x1  }
0x8a: {  	s1 =	srdreg.scid  }
0x8b: {  	s0 =	sand.u32 $0x1, s1  }
0x8c: {  	s17 =	sshll.u32 s0, $0xA;
	s2 =	sadd.s32 s3, s2  }
0x8d: {  	s2 =	sadd.s32 s2, s17  }
0x8e: {  	[smem:$0x3FC4] =	sst s2  }
0x8f: {  	_ = 	snop  }
0x90: {  	s2 =	sld [smem:$0x3FC7];
	(tm) =	ssettm $0x1  }
0x91: {  	s18 =	sld [smem:$0x3FFB];
	_ =	sdelay $0x3  }
0x92: {  	_ =	strace s18  }
0x93: {  	s3 =	sld [smem:$0x3FFC];
	_ =	sdelay $0x3  }
0x94: {  	_ =	strace s3  }
0x95: {  	s3 =	sld [smem:$0x3FFD];
	_ =	sdelay $0x3  }
0x96: {  	_ =	strace s3  }
0x97: {  	_ =	strace $0x8FFFFFFF  }
0x98: {  	s19 =	sld [smem:$0x3FDB];
	_ =	sdelay $0x1  }
0x99: {  	s4 =	simm.s32 $_scs_section_size  }
0x9a: {  	s5 =	simm.s32 $_size__tile_overlayer_lowered;
	s6 =	simm.s32 $_tile_overlayer_lowered  }
0x9b: {  	s22 =	simm.s32 $0x1BFF;
	s21 =	sshll.u32 s6, $0x1;
	s3 =	sadd.s32 s4, s19  }
0x9c: {  	s7 =	simm.s32 $0x0;
	s20 =	sshll.u32 s5, $0x1;
	s5 =	sadd.s32 s21, s3  }
0x9d: {  	[timem:s7], [sflag:s22] =	dma.local [hbm:s5], s20  }
0x9e: {  	_ =	swait.ge [sflag:s22], s20  }
0x9f: {  	s4 =	ssub.s32 $0x0, s20;
	[sflag:s22] =	ssyncset.done $0x0  }
0xa0: {  	[sflag:s22] =	ssyncadd.s32 s4;
	_ =	sdelay $0x1  }
0xa1: {  	s23 =	simm.s32 $0x1B8B  }
0xa2: {  	_ =	swait.ge [sflag:s23], $0x1  }
0xa3: {  	[sflag:s23] =	ssyncset.done $0x0  }
0xa4: {  	s25 =	simm.s32 $0x1B8E;
	s24 =	sld [smem:$0x3FFE];
	[sflag:s23] =	ssyncadd.s32 $0xFFFFFFFF  }
0xa5: {  	s26 =	simm.s32 $execute0_lowered;
	[smem:$0x3FD2] =	sst s25  }
0xa6: {  	s5 =	sshll.u32 s26, $0x1;
	_ =	strace $0x80000046;
	[dreg:$0x1] =	wrdreg $0xFFFFFFFF  }
0xa7: {  	s28 =	simm.s32 $_size_execute0_lowered;
	s3 =	sadd.s32 s3, s5;
	[dreg:$0x0] =	wrdreg $0x0  }
0xa8: {  	s5 =	sshll.u32 s28, $0x1;
	[dreg:$0x2] =	wrdreg s3  }
0xa9: {  	[dreg:$0x3] =	wrdreg s5  }
0xaa: {  	[dreg:$0x4] =	wrdreg $0xC0  }
0xab: {  	_ =	task [dreg:s7], $0x5FFFF  }
0xac: {  	[dreg:$0x1] =	wrdreg $0xFFFFFFFF  }
0xad: {  	[dreg:$0x0] =	wrdreg $0x60  }
0xae: {  	[dreg:$0x2] =	wrdreg s24  }
0xaf: {  	[dreg:$0x3] =	wrdreg s2  }
0xb0: {  	[dreg:$0x4] =	wrdreg $0x9  }
0xb1: {  	_ =	task.clear_ibuf [dreg:s7], $0x5FFFF;
	_ =	strace $0x90000046  }
0xb2: {  	s29 =	simm.s32 $0x9;
	_ =	strace $0x80000048  }
0xb3: {  	_ =	swait.ge [sflag:s29], $0x1  }
0xb4: {  	[sflag:s29] =	ssyncadd.s32 $0xFFFFFFFF  }
0xb5: {  	_ =	strace $0x90000048  }
0xb6: {  	_ =	sfence  }
0xb7: {  	s30 =	sld [smem:$0x0];
	_ =	sdelay $0x2  }
0xb8: {  	s31 =	sshll.u32 s1, $0xD;
	s1 =	sshrl.u32 s1, $0x2  }
0xb9: {  	s3 =	sand.u32 $0x4000, s31;
	s1 =	sadd.s32 s1, s30  }
0xba: {  	s0 =	sor.u32 s3, s0;
	s1 =	sshll.u32 s1, $0x11  }
0xbb: {  	s0 =	sor.u32 s1, s0  }
0xbc: {  	s0 =	sadd.s32 $0x8F2B, s0  }
0xbd: {  	[sflag:s0] =	ssyncadd.remote.s32 $0x1  }
0xbe: {  	_ =	sfence.sel $0xFFFF  }
0xbf: {  	[dreg:$0x0] =	wrdreg $0xFFFFFFFF;
	(pc) =	sbr.abs _section_cstart, $3  }
0xc0: {  	[dreg:$0x1] =	wrdreg $0xFFFFFFFF  }
0xc1: {  	_ =	task.clear_ibuf [dreg:s7], $0x2FFFF;
	_ =	strace $0x9FFFFFFF  }
0xc2: {  	(tm) =	ssettm $0x7FFFFFFF  }
0xc3: {  	_ =	shalt  }
tec
execute0_lowered:
.L_overlay_start_1:
0x0: {  	(tag) =	ssettag $0x1  }
0x1: {  	s0 =	srdreg.scid  }
0x2: {  	s4 =	sand.u32 $0x1, s0;
	s0 =	stileid.u32  }
0x3: {  	s3 =	sor.u32 s0, s4  }
0x4: {  	p0 =	sne.s32 s3, $0x0  }
.Ltmp0:
0x5: {  	_ = 	snop;
	(pc) =	sbr.rel @p0 .LBB2_83-.Ltmp0, $4  }
0x6: {  	_ = 	snop  }
0x7: {  	s6 =	rddreg [dreg:$0x0]  }
0x8: {  	s2 =	rddreg [dreg:$0x1]  }
0x9: {  	s1 =	rddreg [dreg:$0x2];
	_ =	strace $0x80000047  }
0xa: {  	s3 =	sadd.s32 $0x600, s6;
	s7 =	ssub.s32 $0x2, s4  }
0xb: {  	s4 =	sadd.s32 $0x1200, s6;
	s5 =	sadd.s32 $0xA00, s6;
	s6 =	sadd.s32 $0x1400, s6  }
0xc: {  	vm0 =	vmmov $0x1;
	vm3 =	vcmask $0xB24;
	s9 =	simm.s32 $0x1;
	s10 =	simm.s32 $0x2000;
	s11 =	simm.s32 $0xA000  }
0xd: {  	vm4 =	vcmask $0xF24;
	vm5 =	vcmask $0x1324;
	vm6 =	vcmask $0x1724;
	s12 =	simm.s32 $0xA080;
	s13 =	simm.s32 $0xE080;
	s8 =	sshrl.u32 s7, $0x1  }
0xe: {  	vm7 =	vcmask $0x1B24;
	vm8 =	vcmask $0x1F24;
	v0 =	vlaneseq.u32;
	s14 =	simm.s32 $0x0;
	s7 =	ssub.s32 s7, s8;
	s8 =	simm.s32 $0x0  }
.LBB2_2:
0xf: {  	[tilespmem:s8], [sflag:$0x1] =	stream.linear.gather [hbm4b:s3+s8], $0x2000, $0x38;
	[tilespmem:$0x10180] =	vst v63  }
0x10: {  	_ =	swait.ge [sflag:s9], $0x2000  }
0x11: {  	[sflag:s9] =	ssyncset.done $0x0  }
0x12: {  	[sflag:s9] =	ssyncadd.s32 $0xFFFFE000  }
0x13: {  	[tilespmem:s10], [sflag:$0x1] =	stream.linear.gather [hbm4b:s2+s8], $0x8000, $0x38;
	[tilespmem:$0x10180] =	vst v63  }
0x14: {  	_ =	swait.ge [sflag:s9], $0x8000  }
0x15: {  	[sflag:s9] =	ssyncset.done $0x0  }
0x16: {  	[sflag:s9] =	ssyncadd.s32 $0xFFFF8000  }
0x17: {  	[tilespmem:s11], [sflag:$0x1] =	stream.linear.gather [hbm4b:s4+s8], $0x80, $0x38;
	[tilespmem:$0x10180] =	vst v63  }
0x18: {  	_ =	swait.ge [sflag:s9], $0x80  }
0x19: {  	[sflag:s9] =	ssyncset.done $0x0  }
0x1a: {  	[sflag:s9] =	ssyncadd.s32 $0xFFFFFF80  }
0x1b: {  	[tilespmem:s12], [sflag:$0x1] =	stream.linear.gather [hbm4b:s5+s8], $0x4000, $0x38;
	[tilespmem:$0x10180] =	vst v63  }
0x1c: {  	s15 =	simm.s32 $0x0;
	s16 =	sand.u32 $0x70, s8;
	_ =	swait.ge [sflag:s9], $0x4000  }
0x1d: {  	s17 =	simm.s32 $0x0;
	s15 =	sand.u32 $0x3FFFFE00, s15;
	[sflag:s9] =	ssyncset.done $0x0  }
0x1e: {  	s17 =	sand.u32 $0x3FFFFC00, s17;
	s15 =	sor.u32 s16, s15;
	[sflag:s9] =	ssyncadd.s32 $0xFFFFC000  }
0x1f: {  	s16 =	sor.u32 s16, s17;
	v1 =	vld [tilespmem:s15+$0x0]  }
0x20: {  	v2 =	vimm.f32 $0.0e+00;
	s15 =	simm.s32 $0x1;
	v3 =	vld [tilespmem:s16+$0x2000];
	s16 =	simm.s32 $0x10  }
.LBB2_3:
0x21: {  	s17 =	sand.u32 $0x70, s16  }
0x22: {  	s18 =	sshll.u32 s15, $0x6;
	s19 =	sshll.u32 s15, $0x7;
	p0 =	sne.s32 s15, $0x7F  }
.Ltmp1:
0x23: {  	s15 =	sadd.s32 $0x1, s15;
	s18 =	sand.u32 $0x3FFFFE00, s18;
	(pc) =	sbr.rel @p0 .LBB2_3-.Ltmp1, $4  }
0x24: {  	s19 =	sand.u32 $0x3FFFFC00, s19;
	s18 =	sor.u32 s17, s18  }
0x25: {  	s17 =	sor.u32 s17, s19;
	v4 =	vmul.f32 v3, v1;
	v1 =	vld [tilespmem:s18+$0x0]  }
0x26: {  	v3 =	vld [tilespmem:s17+$0x2000]  }
0x27: {  	s16 =	sadd.s32 $0x10, s16;
	v2 =	vadd.f32 v4, v2  }
0x28: {  	_ =	sdelay $0x2  }
0x29: {  	v1 =	vmul.f32 v3, v1;
	_ =	sdelay $0x1  }
0x2a: {  	v1 =	vadd.f32 v1, v2;
	_ =	sdelay $0x1  }
0x2b: {  	[tilespmem:$0x10080] =	vst v1  }
0x2c: {  	[tilespmem:$0x10090] =	vst v1  }
0x2d: {  	v2 =	vld [tilespmem:$0x10088];
	_ =	sdelay $0x4  }
0x2e: {  	v1 =	vadd.f32 v2, v1;
	_ =	sdelay $0x1  }
0x2f: {  	[tilespmem:$0x10080] =	vst v1  }
0x30: {  	[tilespmem:$0x10090] =	vst v1  }
0x31: {  	v2 =	vld [tilespmem:$0x10084];
	_ =	sdelay $0x4  }
0x32: {  	v1 =	vadd.f32 v2, v1;
	_ =	sdelay $0x1  }
0x33: {  	[tilespmem:$0x10080] =	vst v1  }
0x34: {  	[tilespmem:$0x10090] =	vst v1  }
0x35: {  	v2 =	vld [tilespmem:$0x10082];
	_ =	sdelay $0x4  }
0x36: {  	v1 =	vadd.f32 v2, v1;
	_ =	sdelay $0x1  }
0x37: {  	s15 =	simm.s32 $0x0;
	s16 =	simm.s32 $0x0;
	[tilespmem:$0x10080] =	vst v1  }
0x38: {  	s17 =	simm.s32 $0x0;
	s15 =	sand.u32 $0x70, s15;
	s16 =	sand.u32 $0x3FFFFE00, s16;
	[tilespmem:$0x10090] =	vst v1  }
0x39: {  	s17 =	sand.u32 $0x3FFFFC00, s17;
	s16 =	sor.u32 s15, s16;
	v2 =	vld [tilespmem:$0x10081]  }
0x3a: {  	s31 =	sor.u32 s15, s17;
	v3 =	vld [tilespmem:s16+$0x0]  }
0x3b: {  	v4 =	vimm.f32 $0.0e+00;
	s15 =	simm.s32 $0x1;
	v5 =	vld [tilespmem:s31+$0x2080];
	s16 =	simm.s32 $0x10  }
.LBB2_5:
0x3c: {  	s17 =	sand.u32 $0x70, s16  }
0x3d: {  	s18 =	sshll.u32 s15, $0x6;
	s19 =	sshll.u32 s15, $0x7;
	p0 =	sne.s32 s15, $0x7F  }
.Ltmp2:
0x3e: {  	s15 =	sadd.s32 $0x1, s15;
	s18 =	sand.u32 $0x3FFFFE00, s18;
	(pc) =	sbr.rel @p0 .LBB2_5-.Ltmp2, $4  }
0x3f: {  	s19 =	sand.u32 $0x3FFFFC00, s19;
	s18 =	sor.u32 s17, s18  }
0x40: {  	s17 =	sor.u32 s17, s19;
	v6 =	vmul.f32 v5, v3;
	v3 =	vld [tilespmem:s18+$0x0]  }
0x41: {  	v5 =	vld [tilespmem:s17+$0x2080]  }
0x42: {  	s16 =	sadd.s32 $0x10, s16;
	v4 =	vadd.f32 v6, v4  }
0x43: {  	_ =	sdelay $0x2  }
0x44: {  	v3 =	vmul.f32 v5, v3;
	_ =	sdelay $0x1  }
0x45: {  	v3 =	vadd.f32 v3, v4;
	_ =	sdelay $0x1  }
0x46: {  	[tilespmem:$0x10080] =	vst v3  }
0x47: {  	[tilespmem:$0x10090] =	vst v3  }
0x48: {  	v4 =	vld [tilespmem:$0x10088];
	_ =	sdelay $0x4  }
0x49: {  	v3 =	vadd.f32 v4, v3;
	_ =	sdelay $0x1  }
0x4a: {  	[tilespmem:$0x10080] =	vst v3  }
0x4b: {  	[tilespmem:$0x10090] =	vst v3  }
0x4c: {  	v4 =	vld [tilespmem:$0x10084];
	_ =	sdelay $0x4  }
0x4d: {  	v3 =	vadd.f32 v4, v3;
	_ =	sdelay $0x1  }
0x4e: {  	[tilespmem:$0x10080] =	vst v3  }
0x4f: {  	[tilespmem:$0x10090] =	vst v3  }
0x50: {  	v4 =	vld [tilespmem:$0x10082];
	_ =	sdelay $0x4  }
0x51: {  	v3 =	vadd.f32 v4, v3;
	_ =	sdelay $0x1  }
0x52: {  	s15 =	simm.s32 $0x0;
	s16 =	simm.s32 $0x0;
	[tilespmem:$0x10080] =	vst v3  }
0x53: {  	s17 =	simm.s32 $0x0;
	s15 =	sand.u32 $0x70, s15;
	s16 =	sand.u32 $0x3FFFFE00, s16;
	[tilespmem:$0x10090] =	vst v3  }
0x54: {  	s17 =	sand.u32 $0x3FFFFC00, s17;
	s16 =	sor.u32 s15, s16;
	v4 =	vld [tilespmem:$0x10081]  }
0x55: {  	s31 =	sor.u32 s15, s17;
	v5 =	vld [tilespmem:s16+$0x0]  }
0x56: {  	v6 =	vimm.f32 $0.0e+00;
	s15 =	simm.s32 $0x1;
	v7 =	vld [tilespmem:s31+$0x2100];
	s16 =	simm.s32 $0x10  }
.LBB2_7:
0x57: {  	s17 =	sand.u32 $0x70, s16  }
0x58: {  	s18 =	sshll.u32 s15, $0x6;
	s19 =	sshll.u32 s15, $0x7;
	p0 =	sne.s32 s15, $0x7F  }
.Ltmp3:
0x59: {  	s15 =	sadd.s32 $0x1, s15;
	s18 =	sand.u32 $0x3FFFFE00, s18;
	(pc) =	sbr.rel @p0 .LBB2_7-.Ltmp3, $4  }
0x5a: {  	s19 =	sand.u32 $0x3FFFFC00, s19;
	s18 =	sor.u32 s17, s18  }
0x5b: {  	s17 =	sor.u32 s17, s19;
	v8 =	vmul.f32 v7, v5;
	v5 =	vld [tilespmem:s18+$0x0]  }
0x5c: {  	v7 =	vld [tilespmem:s17+$0x2100]  }
0x5d: {  	s16 =	sadd.s32 $0x10, s16;
	v6 =	vadd.f32 v8, v6  }
0x5e: {  	_ =	sdelay $0x2  }
0x5f: {  	v5 =	vmul.f32 v7, v5;
	_ =	sdelay $0x1  }
0x60: {  	v5 =	vadd.f32 v5, v6;
	_ =	sdelay $0x1  }
0x61: {  	[tilespmem:$0x10080] =	vst v5  }
0x62: {  	[tilespmem:$0x10090] =	vst v5  }
0x63: {  	v6 =	vld [tilespmem:$0x10088];
	_ =	sdelay $0x4  }
0x64: {  	v5 =	vadd.f32 v6, v5;
	_ =	sdelay $0x1  }
0x65: {  	[tilespmem:$0x10080] =	vst v5  }
0x66: {  	[tilespmem:$0x10090] =	vst v5  }
0x67: {  	v6 =	vld [tilespmem:$0x10084];
	_ =	sdelay $0x4  }
0x68: {  	v5 =	vadd.f32 v6, v5;
	_ =	sdelay $0x1  }
0x69: {  	[tilespmem:$0x10080] =	vst v5  }
0x6a: {  	[tilespmem:$0x10090] =	vst v5  }
0x6b: {  	v6 =	vld [tilespmem:$0x10082];
	_ =	sdelay $0x4  }
0x6c: {  	v5 =	vadd.f32 v6, v5;
	_ =	sdelay $0x1  }
0x6d: {  	s15 =	simm.s32 $0x0;
	s16 =	simm.s32 $0x0;
	[tilespmem:$0x10080] =	vst v5  }
0x6e: {  	s17 =	simm.s32 $0x0;
	s15 =	sand.u32 $0x70, s15;
	s16 =	sand.u32 $0x3FFFFE00, s16;
	[tilespmem:$0x10090] =	vst v5  }
0x6f: {  	s17 =	sand.u32 $0x3FFFFC00, s17;
	s16 =	sor.u32 s15, s16;
	v6 =	vld [tilespmem:$0x10081]  }
0x70: {  	s31 =	sor.u32 s15, s17;
	v7 =	vld [tilespmem:s16+$0x0]  }
0x71: {  	v8 =	vimm.f32 $0.0e+00;
	s15 =	simm.s32 $0x1;
	v9 =	vld [tilespmem:s31+$0x2180];
	s16 =	simm.s32 $0x10  }
.LBB2_9:
0x72: {  	s17 =	sand.u32 $0x70, s16  }
0x73: {  	s18 =	sshll.u32 s15, $0x6;
	s19 =	sshll.u32 s15, $0x7;
	p0 =	sne.s32 s15, $0x7F  }
.Ltmp4:
0x74: {  	s15 =	sadd.s32 $0x1, s15;
	s18 =	sand.u32 $0x3FFFFE00, s18;
	(pc) =	sbr.rel @p0 .LBB2_9-.Ltmp4, $4  }
0x75: {  	s19 =	sand.u32 $0x3FFFFC00, s19;
	s18 =	sor.u32 s17, s18  }
0x76: {  	s17 =	sor.u32 s17, s19;
	v10 =	vmul.f32 v9, v7;
	v7 =	vld [tilespmem:s18+$0x0]  }
0x77: {  	v9 =	vld [tilespmem:s17+$0x2180]  }
0x78: {  	s16 =	sadd.s32 $0x10, s16;
	v8 =	vadd.f32 v10, v8  }
0x79: {  	_ =	sdelay $0x2  }
0x7a: {  	v7 =	vmul.f32 v9, v7;
	_ =	sdelay $0x1  }
0x7b: {  	v7 =	vadd.f32 v7, v8;
	_ =	sdelay $0x1  }
0x7c: {  	[tilespmem:$0x10080] =	vst v7  }
0x7d: {  	[tilespmem:$0x10090] =	vst v7  }
0x7e: {  	v8 =	vld [tilespmem:$0x10088];
	_ =	sdelay $0x4  }
0x7f: {  	v7 =	vadd.f32 v8, v7;
	_ =	sdelay $0x1  }
0x80: {  	[tilespmem:$0x10080] =	vst v7  }
0x81: {  	[tilespmem:$0x10090] =	vst v7  }
0x82: {  	v8 =	vld [tilespmem:$0x10084];
	_ =	sdelay $0x4  }
0x83: {  	v7 =	vadd.f32 v8, v7;
	_ =	sdelay $0x1  }
0x84: {  	[tilespmem:$0x10080] =	vst v7  }
0x85: {  	[tilespmem:$0x10090] =	vst v7  }
0x86: {  	v8 =	vld [tilespmem:$0x10082];
	_ =	sdelay $0x4  }
0x87: {  	v7 =	vadd.f32 v8, v7;
	_ =	sdelay $0x1  }
0x88: {  	s15 =	simm.s32 $0x0;
	s16 =	simm.s32 $0x0;
	[tilespmem:$0x10080] =	vst v7  }
0x89: {  	s17 =	simm.s32 $0x0;
	s15 =	sand.u32 $0x70, s15;
	s16 =	sand.u32 $0x3FFFFE00, s16;
	[tilespmem:$0x10090] =	vst v7  }
0x8a: {  	s17 =	sand.u32 $0x3FFFFC00, s17;
	s16 =	sor.u32 s15, s16;
	v8 =	vld [tilespmem:$0x10081]  }
0x8b: {  	s31 =	sor.u32 s15, s17;
	v9 =	vld [tilespmem:s16+$0x0]  }
0x8c: {  	v10 =	vimm.f32 $0.0e+00;
	s15 =	simm.s32 $0x1;
	v11 =	vld [tilespmem:s31+$0x2200];
	s16 =	simm.s32 $0x10  }
.LBB2_11:
0x8d: {  	s17 =	sand.u32 $0x70, s16  }
0x8e: {  	s18 =	sshll.u32 s15, $0x6;
	s19 =	sshll.u32 s15, $0x7;
	p0 =	sne.s32 s15, $0x7F  }
.Ltmp5:
0x8f: {  	s15 =	sadd.s32 $0x1, s15;
	s18 =	sand.u32 $0x3FFFFE00, s18;
	(pc) =	sbr.rel @p0 .LBB2_11-.Ltmp5, $4  }
0x90: {  	s19 =	sand.u32 $0x3FFFFC00, s19;
	s18 =	sor.u32 s17, s18  }
0x91: {  	s17 =	sor.u32 s17, s19;
	v12 =	vmul.f32 v11, v9;
	v9 =	vld [tilespmem:s18+$0x0]  }
0x92: {  	v11 =	vld [tilespmem:s17+$0x2200]  }
0x93: {  	s16 =	sadd.s32 $0x10, s16;
	v10 =	vadd.f32 v12, v10  }
0x94: {  	_ =	sdelay $0x2  }
0x95: {  	v9 =	vmul.f32 v11, v9;
	_ =	sdelay $0x1  }
0x96: {  	v9 =	vadd.f32 v9, v10;
	_ =	sdelay $0x1  }
0x97: {  	[tilespmem:$0x10080] =	vst v9  }
0x98: {  	[tilespmem:$0x10090] =	vst v9  }
0x99: {  	v10 =	vld [tilespmem:$0x10088];
	_ =	sdelay $0x4  }
0x9a: {  	v9 =	vadd.f32 v10, v9;
	_ =	sdelay $0x1  }
0x9b: {  	[tilespmem:$0x10080] =	vst v9  }
0x9c: {  	[tilespmem:$0x10090] =	vst v9  }
0x9d: {  	v10 =	vld [tilespmem:$0x10084];
	_ =	sdelay $0x4  }
0x9e: {  	v9 =	vadd.f32 v10, v9;
	_ =	sdelay $0x1  }
0x9f: {  	[tilespmem:$0x10080] =	vst v9  }
0xa0: {  	[tilespmem:$0x10090] =	vst v9  }
0xa1: {  	v10 =	vld [tilespmem:$0x10082];
	_ =	sdelay $0x4  }
0xa2: {  	v9 =	vadd.f32 v10, v9;
	_ =	sdelay $0x1  }
0xa3: {  	s15 =	simm.s32 $0x0;
	s16 =	simm.s32 $0x0;
	[tilespmem:$0x10080] =	vst v9  }
0xa4: {  	s17 =	simm.s32 $0x0;
	s15 =	sand.u32 $0x70, s15;
	s16 =	sand.u32 $0x3FFFFE00, s16;
	[tilespmem:$0x10090] =	vst v9  }
0xa5: {  	s17 =	sand.u32 $0x3FFFFC00, s17;
	s16 =	sor.u32 s15, s16;
	v10 =	vld [tilespmem:$0x10081]  }
0xa6: {  	s31 =	sor.u32 s15, s17;
	v11 =	vld [tilespmem:s16+$0x0]  }
0xa7: {  	v12 =	vimm.f32 $0.0e+00;
	s15 =	simm.s32 $0x1;
	v13 =	vld [tilespmem:s31+$0x2280];
	s16 =	simm.s32 $0x10  }
.LBB2_13:
0xa8: {  	s17 =	sand.u32 $0x70, s16  }
0xa9: {  	s18 =	sshll.u32 s15, $0x6;
	s19 =	sshll.u32 s15, $0x7;
	p0 =	sne.s32 s15, $0x7F  }
.Ltmp6:
0xaa: {  	s15 =	sadd.s32 $0x1, s15;
	s18 =	sand.u32 $0x3FFFFE00, s18;
	(pc) =	sbr.rel @p0 .LBB2_13-.Ltmp6, $4  }
0xab: {  	s19 =	sand.u32 $0x3FFFFC00, s19;
	s18 =	sor.u32 s17, s18  }
0xac: {  	s17 =	sor.u32 s17, s19;
	v14 =	vmul.f32 v13, v11;
	v11 =	vld [tilespmem:s18+$0x0]  }
0xad: {  	v13 =	vld [tilespmem:s17+$0x2280]  }
0xae: {  	s16 =	sadd.s32 $0x10, s16;
	v12 =	vadd.f32 v14, v12  }
0xaf: {  	_ =	sdelay $0x2  }
0xb0: {  	v11 =	vmul.f32 v13, v11;
	_ =	sdelay $0x1  }
0xb1: {  	v11 =	vadd.f32 v11, v12;
	_ =	sdelay $0x1  }
0xb2: {  	[tilespmem:$0x10080] =	vst v11  }
0xb3: {  	[tilespmem:$0x10090] =	vst v11  }
0xb4: {  	v12 =	vld [tilespmem:$0x10088];
	_ =	sdelay $0x4  }
0xb5: {  	v11 =	vadd.f32 v12, v11;
	_ =	sdelay $0x1  }
0xb6: {  	[tilespmem:$0x10080] =	vst v11  }
0xb7: {  	[tilespmem:$0x10090] =	vst v11  }
0xb8: {  	v12 =	vld [tilespmem:$0x10084];
	_ =	sdelay $0x4  }
0xb9: {  	v11 =	vadd.f32 v12, v11;
	_ =	sdelay $0x1  }
0xba: {  	[tilespmem:$0x10080] =	vst v11  }
0xbb: {  	[tilespmem:$0x10090] =	vst v11  }
0xbc: {  	v12 =	vld [tilespmem:$0x10082];
	_ =	sdelay $0x4  }
0xbd: {  	v11 =	vadd.f32 v12, v11;
	_ =	sdelay $0x1  }
0xbe: {  	s15 =	simm.s32 $0x0;
	s16 =	simm.s32 $0x0;
	[tilespmem:$0x10080] =	vst v11  }
0xbf: {  	s17 =	simm.s32 $0x0;
	s15 =	sand.u32 $0x70, s15;
	s16 =	sand.u32 $0x3FFFFE00, s16;
	[tilespmem:$0x10090] =	vst v11  }
0xc0: {  	s17 =	sand.u32 $0x3FFFFC00, s17;
	s16 =	sor.u32 s15, s16;
	v12 =	vld [tilespmem:$0x10081]  }
0xc1: {  	s31 =	sor.u32 s15, s17;
	v13 =	vld [tilespmem:s16+$0x0]  }
0xc2: {  	v14 =	vimm.f32 $0.0e+00;
	s15 =	simm.s32 $0x1;
	v15 =	vld [tilespmem:s31+$0x2300];
	s16 =	simm.s32 $0x10  }
.LBB2_15:
0xc3: {  	s17 =	sand.u32 $0x70, s16  }
0xc4: {  	s18 =	sshll.u32 s15, $0x6;
	s19 =	sshll.u32 s15, $0x7;
	p0 =	sne.s32 s15, $0x7F  }
.Ltmp7:
0xc5: {  	s15 =	sadd.s32 $0x1, s15;
	s18 =	sand.u32 $0x3FFFFE00, s18;
	(pc) =	sbr.rel @p0 .LBB2_15-.Ltmp7, $4  }
0xc6: {  	s19 =	sand.u32 $0x3FFFFC00, s19;
	s18 =	sor.u32 s17, s18  }
0xc7: {  	s17 =	sor.u32 s17, s19;
	v16 =	vmul.f32 v15, v13;
	v13 =	vld [tilespmem:s18+$0x0]  }
0xc8: {  	v15 =	vld [tilespmem:s17+$0x2300]  }
0xc9: {  	s16 =	sadd.s32 $0x10, s16;
	v14 =	vadd.f32 v16, v14  }
0xca: {  	_ =	sdelay $0x2  }
0xcb: {  	v13 =	vmul.f32 v15, v13;
	_ =	sdelay $0x1  }
0xcc: {  	v13 =	vadd.f32 v13, v14;
	_ =	sdelay $0x1  }
0xcd: {  	[tilespmem:$0x10080] =	vst v13  }
0xce: {  	[tilespmem:$0x10090] =	vst v13  }
0xcf: {  	v14 =	vld [tilespmem:$0x10088];
	_ =	sdelay $0x4  }
0xd0: {  	v13 =	vadd.f32 v14, v13;
	_ =	sdelay $0x1  }
0xd1: {  	[tilespmem:$0x10080] =	vst v13  }
0xd2: {  	[tilespmem:$0x10090] =	vst v13  }
0xd3: {  	v14 =	vld [tilespmem:$0x10084];
	_ =	sdelay $0x4  }
0xd4: {  	v13 =	vadd.f32 v14, v13;
	_ =	sdelay $0x1  }
0xd5: {  	[tilespmem:$0x10080] =	vst v13  }
0xd6: {  	[tilespmem:$0x10090] =	vst v13  }
0xd7: {  	v14 =	vld [tilespmem:$0x10082];
	_ =	sdelay $0x4  }
0xd8: {  	v13 =	vadd.f32 v14, v13;
	_ =	sdelay $0x1  }
0xd9: {  	s15 =	simm.s32 $0x0;
	s16 =	simm.s32 $0x0;
	[tilespmem:$0x10080] =	vst v13  }
0xda: {  	s17 =	simm.s32 $0x0;
	s15 =	sand.u32 $0x70, s15;
	s16 =	sand.u32 $0x3FFFFE00, s16;
	[tilespmem:$0x10090] =	vst v13  }
0xdb: {  	s17 =	sand.u32 $0x3FFFFC00, s17;
	s16 =	sor.u32 s15, s16;
	v14 =	vld [tilespmem:$0x10081]  }
0xdc: {  	s31 =	sor.u32 s15, s17;
	v15 =	vld [tilespmem:s16+$0x0]  }
0xdd: {  	v16 =	vimm.f32 $0.0e+00;
	s15 =	simm.s32 $0x1;
	v17 =	vld [tilespmem:s31+$0x2380];
	s16 =	simm.s32 $0x10  }
.LBB2_17:
0xde: {  	s17 =	sand.u32 $0x70, s16  }
0xdf: {  	s18 =	sshll.u32 s15, $0x6;
	s19 =	sshll.u32 s15, $0x7;
	p0 =	sne.s32 s15, $0x7F  }
.Ltmp8:
0xe0: {  	s15 =	sadd.s32 $0x1, s15;
	s18 =	sand.u32 $0x3FFFFE00, s18;
	(pc) =	sbr.rel @p0 .LBB2_17-.Ltmp8, $4  }
0xe1: {  	s19 =	sand.u32 $0x3FFFFC00, s19;
	s18 =	sor.u32 s17, s18  }
0xe2: {  	s17 =	sor.u32 s17, s19;
	v18 =	vmul.f32 v17, v15;
	v15 =	vld [tilespmem:s18+$0x0]  }
0xe3: {  	v17 =	vld [tilespmem:s17+$0x2380]  }
0xe4: {  	s16 =	sadd.s32 $0x10, s16;
	v16 =	vadd.f32 v18, v16  }
0xe5: {  	_ =	sdelay $0x2  }
0xe6: {  	v15 =	vmul.f32 v17, v15;
	_ =	sdelay $0x1  }
0xe7: {  	v15 =	vadd.f32 v15, v16;
	_ =	sdelay $0x1  }
0xe8: {  	[tilespmem:$0x10080] =	vst v15  }
0xe9: {  	[tilespmem:$0x10090] =	vst v15  }
0xea: {  	v16 =	vld [tilespmem:$0x10088];
	_ =	sdelay $0x4  }
0xeb: {  	v15 =	vadd.f32 v16, v15;
	_ =	sdelay $0x1  }
0xec: {  	[tilespmem:$0x10080] =	vst v15  }
0xed: {  	[tilespmem:$0x10090] =	vst v15  }
0xee: {  	v16 =	vld [tilespmem:$0x10084];
	_ =	sdelay $0x4  }
0xef: {  	v15 =	vadd.f32 v16, v15;
	_ =	sdelay $0x1  }
0xf0: {  	[tilespmem:$0x10080] =	vst v15  }
0xf1: {  	[tilespmem:$0x10090] =	vst v15  }
0xf2: {  	v16 =	vld [tilespmem:$0x10082];
	_ =	sdelay $0x4  }
0xf3: {  	v15 =	vadd.f32 v16, v15;
	_ =	sdelay $0x1  }
0xf4: {  	s15 =	simm.s32 $0x0;
	s16 =	simm.s32 $0x0;
	[tilespmem:$0x10080] =	vst v15  }
0xf5: {  	s17 =	simm.s32 $0x0;
	s15 =	sand.u32 $0x70, s15;
	s16 =	sand.u32 $0x3FFFFE00, s16;
	[tilespmem:$0x10090] =	vst v15  }
0xf6: {  	s17 =	sand.u32 $0x3FFFFC00, s17;
	s16 =	sor.u32 s15, s16;
	v16 =	vld [tilespmem:$0x10081]  }
0xf7: {  	s31 =	sor.u32 s15, s17;
	v17 =	vld [tilespmem:s16+$0x0]  }
0xf8: {  	v18 =	vimm.f32 $0.0e+00;
	s15 =	simm.s32 $0x1;
	v19 =	vld [tilespmem:s31+$0x6000];
	s16 =	simm.s32 $0x10  }
.LBB2_19:
0xf9: {  	s17 =	sand.u32 $0x70, s16  }
0xfa: {  	s18 =	sshll.u32 s15, $0x6;
	s19 =	sshll.u32 s15, $0x7;
	p0 =	sne.s32 s15, $0x7F  }
.Ltmp9:
0xfb: {  	s15 =	sadd.s32 $0x1, s15;
	s18 =	sand.u32 $0x3FFFFE00, s18;
	(pc) =	sbr.rel @p0 .LBB2_19-.Ltmp9, $4  }
0xfc: {  	s19 =	sand.u32 $0x3FFFFC00, s19;
	s18 =	sor.u32 s17, s18  }
0xfd: {  	s17 =	sor.u32 s17, s19;
	v20 =	vmul.f32 v19, v17;
	v17 =	vld [tilespmem:s18+$0x0]  }
0xfe: {  	v19 =	vld [tilespmem:s17+$0x6000]  }
0xff: {  	s16 =	sadd.s32 $0x10, s16;
	v18 =	vadd.f32 v20, v18  }
0x100: {  	_ =	sdelay $0x2  }
0x101: {  	v17 =	vmul.f32 v19, v17;
	_ =	sdelay $0x1  }
0x102: {  	v17 =	vadd.f32 v17, v18;
	_ =	sdelay $0x1  }
0x103: {  	[tilespmem:$0x10080] =	vst v17  }
0x104: {  	[tilespmem:$0x10090] =	vst v17  }
0x105: {  	v53 =	vld [tilespmem:$0x10088];
	_ =	sdelay $0x4  }
0x106: {  	v17 =	vadd.f32 v53, v17;
	_ =	sdelay $0x1  }
0x107: {  	[tilespmem:$0x10080] =	vst v17  }
0x108: {  	[tilespmem:$0x10090] =	vst v17  }
0x109: {  	v54 =	vld [tilespmem:$0x10084];
	_ =	sdelay $0x4  }
0x10a: {  	v17 =	vadd.f32 v54, v17;
	_ =	sdelay $0x1  }
0x10b: {  	[tilespmem:$0x10080] =	vst v17  }
0x10c: {  	[tilespmem:$0x10090] =	vst v17  }
0x10d: {  	v55 =	vld [tilespmem:$0x10082];
	_ =	sdelay $0x4  }
0x10e: {  	v17 =	vadd.f32 v55, v17  }
0x10f: {  	v1 =	vadd.f32 v2, v1  }
0x110: {  	v2 =	vadd.f32 v4, v3;
	[tilespmem:$0x10080] =	vst v17  }
0x111: {  	v3 =	vadd.f32 v6, v5;
	vm1 =	vcmask $0x324;
	v1 =	vnsel vm0, $0xFF61B1E6, v1;
	[tilespmem:$0x10090] =	vst v17  }
0x112: {  	v1 =	vsel vm1, v1, v2;
	v2 =	vadd.f32 v8, v7;
	vm1 =	vcmask $0x724;
	v56 =	vld [tilespmem:$0x10081]  }
0x113: {  	v1 =	vsel vm1, v1, v3;
	v3 =	vadd.f32 v10, v9  }
0x114: {  	v1 =	vsel vm3, v1, v2;
	v2 =	vadd.f32 v12, v11  }
0x115: {  	v57 =	vld [tilespmem:$0xA000];
	v1 =	vsel vm4, v1, v3;
	v3 =	vadd.f32 v14, v13  }
0x116: {  	v1 =	vsel vm5, v1, v2;
	v2 =	vadd.f32 v16, v15  }
0x117: {  	v1 =	vsel vm6, v1, v3;
	v3 =	vadd.f32 v56, v17  }
0x118: {  	v1 =	vsel vm7, v1, v2  }
0x119: {  	v1 =	vsel vm8, v1, v3  }
0x11a: {  	v1 =	vadd.f32 v1, v57;
	_ =	sdelay $0x1  }
0x11b: {  	[tilespmem:$0x10080] =	vst v1  }
0x11c: {  	[tilespmem:$0x10090] =	vst v1  }
0x11d: {  	v2 =	vld [tilespmem:$0x10088];
	_ =	sdelay $0x4  }
0x11e: {  	v2 =	vmax.f32 v1, v2  }
0x11f: {  	[tilespmem:$0x10080] =	vst v2  }
0x120: {  	[tilespmem:$0x10090] =	vst v2  }
0x121: {  	v3 =	vld [tilespmem:$0x10084];
	_ =	sdelay $0x4  }
0x122: {  	v2 =	vmax.f32 v2, v3  }
0x123: {  	[tilespmem:$0x10080] =	vst v2  }
0x124: {  	[tilespmem:$0x10090] =	vst v2  }
0x125: {  	v3 =	vld [tilespmem:$0x10082];
	_ =	sdelay $0x4  }
0x126: {  	v2 =	vmax.f32 v2, v3  }
0x127: {  	[tilespmem:$0x10080] =	vst v2  }
0x128: {  	[tilespmem:$0x10090] =	vst v2  }
0x129: {  	v3 =	vld [tilespmem:$0x10081];
	_ =	sdelay $0x4  }
0x12a: {  	v2 =	vmax.f32 v2, v3  }
0x12b: {  	vm1 =	veq.f32 v1, v2  }
0x12c: {  	v1 =	vnsel vm1, $0x10, v0  }
0x12d: {  	[tilespmem:$0x10100] =	vst v1  }
0x12e: {  	[tilespmem:$0x10110] =	vst v1  }
0x12f: {  	v2 =	vld [tilespmem:$0x10108];
	_ =	sdelay $0x4  }
0x130: {  	vm1 =	vlt.s32 v1, v2  }
0x131: {  	v1 =	vsel vm1, v1, v2  }
0x132: {  	[tilespmem:$0x10100] =	vst v1  }
0x133: {  	[tilespmem:$0x10110] =	vst v1  }
0x134: {  	v2 =	vld [tilespmem:$0x10104];
	_ =	sdelay $0x4  }
0x135: {  	vm1 =	vlt.s32 v1, v2  }
0x136: {  	v1 =	vsel vm1, v1, v2  }
0x137: {  	[tilespmem:$0x10100] =	vst v1  }
0x138: {  	[tilespmem:$0x10110] =	vst v1  }
0x139: {  	v2 =	vld [tilespmem:$0x10102];
	_ =	sdelay $0x4  }
0x13a: {  	vm1 =	vlt.s32 v1, v2  }
0x13b: {  	v1 =	vsel vm1, v1, v2  }
0x13c: {  	[tilespmem:$0x10100] =	vst v1  }
0x13d: {  	[tilespmem:$0x10110] =	vst v1  }
0x13e: {  	s15 =	simm.s32 $0x0;
	s16 =	simm.s32 $0x0;
	v2 =	vld [tilespmem:$0x10101]  }
0x13f: {  	s15 =	sand.u32 $0x70, s15;
	s16 =	sand.u32 $0x3FFFFC00, s16  }
0x140: {  	s16 =	sor.u32 s15, s16  }
0x141: {  	v3 =	vld [tilespmem:s16+$0xA080]  }
0x142: {  	v58 =	vld [tilespmem:s16+$0xA100]  }
0x143: {  	v59 =	vld [tilespmem:s16+$0xA180];
	vm1 =	vlt.s32 v1, v2  }
0x144: {  	v1 =	vsel vm1, v1, v2;
	v2 =	vld [tilespmem:s16+$0xA200]  }
0x145: {  	v60 =	vld [tilespmem:s16+$0xA280];
	vm12 =	veq.s32 v1, $0x0  }
0x146: {  	s31 =	simm.s32 $0x0;
	v61 =	vld [tilespmem:s16+$0xA300];
	vm11 =	veq.s32 v1, $0x1;
	vm10 =	veq.s32 v1, $0x2;
	v3 =	vnsel vm12, $0x0, v3  }
0x147: {  	s17 =	sand.u32 $0xFFFFFE00, s31;
	v62 =	vld [tilespmem:s16+$0xA380];
	vm9 =	veq.s32 v1, $0x3;
	vm13 =	veq.s32 v1, $0x4;
	v3 =	vsel vm11, v58, v3  }
0x148: {  	s20 =	sor.u32 s15, s17;
	v63 =	vld [tilespmem:s16+$0xA400];
	vm14 =	veq.s32 v1, $0x5;
	vm15 =	veq.s32 v1, $0x6;
	v3 =	vsel vm10, v59, v3  }
0x149: {  	vm1 =	veq.s32 v1, $0x7;
	vm2 =	veq.s32 v1, $0x8;
	v1 =	vld [tilespmem:s20+$0x0];
	v2 =	vsel vm9, v2, v3  }
0x14a: {  	v2 =	vsel vm13, v60, v2  }
0x14b: {  	v2 =	vsel vm14, v61, v2  }
0x14c: {  	s21 =	simm.s32 $0x80;
	s18 =	simm.s32 $0x2;
	v2 =	vsel vm15, v62, v2  }
0x14d: {  	s19 =	simm.s32 $0x10;
	s17 =	simm.s32 $0x1;
	s16 =	simm.s32 $0x1;
	v2 =	vsel vm1, v63, v2  }
.LBB2_21:
0x14e: {  	p0 =	sne.s32 s18, $0x7F;
	s22 =	sand.u32 $0x70, s19;
	s21 =	sand.u32 $0x3FFFFC00, s21;
	v1 =	vsel vm2, v1, v2  }
0x14f: {  	s21 =	sor.u32 s22, s21;
	[tilespmem:s20+$0xE080] =	vst v1  }
0x150: {  	v1 =	vld [tilespmem:s21+$0xA080]  }
0x151: {  	v2 =	vld [tilespmem:s21+$0xA100]  }
0x152: {  	v3 =	vld [tilespmem:s21+$0xA180]  }
0x153: {  	v4 =	vld [tilespmem:s21+$0xA200]  }
0x154: {  	v5 =	vld [tilespmem:s21+$0xA280]  }
0x155: {  	s20 =	sshll.u32 s17, $0x6;
	s17 =	smov.u32 s18;
	v1 =	vnsel vm12, $0x0, v1;
	v6 =	vld [tilespmem:s21+$0xA300]  }
0x156: {  	s20 =	sand.u32 $0xFFFFFE00, s20;
	v1 =	vsel vm11, v2, v1;
	v2 =	vld [tilespmem:s21+$0xA380]  }
0x157: {  	s20 =	sor.u32 s22, s20;
	v3 =	vsel vm10, v3, v1;
	v7 =	vld [tilespmem:s21+$0xA400]  }
.Ltmp10:
0x158: {  	v1 =	vld [tilespmem:s20+$0x0];
	v3 =	vsel vm9, v4, v3;
	(pc) =	sbr.rel @p0 .LBB2_21-.Ltmp10, $4  }
0x159: {  	v3 =	vsel vm13, v5, v3  }
0x15a: {  	v3 =	vsel vm14, v6, v3  }
0x15b: {  	v2 =	vsel vm15, v2, v3  }
0x15c: {  	s19 =	sadd.s32 $0x10, s19;
	s18 =	sadd.s32 $0x1, s18;
	s21 =	sshll.u32 s17, $0x7;
	v2 =	vsel vm1, v7, v2  }
0x15d: {  	s18 =	sand.u32 $0x70, s19;
	s25 =	sand.u32 $0x3FFFFC00, s21;
	v1 =	vsel vm2, v1, v2  }
0x15e: {  	s19 =	sor.u32 s18, s25;
	[tilespmem:s20+$0xE080] =	vst v1  }
0x15f: {  	v1 =	vld [tilespmem:s19+$0xA080]  }
0x160: {  	v2 =	vld [tilespmem:s19+$0xA100]  }
0x161: {  	v3 =	vld [tilespmem:s19+$0xA180]  }
0x162: {  	v4 =	vld [tilespmem:s19+$0xA200]  }
0x163: {  	v5 =	vld [tilespmem:s19+$0xA280]  }
0x164: {  	s17 =	sshll.u32 s17, $0x6;
	v6 =	vld [tilespmem:s19+$0xA300];
	v1 =	vnsel vm12, $0x0, v1  }
0x165: {  	s17 =	sand.u32 $0xFFFFFE00, s17;
	v1 =	vsel vm11, v2, v1;
	v2 =	vld [tilespmem:s19+$0xA380]  }
0x166: {  	s17 =	sor.u32 s18, s17;
	v1 =	vsel vm10, v3, v1;
	v3 =	vld [tilespmem:s19+$0xA400]  }
0x167: {  	v7 =	vld [tilespmem:s17+$0x0];
	v1 =	vsel vm9, v4, v1  }
0x168: {  	v1 =	vsel vm13, v5, v1  }
0x169: {  	v1 =	vsel vm14, v6, v1  }
0x16a: {  	v1 =	vsel vm15, v2, v1  }
0x16b: {  	s26 =	simm.s32 $0x0;
	v1 =	vsel vm1, v3, v1  }
0x16c: {  	s28 =	simm.s32 $0x0;
	s18 =	sand.u32 $0x3FFFFE00, s26;
	v1 =	vsel vm2, v7, v1  }
0x16d: {  	s30 =	sand.u32 $0x3FFFFC00, s28;
	s29 =	sor.u32 s15, s18;
	[tilespmem:s17+$0xE080] =	vst v1  }
0x16e: {  	s31 =	sor.u32 s15, s30;
	v1 =	vld [tilespmem:s29+$0x80]  }
0x16f: {  	s15 =	simm.s32 $0x10;
	v2 =	vimm.f32 $0.0e+00;
	v3 =	vld [tilespmem:s31+$0x2000]  }
.LBB2_23:
0x170: {  	s17 =	sand.u32 $0x70, s15  }
0x171: {  	s18 =	sshll.u32 s16, $0x6;
	s19 =	sshll.u32 s16, $0x7;
	p0 =	sne.s32 s16, $0x7F  }
.Ltmp11:
0x172: {  	s16 =	sadd.s32 $0x1, s16;
	s18 =	sand.u32 $0x3FFFFE00, s18;
	(pc) =	sbr.rel @p0 .LBB2_23-.Ltmp11, $4  }
0x173: {  	s19 =	sand.u32 $0x3FFFFC00, s19;
	s18 =	sor.u32 s17, s18  }
0x174: {  	s17 =	sor.u32 s17, s19;
	v4 =	vmul.f32 v3, v1;
	v1 =	vld [tilespmem:s18+$0x80]  }
0x175: {  	v3 =	vld [tilespmem:s17+$0x2000]  }
0x176: {  	s15 =	sadd.s32 $0x10, s15;
	v2 =	vadd.f32 v4, v2  }
0x177: {  	_ =	sdelay $0x2  }
0x178: {  	v1 =	vmul.f32 v3, v1;
	_ =	sdelay $0x1  }
0x179: {  	v1 =	vadd.f32 v1, v2;
	_ =	sdelay $0x1  }
0x17a: {  	[tilespmem:$0x10080] =	vst v1  }
0x17b: {  	[tilespmem:$0x10090] =	vst v1  }
0x17c: {  	v2 =	vld [tilespmem:$0x10088];
	_ =	sdelay $0x4  }
0x17d: {  	v1 =	vadd.f32 v2, v1;
	_ =	sdelay $0x1  }
0x17e: {  	[tilespmem:$0x10080] =	vst v1  }
0x17f: {  	[tilespmem:$0x10090] =	vst v1  }
0x180: {  	v2 =	vld [tilespmem:$0x10084];
	_ =	sdelay $0x4  }
0x181: {  	v1 =	vadd.f32 v2, v1;
	_ =	sdelay $0x1  }
0x182: {  	[tilespmem:$0x10080] =	vst v1  }
0x183: {  	[tilespmem:$0x10090] =	vst v1  }
0x184: {  	v2 =	vld [tilespmem:$0x10082];
	_ =	sdelay $0x4  }
0x185: {  	v1 =	vadd.f32 v2, v1;
	_ =	sdelay $0x1  }
0x186: {  	s15 =	simm.s32 $0x0;
	s16 =	simm.s32 $0x0;
	[tilespmem:$0x10080] =	vst v1  }
0x187: {  	s17 =	simm.s32 $0x0;
	s15 =	sand.u32 $0x70, s15;
	s16 =	sand.u32 $0x3FFFFE00, s16;
	[tilespmem:$0x10090] =	vst v1  }
0x188: {  	s17 =	sand.u32 $0x3FFFFC00, s17;
	s16 =	sor.u32 s15, s16;
	v2 =	vld [tilespmem:$0x10081]  }
0x189: {  	s31 =	sor.u32 s15, s17;
	v3 =	vld [tilespmem:s16+$0x80]  }
0x18a: {  	v4 =	vimm.f32 $0.0e+00;
	s15 =	simm.s32 $0x1;
	v5 =	vld [tilespmem:s31+$0x2080];
	s16 =	simm.s32 $0x10  }
.LBB2_25:
0x18b: {  	s17 =	sand.u32 $0x70, s16  }
0x18c: {  	s18 =	sshll.u32 s15, $0x6;
	s19 =	sshll.u32 s15, $0x7;
	p0 =	sne.s32 s15, $0x7F  }
.Ltmp12:
0x18d: {  	s15 =	sadd.s32 $0x1, s15;
	s18 =	sand.u32 $0x3FFFFE00, s18;
	(pc) =	sbr.rel @p0 .LBB2_25-.Ltmp12, $4  }
0x18e: {  	s19 =	sand.u32 $0x3FFFFC00, s19;
	s18 =	sor.u32 s17, s18  }
0x18f: {  	s17 =	sor.u32 s17, s19;
	v6 =	vmul.f32 v5, v3;
	v3 =	vld [tilespmem:s18+$0x80]  }
0x190: {  	v5 =	vld [tilespmem:s17+$0x2080]  }
0x191: {  	s16 =	sadd.s32 $0x10, s16;
	v4 =	vadd.f32 v6, v4  }
0x192: {  	_ =	sdelay $0x2  }
0x193: {  	v3 =	vmul.f32 v5, v3;
	_ =	sdelay $0x1  }
0x194: {  	v3 =	vadd.f32 v3, v4;
	_ =	sdelay $0x1  }
0x195: {  	[tilespmem:$0x10080] =	vst v3  }
0x196: {  	[tilespmem:$0x10090] =	vst v3  }
0x197: {  	v4 =	vld [tilespmem:$0x10088];
	_ =	sdelay $0x4  }
0x198: {  	v3 =	vadd.f32 v4, v3;
	_ =	sdelay $0x1  }
0x199: {  	[tilespmem:$0x10080] =	vst v3  }
0x19a: {  	[tilespmem:$0x10090] =	vst v3  }
0x19b: {  	v4 =	vld [tilespmem:$0x10084];
	_ =	sdelay $0x4  }
0x19c: {  	v3 =	vadd.f32 v4, v3;
	_ =	sdelay $0x1  }
0x19d: {  	[tilespmem:$0x10080] =	vst v3  }
0x19e: {  	[tilespmem:$0x10090] =	vst v3  }
0x19f: {  	v4 =	vld [tilespmem:$0x10082];
	_ =	sdelay $0x4  }
0x1a0: {  	v3 =	vadd.f32 v4, v3;
	_ =	sdelay $0x1  }
0x1a1: {  	s15 =	simm.s32 $0x0;
	s16 =	simm.s32 $0x0;
	[tilespmem:$0x10080] =	vst v3  }
0x1a2: {  	s17 =	simm.s32 $0x0;
	s15 =	sand.u32 $0x70, s15;
	s16 =	sand.u32 $0x3FFFFE00, s16;
	[tilespmem:$0x10090] =	vst v3  }
0x1a3: {  	s17 =	sand.u32 $0x3FFFFC00, s17;
	s16 =	sor.u32 s15, s16;
	v4 =	vld [tilespmem:$0x10081]  }
0x1a4: {  	s31 =	sor.u32 s15, s17;
	v5 =	vld [tilespmem:s16+$0x80]  }
0x1a5: {  	v6 =	vimm.f32 $0.0e+00;
	s15 =	simm.s32 $0x1;
	v7 =	vld [tilespmem:s31+$0x2100];
	s16 =	simm.s32 $0x10  }
.LBB2_27:
0x1a6: {  	s17 =	sand.u32 $0x70, s16  }
0x1a7: {  	s18 =	sshll.u32 s15, $0x6;
	s19 =	sshll.u32 s15, $0x7;
	p0 =	sne.s32 s15, $0x7F  }
.Ltmp13:
0x1a8: {  	s15 =	sadd.s32 $0x1, s15;
	s18 =	sand.u32 $0x3FFFFE00, s18;
	(pc) =	sbr.rel @p0 .LBB2_27-.Ltmp13, $4  }
0x1a9: {  	s19 =	sand.u32 $0x3FFFFC00, s19;
	s18 =	sor.u32 s17, s18  }
0x1aa: {  	s17 =	sor.u32 s17, s19;
	v8 =	vmul.f32 v7, v5;
	v5 =	vld [tilespmem:s18+$0x80]  }
0x1ab: {  	v7 =	vld [tilespmem:s17+$0x2100]  }
0x1ac: {  	s16 =	sadd.s32 $0x10, s16;
	v6 =	vadd.f32 v8, v6  }
0x1ad: {  	_ =	sdelay $0x2  }
0x1ae: {  	v5 =	vmul.f32 v7, v5;
	_ =	sdelay $0x1  }
0x1af: {  	v5 =	vadd.f32 v5, v6;
	_ =	sdelay $0x1  }
0x1b0: {  	[tilespmem:$0x10080] =	vst v5  }
0x1b1: {  	[tilespmem:$0x10090] =	vst v5  }
0x1b2: {  	v6 =	vld [tilespmem:$0x10088];
	_ =	sdelay $0x4  }
0x1b3: {  	v5 =	vadd.f32 v6, v5;
	_ =	sdelay $0x1  }
0x1b4: {  	[tilespmem:$0x10080] =	vst v5  }
0x1b5: {  	[tilespmem:$0x10090] =	vst v5  }
0x1b6: {  	v6 =	vld [tilespmem:$0x10084];
	_ =	sdelay $0x4  }
0x1b7: {  	v5 =	vadd.f32 v6, v5;
	_ =	sdelay $0x1  }
0x1b8: {  	[tilespmem:$0x10080] =	vst v5  }
0x1b9: {  	[tilespmem:$0x10090] =	vst v5  }
0x1ba: {  	v6 =	vld [tilespmem:$0x10082];
	_ =	sdelay $0x4  }
0x1bb: {  	v5 =	vadd.f32 v6, v5;
	_ =	sdelay $0x1  }
0x1bc: {  	s15 =	simm.s32 $0x0;
	s16 =	simm.s32 $0x0;
	[tilespmem:$0x10080] =	vst v5  }
0x1bd: {  	s17 =	simm.s32 $0x0;
	s15 =	sand.u32 $0x70, s15;
	s16 =	sand.u32 $0x3FFFFE00, s16;
	[tilespmem:$0x10090] =	vst v5  }
0x1be: {  	s17 =	sand.u32 $0x3FFFFC00, s17;
	s16 =	sor.u32 s15, s16;
	v6 =	vld [tilespmem:$0x10081]  }
0x1bf: {  	s31 =	sor.u32 s15, s17;
	v7 =	vld [tilespmem:s16+$0x80]  }
0x1c0: {  	v8 =	vimm.f32 $0.0e+00;
	s15 =	simm.s32 $0x1;
	v9 =	vld [tilespmem:s31+$0x2180];
	s16 =	simm.s32 $0x10  }
.LBB2_29:
0x1c1: {  	s17 =	sand.u32 $0x70, s16  }
0x1c2: {  	s18 =	sshll.u32 s15, $0x6;
	s19 =	sshll.u32 s15, $0x7;
	p0 =	sne.s32 s15, $0x7F  }
.Ltmp14:
0x1c3: {  	s15 =	sadd.s32 $0x1, s15;
	s18 =	sand.u32 $0x3FFFFE00, s18;
	(pc) =	sbr.rel @p0 .LBB2_29-.Ltmp14, $4  }
0x1c4: {  	s19 =	sand.u32 $0x3FFFFC00, s19;
	s18 =	sor.u32 s17, s18  }
0x1c5: {  	s17 =	sor.u32 s17, s19;
	v10 =	vmul.f32 v9, v7;
	v7 =	vld [tilespmem:s18+$0x80]  }
0x1c6: {  	v9 =	vld [tilespmem:s17+$0x2180]  }
0x1c7: {  	s16 =	sadd.s32 $0x10, s16;
	v8 =	vadd.f32 v10, v8  }
0x1c8: {  	_ =	sdelay $0x2  }
0x1c9: {  	v7 =	vmul.f32 v9, v7;
	_ =	sdelay $0x1  }
0x1ca: {  	v7 =	vadd.f32 v7, v8;
	_ =	sdelay $0x1  }
0x1cb: {  	[tilespmem:$0x10080] =	vst v7  }
0x1cc: {  	[tilespmem:$0x10090] =	vst v7  }
0x1cd: {  	v8 =	vld [tilespmem:$0x10088];
	_ =	sdelay $0x4  }
0x1ce: {  	v7 =	vadd.f32 v8, v7;
	_ =	sdelay $0x1  }
0x1cf: {  	[tilespmem:$0x10080] =	vst v7  }
0x1d0: {  	[tilespmem:$0x10090] =	vst v7  }
0x1d1: {  	v8 =	vld [tilespmem:$0x10084];
	_ =	sdelay $0x4  }
0x1d2: {  	v7 =	vadd.f32 v8, v7;
	_ =	sdelay $0x1  }
0x1d3: {  	[tilespmem:$0x10080] =	vst v7  }
0x1d4: {  	[tilespmem:$0x10090] =	vst v7  }
0x1d5: {  	v8 =	vld [tilespmem:$0x10082];
	_ =	sdelay $0x4  }
0x1d6: {  	v7 =	vadd.f32 v8, v7;
	_ =	sdelay $0x1  }
0x1d7: {  	s15 =	simm.s32 $0x0;
	s16 =	simm.s32 $0x0;
	[tilespmem:$0x10080] =	vst v7  }
0x1d8: {  	s17 =	simm.s32 $0x0;
	s15 =	sand.u32 $0x70, s15;
	s16 =	sand.u32 $0x3FFFFE00, s16;
	[tilespmem:$0x10090] =	vst v7  }
0x1d9: {  	s17 =	sand.u32 $0x3FFFFC00, s17;
	s16 =	sor.u32 s15, s16;
	v8 =	vld [tilespmem:$0x10081]  }
0x1da: {  	s31 =	sor.u32 s15, s17;
	v9 =	vld [tilespmem:s16+$0x80]  }
0x1db: {  	v10 =	vimm.f32 $0.0e+00;
	s15 =	simm.s32 $0x1;
	v11 =	vld [tilespmem:s31+$0x2200];
	s16 =	simm.s32 $0x10  }
.LBB2_31:
0x1dc: {  	s17 =	sand.u32 $0x70, s16  }
0x1dd: {  	s18 =	sshll.u32 s15, $0x6;
	s19 =	sshll.u32 s15, $0x7;
	p0 =	sne.s32 s15, $0x7F  }
.Ltmp15:
0x1de: {  	s15 =	sadd.s32 $0x1, s15;
	s18 =	sand.u32 $0x3FFFFE00, s18;
	(pc) =	sbr.rel @p0 .LBB2_31-.Ltmp15, $4  }
0x1df: {  	s19 =	sand.u32 $0x3FFFFC00, s19;
	s18 =	sor.u32 s17, s18  }
0x1e0: {  	s17 =	sor.u32 s17, s19;
	v12 =	vmul.f32 v11, v9;
	v9 =	vld [tilespmem:s18+$0x80]  }
0x1e1: {  	v11 =	vld [tilespmem:s17+$0x2200]  }
0x1e2: {  	s16 =	sadd.s32 $0x10, s16;
	v10 =	vadd.f32 v12, v10  }
0x1e3: {  	_ =	sdelay $0x2  }
0x1e4: {  	v9 =	vmul.f32 v11, v9;
	_ =	sdelay $0x1  }
0x1e5: {  	v9 =	vadd.f32 v9, v10;
	_ =	sdelay $0x1  }
0x1e6: {  	[tilespmem:$0x10080] =	vst v9  }
0x1e7: {  	[tilespmem:$0x10090] =	vst v9  }
0x1e8: {  	v10 =	vld [tilespmem:$0x10088];
	_ =	sdelay $0x4  }
0x1e9: {  	v9 =	vadd.f32 v10, v9;
	_ =	sdelay $0x1  }
0x1ea: {  	[tilespmem:$0x10080] =	vst v9  }
0x1eb: {  	[tilespmem:$0x10090] =	vst v9  }
0x1ec: {  	v10 =	vld [tilespmem:$0x10084];
	_ =	sdelay $0x4  }
0x1ed: {  	v9 =	vadd.f32 v10, v9;
	_ =	sdelay $0x1  }
0x1ee: {  	[tilespmem:$0x10080] =	vst v9  }
0x1ef: {  	[tilespmem:$0x10090] =	vst v9  }
0x1f0: {  	v10 =	vld [tilespmem:$0x10082];
	_ =	sdelay $0x4  }
0x1f1: {  	v9 =	vadd.f32 v10, v9;
	_ =	sdelay $0x1  }
0x1f2: {  	s15 =	simm.s32 $0x0;
	s16 =	simm.s32 $0x0;
	[tilespmem:$0x10080] =	vst v9  }
0x1f3: {  	s17 =	simm.s32 $0x0;
	s15 =	sand.u32 $0x70, s15;
	s16 =	sand.u32 $0x3FFFFE00, s16;
	[tilespmem:$0x10090] =	vst v9  }
0x1f4: {  	s17 =	sand.u32 $0x3FFFFC00, s17;
	s16 =	sor.u32 s15, s16;
	v10 =	vld [tilespmem:$0x10081]  }
0x1f5: {  	s31 =	sor.u32 s15, s17;
	v11 =	vld [tilespmem:s16+$0x80]  }
0x1f6: {  	v12 =	vimm.f32 $0.0e+00;
	s15 =	simm.s32 $0x1;
	v13 =	vld [tilespmem:s31+$0x2280];
	s16 =	simm.s32 $0x10  }
.LBB2_33:
0x1f7: {  	s17 =	sand.u32 $0x70, s16  }
0x1f8: {  	s18 =	sshll.u32 s15, $0x6;
	s19 =	sshll.u32 s15, $0x7;
	p0 =	sne.s32 s15, $0x7F  }
.Ltmp16:
0x1f9: {  	s15 =	sadd.s32 $0x1, s15;
	s18 =	sand.u32 $0x3FFFFE00, s18;
	(pc) =	sbr.rel @p0 .LBB2_33-.Ltmp16, $4  }
0x1fa: {  	s19 =	sand.u32 $0x3FFFFC00, s19;
	s18 =	sor.u32 s17, s18  }
0x1fb: {  	s17 =	sor.u32 s17, s19;
	v14 =	vmul.f32 v13, v11;
	v11 =	vld [tilespmem:s18+$0x80]  }
0x1fc: {  	v13 =	vld [tilespmem:s17+$0x2280]  }
0x1fd: {  	s16 =	sadd.s32 $0x10, s16;
	v12 =	vadd.f32 v14, v12  }
0x1fe: {  	_ =	sdelay $0x2  }
0x1ff: {  	v11 =	vmul.f32 v13, v11;
	_ =	sdelay $0x1  }
0x200: {  	v11 =	vadd.f32 v11, v12;
	_ =	sdelay $0x1  }
0x201: {  	[tilespmem:$0x10080] =	vst v11  }
0x202: {  	[tilespmem:$0x10090] =	vst v11  }
0x203: {  	v12 =	vld [tilespmem:$0x10088];
	_ =	sdelay $0x4  }
0x204: {  	v11 =	vadd.f32 v12, v11;
	_ =	sdelay $0x1  }
0x205: {  	[tilespmem:$0x10080] =	vst v11  }
0x206: {  	[tilespmem:$0x10090] =	vst v11  }
0x207: {  	v12 =	vld [tilespmem:$0x10084];
	_ =	sdelay $0x4  }
0x208: {  	v11 =	vadd.f32 v12, v11;
	_ =	sdelay $0x1  }
0x209: {  	[tilespmem:$0x10080] =	vst v11  }
0x20a: {  	[tilespmem:$0x10090] =	vst v11  }
0x20b: {  	v12 =	vld [tilespmem:$0x10082];
	_ =	sdelay $0x4  }
0x20c: {  	v11 =	vadd.f32 v12, v11;
	_ =	sdelay $0x1  }
0x20d: {  	s15 =	simm.s32 $0x0;
	s16 =	simm.s32 $0x0;
	[tilespmem:$0x10080] =	vst v11  }
0x20e: {  	s17 =	simm.s32 $0x0;
	s15 =	sand.u32 $0x70, s15;
	s16 =	sand.u32 $0x3FFFFE00, s16;
	[tilespmem:$0x10090] =	vst v11  }
0x20f: {  	s17 =	sand.u32 $0x3FFFFC00, s17;
	s16 =	sor.u32 s15, s16;
	v12 =	vld [tilespmem:$0x10081]  }
0x210: {  	s31 =	sor.u32 s15, s17;
	v13 =	vld [tilespmem:s16+$0x80]  }
0x211: {  	v14 =	vimm.f32 $0.0e+00;
	s15 =	simm.s32 $0x1;
	v15 =	vld [tilespmem:s31+$0x2300];
	s16 =	simm.s32 $0x10  }
.LBB2_35:
0x212: {  	s17 =	sand.u32 $0x70, s16  }
0x213: {  	s18 =	sshll.u32 s15, $0x6;
	s19 =	sshll.u32 s15, $0x7;
	p0 =	sne.s32 s15, $0x7F  }
.Ltmp17:
0x214: {  	s15 =	sadd.s32 $0x1, s15;
	s18 =	sand.u32 $0x3FFFFE00, s18;
	(pc) =	sbr.rel @p0 .LBB2_35-.Ltmp17, $4  }
0x215: {  	s19 =	sand.u32 $0x3FFFFC00, s19;
	s18 =	sor.u32 s17, s18  }
0x216: {  	s17 =	sor.u32 s17, s19;
	v16 =	vmul.f32 v15, v13;
	v13 =	vld [tilespmem:s18+$0x80]  }
0x217: {  	v15 =	vld [tilespmem:s17+$0x2300]  }
0x218: {  	s16 =	sadd.s32 $0x10, s16;
	v14 =	vadd.f32 v16, v14  }
0x219: {  	_ =	sdelay $0x2  }
0x21a: {  	v13 =	vmul.f32 v15, v13;
	_ =	sdelay $0x1  }
0x21b: {  	v13 =	vadd.f32 v13, v14;
	_ =	sdelay $0x1  }
0x21c: {  	[tilespmem:$0x10080] =	vst v13  }
0x21d: {  	[tilespmem:$0x10090] =	vst v13  }
0x21e: {  	v14 =	vld [tilespmem:$0x10088];
	_ =	sdelay $0x4  }
0x21f: {  	v13 =	vadd.f32 v14, v13;
	_ =	sdelay $0x1  }
0x220: {  	[tilespmem:$0x10080] =	vst v13  }
0x221: {  	[tilespmem:$0x10090] =	vst v13  }
0x222: {  	v14 =	vld [tilespmem:$0x10084];
	_ =	sdelay $0x4  }
0x223: {  	v13 =	vadd.f32 v14, v13;
	_ =	sdelay $0x1  }
0x224: {  	[tilespmem:$0x10080] =	vst v13  }
0x225: {  	[tilespmem:$0x10090] =	vst v13  }
0x226: {  	v14 =	vld [tilespmem:$0x10082];
	_ =	sdelay $0x4  }
0x227: {  	v13 =	vadd.f32 v14, v13;
	_ =	sdelay $0x1  }
0x228: {  	s15 =	simm.s32 $0x0;
	s16 =	simm.s32 $0x0;
	[tilespmem:$0x10080] =	vst v13  }
0x229: {  	s17 =	simm.s32 $0x0;
	s15 =	sand.u32 $0x70, s15;
	s16 =	sand.u32 $0x3FFFFE00, s16;
	[tilespmem:$0x10090] =	vst v13  }
0x22a: {  	s17 =	sand.u32 $0x3FFFFC00, s17;
	s16 =	sor.u32 s15, s16;
	v14 =	vld [tilespmem:$0x10081]  }
0x22b: {  	s31 =	sor.u32 s15, s17;
	v15 =	vld [tilespmem:s16+$0x80]  }
0x22c: {  	v16 =	vimm.f32 $0.0e+00;
	s15 =	simm.s32 $0x1;
	v17 =	vld [tilespmem:s31+$0x2380];
	s16 =	simm.s32 $0x10  }
.LBB2_37:
0x22d: {  	s17 =	sand.u32 $0x70, s16  }
0x22e: {  	s18 =	sshll.u32 s15, $0x6;
	s19 =	sshll.u32 s15, $0x7;
	p0 =	sne.s32 s15, $0x7F  }
.Ltmp18:
0x22f: {  	s15 =	sadd.s32 $0x1, s15;
	s18 =	sand.u32 $0x3FFFFE00, s18;
	(pc) =	sbr.rel @p0 .LBB2_37-.Ltmp18, $4  }
0x230: {  	s19 =	sand.u32 $0x3FFFFC00, s19;
	s18 =	sor.u32 s17, s18  }
0x231: {  	s17 =	sor.u32 s17, s19;
	v18 =	vmul.f32 v17, v15;
	v15 =	vld [tilespmem:s18+$0x80]  }
0x232: {  	v17 =	vld [tilespmem:s17+$0x2380]  }
0x233: {  	s16 =	sadd.s32 $0x10, s16;
	v16 =	vadd.f32 v18, v16  }
0x234: {  	_ =	sdelay $0x2  }
0x235: {  	v15 =	vmul.f32 v17, v15;
	_ =	sdelay $0x1  }
0x236: {  	v15 =	vadd.f32 v15, v16;
	_ =	sdelay $0x1  }
0x237: {  	[tilespmem:$0x10080] =	vst v15  }
0x238: {  	[tilespmem:$0x10090] =	vst v15  }
0x239: {  	v16 =	vld [tilespmem:$0x10088];
	_ =	sdelay $0x4  }
0x23a: {  	v15 =	vadd.f32 v16, v15;
	_ =	sdelay $0x1  }
0x23b: {  	[tilespmem:$0x10080] =	vst v15  }
0x23c: {  	[tilespmem:$0x10090] =	vst v15  }
0x23d: {  	v16 =	vld [tilespmem:$0x10084];
	_ =	sdelay $0x4  }
0x23e: {  	v15 =	vadd.f32 v16, v15;
	_ =	sdelay $0x1  }
0x23f: {  	[tilespmem:$0x10080] =	vst v15  }
0x240: {  	[tilespmem:$0x10090] =	vst v15  }
0x241: {  	v16 =	vld [tilespmem:$0x10082];
	_ =	sdelay $0x4  }
0x242: {  	v15 =	vadd.f32 v16, v15;
	_ =	sdelay $0x1  }
0x243: {  	s15 =	simm.s32 $0x0;
	s16 =	simm.s32 $0x0;
	[tilespmem:$0x10080] =	vst v15  }
0x244: {  	s17 =	simm.s32 $0x0;
	s15 =	sand.u32 $0x70, s15;
	s16 =	sand.u32 $0x3FFFFE00, s16;
	[tilespmem:$0x10090] =	vst v15  }
0x245: {  	s17 =	sand.u32 $0x3FFFFC00, s17;
	s16 =	sor.u32 s15, s16;
	v16 =	vld [tilespmem:$0x10081]  }
0x246: {  	s31 =	sor.u32 s15, s17;
	v17 =	vld [tilespmem:s16+$0x80]  }
0x247: {  	v18 =	vimm.f32 $0.0e+00;
	s15 =	simm.s32 $0x1;
	v19 =	vld [tilespmem:s31+$0x6000];
	s16 =	simm.s32 $0x10  }
.LBB2_39:
0x248: {  	s17 =	sand.u32 $0x70, s16  }
0x249: {  	s18 =	sshll.u32 s15, $0x6;
	s19 =	sshll.u32 s15, $0x7;
	p0 =	sne.s32 s15, $0x7F  }
.Ltmp19:
0x24a: {  	s15 =	sadd.s32 $0x1, s15;
	s18 =	sand.u32 $0x3FFFFE00, s18;
	(pc) =	sbr.rel @p0 .LBB2_39-.Ltmp19, $4  }
0x24b: {  	s19 =	sand.u32 $0x3FFFFC00, s19;
	s18 =	sor.u32 s17, s18  }
0x24c: {  	s17 =	sor.u32 s17, s19;
	v20 =	vmul.f32 v19, v17;
	v17 =	vld [tilespmem:s18+$0x80]  }
0x24d: {  	v19 =	vld [tilespmem:s17+$0x6000]  }
0x24e: {  	s16 =	sadd.s32 $0x10, s16;
	v18 =	vadd.f32 v20, v18  }
0x24f: {  	_ =	sdelay $0x2  }
0x250: {  	v17 =	vmul.f32 v19, v17;
	_ =	sdelay $0x1  }
0x251: {  	v17 =	vadd.f32 v17, v18;
	_ =	sdelay $0x1  }
0x252: {  	[tilespmem:$0x10080] =	vst v17  }
0x253: {  	[tilespmem:$0x10090] =	vst v17  }
0x254: {  	v53 =	vld [tilespmem:$0x10088];
	_ =	sdelay $0x4  }
0x255: {  	v17 =	vadd.f32 v53, v17;
	_ =	sdelay $0x1  }
0x256: {  	[tilespmem:$0x10080] =	vst v17  }
0x257: {  	[tilespmem:$0x10090] =	vst v17  }
0x258: {  	v54 =	vld [tilespmem:$0x10084];
	_ =	sdelay $0x4  }
0x259: {  	v17 =	vadd.f32 v54, v17;
	_ =	sdelay $0x1  }
0x25a: {  	[tilespmem:$0x10080] =	vst v17  }
0x25b: {  	[tilespmem:$0x10090] =	vst v17  }
0x25c: {  	v55 =	vld [tilespmem:$0x10082];
	_ =	sdelay $0x4  }
0x25d: {  	v17 =	vadd.f32 v55, v17  }
0x25e: {  	v1 =	vadd.f32 v2, v1  }
0x25f: {  	v2 =	vadd.f32 v4, v3;
	[tilespmem:$0x10080] =	vst v17  }
0x260: {  	v3 =	vadd.f32 v6, v5;
	vm1 =	vcmask $0x324;
	v1 =	vnsel vm0, $0xFF61B1E6, v1;
	[tilespmem:$0x10090] =	vst v17  }
0x261: {  	v1 =	vsel vm1, v1, v2;
	v2 =	vadd.f32 v8, v7;
	vm1 =	vcmask $0x724;
	v56 =	vld [tilespmem:$0x10081]  }
0x262: {  	v1 =	vsel vm1, v1, v3;
	v3 =	vadd.f32 v10, v9  }
0x263: {  	v1 =	vsel vm3, v1, v2;
	v2 =	vadd.f32 v12, v11  }
0x264: {  	v57 =	vld [tilespmem:$0xA000];
	v1 =	vsel vm4, v1, v3;
	v3 =	vadd.f32 v14, v13  }
0x265: {  	v1 =	vsel vm5, v1, v2;
	v2 =	vadd.f32 v16, v15  }
0x266: {  	v1 =	vsel vm6, v1, v3;
	v3 =	vadd.f32 v56, v17  }
0x267: {  	v1 =	vsel vm7, v1, v2  }
0x268: {  	v1 =	vsel vm8, v1, v3  }
0x269: {  	v1 =	vadd.f32 v1, v57;
	_ =	sdelay $0x1  }
0x26a: {  	[tilespmem:$0x10080] =	vst v1  }
0x26b: {  	[tilespmem:$0x10090] =	vst v1  }
0x26c: {  	v2 =	vld [tilespmem:$0x10088];
	_ =	sdelay $0x4  }
0x26d: {  	v2 =	vmax.f32 v1, v2  }
0x26e: {  	[tilespmem:$0x10080] =	vst v2  }
0x26f: {  	[tilespmem:$0x10090] =	vst v2  }
0x270: {  	v3 =	vld [tilespmem:$0x10084];
	_ =	sdelay $0x4  }
0x271: {  	v2 =	vmax.f32 v2, v3  }
0x272: {  	[tilespmem:$0x10080] =	vst v2  }
0x273: {  	[tilespmem:$0x10090] =	vst v2  }
0x274: {  	v3 =	vld [tilespmem:$0x10082];
	_ =	sdelay $0x4  }
0x275: {  	v2 =	vmax.f32 v2, v3  }
0x276: {  	[tilespmem:$0x10080] =	vst v2  }
0x277: {  	[tilespmem:$0x10090] =	vst v2  }
0x278: {  	v3 =	vld [tilespmem:$0x10081];
	_ =	sdelay $0x4  }
0x279: {  	v2 =	vmax.f32 v2, v3  }
0x27a: {  	vm1 =	veq.f32 v1, v2  }
0x27b: {  	v1 =	vnsel vm1, $0x10, v0  }
0x27c: {  	[tilespmem:$0x10100] =	vst v1  }
0x27d: {  	[tilespmem:$0x10110] =	vst v1  }
0x27e: {  	v2 =	vld [tilespmem:$0x10108];
	_ =	sdelay $0x4  }
0x27f: {  	vm1 =	vlt.s32 v1, v2  }
0x280: {  	v1 =	vsel vm1, v1, v2  }
0x281: {  	[tilespmem:$0x10100] =	vst v1  }
0x282: {  	[tilespmem:$0x10110] =	vst v1  }
0x283: {  	v2 =	vld [tilespmem:$0x10104];
	_ =	sdelay $0x4  }
0x284: {  	vm1 =	vlt.s32 v1, v2  }
0x285: {  	v1 =	vsel vm1, v1, v2  }
0x286: {  	[tilespmem:$0x10100] =	vst v1  }
0x287: {  	[tilespmem:$0x10110] =	vst v1  }
0x288: {  	v2 =	vld [tilespmem:$0x10102];
	_ =	sdelay $0x4  }
0x289: {  	vm1 =	vlt.s32 v1, v2  }
0x28a: {  	v1 =	vsel vm1, v1, v2  }
0x28b: {  	[tilespmem:$0x10100] =	vst v1  }
0x28c: {  	[tilespmem:$0x10110] =	vst v1  }
0x28d: {  	s15 =	simm.s32 $0x0;
	s16 =	simm.s32 $0x0;
	v2 =	vld [tilespmem:$0x10101]  }
0x28e: {  	s15 =	sand.u32 $0x70, s15;
	s16 =	sand.u32 $0x3FFFFC00, s16  }
0x28f: {  	s16 =	sor.u32 s15, s16  }
0x290: {  	v3 =	vld [tilespmem:s16+$0xA080]  }
0x291: {  	v58 =	vld [tilespmem:s16+$0xA100]  }
0x292: {  	v59 =	vld [tilespmem:s16+$0xA180];
	vm1 =	vlt.s32 v1, v2  }
0x293: {  	v2 =	vsel vm1, v1, v2;
	v1 =	vld [tilespmem:s16+$0xA200]  }
0x294: {  	v60 =	vld [tilespmem:s16+$0xA280];
	vm12 =	veq.s32 v2, $0x0  }
0x295: {  	v61 =	vld [tilespmem:s16+$0xA300];
	vm9 =	veq.s32 v2, $0x1;
	v3 =	vnsel vm12, $0x0, v3  }
0x296: {  	v62 =	vld [tilespmem:s16+$0xA380];
	vm10 =	veq.s32 v2, $0x2;
	v3 =	vsel vm9, v58, v3  }
0x297: {  	vm11 =	veq.s32 v2, $0x3;
	v3 =	vsel vm10, v59, v3  }
0x298: {  	s31 =	simm.s32 $0x0;
	vm13 =	veq.s32 v2, $0x4;
	v1 =	vsel vm11, v1, v3  }
0x299: {  	s17 =	sand.u32 $0xFFFFFE00, s31;
	vm14 =	veq.s32 v2, $0x5;
	v1 =	vsel vm13, v60, v1  }
0x29a: {  	s20 =	sor.u32 s15, s17;
	v63 =	vld [tilespmem:s16+$0xA400];
	vm15 =	veq.s32 v2, $0x6;
	v1 =	vsel vm14, v61, v1  }
0x29b: {  	v3 =	vsel vm15, v62, v1;
	v1 =	vld [tilespmem:s20+$0x80];
	_ =	sdelay $0x2  }
0x29c: {  	s21 =	simm.s32 $0x80;
	s18 =	simm.s32 $0x2;
	vm1 =	veq.s32 v2, $0x7  }
0x29d: {  	s19 =	simm.s32 $0x10;
	s17 =	simm.s32 $0x1;
	s16 =	simm.s32 $0x1;
	vm2 =	veq.s32 v2, $0x8;
	v2 =	vsel vm1, v63, v3  }
.LBB2_41:
0x29e: {  	p0 =	sne.s32 s18, $0x7F;
	s22 =	sand.u32 $0x70, s19;
	s21 =	sand.u32 $0x3FFFFC00, s21;
	v1 =	vsel vm2, v1, v2  }
0x29f: {  	s21 =	sor.u32 s22, s21;
	[tilespmem:s20+$0xE100] =	vst v1  }
0x2a0: {  	v1 =	vld [tilespmem:s21+$0xA080]  }
0x2a1: {  	v2 =	vld [tilespmem:s21+$0xA100]  }
0x2a2: {  	v3 =	vld [tilespmem:s21+$0xA180]  }
0x2a3: {  	v4 =	vld [tilespmem:s21+$0xA200]  }
0x2a4: {  	v5 =	vld [tilespmem:s21+$0xA280]  }
0x2a5: {  	s20 =	sshll.u32 s17, $0x6;
	s17 =	smov.u32 s18;
	v1 =	vnsel vm12, $0x0, v1;
	v6 =	vld [tilespmem:s21+$0xA300]  }
0x2a6: {  	s20 =	sand.u32 $0xFFFFFE00, s20;
	v1 =	vsel vm9, v2, v1;
	v2 =	vld [tilespmem:s21+$0xA380]  }
0x2a7: {  	s20 =	sor.u32 s22, s20;
	v3 =	vsel vm10, v3, v1;
	v7 =	vld [tilespmem:s21+$0xA400]  }
.Ltmp20:
0x2a8: {  	v1 =	vld [tilespmem:s20+$0x80];
	v3 =	vsel vm11, v4, v3;
	(pc) =	sbr.rel @p0 .LBB2_41-.Ltmp20, $4  }
0x2a9: {  	v3 =	vsel vm13, v5, v3  }
0x2aa: {  	v3 =	vsel vm14, v6, v3  }
0x2ab: {  	v2 =	vsel vm15, v2, v3  }
0x2ac: {  	s19 =	sadd.s32 $0x10, s19;
	s18 =	sadd.s32 $0x1, s18;
	s21 =	sshll.u32 s17, $0x7;
	v2 =	vsel vm1, v7, v2  }
0x2ad: {  	s18 =	sand.u32 $0x70, s19;
	s25 =	sand.u32 $0x3FFFFC00, s21;
	v1 =	vsel vm2, v1, v2  }
0x2ae: {  	s19 =	sor.u32 s18, s25;
	[tilespmem:s20+$0xE100] =	vst v1  }
0x2af: {  	v1 =	vld [tilespmem:s19+$0xA080]  }
0x2b0: {  	v2 =	vld [tilespmem:s19+$0xA100]  }
0x2b1: {  	v3 =	vld [tilespmem:s19+$0xA180]  }
0x2b2: {  	v4 =	vld [tilespmem:s19+$0xA200]  }
0x2b3: {  	v5 =	vld [tilespmem:s19+$0xA280]  }
0x2b4: {  	s17 =	sshll.u32 s17, $0x6;
	v6 =	vld [tilespmem:s19+$0xA300];
	v1 =	vnsel vm12, $0x0, v1  }
0x2b5: {  	s17 =	sand.u32 $0xFFFFFE00, s17;
	v1 =	vsel vm9, v2, v1;
	v2 =	vld [tilespmem:s19+$0xA380]  }
0x2b6: {  	s17 =	sor.u32 s18, s17;
	v1 =	vsel vm10, v3, v1;
	v3 =	vld [tilespmem:s19+$0xA400]  }
0x2b7: {  	v7 =	vld [tilespmem:s17+$0x80];
	v1 =	vsel vm11, v4, v1  }
0x2b8: {  	v1 =	vsel vm13, v5, v1  }
0x2b9: {  	v1 =	vsel vm14, v6, v1  }
0x2ba: {  	v1 =	vsel vm15, v2, v1  }
0x2bb: {  	s26 =	simm.s32 $0x0;
	v1 =	vsel vm1, v3, v1  }
0x2bc: {  	s28 =	simm.s32 $0x0;
	s18 =	sand.u32 $0x3FFFFE00, s26;
	v1 =	vsel vm2, v7, v1  }
0x2bd: {  	s30 =	sand.u32 $0x3FFFFC00, s28;
	s29 =	sor.u32 s15, s18;
	[tilespmem:s17+$0xE100] =	vst v1  }
0x2be: {  	s31 =	sor.u32 s15, s30;
	v1 =	vld [tilespmem:s29+$0x100]  }
0x2bf: {  	s15 =	simm.s32 $0x10;
	v2 =	vimm.f32 $0.0e+00;
	v3 =	vld [tilespmem:s31+$0x2000]  }
.LBB2_43:
0x2c0: {  	s17 =	sand.u32 $0x70, s15  }
0x2c1: {  	s18 =	sshll.u32 s16, $0x6;
	s19 =	sshll.u32 s16, $0x7;
	p0 =	sne.s32 s16, $0x7F  }
.Ltmp21:
0x2c2: {  	s16 =	sadd.s32 $0x1, s16;
	s18 =	sand.u32 $0x3FFFFE00, s18;
	(pc) =	sbr.rel @p0 .LBB2_43-.Ltmp21, $4  }
0x2c3: {  	s19 =	sand.u32 $0x3FFFFC00, s19;
	s18 =	sor.u32 s17, s18  }
0x2c4: {  	s17 =	sor.u32 s17, s19;
	v4 =	vmul.f32 v3, v1;
	v1 =	vld [tilespmem:s18+$0x100]  }
0x2c5: {  	v3 =	vld [tilespmem:s17+$0x2000]  }
0x2c6: {  	s15 =	sadd.s32 $0x10, s15;
	v2 =	vadd.f32 v4, v2  }
0x2c7: {  	_ =	sdelay $0x2  }
0x2c8: {  	v1 =	vmul.f32 v3, v1;
	_ =	sdelay $0x1  }
0x2c9: {  	v1 =	vadd.f32 v1, v2;
	_ =	sdelay $0x1  }
0x2ca: {  	[tilespmem:$0x10080] =	vst v1  }
0x2cb: {  	[tilespmem:$0x10090] =	vst v1  }
0x2cc: {  	v2 =	vld [tilespmem:$0x10088];
	_ =	sdelay $0x4  }
0x2cd: {  	v1 =	vadd.f32 v2, v1;
	_ =	sdelay $0x1  }
0x2ce: {  	[tilespmem:$0x10080] =	vst v1  }
0x2cf: {  	[tilespmem:$0x10090] =	vst v1  }
0x2d0: {  	v2 =	vld [tilespmem:$0x10084];
	_ =	sdelay $0x4  }
0x2d1: {  	v1 =	vadd.f32 v2, v1;
	_ =	sdelay $0x1  }
0x2d2: {  	[tilespmem:$0x10080] =	vst v1  }
0x2d3: {  	[tilespmem:$0x10090] =	vst v1  }
0x2d4: {  	v2 =	vld [tilespmem:$0x10082];
	_ =	sdelay $0x4  }
0x2d5: {  	v1 =	vadd.f32 v2, v1;
	_ =	sdelay $0x1  }
0x2d6: {  	s15 =	simm.s32 $0x0;
	s16 =	simm.s32 $0x0;
	[tilespmem:$0x10080] =	vst v1  }
0x2d7: {  	s17 =	simm.s32 $0x0;
	s15 =	sand.u32 $0x70, s15;
	s16 =	sand.u32 $0x3FFFFE00, s16;
	[tilespmem:$0x10090] =	vst v1  }
0x2d8: {  	s17 =	sand.u32 $0x3FFFFC00, s17;
	s16 =	sor.u32 s15, s16;
	v2 =	vld [tilespmem:$0x10081]  }
0x2d9: {  	s31 =	sor.u32 s15, s17;
	v3 =	vld [tilespmem:s16+$0x100]  }
0x2da: {  	v4 =	vimm.f32 $0.0e+00;
	s15 =	simm.s32 $0x1;
	v5 =	vld [tilespmem:s31+$0x2080];
	s16 =	simm.s32 $0x10  }
.LBB2_45:
0x2db: {  	s17 =	sand.u32 $0x70, s16  }
0x2dc: {  	s18 =	sshll.u32 s15, $0x6;
	s19 =	sshll.u32 s15, $0x7;
	p0 =	sne.s32 s15, $0x7F  }
.Ltmp22:
0x2dd: {  	s15 =	sadd.s32 $0x1, s15;
	s18 =	sand.u32 $0x3FFFFE00, s18;
	(pc) =	sbr.rel @p0 .LBB2_45-.Ltmp22, $4  }
0x2de: {  	s19 =	sand.u32 $0x3FFFFC00, s19;
	s18 =	sor.u32 s17, s18  }
0x2df: {  	s17 =	sor.u32 s17, s19;
	v6 =	vmul.f32 v5, v3;
	v3 =	vld [tilespmem:s18+$0x100]  }
0x2e0: {  	v5 =	vld [tilespmem:s17+$0x2080]  }
0x2e1: {  	s16 =	sadd.s32 $0x10, s16;
	v4 =	vadd.f32 v6, v4  }
0x2e2: {  	_ =	sdelay $0x2  }
0x2e3: {  	v3 =	vmul.f32 v5, v3;
	_ =	sdelay $0x1  }
0x2e4: {  	v3 =	vadd.f32 v3, v4;
	_ =	sdelay $0x1  }
0x2e5: {  	[tilespmem:$0x10080] =	vst v3  }
0x2e6: {  	[tilespmem:$0x10090] =	vst v3  }
0x2e7: {  	v4 =	vld [tilespmem:$0x10088];
	_ =	sdelay $0x4  }
0x2e8: {  	v3 =	vadd.f32 v4, v3;
	_ =	sdelay $0x1  }
0x2e9: {  	[tilespmem:$0x10080] =	vst v3  }
0x2ea: {  	[tilespmem:$0x10090] =	vst v3  }
0x2eb: {  	v4 =	vld [tilespmem:$0x10084];
	_ =	sdelay $0x4  }
0x2ec: {  	v3 =	vadd.f32 v4, v3;
	_ =	sdelay $0x1  }
0x2ed: {  	[tilespmem:$0x10080] =	vst v3  }
0x2ee: {  	[tilespmem:$0x10090] =	vst v3  }
0x2ef: {  	v4 =	vld [tilespmem:$0x10082];
	_ =	sdelay $0x4  }
0x2f0: {  	v3 =	vadd.f32 v4, v3;
	_ =	sdelay $0x1  }
0x2f1: {  	s15 =	simm.s32 $0x0;
	s16 =	simm.s32 $0x0;
	[tilespmem:$0x10080] =	vst v3  }
0x2f2: {  	s17 =	simm.s32 $0x0;
	s15 =	sand.u32 $0x70, s15;
	s16 =	sand.u32 $0x3FFFFE00, s16;
	[tilespmem:$0x10090] =	vst v3  }
0x2f3: {  	s17 =	sand.u32 $0x3FFFFC00, s17;
	s16 =	sor.u32 s15, s16;
	v4 =	vld [tilespmem:$0x10081]  }
0x2f4: {  	s31 =	sor.u32 s15, s17;
	v5 =	vld [tilespmem:s16+$0x100]  }
0x2f5: {  	v6 =	vimm.f32 $0.0e+00;
	s15 =	simm.s32 $0x1;
	v7 =	vld [tilespmem:s31+$0x2100];
	s16 =	simm.s32 $0x10  }
.LBB2_47:
0x2f6: {  	s17 =	sand.u32 $0x70, s16  }
0x2f7: {  	s18 =	sshll.u32 s15, $0x6;
	s19 =	sshll.u32 s15, $0x7;
	p0 =	sne.s32 s15, $0x7F  }
.Ltmp23:
0x2f8: {  	s15 =	sadd.s32 $0x1, s15;
	s18 =	sand.u32 $0x3FFFFE00, s18;
	(pc) =	sbr.rel @p0 .LBB2_47-.Ltmp23, $4  }
0x2f9: {  	s19 =	sand.u32 $0x3FFFFC00, s19;
	s18 =	sor.u32 s17, s18  }
0x2fa: {  	s17 =	sor.u32 s17, s19;
	v8 =	vmul.f32 v7, v5;
	v5 =	vld [tilespmem:s18+$0x100]  }
0x2fb: {  	v7 =	vld [tilespmem:s17+$0x2100]  }
0x2fc: {  	s16 =	sadd.s32 $0x10, s16;
	v6 =	vadd.f32 v8, v6  }
0x2fd: {  	_ =	sdelay $0x2  }
0x2fe: {  	v5 =	vmul.f32 v7, v5;
	_ =	sdelay $0x1  }
0x2ff: {  	v5 =	vadd.f32 v5, v6;
	_ =	sdelay $0x1  }
0x300: {  	[tilespmem:$0x10080] =	vst v5  }
0x301: {  	[tilespmem:$0x10090] =	vst v5  }
0x302: {  	v6 =	vld [tilespmem:$0x10088];
	_ =	sdelay $0x4  }
0x303: {  	v5 =	vadd.f32 v6, v5;
	_ =	sdelay $0x1  }
0x304: {  	[tilespmem:$0x10080] =	vst v5  }
0x305: {  	[tilespmem:$0x10090] =	vst v5  }
0x306: {  	v6 =	vld [tilespmem:$0x10084];
	_ =	sdelay $0x4  }
0x307: {  	v5 =	vadd.f32 v6, v5;
	_ =	sdelay $0x1  }
0x308: {  	[tilespmem:$0x10080] =	vst v5  }
0x309: {  	[tilespmem:$0x10090] =	vst v5  }
0x30a: {  	v6 =	vld [tilespmem:$0x10082];
	_ =	sdelay $0x4  }
0x30b: {  	v5 =	vadd.f32 v6, v5;
	_ =	sdelay $0x1  }
0x30c: {  	s15 =	simm.s32 $0x0;
	s16 =	simm.s32 $0x0;
	[tilespmem:$0x10080] =	vst v5  }
0x30d: {  	s17 =	simm.s32 $0x0;
	s15 =	sand.u32 $0x70, s15;
	s16 =	sand.u32 $0x3FFFFE00, s16;
	[tilespmem:$0x10090] =	vst v5  }
0x30e: {  	s17 =	sand.u32 $0x3FFFFC00, s17;
	s16 =	sor.u32 s15, s16;
	v6 =	vld [tilespmem:$0x10081]  }
0x30f: {  	s31 =	sor.u32 s15, s17;
	v7 =	vld [tilespmem:s16+$0x100]  }
0x310: {  	v8 =	vimm.f32 $0.0e+00;
	s15 =	simm.s32 $0x1;
	v9 =	vld [tilespmem:s31+$0x2180];
	s16 =	simm.s32 $0x10  }
.LBB2_49:
0x311: {  	s17 =	sand.u32 $0x70, s16  }
0x312: {  	s18 =	sshll.u32 s15, $0x6;
	s19 =	sshll.u32 s15, $0x7;
	p0 =	sne.s32 s15, $0x7F  }
.Ltmp24:
0x313: {  	s15 =	sadd.s32 $0x1, s15;
	s18 =	sand.u32 $0x3FFFFE00, s18;
	(pc) =	sbr.rel @p0 .LBB2_49-.Ltmp24, $4  }
0x314: {  	s19 =	sand.u32 $0x3FFFFC00, s19;
	s18 =	sor.u32 s17, s18  }
0x315: {  	s17 =	sor.u32 s17, s19;
	v10 =	vmul.f32 v9, v7;
	v7 =	vld [tilespmem:s18+$0x100]  }
0x316: {  	v9 =	vld [tilespmem:s17+$0x2180]  }
0x317: {  	s16 =	sadd.s32 $0x10, s16;
	v8 =	vadd.f32 v10, v8  }
0x318: {  	_ =	sdelay $0x2  }
0x319: {  	v7 =	vmul.f32 v9, v7;
	_ =	sdelay $0x1  }
0x31a: {  	v7 =	vadd.f32 v7, v8;
	_ =	sdelay $0x1  }
0x31b: {  	[tilespmem:$0x10080] =	vst v7  }
0x31c: {  	[tilespmem:$0x10090] =	vst v7  }
0x31d: {  	v8 =	vld [tilespmem:$0x10088];
	_ =	sdelay $0x4  }
0x31e: {  	v7 =	vadd.f32 v8, v7;
	_ =	sdelay $0x1  }
0x31f: {  	[tilespmem:$0x10080] =	vst v7  }
0x320: {  	[tilespmem:$0x10090] =	vst v7  }
0x321: {  	v8 =	vld [tilespmem:$0x10084];
	_ =	sdelay $0x4  }
0x322: {  	v7 =	vadd.f32 v8, v7;
	_ =	sdelay $0x1  }
0x323: {  	[tilespmem:$0x10080] =	vst v7  }
0x324: {  	[tilespmem:$0x10090] =	vst v7  }
0x325: {  	v8 =	vld [tilespmem:$0x10082];
	_ =	sdelay $0x4  }
0x326: {  	v7 =	vadd.f32 v8, v7;
	_ =	sdelay $0x1  }
0x327: {  	s15 =	simm.s32 $0x0;
	s16 =	simm.s32 $0x0;
	[tilespmem:$0x10080] =	vst v7  }
0x328: {  	s17 =	simm.s32 $0x0;
	s15 =	sand.u32 $0x70, s15;
	s16 =	sand.u32 $0x3FFFFE00, s16;
	[tilespmem:$0x10090] =	vst v7  }
0x329: {  	s17 =	sand.u32 $0x3FFFFC00, s17;
	s16 =	sor.u32 s15, s16;
	v8 =	vld [tilespmem:$0x10081]  }
0x32a: {  	s31 =	sor.u32 s15, s17;
	v9 =	vld [tilespmem:s16+$0x100]  }
0x32b: {  	v10 =	vimm.f32 $0.0e+00;
	s15 =	simm.s32 $0x1;
	v11 =	vld [tilespmem:s31+$0x2200];
	s16 =	simm.s32 $0x10  }
.LBB2_51:
0x32c: {  	s17 =	sand.u32 $0x70, s16  }
0x32d: {  	s18 =	sshll.u32 s15, $0x6;
	s19 =	sshll.u32 s15, $0x7;
	p0 =	sne.s32 s15, $0x7F  }
.Ltmp25:
0x32e: {  	s15 =	sadd.s32 $0x1, s15;
	s18 =	sand.u32 $0x3FFFFE00, s18;
	(pc) =	sbr.rel @p0 .LBB2_51-.Ltmp25, $4  }
0x32f: {  	s19 =	sand.u32 $0x3FFFFC00, s19;
	s18 =	sor.u32 s17, s18  }
0x330: {  	s17 =	sor.u32 s17, s19;
	v12 =	vmul.f32 v11, v9;
	v9 =	vld [tilespmem:s18+$0x100]  }
0x331: {  	v11 =	vld [tilespmem:s17+$0x2200]  }
0x332: {  	s16 =	sadd.s32 $0x10, s16;
	v10 =	vadd.f32 v12, v10  }
0x333: {  	_ =	sdelay $0x2  }
0x334: {  	v9 =	vmul.f32 v11, v9;
	_ =	sdelay $0x1  }
0x335: {  	v9 =	vadd.f32 v9, v10;
	_ =	sdelay $0x1  }
0x336: {  	[tilespmem:$0x10080] =	vst v9  }
0x337: {  	[tilespmem:$0x10090] =	vst v9  }
0x338: {  	v10 =	vld [tilespmem:$0x10088];
	_ =	sdelay $0x4  }
0x339: {  	v9 =	vadd.f32 v10, v9;
	_ =	sdelay $0x1  }
0x33a: {  	[tilespmem:$0x10080] =	vst v9  }
0x33b: {  	[tilespmem:$0x10090] =	vst v9  }
0x33c: {  	v10 =	vld [tilespmem:$0x10084];
	_ =	sdelay $0x4  }
0x33d: {  	v9 =	vadd.f32 v10, v9;
	_ =	sdelay $0x1  }
0x33e: {  	[tilespmem:$0x10080] =	vst v9  }
0x33f: {  	[tilespmem:$0x10090] =	vst v9  }
0x340: {  	v10 =	vld [tilespmem:$0x10082];
	_ =	sdelay $0x4  }
0x341: {  	v9 =	vadd.f32 v10, v9;
	_ =	sdelay $0x1  }
0x342: {  	s15 =	simm.s32 $0x0;
	s16 =	simm.s32 $0x0;
	[tilespmem:$0x10080] =	vst v9  }
0x343: {  	s17 =	simm.s32 $0x0;
	s15 =	sand.u32 $0x70, s15;
	s16 =	sand.u32 $0x3FFFFE00, s16;
	[tilespmem:$0x10090] =	vst v9  }
0x344: {  	s17 =	sand.u32 $0x3FFFFC00, s17;
	s16 =	sor.u32 s15, s16;
	v10 =	vld [tilespmem:$0x10081]  }
0x345: {  	s31 =	sor.u32 s15, s17;
	v11 =	vld [tilespmem:s16+$0x100]  }
0x346: {  	v12 =	vimm.f32 $0.0e+00;
	s15 =	simm.s32 $0x1;
	v13 =	vld [tilespmem:s31+$0x2280];
	s16 =	simm.s32 $0x10  }
.LBB2_53:
0x347: {  	s17 =	sand.u32 $0x70, s16  }
0x348: {  	s18 =	sshll.u32 s15, $0x6;
	s19 =	sshll.u32 s15, $0x7;
	p0 =	sne.s32 s15, $0x7F  }
.Ltmp26:
0x349: {  	s15 =	sadd.s32 $0x1, s15;
	s18 =	sand.u32 $0x3FFFFE00, s18;
	(pc) =	sbr.rel @p0 .LBB2_53-.Ltmp26, $4  }
0x34a: {  	s19 =	sand.u32 $0x3FFFFC00, s19;
	s18 =	sor.u32 s17, s18  }
0x34b: {  	s17 =	sor.u32 s17, s19;
	v14 =	vmul.f32 v13, v11;
	v11 =	vld [tilespmem:s18+$0x100]  }
0x34c: {  	v13 =	vld [tilespmem:s17+$0x2280]  }
0x34d: {  	s16 =	sadd.s32 $0x10, s16;
	v12 =	vadd.f32 v14, v12  }
0x34e: {  	_ =	sdelay $0x2  }
0x34f: {  	v11 =	vmul.f32 v13, v11;
	_ =	sdelay $0x1  }
0x350: {  	v11 =	vadd.f32 v11, v12;
	_ =	sdelay $0x1  }
0x351: {  	[tilespmem:$0x10080] =	vst v11  }
0x352: {  	[tilespmem:$0x10090] =	vst v11  }
0x353: {  	v12 =	vld [tilespmem:$0x10088];
	_ =	sdelay $0x4  }
0x354: {  	v11 =	vadd.f32 v12, v11;
	_ =	sdelay $0x1  }
0x355: {  	[tilespmem:$0x10080] =	vst v11  }
0x356: {  	[tilespmem:$0x10090] =	vst v11  }
0x357: {  	v12 =	vld [tilespmem:$0x10084];
	_ =	sdelay $0x4  }
0x358: {  	v11 =	vadd.f32 v12, v11;
	_ =	sdelay $0x1  }
0x359: {  	[tilespmem:$0x10080] =	vst v11  }
0x35a: {  	[tilespmem:$0x10090] =	vst v11  }
0x35b: {  	v12 =	vld [tilespmem:$0x10082];
	_ =	sdelay $0x4  }
0x35c: {  	v11 =	vadd.f32 v12, v11;
	_ =	sdelay $0x1  }
0x35d: {  	s15 =	simm.s32 $0x0;
	s16 =	simm.s32 $0x0;
	[tilespmem:$0x10080] =	vst v11  }
0x35e: {  	s17 =	simm.s32 $0x0;
	s15 =	sand.u32 $0x70, s15;
	s16 =	sand.u32 $0x3FFFFE00, s16;
	[tilespmem:$0x10090] =	vst v11  }
0x35f: {  	s17 =	sand.u32 $0x3FFFFC00, s17;
	s16 =	sor.u32 s15, s16;
	v12 =	vld [tilespmem:$0x10081]  }
0x360: {  	s31 =	sor.u32 s15, s17;
	v13 =	vld [tilespmem:s16+$0x100]  }
0x361: {  	v14 =	vimm.f32 $0.0e+00;
	s15 =	simm.s32 $0x1;
	v15 =	vld [tilespmem:s31+$0x2300];
	s16 =	simm.s32 $0x10  }
.LBB2_55:
0x362: {  	s17 =	sand.u32 $0x70, s16  }
0x363: {  	s18 =	sshll.u32 s15, $0x6;
	s19 =	sshll.u32 s15, $0x7;
	p0 =	sne.s32 s15, $0x7F  }
.Ltmp27:
0x364: {  	s15 =	sadd.s32 $0x1, s15;
	s18 =	sand.u32 $0x3FFFFE00, s18;
	(pc) =	sbr.rel @p0 .LBB2_55-.Ltmp27, $4  }
0x365: {  	s19 =	sand.u32 $0x3FFFFC00, s19;
	s18 =	sor.u32 s17, s18  }
0x366: {  	s17 =	sor.u32 s17, s19;
	v16 =	vmul.f32 v15, v13;
	v13 =	vld [tilespmem:s18+$0x100]  }
0x367: {  	v15 =	vld [tilespmem:s17+$0x2300]  }
0x368: {  	s16 =	sadd.s32 $0x10, s16;
	v14 =	vadd.f32 v16, v14  }
0x369: {  	_ =	sdelay $0x2  }
0x36a: {  	v13 =	vmul.f32 v15, v13;
	_ =	sdelay $0x1  }
0x36b: {  	v13 =	vadd.f32 v13, v14;
	_ =	sdelay $0x1  }
0x36c: {  	[tilespmem:$0x10080] =	vst v13  }
0x36d: {  	[tilespmem:$0x10090] =	vst v13  }
0x36e: {  	v14 =	vld [tilespmem:$0x10088];
	_ =	sdelay $0x4  }
0x36f: {  	v13 =	vadd.f32 v14, v13;
	_ =	sdelay $0x1  }
0x370: {  	[tilespmem:$0x10080] =	vst v13  }
0x371: {  	[tilespmem:$0x10090] =	vst v13  }
0x372: {  	v14 =	vld [tilespmem:$0x10084];
	_ =	sdelay $0x4  }
0x373: {  	v13 =	vadd.f32 v14, v13;
	_ =	sdelay $0x1  }
0x374: {  	[tilespmem:$0x10080] =	vst v13  }
0x375: {  	[tilespmem:$0x10090] =	vst v13  }
0x376: {  	v14 =	vld [tilespmem:$0x10082];
	_ =	sdelay $0x4  }
0x377: {  	v13 =	vadd.f32 v14, v13;
	_ =	sdelay $0x1  }
0x378: {  	s15 =	simm.s32 $0x0;
	s16 =	simm.s32 $0x0;
	[tilespmem:$0x10080] =	vst v13  }
0x379: {  	s17 =	simm.s32 $0x0;
	s15 =	sand.u32 $0x70, s15;
	s16 =	sand.u32 $0x3FFFFE00, s16;
	[tilespmem:$0x10090] =	vst v13  }
0x37a: {  	s17 =	sand.u32 $0x3FFFFC00, s17;
	s16 =	sor.u32 s15, s16;
	v14 =	vld [tilespmem:$0x10081]  }
0x37b: {  	s31 =	sor.u32 s15, s17;
	v15 =	vld [tilespmem:s16+$0x100]  }
0x37c: {  	v16 =	vimm.f32 $0.0e+00;
	s15 =	simm.s32 $0x1;
	v17 =	vld [tilespmem:s31+$0x2380];
	s16 =	simm.s32 $0x10  }
.LBB2_57:
0x37d: {  	s17 =	sand.u32 $0x70, s16  }
0x37e: {  	s18 =	sshll.u32 s15, $0x6;
	s19 =	sshll.u32 s15, $0x7;
	p0 =	sne.s32 s15, $0x7F  }
.Ltmp28:
0x37f: {  	s15 =	sadd.s32 $0x1, s15;
	s18 =	sand.u32 $0x3FFFFE00, s18;
	(pc) =	sbr.rel @p0 .LBB2_57-.Ltmp28, $4  }
0x380: {  	s19 =	sand.u32 $0x3FFFFC00, s19;
	s18 =	sor.u32 s17, s18  }
0x381: {  	s17 =	sor.u32 s17, s19;
	v18 =	vmul.f32 v17, v15;
	v15 =	vld [tilespmem:s18+$0x100]  }
0x382: {  	v17 =	vld [tilespmem:s17+$0x2380]  }
0x383: {  	s16 =	sadd.s32 $0x10, s16;
	v16 =	vadd.f32 v18, v16  }
0x384: {  	_ =	sdelay $0x2  }
0x385: {  	v15 =	vmul.f32 v17, v15;
	_ =	sdelay $0x1  }
0x386: {  	v15 =	vadd.f32 v15, v16;
	_ =	sdelay $0x1  }
0x387: {  	[tilespmem:$0x10080] =	vst v15  }
0x388: {  	[tilespmem:$0x10090] =	vst v15  }
0x389: {  	v16 =	vld [tilespmem:$0x10088];
	_ =	sdelay $0x4  }
0x38a: {  	v15 =	vadd.f32 v16, v15;
	_ =	sdelay $0x1  }
0x38b: {  	[tilespmem:$0x10080] =	vst v15  }
0x38c: {  	[tilespmem:$0x10090] =	vst v15  }
0x38d: {  	v16 =	vld [tilespmem:$0x10084];
	_ =	sdelay $0x4  }
0x38e: {  	v15 =	vadd.f32 v16, v15;
	_ =	sdelay $0x1  }
0x38f: {  	[tilespmem:$0x10080] =	vst v15  }
0x390: {  	[tilespmem:$0x10090] =	vst v15  }
0x391: {  	v16 =	vld [tilespmem:$0x10082];
	_ =	sdelay $0x4  }
0x392: {  	v15 =	vadd.f32 v16, v15;
	_ =	sdelay $0x1  }
0x393: {  	s15 =	simm.s32 $0x0;
	s16 =	simm.s32 $0x0;
	[tilespmem:$0x10080] =	vst v15  }
0x394: {  	s17 =	simm.s32 $0x0;
	s15 =	sand.u32 $0x70, s15;
	s16 =	sand.u32 $0x3FFFFE00, s16;
	[tilespmem:$0x10090] =	vst v15  }
0x395: {  	s17 =	sand.u32 $0x3FFFFC00, s17;
	s16 =	sor.u32 s15, s16;
	v16 =	vld [tilespmem:$0x10081]  }
0x396: {  	s31 =	sor.u32 s15, s17;
	v17 =	vld [tilespmem:s16+$0x100]  }
0x397: {  	v18 =	vimm.f32 $0.0e+00;
	s15 =	simm.s32 $0x1;
	v19 =	vld [tilespmem:s31+$0x6000];
	s16 =	simm.s32 $0x10  }
.LBB2_59:
0x398: {  	s17 =	sand.u32 $0x70, s16  }
0x399: {  	s18 =	sshll.u32 s15, $0x6;
	s19 =	sshll.u32 s15, $0x7;
	p0 =	sne.s32 s15, $0x7F  }
.Ltmp29:
0x39a: {  	s15 =	sadd.s32 $0x1, s15;
	s18 =	sand.u32 $0x3FFFFE00, s18;
	(pc) =	sbr.rel @p0 .LBB2_59-.Ltmp29, $4  }
0x39b: {  	s19 =	sand.u32 $0x3FFFFC00, s19;
	s18 =	sor.u32 s17, s18  }
0x39c: {  	s17 =	sor.u32 s17, s19;
	v20 =	vmul.f32 v19, v17;
	v17 =	vld [tilespmem:s18+$0x100]  }
0x39d: {  	v19 =	vld [tilespmem:s17+$0x6000]  }
0x39e: {  	s16 =	sadd.s32 $0x10, s16;
	v18 =	vadd.f32 v20, v18  }
0x39f: {  	_ =	sdelay $0x2  }
0x3a0: {  	v17 =	vmul.f32 v19, v17;
	_ =	sdelay $0x1  }
0x3a1: {  	v17 =	vadd.f32 v17, v18;
	_ =	sdelay $0x1  }
0x3a2: {  	[tilespmem:$0x10080] =	vst v17  }
0x3a3: {  	[tilespmem:$0x10090] =	vst v17  }
0x3a4: {  	v53 =	vld [tilespmem:$0x10088];
	_ =	sdelay $0x4  }
0x3a5: {  	v17 =	vadd.f32 v53, v17;
	_ =	sdelay $0x1  }
0x3a6: {  	[tilespmem:$0x10080] =	vst v17  }
0x3a7: {  	[tilespmem:$0x10090] =	vst v17  }
0x3a8: {  	v54 =	vld [tilespmem:$0x10084];
	_ =	sdelay $0x4  }
0x3a9: {  	v17 =	vadd.f32 v54, v17;
	_ =	sdelay $0x1  }
0x3aa: {  	[tilespmem:$0x10080] =	vst v17  }
0x3ab: {  	[tilespmem:$0x10090] =	vst v17  }
0x3ac: {  	v55 =	vld [tilespmem:$0x10082];
	_ =	sdelay $0x4  }
0x3ad: {  	v17 =	vadd.f32 v55, v17  }
0x3ae: {  	v1 =	vadd.f32 v2, v1  }
0x3af: {  	v2 =	vadd.f32 v4, v3;
	[tilespmem:$0x10080] =	vst v17  }
0x3b0: {  	v3 =	vadd.f32 v6, v5;
	vm1 =	vcmask $0x324;
	v1 =	vnsel vm0, $0xFF61B1E6, v1;
	[tilespmem:$0x10090] =	vst v17  }
0x3b1: {  	v1 =	vsel vm1, v1, v2;
	v2 =	vadd.f32 v8, v7;
	vm1 =	vcmask $0x724;
	v56 =	vld [tilespmem:$0x10081]  }
0x3b2: {  	v1 =	vsel vm1, v1, v3;
	v3 =	vadd.f32 v10, v9  }
0x3b3: {  	v1 =	vsel vm3, v1, v2;
	v2 =	vadd.f32 v12, v11  }
0x3b4: {  	v57 =	vld [tilespmem:$0xA000];
	v1 =	vsel vm4, v1, v3;
	v3 =	vadd.f32 v14, v13  }
0x3b5: {  	v1 =	vsel vm5, v1, v2;
	v2 =	vadd.f32 v16, v15  }
0x3b6: {  	v1 =	vsel vm6, v1, v3;
	v3 =	vadd.f32 v56, v17  }
0x3b7: {  	v1 =	vsel vm7, v1, v2  }
0x3b8: {  	v1 =	vsel vm8, v1, v3  }
0x3b9: {  	v1 =	vadd.f32 v1, v57;
	_ =	sdelay $0x1  }
0x3ba: {  	[tilespmem:$0x10080] =	vst v1  }
0x3bb: {  	[tilespmem:$0x10090] =	vst v1  }
0x3bc: {  	v2 =	vld [tilespmem:$0x10088];
	_ =	sdelay $0x4  }
0x3bd: {  	v2 =	vmax.f32 v1, v2  }
0x3be: {  	[tilespmem:$0x10080] =	vst v2  }
0x3bf: {  	[tilespmem:$0x10090] =	vst v2  }
0x3c0: {  	v3 =	vld [tilespmem:$0x10084];
	_ =	sdelay $0x4  }
0x3c1: {  	v2 =	vmax.f32 v2, v3  }
0x3c2: {  	[tilespmem:$0x10080] =	vst v2  }
0x3c3: {  	[tilespmem:$0x10090] =	vst v2  }
0x3c4: {  	v3 =	vld [tilespmem:$0x10082];
	_ =	sdelay $0x4  }
0x3c5: {  	v2 =	vmax.f32 v2, v3  }
0x3c6: {  	[tilespmem:$0x10080] =	vst v2  }
0x3c7: {  	[tilespmem:$0x10090] =	vst v2  }
0x3c8: {  	v3 =	vld [tilespmem:$0x10081];
	_ =	sdelay $0x4  }
0x3c9: {  	v2 =	vmax.f32 v2, v3  }
0x3ca: {  	vm1 =	veq.f32 v1, v2  }
0x3cb: {  	v1 =	vnsel vm1, $0x10, v0  }
0x3cc: {  	[tilespmem:$0x10100] =	vst v1  }
0x3cd: {  	[tilespmem:$0x10110] =	vst v1  }
0x3ce: {  	v2 =	vld [tilespmem:$0x10108];
	_ =	sdelay $0x4  }
0x3cf: {  	vm1 =	vlt.s32 v1, v2  }
0x3d0: {  	v1 =	vsel vm1, v1, v2  }
0x3d1: {  	[tilespmem:$0x10100] =	vst v1  }
0x3d2: {  	[tilespmem:$0x10110] =	vst v1  }
0x3d3: {  	v2 =	vld [tilespmem:$0x10104];
	_ =	sdelay $0x4  }
0x3d4: {  	vm1 =	vlt.s32 v1, v2  }
0x3d5: {  	v1 =	vsel vm1, v1, v2  }
0x3d6: {  	[tilespmem:$0x10100] =	vst v1  }
0x3d7: {  	[tilespmem:$0x10110] =	vst v1  }
0x3d8: {  	v2 =	vld [tilespmem:$0x10102];
	_ =	sdelay $0x4  }
0x3d9: {  	vm1 =	vlt.s32 v1, v2  }
0x3da: {  	v1 =	vsel vm1, v1, v2  }
0x3db: {  	[tilespmem:$0x10100] =	vst v1  }
0x3dc: {  	[tilespmem:$0x10110] =	vst v1  }
0x3dd: {  	s15 =	simm.s32 $0x0;
	s16 =	simm.s32 $0x0;
	v2 =	vld [tilespmem:$0x10101]  }
0x3de: {  	s15 =	sand.u32 $0x70, s15;
	s16 =	sand.u32 $0x3FFFFC00, s16  }
0x3df: {  	s16 =	sor.u32 s15, s16  }
0x3e0: {  	v3 =	vld [tilespmem:s16+$0xA080]  }
0x3e1: {  	v58 =	vld [tilespmem:s16+$0xA100]  }
0x3e2: {  	v59 =	vld [tilespmem:s16+$0xA180];
	vm1 =	vlt.s32 v1, v2  }
0x3e3: {  	v2 =	vsel vm1, v1, v2;
	v1 =	vld [tilespmem:s16+$0xA200]  }
0x3e4: {  	v60 =	vld [tilespmem:s16+$0xA280];
	vm12 =	veq.s32 v2, $0x0  }
0x3e5: {  	v61 =	vld [tilespmem:s16+$0xA300];
	vm9 =	veq.s32 v2, $0x1;
	v3 =	vnsel vm12, $0x0, v3  }
0x3e6: {  	v62 =	vld [tilespmem:s16+$0xA380];
	vm10 =	veq.s32 v2, $0x2;
	v3 =	vsel vm9, v58, v3  }
0x3e7: {  	vm11 =	veq.s32 v2, $0x3;
	v3 =	vsel vm10, v59, v3  }
0x3e8: {  	s31 =	simm.s32 $0x0;
	vm13 =	veq.s32 v2, $0x4;
	v1 =	vsel vm11, v1, v3  }
0x3e9: {  	s17 =	sand.u32 $0xFFFFFE00, s31;
	vm14 =	veq.s32 v2, $0x5;
	v1 =	vsel vm13, v60, v1  }
0x3ea: {  	s20 =	sor.u32 s15, s17;
	v63 =	vld [tilespmem:s16+$0xA400];
	vm15 =	veq.s32 v2, $0x6;
	v1 =	vsel vm14, v61, v1  }
0x3eb: {  	v3 =	vsel vm15, v62, v1;
	v1 =	vld [tilespmem:s20+$0x100];
	_ =	sdelay $0x2  }
0x3ec: {  	s21 =	simm.s32 $0x80;
	s18 =	simm.s32 $0x2;
	vm1 =	veq.s32 v2, $0x7  }
0x3ed: {  	s19 =	simm.s32 $0x10;
	s17 =	simm.s32 $0x1;
	s16 =	simm.s32 $0x1;
	vm2 =	veq.s32 v2, $0x8;
	v2 =	vsel vm1, v63, v3  }
.LBB2_61:
0x3ee: {  	p0 =	sne.s32 s18, $0x7F;
	s22 =	sand.u32 $0x70, s19;
	s21 =	sand.u32 $0x3FFFFC00, s21;
	v1 =	vsel vm2, v1, v2  }
0x3ef: {  	s21 =	sor.u32 s22, s21;
	[tilespmem:s20+$0xE180] =	vst v1  }
0x3f0: {  	v1 =	vld [tilespmem:s21+$0xA080]  }
0x3f1: {  	v2 =	vld [tilespmem:s21+$0xA100]  }
0x3f2: {  	v3 =	vld [tilespmem:s21+$0xA180]  }
0x3f3: {  	v4 =	vld [tilespmem:s21+$0xA200]  }
0x3f4: {  	v5 =	vld [tilespmem:s21+$0xA280]  }
0x3f5: {  	s20 =	sshll.u32 s17, $0x6;
	s17 =	smov.u32 s18;
	v1 =	vnsel vm12, $0x0, v1;
	v6 =	vld [tilespmem:s21+$0xA300]  }
0x3f6: {  	s20 =	sand.u32 $0xFFFFFE00, s20;
	v1 =	vsel vm9, v2, v1;
	v2 =	vld [tilespmem:s21+$0xA380]  }
0x3f7: {  	s20 =	sor.u32 s22, s20;
	v3 =	vsel vm10, v3, v1;
	v7 =	vld [tilespmem:s21+$0xA400]  }
.Ltmp30:
0x3f8: {  	v1 =	vld [tilespmem:s20+$0x100];
	v3 =	vsel vm11, v4, v3;
	(pc) =	sbr.rel @p0 .LBB2_61-.Ltmp30, $4  }
0x3f9: {  	v3 =	vsel vm13, v5, v3  }
0x3fa: {  	v3 =	vsel vm14, v6, v3  }
0x3fb: {  	v2 =	vsel vm15, v2, v3  }
0x3fc: {  	s19 =	sadd.s32 $0x10, s19;
	s18 =	sadd.s32 $0x1, s18;
	s21 =	sshll.u32 s17, $0x7;
	v2 =	vsel vm1, v7, v2  }
0x3fd: {  	s18 =	sand.u32 $0x70, s19;
	s25 =	sand.u32 $0x3FFFFC00, s21;
	v1 =	vsel vm2, v1, v2  }
0x3fe: {  	s19 =	sor.u32 s18, s25;
	[tilespmem:s20+$0xE180] =	vst v1  }
0x3ff: {  	v1 =	vld [tilespmem:s19+$0xA080]  }
0x400: {  	v2 =	vld [tilespmem:s19+$0xA100]  }
0x401: {  	v3 =	vld [tilespmem:s19+$0xA180]  }
0x402: {  	v4 =	vld [tilespmem:s19+$0xA200]  }
0x403: {  	v5 =	vld [tilespmem:s19+$0xA280]  }
0x404: {  	s17 =	sshll.u32 s17, $0x6;
	v6 =	vld [tilespmem:s19+$0xA300];
	v1 =	vnsel vm12, $0x0, v1  }
0x405: {  	s17 =	sand.u32 $0xFFFFFE00, s17;
	v1 =	vsel vm9, v2, v1;
	v2 =	vld [tilespmem:s19+$0xA380]  }
0x406: {  	s17 =	sor.u32 s18, s17;
	v1 =	vsel vm10, v3, v1;
	v3 =	vld [tilespmem:s19+$0xA400]  }
0x407: {  	v7 =	vld [tilespmem:s17+$0x100];
	v1 =	vsel vm11, v4, v1  }
0x408: {  	v1 =	vsel vm13, v5, v1  }
0x409: {  	v1 =	vsel vm14, v6, v1  }
0x40a: {  	v1 =	vsel vm15, v2, v1  }
0x40b: {  	s26 =	simm.s32 $0x0;
	v1 =	vsel vm1, v3, v1  }
0x40c: {  	s28 =	simm.s32 $0x0;
	s18 =	sand.u32 $0x3FFFFE00, s26;
	v1 =	vsel vm2, v7, v1  }
0x40d: {  	s30 =	sand.u32 $0x3FFFFC00, s28;
	s29 =	sor.u32 s15, s18;
	[tilespmem:s17+$0xE180] =	vst v1  }
0x40e: {  	s31 =	sor.u32 s15, s30;
	v1 =	vld [tilespmem:s29+$0x180]  }
0x40f: {  	s15 =	simm.s32 $0x10;
	v2 =	vimm.f32 $0.0e+00;
	v3 =	vld [tilespmem:s31+$0x2000]  }
.LBB2_63:
0x410: {  	s17 =	sand.u32 $0x70, s15  }
0x411: {  	s18 =	sshll.u32 s16, $0x6;
	s19 =	sshll.u32 s16, $0x7;
	p0 =	sne.s32 s16, $0x7F  }
.Ltmp31:
0x412: {  	s16 =	sadd.s32 $0x1, s16;
	s18 =	sand.u32 $0x3FFFFE00, s18;
	(pc) =	sbr.rel @p0 .LBB2_63-.Ltmp31, $4  }
0x413: {  	s19 =	sand.u32 $0x3FFFFC00, s19;
	s18 =	sor.u32 s17, s18  }
0x414: {  	s17 =	sor.u32 s17, s19;
	v4 =	vmul.f32 v3, v1;
	v1 =	vld [tilespmem:s18+$0x180]  }
0x415: {  	v3 =	vld [tilespmem:s17+$0x2000]  }
0x416: {  	s15 =	sadd.s32 $0x10, s15;
	v2 =	vadd.f32 v4, v2  }
0x417: {  	_ =	sdelay $0x2  }
0x418: {  	v1 =	vmul.f32 v3, v1;
	_ =	sdelay $0x1  }
0x419: {  	v1 =	vadd.f32 v1, v2;
	_ =	sdelay $0x1  }
0x41a: {  	[tilespmem:$0x10080] =	vst v1  }
0x41b: {  	[tilespmem:$0x10090] =	vst v1  }
0x41c: {  	v2 =	vld [tilespmem:$0x10088];
	_ =	sdelay $0x4  }
0x41d: {  	v1 =	vadd.f32 v2, v1;
	_ =	sdelay $0x1  }
0x41e: {  	[tilespmem:$0x10080] =	vst v1  }
0x41f: {  	[tilespmem:$0x10090] =	vst v1  }
0x420: {  	v2 =	vld [tilespmem:$0x10084];
	_ =	sdelay $0x4  }
0x421: {  	v1 =	vadd.f32 v2, v1;
	_ =	sdelay $0x1  }
0x422: {  	[tilespmem:$0x10080] =	vst v1  }
0x423: {  	[tilespmem:$0x10090] =	vst v1  }
0x424: {  	v2 =	vld [tilespmem:$0x10082];
	_ =	sdelay $0x4  }
0x425: {  	v1 =	vadd.f32 v2, v1;
	_ =	sdelay $0x1  }
0x426: {  	s15 =	simm.s32 $0x0;
	s16 =	simm.s32 $0x0;
	[tilespmem:$0x10080] =	vst v1  }
0x427: {  	s17 =	simm.s32 $0x0;
	s15 =	sand.u32 $0x70, s15;
	s16 =	sand.u32 $0x3FFFFE00, s16;
	[tilespmem:$0x10090] =	vst v1  }
0x428: {  	s17 =	sand.u32 $0x3FFFFC00, s17;
	s16 =	sor.u32 s15, s16;
	v2 =	vld [tilespmem:$0x10081]  }
0x429: {  	s31 =	sor.u32 s15, s17;
	v3 =	vld [tilespmem:s16+$0x180]  }
0x42a: {  	v4 =	vimm.f32 $0.0e+00;
	s15 =	simm.s32 $0x1;
	v5 =	vld [tilespmem:s31+$0x2080];
	s16 =	simm.s32 $0x10  }
.LBB2_65:
0x42b: {  	s17 =	sand.u32 $0x70, s16  }
0x42c: {  	s18 =	sshll.u32 s15, $0x6;
	s19 =	sshll.u32 s15, $0x7;
	p0 =	sne.s32 s15, $0x7F  }
.Ltmp32:
0x42d: {  	s15 =	sadd.s32 $0x1, s15;
	s18 =	sand.u32 $0x3FFFFE00, s18;
	(pc) =	sbr.rel @p0 .LBB2_65-.Ltmp32, $4  }
0x42e: {  	s19 =	sand.u32 $0x3FFFFC00, s19;
	s18 =	sor.u32 s17, s18  }
0x42f: {  	s17 =	sor.u32 s17, s19;
	v6 =	vmul.f32 v5, v3;
	v3 =	vld [tilespmem:s18+$0x180]  }
0x430: {  	v5 =	vld [tilespmem:s17+$0x2080]  }
0x431: {  	s16 =	sadd.s32 $0x10, s16;
	v4 =	vadd.f32 v6, v4  }
0x432: {  	_ =	sdelay $0x2  }
0x433: {  	v3 =	vmul.f32 v5, v3;
	_ =	sdelay $0x1  }
0x434: {  	v3 =	vadd.f32 v3, v4;
	_ =	sdelay $0x1  }
0x435: {  	[tilespmem:$0x10080] =	vst v3  }
0x436: {  	[tilespmem:$0x10090] =	vst v3  }
0x437: {  	v4 =	vld [tilespmem:$0x10088];
	_ =	sdelay $0x4  }
0x438: {  	v3 =	vadd.f32 v4, v3;
	_ =	sdelay $0x1  }
0x439: {  	[tilespmem:$0x10080] =	vst v3  }
0x43a: {  	[tilespmem:$0x10090] =	vst v3  }
0x43b: {  	v4 =	vld [tilespmem:$0x10084];
	_ =	sdelay $0x4  }
0x43c: {  	v3 =	vadd.f32 v4, v3;
	_ =	sdelay $0x1  }
0x43d: {  	[tilespmem:$0x10080] =	vst v3  }
0x43e: {  	[tilespmem:$0x10090] =	vst v3  }
0x43f: {  	v4 =	vld [tilespmem:$0x10082];
	_ =	sdelay $0x4  }
0x440: {  	v3 =	vadd.f32 v4, v3;
	_ =	sdelay $0x1  }
0x441: {  	s15 =	simm.s32 $0x0;
	s16 =	simm.s32 $0x0;
	[tilespmem:$0x10080] =	vst v3  }
0x442: {  	s17 =	simm.s32 $0x0;
	s15 =	sand.u32 $0x70, s15;
	s16 =	sand.u32 $0x3FFFFE00, s16;
	[tilespmem:$0x10090] =	vst v3  }
0x443: {  	s17 =	sand.u32 $0x3FFFFC00, s17;
	s16 =	sor.u32 s15, s16;
	v4 =	vld [tilespmem:$0x10081]  }
0x444: {  	s31 =	sor.u32 s15, s17;
	v5 =	vld [tilespmem:s16+$0x180]  }
0x445: {  	v6 =	vimm.f32 $0.0e+00;
	s15 =	simm.s32 $0x1;
	v7 =	vld [tilespmem:s31+$0x2100];
	s16 =	simm.s32 $0x10  }
.LBB2_67:
0x446: {  	s17 =	sand.u32 $0x70, s16  }
0x447: {  	s18 =	sshll.u32 s15, $0x6;
	s19 =	sshll.u32 s15, $0x7;
	p0 =	sne.s32 s15, $0x7F  }
.Ltmp33:
0x448: {  	s15 =	sadd.s32 $0x1, s15;
	s18 =	sand.u32 $0x3FFFFE00, s18;
	(pc) =	sbr.rel @p0 .LBB2_67-.Ltmp33, $4  }
0x449: {  	s19 =	sand.u32 $0x3FFFFC00, s19;
	s18 =	sor.u32 s17, s18  }
0x44a: {  	s17 =	sor.u32 s17, s19;
	v8 =	vmul.f32 v7, v5;
	v5 =	vld [tilespmem:s18+$0x180]  }
0x44b: {  	v7 =	vld [tilespmem:s17+$0x2100]  }
0x44c: {  	s16 =	sadd.s32 $0x10, s16;
	v6 =	vadd.f32 v8, v6  }
0x44d: {  	_ =	sdelay $0x2  }
0x44e: {  	v5 =	vmul.f32 v7, v5;
	_ =	sdelay $0x1  }
0x44f: {  	v5 =	vadd.f32 v5, v6;
	_ =	sdelay $0x1  }
0x450: {  	[tilespmem:$0x10080] =	vst v5  }
0x451: {  	[tilespmem:$0x10090] =	vst v5  }
0x452: {  	v6 =	vld [tilespmem:$0x10088];
	_ =	sdelay $0x4  }
0x453: {  	v5 =	vadd.f32 v6, v5;
	_ =	sdelay $0x1  }
0x454: {  	[tilespmem:$0x10080] =	vst v5  }
0x455: {  	[tilespmem:$0x10090] =	vst v5  }
0x456: {  	v6 =	vld [tilespmem:$0x10084];
	_ =	sdelay $0x4  }
0x457: {  	v5 =	vadd.f32 v6, v5;
	_ =	sdelay $0x1  }
0x458: {  	[tilespmem:$0x10080] =	vst v5  }
0x459: {  	[tilespmem:$0x10090] =	vst v5  }
0x45a: {  	v6 =	vld [tilespmem:$0x10082];
	_ =	sdelay $0x4  }
0x45b: {  	v5 =	vadd.f32 v6, v5;
	_ =	sdelay $0x1  }
0x45c: {  	s15 =	simm.s32 $0x0;
	s16 =	simm.s32 $0x0;
	[tilespmem:$0x10080] =	vst v5  }
0x45d: {  	s17 =	simm.s32 $0x0;
	s15 =	sand.u32 $0x70, s15;
	s16 =	sand.u32 $0x3FFFFE00, s16;
	[tilespmem:$0x10090] =	vst v5  }
0x45e: {  	s17 =	sand.u32 $0x3FFFFC00, s17;
	s16 =	sor.u32 s15, s16;
	v6 =	vld [tilespmem:$0x10081]  }
0x45f: {  	s31 =	sor.u32 s15, s17;
	v7 =	vld [tilespmem:s16+$0x180]  }
0x460: {  	v8 =	vimm.f32 $0.0e+00;
	s15 =	simm.s32 $0x1;
	v9 =	vld [tilespmem:s31+$0x2180];
	s16 =	simm.s32 $0x10  }
.LBB2_69:
0x461: {  	s17 =	sand.u32 $0x70, s16  }
0x462: {  	s18 =	sshll.u32 s15, $0x6;
	s19 =	sshll.u32 s15, $0x7;
	p0 =	sne.s32 s15, $0x7F  }
.Ltmp34:
0x463: {  	s15 =	sadd.s32 $0x1, s15;
	s18 =	sand.u32 $0x3FFFFE00, s18;
	(pc) =	sbr.rel @p0 .LBB2_69-.Ltmp34, $4  }
0x464: {  	s19 =	sand.u32 $0x3FFFFC00, s19;
	s18 =	sor.u32 s17, s18  }
0x465: {  	s17 =	sor.u32 s17, s19;
	v10 =	vmul.f32 v9, v7;
	v7 =	vld [tilespmem:s18+$0x180]  }
0x466: {  	v9 =	vld [tilespmem:s17+$0x2180]  }
0x467: {  	s16 =	sadd.s32 $0x10, s16;
	v8 =	vadd.f32 v10, v8  }
0x468: {  	_ =	sdelay $0x2  }
0x469: {  	v7 =	vmul.f32 v9, v7;
	_ =	sdelay $0x1  }
0x46a: {  	v7 =	vadd.f32 v7, v8;
	_ =	sdelay $0x1  }
0x46b: {  	[tilespmem:$0x10080] =	vst v7  }
0x46c: {  	[tilespmem:$0x10090] =	vst v7  }
0x46d: {  	v8 =	vld [tilespmem:$0x10088];
	_ =	sdelay $0x4  }
0x46e: {  	v7 =	vadd.f32 v8, v7;
	_ =	sdelay $0x1  }
0x46f: {  	[tilespmem:$0x10080] =	vst v7  }
0x470: {  	[tilespmem:$0x10090] =	vst v7  }
0x471: {  	v8 =	vld [tilespmem:$0x10084];
	_ =	sdelay $0x4  }
0x472: {  	v7 =	vadd.f32 v8, v7;
	_ =	sdelay $0x1  }
0x473: {  	[tilespmem:$0x10080] =	vst v7  }
0x474: {  	[tilespmem:$0x10090] =	vst v7  }
0x475: {  	v8 =	vld [tilespmem:$0x10082];
	_ =	sdelay $0x4  }
0x476: {  	v7 =	vadd.f32 v8, v7;
	_ =	sdelay $0x1  }
0x477: {  	s15 =	simm.s32 $0x0;
	s16 =	simm.s32 $0x0;
	[tilespmem:$0x10080] =	vst v7  }
0x478: {  	s17 =	simm.s32 $0x0;
	s15 =	sand.u32 $0x70, s15;
	s16 =	sand.u32 $0x3FFFFE00, s16;
	[tilespmem:$0x10090] =	vst v7  }
0x479: {  	s17 =	sand.u32 $0x3FFFFC00, s17;
	s16 =	sor.u32 s15, s16;
	v8 =	vld [tilespmem:$0x10081]  }
0x47a: {  	s31 =	sor.u32 s15, s17;
	v9 =	vld [tilespmem:s16+$0x180]  }
0x47b: {  	v10 =	vimm.f32 $0.0e+00;
	s15 =	simm.s32 $0x1;
	v11 =	vld [tilespmem:s31+$0x2200];
	s16 =	simm.s32 $0x10  }
.LBB2_71:
0x47c: {  	s17 =	sand.u32 $0x70, s16  }
0x47d: {  	s18 =	sshll.u32 s15, $0x6;
	s19 =	sshll.u32 s15, $0x7;
	p0 =	sne.s32 s15, $0x7F  }
.Ltmp35:
0x47e: {  	s15 =	sadd.s32 $0x1, s15;
	s18 =	sand.u32 $0x3FFFFE00, s18;
	(pc) =	sbr.rel @p0 .LBB2_71-.Ltmp35, $4  }
0x47f: {  	s19 =	sand.u32 $0x3FFFFC00, s19;
	s18 =	sor.u32 s17, s18  }
0x480: {  	s17 =	sor.u32 s17, s19;
	v12 =	vmul.f32 v11, v9;
	v9 =	vld [tilespmem:s18+$0x180]  }
0x481: {  	v11 =	vld [tilespmem:s17+$0x2200]  }
0x482: {  	s16 =	sadd.s32 $0x10, s16;
	v10 =	vadd.f32 v12, v10  }
0x483: {  	_ =	sdelay $0x2  }
0x484: {  	v9 =	vmul.f32 v11, v9;
	_ =	sdelay $0x1  }
0x485: {  	v9 =	vadd.f32 v9, v10;
	_ =	sdelay $0x1  }
0x486: {  	[tilespmem:$0x10080] =	vst v9  }
0x487: {  	[tilespmem:$0x10090] =	vst v9  }
0x488: {  	v10 =	vld [tilespmem:$0x10088];
	_ =	sdelay $0x4  }
0x489: {  	v9 =	vadd.f32 v10, v9;
	_ =	sdelay $0x1  }
0x48a: {  	[tilespmem:$0x10080] =	vst v9  }
0x48b: {  	[tilespmem:$0x10090] =	vst v9  }
0x48c: {  	v10 =	vld [tilespmem:$0x10084];
	_ =	sdelay $0x4  }
0x48d: {  	v9 =	vadd.f32 v10, v9;
	_ =	sdelay $0x1  }
0x48e: {  	[tilespmem:$0x10080] =	vst v9  }
0x48f: {  	[tilespmem:$0x10090] =	vst v9  }
0x490: {  	v10 =	vld [tilespmem:$0x10082];
	_ =	sdelay $0x4  }
0x491: {  	v9 =	vadd.f32 v10, v9;
	_ =	sdelay $0x1  }
0x492: {  	s15 =	simm.s32 $0x0;
	s16 =	simm.s32 $0x0;
	[tilespmem:$0x10080] =	vst v9  }
0x493: {  	s17 =	simm.s32 $0x0;
	s15 =	sand.u32 $0x70, s15;
	s16 =	sand.u32 $0x3FFFFE00, s16;
	[tilespmem:$0x10090] =	vst v9  }
0x494: {  	s17 =	sand.u32 $0x3FFFFC00, s17;
	s16 =	sor.u32 s15, s16;
	v10 =	vld [tilespmem:$0x10081]  }
0x495: {  	s31 =	sor.u32 s15, s17;
	v11 =	vld [tilespmem:s16+$0x180]  }
0x496: {  	v12 =	vimm.f32 $0.0e+00;
	s15 =	simm.s32 $0x1;
	v13 =	vld [tilespmem:s31+$0x2280];
	s16 =	simm.s32 $0x10  }
.LBB2_73:
0x497: {  	s17 =	sand.u32 $0x70, s16  }
0x498: {  	s18 =	sshll.u32 s15, $0x6;
	s19 =	sshll.u32 s15, $0x7;
	p0 =	sne.s32 s15, $0x7F  }
.Ltmp36:
0x499: {  	s15 =	sadd.s32 $0x1, s15;
	s18 =	sand.u32 $0x3FFFFE00, s18;
	(pc) =	sbr.rel @p0 .LBB2_73-.Ltmp36, $4  }
0x49a: {  	s19 =	sand.u32 $0x3FFFFC00, s19;
	s18 =	sor.u32 s17, s18  }
0x49b: {  	s17 =	sor.u32 s17, s19;
	v14 =	vmul.f32 v13, v11;
	v11 =	vld [tilespmem:s18+$0x180]  }
0x49c: {  	v13 =	vld [tilespmem:s17+$0x2280]  }
0x49d: {  	s16 =	sadd.s32 $0x10, s16;
	v12 =	vadd.f32 v14, v12  }
0x49e: {  	_ =	sdelay $0x2  }
0x49f: {  	v11 =	vmul.f32 v13, v11;
	_ =	sdelay $0x1  }
0x4a0: {  	v11 =	vadd.f32 v11, v12;
	_ =	sdelay $0x1  }
0x4a1: {  	[tilespmem:$0x10080] =	vst v11  }
0x4a2: {  	[tilespmem:$0x10090] =	vst v11  }
0x4a3: {  	v12 =	vld [tilespmem:$0x10088];
	_ =	sdelay $0x4  }
0x4a4: {  	v11 =	vadd.f32 v12, v11;
	_ =	sdelay $0x1  }
0x4a5: {  	[tilespmem:$0x10080] =	vst v11  }
0x4a6: {  	[tilespmem:$0x10090] =	vst v11  }
0x4a7: {  	v12 =	vld [tilespmem:$0x10084];
	_ =	sdelay $0x4  }
0x4a8: {  	v11 =	vadd.f32 v12, v11;
	_ =	sdelay $0x1  }
0x4a9: {  	[tilespmem:$0x10080] =	vst v11  }
0x4aa: {  	[tilespmem:$0x10090] =	vst v11  }
0x4ab: {  	v12 =	vld [tilespmem:$0x10082];
	_ =	sdelay $0x4  }
0x4ac: {  	v11 =	vadd.f32 v12, v11;
	_ =	sdelay $0x1  }
0x4ad: {  	s15 =	simm.s32 $0x0;
	s16 =	simm.s32 $0x0;
	[tilespmem:$0x10080] =	vst v11  }
0x4ae: {  	s17 =	simm.s32 $0x0;
	s15 =	sand.u32 $0x70, s15;
	s16 =	sand.u32 $0x3FFFFE00, s16;
	[tilespmem:$0x10090] =	vst v11  }
0x4af: {  	s17 =	sand.u32 $0x3FFFFC00, s17;
	s16 =	sor.u32 s15, s16;
	v12 =	vld [tilespmem:$0x10081]  }
0x4b0: {  	s31 =	sor.u32 s15, s17;
	v13 =	vld [tilespmem:s16+$0x180]  }
0x4b1: {  	v14 =	vimm.f32 $0.0e+00;
	s15 =	simm.s32 $0x1;
	v15 =	vld [tilespmem:s31+$0x2300];
	s16 =	simm.s32 $0x10  }
.LBB2_75:
0x4b2: {  	s17 =	sand.u32 $0x70, s16  }
0x4b3: {  	s18 =	sshll.u32 s15, $0x6;
	s19 =	sshll.u32 s15, $0x7;
	p0 =	sne.s32 s15, $0x7F  }
.Ltmp37:
0x4b4: {  	s15 =	sadd.s32 $0x1, s15;
	s18 =	sand.u32 $0x3FFFFE00, s18;
	(pc) =	sbr.rel @p0 .LBB2_75-.Ltmp37, $4  }
0x4b5: {  	s19 =	sand.u32 $0x3FFFFC00, s19;
	s18 =	sor.u32 s17, s18  }
0x4b6: {  	s17 =	sor.u32 s17, s19;
	v16 =	vmul.f32 v15, v13;
	v13 =	vld [tilespmem:s18+$0x180]  }
0x4b7: {  	v15 =	vld [tilespmem:s17+$0x2300]  }
0x4b8: {  	s16 =	sadd.s32 $0x10, s16;
	v14 =	vadd.f32 v16, v14  }
0x4b9: {  	_ =	sdelay $0x2  }
0x4ba: {  	v13 =	vmul.f32 v15, v13;
	_ =	sdelay $0x1  }
0x4bb: {  	v13 =	vadd.f32 v13, v14;
	_ =	sdelay $0x1  }
0x4bc: {  	[tilespmem:$0x10080] =	vst v13  }
0x4bd: {  	[tilespmem:$0x10090] =	vst v13  }
0x4be: {  	v14 =	vld [tilespmem:$0x10088];
	_ =	sdelay $0x4  }
0x4bf: {  	v13 =	vadd.f32 v14, v13;
	_ =	sdelay $0x1  }
0x4c0: {  	[tilespmem:$0x10080] =	vst v13  }
0x4c1: {  	[tilespmem:$0x10090] =	vst v13  }
0x4c2: {  	v14 =	vld [tilespmem:$0x10084];
	_ =	sdelay $0x4  }
0x4c3: {  	v13 =	vadd.f32 v14, v13;
	_ =	sdelay $0x1  }
0x4c4: {  	[tilespmem:$0x10080] =	vst v13  }
0x4c5: {  	[tilespmem:$0x10090] =	vst v13  }
0x4c6: {  	v14 =	vld [tilespmem:$0x10082];
	_ =	sdelay $0x4  }
0x4c7: {  	v13 =	vadd.f32 v14, v13;
	_ =	sdelay $0x1  }
0x4c8: {  	s15 =	simm.s32 $0x0;
	s16 =	simm.s32 $0x0;
	[tilespmem:$0x10080] =	vst v13  }
0x4c9: {  	s17 =	simm.s32 $0x0;
	s15 =	sand.u32 $0x70, s15;
	s16 =	sand.u32 $0x3FFFFE00, s16;
	[tilespmem:$0x10090] =	vst v13  }
0x4ca: {  	s17 =	sand.u32 $0x3FFFFC00, s17;
	s16 =	sor.u32 s15, s16;
	v14 =	vld [tilespmem:$0x10081]  }
0x4cb: {  	s31 =	sor.u32 s15, s17;
	v15 =	vld [tilespmem:s16+$0x180]  }
0x4cc: {  	v16 =	vimm.f32 $0.0e+00;
	s15 =	simm.s32 $0x1;
	v17 =	vld [tilespmem:s31+$0x2380];
	s16 =	simm.s32 $0x10  }
.LBB2_77:
0x4cd: {  	s17 =	sand.u32 $0x70, s16  }
0x4ce: {  	s18 =	sshll.u32 s15, $0x6;
	s19 =	sshll.u32 s15, $0x7;
	p0 =	sne.s32 s15, $0x7F  }
.Ltmp38:
0x4cf: {  	s15 =	sadd.s32 $0x1, s15;
	s18 =	sand.u32 $0x3FFFFE00, s18;
	(pc) =	sbr.rel @p0 .LBB2_77-.Ltmp38, $4  }
0x4d0: {  	s19 =	sand.u32 $0x3FFFFC00, s19;
	s18 =	sor.u32 s17, s18  }
0x4d1: {  	s17 =	sor.u32 s17, s19;
	v18 =	vmul.f32 v17, v15;
	v15 =	vld [tilespmem:s18+$0x180]  }
0x4d2: {  	v17 =	vld [tilespmem:s17+$0x2380]  }
0x4d3: {  	s16 =	sadd.s32 $0x10, s16;
	v16 =	vadd.f32 v18, v16  }
0x4d4: {  	_ =	sdelay $0x2  }
0x4d5: {  	v15 =	vmul.f32 v17, v15;
	_ =	sdelay $0x1  }
0x4d6: {  	v15 =	vadd.f32 v15, v16;
	_ =	sdelay $0x1  }
0x4d7: {  	[tilespmem:$0x10080] =	vst v15  }
0x4d8: {  	[tilespmem:$0x10090] =	vst v15  }
0x4d9: {  	v16 =	vld [tilespmem:$0x10088];
	_ =	sdelay $0x4  }
0x4da: {  	v15 =	vadd.f32 v16, v15;
	_ =	sdelay $0x1  }
0x4db: {  	[tilespmem:$0x10080] =	vst v15  }
0x4dc: {  	[tilespmem:$0x10090] =	vst v15  }
0x4dd: {  	v16 =	vld [tilespmem:$0x10084];
	_ =	sdelay $0x4  }
0x4de: {  	v15 =	vadd.f32 v16, v15;
	_ =	sdelay $0x1  }
0x4df: {  	[tilespmem:$0x10080] =	vst v15  }
0x4e0: {  	[tilespmem:$0x10090] =	vst v15  }
0x4e1: {  	v16 =	vld [tilespmem:$0x10082];
	_ =	sdelay $0x4  }
0x4e2: {  	v15 =	vadd.f32 v16, v15;
	_ =	sdelay $0x1  }
0x4e3: {  	s15 =	simm.s32 $0x0;
	s16 =	simm.s32 $0x0;
	[tilespmem:$0x10080] =	vst v15  }
0x4e4: {  	s17 =	simm.s32 $0x0;
	s15 =	sand.u32 $0x70, s15;
	s16 =	sand.u32 $0x3FFFFE00, s16;
	[tilespmem:$0x10090] =	vst v15  }
0x4e5: {  	s17 =	sand.u32 $0x3FFFFC00, s17;
	s16 =	sor.u32 s15, s16;
	v16 =	vld [tilespmem:$0x10081]  }
0x4e6: {  	s31 =	sor.u32 s15, s17;
	v17 =	vld [tilespmem:s16+$0x180]  }
0x4e7: {  	v18 =	vimm.f32 $0.0e+00;
	s15 =	simm.s32 $0x1;
	v19 =	vld [tilespmem:s31+$0x6000];
	s16 =	simm.s32 $0x10  }
.LBB2_79:
0x4e8: {  	s17 =	sand.u32 $0x70, s16  }
0x4e9: {  	s18 =	sshll.u32 s15, $0x6;
	s19 =	sshll.u32 s15, $0x7;
	p0 =	sne.s32 s15, $0x7F  }
.Ltmp39:
0x4ea: {  	s15 =	sadd.s32 $0x1, s15;
	s18 =	sand.u32 $0x3FFFFE00, s18;
	(pc) =	sbr.rel @p0 .LBB2_79-.Ltmp39, $4  }
0x4eb: {  	s19 =	sand.u32 $0x3FFFFC00, s19;
	s18 =	sor.u32 s17, s18  }
0x4ec: {  	s17 =	sor.u32 s17, s19;
	v20 =	vmul.f32 v19, v17;
	v17 =	vld [tilespmem:s18+$0x180]  }
0x4ed: {  	v19 =	vld [tilespmem:s17+$0x6000]  }
0x4ee: {  	s16 =	sadd.s32 $0x10, s16;
	v18 =	vadd.f32 v20, v18  }
0x4ef: {  	_ =	sdelay $0x2  }
0x4f0: {  	v17 =	vmul.f32 v19, v17;
	_ =	sdelay $0x1  }
0x4f1: {  	v17 =	vadd.f32 v17, v18;
	_ =	sdelay $0x1  }
0x4f2: {  	[tilespmem:$0x10080] =	vst v17  }
0x4f3: {  	[tilespmem:$0x10090] =	vst v17  }
0x4f4: {  	v53 =	vld [tilespmem:$0x10088];
	_ =	sdelay $0x4  }
0x4f5: {  	v17 =	vadd.f32 v53, v17;
	_ =	sdelay $0x1  }
0x4f6: {  	[tilespmem:$0x10080] =	vst v17  }
0x4f7: {  	[tilespmem:$0x10090] =	vst v17  }
0x4f8: {  	v54 =	vld [tilespmem:$0x10084];
	_ =	sdelay $0x4  }
0x4f9: {  	v17 =	vadd.f32 v54, v17;
	_ =	sdelay $0x1  }
0x4fa: {  	[tilespmem:$0x10080] =	vst v17  }
0x4fb: {  	[tilespmem:$0x10090] =	vst v17  }
0x4fc: {  	v55 =	vld [tilespmem:$0x10082];
	_ =	sdelay $0x4  }
0x4fd: {  	v17 =	vadd.f32 v55, v17  }
0x4fe: {  	v1 =	vadd.f32 v2, v1  }
0x4ff: {  	v2 =	vadd.f32 v4, v3;
	[tilespmem:$0x10080] =	vst v17  }
0x500: {  	v3 =	vadd.f32 v6, v5;
	vm1 =	vcmask $0x324;
	v1 =	vnsel vm0, $0xFF61B1E6, v1;
	[tilespmem:$0x10090] =	vst v17  }
0x501: {  	v1 =	vsel vm1, v1, v2;
	v2 =	vadd.f32 v8, v7;
	vm1 =	vcmask $0x724;
	v56 =	vld [tilespmem:$0x10081]  }
0x502: {  	v1 =	vsel vm1, v1, v3;
	v3 =	vadd.f32 v10, v9  }
0x503: {  	v1 =	vsel vm3, v1, v2;
	v2 =	vadd.f32 v12, v11  }
0x504: {  	v57 =	vld [tilespmem:$0xA000];
	v1 =	vsel vm4, v1, v3;
	v3 =	vadd.f32 v14, v13  }
0x505: {  	v1 =	vsel vm5, v1, v2;
	v2 =	vadd.f32 v16, v15  }
0x506: {  	v1 =	vsel vm6, v1, v3;
	v3 =	vadd.f32 v56, v17  }
0x507: {  	v1 =	vsel vm7, v1, v2  }
0x508: {  	v1 =	vsel vm8, v1, v3  }
0x509: {  	v1 =	vadd.f32 v1, v57;
	_ =	sdelay $0x1  }
0x50a: {  	[tilespmem:$0x10080] =	vst v1  }
0x50b: {  	[tilespmem:$0x10090] =	vst v1  }
0x50c: {  	v2 =	vld [tilespmem:$0x10088];
	_ =	sdelay $0x4  }
0x50d: {  	v2 =	vmax.f32 v1, v2  }
0x50e: {  	[tilespmem:$0x10080] =	vst v2  }
0x50f: {  	[tilespmem:$0x10090] =	vst v2  }
0x510: {  	v3 =	vld [tilespmem:$0x10084];
	_ =	sdelay $0x4  }
0x511: {  	v2 =	vmax.f32 v2, v3  }
0x512: {  	[tilespmem:$0x10080] =	vst v2  }
0x513: {  	[tilespmem:$0x10090] =	vst v2  }
0x514: {  	v3 =	vld [tilespmem:$0x10082];
	_ =	sdelay $0x4  }
0x515: {  	v2 =	vmax.f32 v2, v3  }
0x516: {  	[tilespmem:$0x10080] =	vst v2  }
0x517: {  	[tilespmem:$0x10090] =	vst v2  }
0x518: {  	v3 =	vld [tilespmem:$0x10081];
	_ =	sdelay $0x4  }
0x519: {  	v2 =	vmax.f32 v2, v3  }
0x51a: {  	vm1 =	veq.f32 v1, v2  }
0x51b: {  	v1 =	vnsel vm1, $0x10, v0  }
0x51c: {  	[tilespmem:$0x10100] =	vst v1  }
0x51d: {  	[tilespmem:$0x10110] =	vst v1  }
0x51e: {  	v2 =	vld [tilespmem:$0x10108];
	_ =	sdelay $0x4  }
0x51f: {  	vm1 =	vlt.s32 v1, v2  }
0x520: {  	v1 =	vsel vm1, v1, v2  }
0x521: {  	[tilespmem:$0x10100] =	vst v1  }
0x522: {  	[tilespmem:$0x10110] =	vst v1  }
0x523: {  	v2 =	vld [tilespmem:$0x10104];
	_ =	sdelay $0x4  }
0x524: {  	vm1 =	vlt.s32 v1, v2  }
0x525: {  	v1 =	vsel vm1, v1, v2  }
0x526: {  	[tilespmem:$0x10100] =	vst v1  }
0x527: {  	[tilespmem:$0x10110] =	vst v1  }
0x528: {  	v2 =	vld [tilespmem:$0x10102];
	_ =	sdelay $0x4  }
0x529: {  	vm1 =	vlt.s32 v1, v2  }
0x52a: {  	v1 =	vsel vm1, v1, v2  }
0x52b: {  	[tilespmem:$0x10100] =	vst v1  }
0x52c: {  	[tilespmem:$0x10110] =	vst v1  }
0x52d: {  	s15 =	simm.s32 $0x0;
	s16 =	simm.s32 $0x0;
	v2 =	vld [tilespmem:$0x10101]  }
0x52e: {  	s17 =	sand.u32 $0x70, s15;
	s29 =	sand.u32 $0x3FFFFC00, s16  }
0x52f: {  	s15 =	sor.u32 s17, s29  }
0x530: {  	v3 =	vld [tilespmem:s15+$0xA080]  }
0x531: {  	v58 =	vld [tilespmem:s15+$0xA100]  }
0x532: {  	v59 =	vld [tilespmem:s15+$0xA180];
	vm1 =	vlt.s32 v1, v2  }
0x533: {  	v2 =	vsel vm1, v1, v2;
	v1 =	vld [tilespmem:s15+$0xA200]  }
0x534: {  	v60 =	vld [tilespmem:s15+$0xA280];
	vm12 =	veq.s32 v2, $0x0  }
0x535: {  	v61 =	vld [tilespmem:s15+$0xA300];
	vm9 =	veq.s32 v2, $0x1;
	v3 =	vnsel vm12, $0x0, v3  }
0x536: {  	v62 =	vld [tilespmem:s15+$0xA380];
	vm10 =	veq.s32 v2, $0x2;
	v3 =	vsel vm9, v58, v3  }
0x537: {  	vm11 =	veq.s32 v2, $0x3;
	v3 =	vsel vm10, v59, v3  }
0x538: {  	s30 =	simm.s32 $0x0;
	vm13 =	veq.s32 v2, $0x4;
	v1 =	vsel vm11, v1, v3  }
0x539: {  	s31 =	sand.u32 $0xFFFFFE00, s30;
	vm14 =	veq.s32 v2, $0x5;
	v1 =	vsel vm13, v60, v1  }
0x53a: {  	s18 =	sor.u32 s17, s31;
	v63 =	vld [tilespmem:s15+$0xA400];
	vm15 =	veq.s32 v2, $0x6;
	v1 =	vsel vm14, v61, v1  }
0x53b: {  	v3 =	vsel vm15, v62, v1;
	v1 =	vld [tilespmem:s18+$0x180];
	_ =	sdelay $0x2  }
0x53c: {  	s19 =	simm.s32 $0x80;
	vm1 =	veq.s32 v2, $0x7  }
0x53d: {  	s16 =	simm.s32 $0x2;
	s17 =	simm.s32 $0x10;
	s15 =	simm.s32 $0x1;
	vm2 =	veq.s32 v2, $0x8;
	v2 =	vsel vm1, v63, v3  }
.LBB2_81:
0x53e: {  	p0 =	sne.s32 s16, $0x7F;
	s20 =	sand.u32 $0x70, s17;
	s19 =	sand.u32 $0x3FFFFC00, s19;
	v1 =	vsel vm2, v1, v2  }
0x53f: {  	s19 =	sor.u32 s20, s19;
	[tilespmem:s18+$0xE200] =	vst v1  }
0x540: {  	v1 =	vld [tilespmem:s19+$0xA080]  }
0x541: {  	v2 =	vld [tilespmem:s19+$0xA100]  }
0x542: {  	v3 =	vld [tilespmem:s19+$0xA180]  }
0x543: {  	v4 =	vld [tilespmem:s19+$0xA200]  }
0x544: {  	v5 =	vld [tilespmem:s19+$0xA280]  }
0x545: {  	s18 =	sshll.u32 s15, $0x6;
	s15 =	smov.u32 s16;
	v1 =	vnsel vm12, $0x0, v1;
	v6 =	vld [tilespmem:s19+$0xA300]  }
0x546: {  	s18 =	sand.u32 $0xFFFFFE00, s18;
	v1 =	vsel vm9, v2, v1;
	v2 =	vld [tilespmem:s19+$0xA380]  }
0x547: {  	s18 =	sor.u32 s20, s18;
	v3 =	vsel vm10, v3, v1;
	v7 =	vld [tilespmem:s19+$0xA400]  }
.Ltmp40:
0x548: {  	v1 =	vld [tilespmem:s18+$0x180];
	v3 =	vsel vm11, v4, v3;
	(pc) =	sbr.rel @p0 .LBB2_81-.Ltmp40, $4  }
0x549: {  	v3 =	vsel vm13, v5, v3  }
0x54a: {  	v3 =	vsel vm14, v6, v3  }
0x54b: {  	v2 =	vsel vm15, v2, v3  }
0x54c: {  	s17 =	sadd.s32 $0x10, s17;
	s16 =	sadd.s32 $0x1, s16;
	s19 =	sshll.u32 s15, $0x7;
	v2 =	vsel vm1, v7, v2  }
0x54d: {  	s16 =	sand.u32 $0x70, s17;
	s31 =	sand.u32 $0x3FFFFC00, s19;
	v1 =	vsel vm2, v1, v2  }
0x54e: {  	s17 =	sor.u32 s16, s31;
	[tilespmem:s18+$0xE200] =	vst v1  }
0x54f: {  	v1 =	vld [tilespmem:s17+$0xA080]  }
0x550: {  	v2 =	vld [tilespmem:s17+$0xA100]  }
0x551: {  	v3 =	vld [tilespmem:s17+$0xA180]  }
0x552: {  	v4 =	vld [tilespmem:s17+$0xA200]  }
0x553: {  	v5 =	vld [tilespmem:s17+$0xA280]  }
0x554: {  	s15 =	sshll.u32 s15, $0x6;
	v6 =	vld [tilespmem:s17+$0xA300];
	v1 =	vnsel vm12, $0x0, v1  }
0x555: {  	s15 =	sand.u32 $0xFFFFFE00, s15;
	v1 =	vsel vm9, v2, v1;
	v2 =	vld [tilespmem:s17+$0xA380]  }
0x556: {  	s15 =	sor.u32 s16, s15;
	v1 =	vsel vm10, v3, v1;
	v3 =	vld [tilespmem:s17+$0xA400]  }
0x557: {  	v7 =	vld [tilespmem:s15+$0x180];
	v1 =	vsel vm11, v4, v1  }
0x558: {  	v1 =	vsel vm13, v5, v1  }
0x559: {  	v1 =	vsel vm14, v6, v1  }
0x55a: {  	v1 =	vsel vm15, v2, v1  }
0x55b: {  	s14 =	sadd.s32 $0x1, s14;
	v1 =	vsel vm1, v3, v1  }
0x55c: {  	p0 =	sne.s32 s14, s7;
	v1 =	vsel vm2, v7, v1  }
.Ltmp41:
0x55d: {  	[tilespmem:s15+$0xE200] =	vst v1;
	(pc) =	sbr.rel @p0 .LBB2_2-.Ltmp41, $4  }
0x55e: {  	[hbm4b:s6+s8] =	stream.linear.scatter [tilespmem:s13], [sflag:$0x1], $0x2000, $0x38;
	[tilespmem:$0x10180] =	vst v63  }
0x55f: {  	_ =	swait.ge [sflag:s9], $0x2000  }
0x560: {  	[sflag:s9] =	ssyncset.done $0x0  }
0x561: {  	[sflag:s9] =	ssyncadd.s32 $0xFFFFE000  }
.LBB2_83:
0x562: {  	_ =	sfence.sel $0x180000  }
0x563: {  	[bflag:$0x0] =	sbarrier.arrive $0xFFFF  }
0x564: {  	p0 =	sne.s32 s0, $0x0;
	_ =	strace $0x90000047  }
0x565: {  	s0 =	sadd.s32 @!p0 $0x100000, s1;
	[bflag:$0x2] =	sbarrier.arrive $0xFFFF  }
0x566: {  	[sflag:s0] =	ssyncadd.tile.s32 @!p0 $0x1;
	_ =	shalt  }
.Lfunc_end2:
_tile_overlayer_lowered:
.L_overlay_start_2:
0x567: {  	(tag) =	ssettag $0x2  }
0x568: {  	s0 =	rddreg [dreg:$0x0];
	s2 =	stileid.u32  }
0x569: {  	s1 =	rddreg [dreg:$0x1];
	p0 =	sne.s32 s2, $0x0  }
0x56a: {  	s3 =	rddreg [dreg:$0x2];
	[bflag:$0x3] =	sbarrier.arrive $0xFFFF;
	s2 =	simm.s32 @!p0 $0x1C01  }
0x56b: {  	[timem:s3], [sflag:s2] =	dma.local @!p0 [hbm:s0], s1  }
0x56c: {  	s0 =	simm.s32 @!p0 $0x1  }
0x56d: {  	_ =	swait.ge @!p0 [sflag:s0], s1  }
0x56e: {  	s1 =	ssub.s32 @!p0 $0x0, s1;
	[sflag:s0] =	ssyncset.done @!p0 $0x0  }
0x56f: {  	[sflag:s0] =	ssyncadd.s32 @!p0 s1  }
0x570: {  	[bflag:$0x3] =	sbarrier.arrive $0xFFFF  }
0x571: {  	_ =	shalt  }

</sc_bundles>
